<compile_context>
chip_gen: v7x
topology: tpu7x:2x2x1
jax: 0.10.2.dev20260603
libtpu: 0.0.44.dev20260713+nightly
codegen_flags: <defaults>
</compile_context>

<pallas_src>
import jax
import jax.numpy as jnp
from jax import lax
from jax.experimental import pallas as pl
from jax.experimental.pallas import tpu as pltpu
from jax.experimental.pallas import tpu_sc as plsc

_N = 10000
_E = 320000
_D = 128
_NC, _NS = 2, 16
_NT = _NC * _NS
_NPT = 320
_NPAD = _NT * _NPT
_CS = 6400
_NCHUNK = _E // _CS
_STG = 2 * _CS + 32
_CAP = _E + 8192
_B = 128
_SPL = 4
_SB = _B // _SPL
_TRASH = _NPT
_BAND = _NPT + 8

_mesh = plsc.VectorSubcoreMesh(core_axis_name="c", subcore_axis_name="s")


def _wid():
    return lax.axis_index("s") * _NC + lax.axis_index("c")


def _part_body(src_hbm, dst_hbm, deg_hbm, esrc_hbm, edst_hbm, cnt_hbm,
               src0, src1, dst0, dst1, stg_s, stg_d, deg_acc, outv,
               sc0, sc1):
    w = _wid()
    base = w * _NPT
    ebase = w * _CAP
    dband = lax.axis_index("s") * _BAND
    ones = jnp.ones((16,), jnp.float32)
    zeros16 = jnp.zeros((16,), jnp.float32)

    def _z(i, c):
        deg_acc[pl.ds(i * 16, 16)] = zeros16
        return c

    lax.fori_loop(0, _NPT // 16, _z, 0)

    def _issue(ci, sbuf, dbuf, sem):
        c0 = pl.multiple_of(ci * _CS, _CS)
        pltpu.async_copy(src_hbm.at[pl.ds(c0, _CS)], sbuf, sem)
        pltpu.async_copy(dst_hbm.at[pl.ds(c0, _CS)], dbuf, sem)

    def _wait(sbuf, dbuf, sem):
        pltpu.make_async_copy(src_hbm.at[pl.ds(0, _CS)], sbuf, sem).wait()
        pltpu.make_async_copy(src_hbm.at[pl.ds(0, _CS)], dbuf, sem).wait()

    def _scan(sbuf, dbuf, carry):
        def _grp(gg, cnt):
            for k in range(4):
                g = gg * 4 + k
                sv = sbuf[pl.ds(g * 16, 16)]
                dv = dbuf[pl.ds(g * 16, 16)]
                m = (dv >= base) & (dv < base + _NPT)
                dl = dv - base
                plsc.addupdate_scatter(deg_acc, [dl], ones, mask=m)
                plsc.store_compressed(stg_s.at[pl.ds(cnt, 16)], sv, mask=m)
                plsc.store_compressed(stg_d.at[pl.ds(cnt, 16)], dl + dband,
                                      mask=m)
                cnt = cnt + plsc.all_reduce_population_count(m)[0]
            return cnt

        cnt, off = carry
        cnt = lax.fori_loop(0, _CS // 64, _grp, cnt)
        do_flush = cnt >= _CS

        @pl.when(do_flush)
        def _():
            o = pl.multiple_of(ebase + off, 8)
            pltpu.sync_copy(stg_s.at[pl.ds(0, _CS)], esrc_hbm.at[pl.ds(o, _CS)])
            pltpu.sync_copy(stg_d.at[pl.ds(0, _CS)], edst_hbm.at[pl.ds(o, _CS)])

            def _mv(k, c):
                stg_s[pl.ds(k * 16, 16)] = stg_s[pl.ds(_CS + k * 16, 16)]
                stg_d[pl.ds(k * 16, 16)] = stg_d[pl.ds(_CS + k * 16, 16)]
                return c

            lax.fori_loop(0, (_CS + 32) // 16, _mv, 0)

        cnt = jnp.where(do_flush, cnt - _CS, cnt)
        off = jnp.where(do_flush, off + _CS, off)
        return (cnt, off)

    _issue(0, src0, dst0, sc0)

    def _pair(p, carry):
        ci = p * 2
        _wait(src0, dst0, sc0)
        _issue(ci + 1, src1, dst1, sc1)
        carry = _scan(src0, dst0, carry)
        _wait(src1, dst1, sc1)

        @pl.when(p < _NCHUNK // 2 - 1)
        def _():
            _issue(ci + 2, src0, dst0, sc0)

        return _scan(src1, dst1, carry)

    cnt, off = lax.fori_loop(0, _NCHUNK // 2, _pair,
                             (jnp.int32(0), jnp.int32(0)))

    pad_s = jnp.zeros((16,), jnp.int32)
    pad_d = jnp.full((16,), _TRASH, jnp.int32) + dband
    for gi in range(4 * _B // 16):
        stg_s[pl.ds(cnt + gi * 16, 16)] = pad_s
        stg_d[pl.ds(cnt + gi * 16, 16)] = pad_d
    total_r = lax.shift_left(lax.shift_right_logical(off + cnt, 9), 9) + 4 * _B
    cnt_r = total_r - off
    o = pl.multiple_of(ebase + off, 8)
    pltpu.sync_copy(stg_s.at[pl.ds(0, _CS + 512)],
                    esrc_hbm.at[pl.ds(o, _CS + 512)])
    pltpu.sync_copy(stg_d.at[pl.ds(0, _CS + 512)],
                    edst_hbm.at[pl.ds(o, _CS + 512)])
    outv[...] = jnp.full((16,), 0, jnp.int32) + (off + cnt_r)
    pltpu.sync_copy(outv, cnt_hbm.at[pl.ds(pl.multiple_of(w * 16, 16), 16)])
    pltpu.sync_copy(deg_acc, deg_hbm.at[pl.ds(pl.multiple_of(base, _NPT), _NPT)])


_part = pl.kernel(
    _part_body,
    out_type=(
        jax.ShapeDtypeStruct((_NPAD,), jnp.float32),
        jax.ShapeDtypeStruct((_NT * _CAP,), jnp.int32),
        jax.ShapeDtypeStruct((_NT * _CAP,), jnp.int32),
        jax.ShapeDtypeStruct((_NT * 16,), jnp.int32),
    ),
    mesh=_mesh,
    scratch_types=[
        pltpu.VMEM((_CS,), jnp.int32),
        pltpu.VMEM((_CS,), jnp.int32),
        pltpu.VMEM((_CS,), jnp.int32),
        pltpu.VMEM((_CS,), jnp.int32),
        pltpu.VMEM((_STG,), jnp.int32),
        pltpu.VMEM((_STG,), jnp.int32),
        pltpu.VMEM((_NPT,), jnp.float32),
        pltpu.VMEM((16,), jnp.int32),
        pltpu.SemaphoreType.DMA,
        pltpu.SemaphoreType.DMA,
    ],
    compiler_params=pltpu.CompilerParams(needs_layout_passes=False),
)


def _agg_body(h_hbm, esrc_hbm, edst_hbm, cnt_hbm, agg_hbm,
              cnt_buf, sidx0, sidx1, didx0, didx1, dsc0, dsc1, rows0, rows1,
              sacc, si0, si1, sg0, sg1, ss0, ss1):
    w = _wid()
    sid = lax.axis_index("s")
    bb = pl.multiple_of(sid * _BAND, 8)
    zeros16 = jnp.zeros((16,), jnp.float32)

    def _z(r, c):
        for j in range(_D // 16):
            rows0[r, pl.ds(j * 16, 16)] = zeros16
        return c

    lax.fori_loop(0, _B, _z, 0)
    pltpu.sync_copy(rows0, sacc.at[pl.ds(bb, _B)])
    pltpu.sync_copy(rows0, sacc.at[pl.ds(bb + _B, _B)])
    pltpu.sync_copy(rows0.at[pl.ds(0, _BAND - 2 * _B)],
                    sacc.at[pl.ds(bb + 2 * _B, _BAND - 2 * _B)])

    pltpu.sync_copy(cnt_hbm.at[pl.ds(pl.multiple_of(w * 16, 16), 16)], cnt_buf)
    nb = lax.shift_right_logical(jnp.max(cnt_buf[...]), 7)
    npairs = lax.shift_right_logical(nb, 1)
    ebase = w * _CAP

    def _issue_idx(bi, sref, dref, sem):
        b0 = pl.multiple_of(ebase + bi * _B, _B)
        pltpu.async_copy(esrc_hbm.at[pl.ds(b0, _B)], sref, sem)
        pltpu.async_copy(edst_hbm.at[pl.ds(b0, _B)], dref, sem)

    def _wait_idx(sref, dref, sem):
        pltpu.make_async_copy(esrc_hbm.at[pl.ds(0, _B)], sref, sem).wait()
        pltpu.make_async_copy(esrc_hbm.at[pl.ds(0, _B)], dref, sem).wait()

    def _issue_gather(sidx, rows, sem):
        for k in range(_SPL):
            o = pl.multiple_of(k * _SB, _SB)
            pltpu.async_copy(h_hbm.at[sidx.at[pl.ds(o, _SB)]],
                             rows.at[pl.ds(o, _SB)], sem)

    def _wait_gather(sidx, rows, sem):
        for k in range(_SPL):
            o = pl.multiple_of(k * _SB, _SB)
            pltpu.make_async_copy(h_hbm.at[sidx.at[pl.ds(o, _SB)]],
                                  rows.at[pl.ds(o, _SB)], sem).wait()

    def _issue_scat(didx, dsc, rows, sem):
        for g in range(_B // 16):
            dsc[pl.ds(g * 16, 16)] = didx[pl.ds(g * 16, 16)]
        pltpu.async_copy(rows, sacc.at[dsc], sem, add=True)

    def _wait_scat(dsc, rows, sem):
        pltpu.make_async_copy(rows, sacc.at[dsc], sem).wait()

    _issue_idx(0, sidx0, didx0, si0)
    _wait_idx(sidx0, didx0, si0)
    _issue_gather(sidx0, rows0, sg0)
    _issue_idx(1, sidx1, didx1, si1)

    def _pair(p, c):
        bi = p * 2
        _wait_idx(sidx1, didx1, si1)

        @pl.when(p > 0)
        def _():
            _wait_scat(dsc1, rows1, ss1)

        _issue_gather(sidx1, rows1, sg1)
        _wait_gather(sidx0, rows0, sg0)
        _issue_scat(didx0, dsc0, rows0, ss0)
        more = p < npairs - 1

        @pl.when(more)
        def _():
            _issue_idx(bi + 2, sidx0, didx0, si0)

        _wait_gather(sidx1, rows1, sg1)
        _issue_scat(didx1, dsc1, rows1, ss1)

        @pl.when(more)
        def _():
            _issue_idx(bi + 3, sidx1, didx1, si1)
            _wait_scat(dsc0, rows0, ss0)
            _wait_idx(sidx0, didx0, si0)
            _issue_gather(sidx0, rows0, sg0)

        return c

    lax.fori_loop(0, npairs, _pair, 0)
    _wait_scat(dsc0, rows0, ss0)
    _wait_scat(dsc1, rows1, ss1)
    pltpu.sync_copy(
        sacc.at[pl.ds(bb, _NPT)],
        agg_hbm.at[pl.ds(pl.multiple_of(w * _NPT, _NPT), _NPT)])


_agg = pl.kernel(
    _agg_body,
    out_type=jax.ShapeDtypeStruct((_NPAD, _D), jnp.float32),
    mesh=_mesh,
    scratch_types=[
        pltpu.VMEM((16,), jnp.int32),
        pltpu.VMEM((_B,), jnp.int32),
        pltpu.VMEM((_B,), jnp.int32),
        pltpu.VMEM((_B,), jnp.int32),
        pltpu.VMEM((_B,), jnp.int32),
        pltpu.VMEM((_B,), jnp.int32),
        pltpu.VMEM((_B,), jnp.int32),
        pltpu.VMEM((_B, _D), jnp.float32),
        pltpu.VMEM((_B, _D), jnp.float32),
        pltpu.VMEM_SHARED((_NS * _BAND, _D), jnp.float32),
        pltpu.SemaphoreType.DMA,
        pltpu.SemaphoreType.DMA,
        pltpu.SemaphoreType.DMA,
        pltpu.SemaphoreType.DMA,
        pltpu.SemaphoreType.DMA,
        pltpu.SemaphoreType.DMA,
    ],
    compiler_params=pltpu.CompilerParams(needs_layout_passes=False),
)


_BLK = 512
_G = _NPAD // _BLK


def _tc_pre_body(deg_ref, x_ref, w_ref, h_ref):
    dis = lax.rsqrt(deg_ref[...] + 1.0)
    h_ref[...] = jnp.dot(x_ref[...] * dis, w_ref[...],
                         preferred_element_type=jnp.float32,
                         precision=lax.Precision.HIGHEST)


def _tc_pre(deg2, xp, W):
    return pl.pallas_call(
        _tc_pre_body,
        out_shape=jax.ShapeDtypeStruct((_NPAD, _D), jnp.float32),
        grid=(_G,),
        in_specs=[
            pl.BlockSpec((_BLK, 1), lambda i: (i, 0)),
            pl.BlockSpec((_BLK, _D), lambda i: (i, 0)),
            pl.BlockSpec((_D, _D), lambda i: (0, 0)),
        ],
        out_specs=pl.BlockSpec((_BLK, _D), lambda i: (i, 0)),
    )(deg2, xp, W)


def _tc_mid_body(deg_ref, x_ref, h_ref, agg_ref, b_ref, w_ref,
                 x1_ref, h1_ref):
    dis = lax.rsqrt(deg_ref[...] + 1.0)
    x1 = x_ref[...] + dis * (agg_ref[...] + h_ref[...]) + b_ref[...]
    x1_ref[...] = x1
    h1_ref[...] = jnp.dot(x1 * dis, w_ref[...],
                          preferred_element_type=jnp.float32,
                          precision=lax.Precision.HIGHEST)


def _tc_mid(deg2, xp, h0, agg0, b0r, W1):
    return pl.pallas_call(
        _tc_mid_body,
        out_shape=(
            jax.ShapeDtypeStruct((_NPAD, _D), jnp.float32),
            jax.ShapeDtypeStruct((_NPAD, _D), jnp.float32),
        ),
        grid=(_G,),
        in_specs=[
            pl.BlockSpec((_BLK, 1), lambda i: (i, 0)),
            pl.BlockSpec((_BLK, _D), lambda i: (i, 0)),
            pl.BlockSpec((_BLK, _D), lambda i: (i, 0)),
            pl.BlockSpec((_BLK, _D), lambda i: (i, 0)),
            pl.BlockSpec((1, _D), lambda i: (0, 0)),
            pl.BlockSpec((_D, _D), lambda i: (0, 0)),
        ],
        out_specs=(
            pl.BlockSpec((_BLK, _D), lambda i: (i, 0)),
            pl.BlockSpec((_BLK, _D), lambda i: (i, 0)),
        ),
    )(deg2, xp, h0, agg0, b0r, W1)


def _tc_post_body(deg_ref, x1_ref, h1_ref, agg_ref, b_ref, o_ref):
    dis = lax.rsqrt(deg_ref[...] + 1.0)
    x2 = x1_ref[...] + dis * (agg_ref[...] + h1_ref[...]) + b_ref[...]
    s = jnp.sum(x2 * x2, axis=1, keepdims=True)
    o_ref[...] = x2 / jnp.maximum(jnp.sqrt(s), 1e-12)


def _tc_post(deg2, x1, h1, agg1, b1r):
    return pl.pallas_call(
        _tc_post_body,
        out_shape=jax.ShapeDtypeStruct((_NPAD, _D), jnp.float32),
        grid=(_G,),
        in_specs=[
            pl.BlockSpec((_BLK, 1), lambda i: (i, 0)),
            pl.BlockSpec((_BLK, _D), lambda i: (i, 0)),
            pl.BlockSpec((_BLK, _D), lambda i: (i, 0)),
            pl.BlockSpec((_BLK, _D), lambda i: (i, 0)),
            pl.BlockSpec((1, _D), lambda i: (0, 0)),
        ],
        out_specs=pl.BlockSpec((_BLK, _D), lambda i: (i, 0)),
    )(deg2, x1, h1, agg1, b1r)


def kernel(x, edge_index, W0, b0, W1, b1):
    src = edge_index[0].astype(jnp.int32)
    dst = edge_index[1].astype(jnp.int32)
    deg, esrc, edst, cnts = _part(src, dst)
    xp = jnp.pad(x, ((0, _NPAD - _N), (0, 0)))
    deg2 = deg.reshape(_NPAD, 1)
    h0 = _tc_pre(deg2, xp, W0)
    agg0 = _agg(h0, esrc, edst, cnts)
    x1, h1 = _tc_mid(deg2, xp, h0, agg0, b0.reshape(1, _D), W1)
    agg1 = _agg(h1, esrc, edst, cnts)
    out = _tc_post(deg2, x1, h1, agg1, b1.reshape(1, _D))
    return out[:_N]

# --- scband reference (transcript-rebuilt; emitter-appended) ---
"""Pipeline reference for scband-gnnstack-stage-48258252538015 (READ-ONLY COPY).

The authoritative reference and input builder live on the scoring server;
editing this copy changes nothing except your own understanding.
"""

import jax, jax.numpy as jnp
import numpy as np

N_NODES = 10000
N_EDGES = 320000
DIM = 128


def _gcn_conv(x, edge_index, W, b):
    N = x.shape[0]
    loops = jnp.arange(N, dtype=edge_index.dtype)
    src = jnp.concatenate([edge_index[0], loops])
    dst = jnp.concatenate([edge_index[1], loops])
    deg = jnp.zeros((N,), dtype=x.dtype).at[dst].add(1.0)
    deg_inv_sqrt = jnp.where(deg > 0, jax.lax.rsqrt(deg), 0.0)
    norm = deg_inv_sqrt[src] * deg_inv_sqrt[dst]
    h = x @ W
    msg = h[src] * norm[:, None]
    out = jnp.zeros((N, W.shape[1]), dtype=x.dtype).at[dst].add(msg)
    return out + b


def setup_inputs(seed: int = 0) -> dict:
    key = jax.random.key(seed)
    k_x, k_e, k_w0, k_w1 = jax.random.split(key, 4)
    x = jax.random.normal(k_x, (N_NODES, DIM), dtype=jnp.float32)
    edge_index = jax.random.randint(k_e, (2, N_EDGES), 0, N_NODES, dtype=jnp.int64)
    scale = 1.0 / np.sqrt(DIM)
    W0 = jax.random.normal(k_w0, (DIM, DIM), dtype=jnp.float32) * scale
    b0 = jnp.zeros((DIM,), dtype=jnp.float32)
    W1 = jax.random.normal(k_w1, (DIM, DIM), dtype=jnp.float32) * scale
    b1 = jnp.zeros((DIM,), dtype=jnp.float32)
    return {"x": x, "edge_index": edge_index, "W0": W0, "b0": b0, "W1": W1, "b1": b1}


def reference(x, edge_index, W0, b0, W1, b1):
    # layer 0 with skipsum
    h = _gcn_conv(x, edge_index, W0, b0)
    x = x + h
    # layer 1 with skipsum
    h = _gcn_conv(x, edge_index, W1, b1)
    x = x + h
    # l2norm (F.normalize, p=2, dim=-1, eps=1e-12)
    n = jnp.linalg.norm(x, ord=2, axis=-1, keepdims=True)
    x = x / jnp.maximum(n, 1e-12)
    return x

if __name__ == "__main__":
    import jax
    _d = setup_inputs()
    print(jax.jit(kernel)(*tuple(_d.values())))

</pallas_src>

<mosaic_0001>
#map = affine_map<(d0, d1) -> (0)>
module attributes {stable_mosaic.version = 14 : i64} {
  func.func @_part_body(%arg0: i32, %arg1: i32, %arg2: memref<320000xi32, #tpu.memory_space<hbm>>, %arg3: memref<320000xi32, #tpu.memory_space<hbm>>, %arg4: memref<10240xf32, #tpu.memory_space<hbm>>, %arg5: memref<10502144xi32, #tpu.memory_space<hbm>>, %arg6: memref<10502144xi32, #tpu.memory_space<hbm>>, %arg7: memref<512xi32, #tpu.memory_space<hbm>>, %arg8: memref<6400xi32, #tpu.memory_space<vmem>>, %arg9: memref<6400xi32, #tpu.memory_space<vmem>>, %arg10: memref<6400xi32, #tpu.memory_space<vmem>>, %arg11: memref<6400xi32, #tpu.memory_space<vmem>>, %arg12: memref<12832xi32, #tpu.memory_space<vmem>>, %arg13: memref<12832xi32, #tpu.memory_space<vmem>>, %arg14: memref<320xf32, #tpu.memory_space<vmem>>, %arg15: memref<16xi32, #tpu.memory_space<vmem>>, %arg16: memref<!tpu.dma_semaphore, #tpu.memory_space<semaphore_mem>>, %arg17: memref<!tpu.dma_semaphore, #tpu.memory_space<semaphore_mem>>) attributes {dimension_semantics = [#tpu.dimension_semantics<core_parallel>, #tpu.dimension_semantics<subcore_parallel>], iteration_bounds = array<i64: 2, 16>, scalar_prefetch = 0 : i64, scratch_operands = 10 : i64, tpu.core_type = #tpu.core_type<sc_vector_subcore>, window_params = [{transform_indices = #map}, {transform_indices = #map}, {transform_indices = #map}, {transform_indices = #map}, {transform_indices = #map}, {transform_indices = #map}]} {
    %mul3A = arith.constant 2 : i32
    %mul3A_0 = arith.muli %arg1, %mul3A : i32
    %add3A = arith.addi %mul3A_0, %arg0 : i32
    %mul3A_1 = arith.constant 320 : i32
    %mul3A_2 = arith.muli %add3A, %mul3A_1 : i32
    %mul3A_3 = arith.constant 328192 : i32
    %mul3A_4 = arith.muli %add3A, %mul3A_3 : i32
    %mul3A_5 = arith.constant 328 : i32
    %mul3A_6 = arith.muli %arg1, %mul3A_5 : i32
    %broadcast_in_dim3A = arith.constant 1.000000e+00 : f32
    %broadcast_in_dim3A_7 = vector.broadcast %broadcast_in_dim3A : f32 to vector<16xf32>
    %broadcast_in_dim3A_8 = arith.constant 0.000000e+00 : f32
    %broadcast_in_dim3A_9 = vector.broadcast %broadcast_in_dim3A_8 : f32 to vector<16xf32>
    %scan3A = arith.constant 0 : i32
    %scan3A_10 = arith.constant 0 : i32
    %scan3A_11 = arith.constant 20 : i32
    %scan3A_12 = arith.addi %scan3A_10, %scan3A_11 : i32
    %scan3A_13 = arith.constant 1 : i32
    scf.for %scan3A_306 = %scan3A_10 to %scan3A_12 step %scan3A_13  : i32 {
      %mul3A_307 = arith.constant 16 : i32
      %mul3A_308 = arith.muli %scan3A_306, %mul3A_307 : i32
      %swap3A_309 = arith.index_cast %mul3A_308 : i32 to index
      %swap3A_310 = tpu.vector_load %arg14[%swap3A_309] {strides = array<i32>} : memref<320xf32, #tpu.memory_space<vmem>>, vector<16xf32>,
      tpu.vector_store %arg14[%swap3A_309], %broadcast_in_dim3A_9 {strides = array<i32>} : memref<320xf32, #tpu.memory_space<vmem>>, vector<16xf32>,
    }
    %scan3A_14 = arith.constant 20 : i32
    %multiple_of3A = arith.constant 0 : i32
    %multiple_of3A_15 = tpu.assume_multiple %multiple_of3A, 6400 : i32
    %dma_start3A = tpu.memref_slice %arg2[%multiple_of3A_15] : memref<320000xi32, #tpu.memory_space<hbm>> -> memref<6400xi32, #tpu.memory_space<hbm>>
    %dma_start3A_16 = tpu.memref_slice %arg2[%multiple_of3A_15] : memref<320000xi32, #tpu.memory_space<hbm>> -> memref<6400xi32, #tpu.memory_space<hbm>>
    tpu.enqueue_dma source(%dma_start3A_16 : memref<6400xi32, #tpu.memory_space<hbm>>) target(%arg8 : memref<6400xi32, #tpu.memory_space<vmem>>) target_semaphore(%arg16 : memref<!tpu.dma_semaphore, #tpu.memory_space<semaphore_mem>>)
    %dma_start3A_17 = tpu.memref_slice %arg3[%multiple_of3A_15] : memref<320000xi32, #tpu.memory_space<hbm>> -> memref<6400xi32, #tpu.memory_space<hbm>>
    %dma_start3A_18 = tpu.memref_slice %arg3[%multiple_of3A_15] : memref<320000xi32, #tpu.memory_space<hbm>> -> memref<6400xi32, #tpu.memory_space<hbm>>
    tpu.enqueue_dma source(%dma_start3A_18 : memref<6400xi32, #tpu.memory_space<hbm>>) target(%arg10 : memref<6400xi32, #tpu.memory_space<vmem>>) target_semaphore(%arg16 : memref<!tpu.dma_semaphore, #tpu.memory_space<semaphore_mem>>)
    %scan3A_19 = arith.constant 0 : i32
    %scan3A_20 = arith.constant 0 : i32
    %scan3A_21 = arith.constant 0 : i32
    %scan3A_22 = arith.constant 25 : i32
    %scan3A_23 = arith.addi %scan3A_21, %scan3A_22 : i32
    %scan3A_24 = arith.constant 1 : i32
    %scan3A_25:2 = scf.for %scan3A_306 = %scan3A_21 to %scan3A_23 step %scan3A_24 iter_args(%scan3A_307 = %scan3A_19, %scan3A_308 = %scan3A_20) -> (i32, i32)  : i32 {
      %mul3A_309 = arith.constant 2 : i32
      %mul3A_310 = arith.muli %scan3A_306, %mul3A_309 : i32
      %dma_wait3A = arith.constant 0 : i32
      %dma_wait3A_311 = tpu.memref_slice %arg2[%dma_wait3A] : memref<320000xi32, #tpu.memory_space<hbm>> -> memref<6400xi32, #tpu.memory_space<hbm>>
      %dma_wait3A_312 = arith.constant 0 : i32
      %dma_wait3A_313 = tpu.memref_slice %arg2[%dma_wait3A_312] : memref<320000xi32, #tpu.memory_space<hbm>> -> memref<6400xi32, #tpu.memory_space<hbm>>
      tpu.wait_dma2 semaphore(%arg16 : memref<!tpu.dma_semaphore, #tpu.memory_space<semaphore_mem>>) src(%dma_wait3A_313 : memref<6400xi32, #tpu.memory_space<hbm>>) dst(%arg8 : memref<6400xi32, #tpu.memory_space<vmem>>)
      %dma_wait3A_314 = arith.constant 0 : i32
      %dma_wait3A_315 = tpu.memref_slice %arg2[%dma_wait3A_314] : memref<320000xi32, #tpu.memory_space<hbm>> -> memref<6400xi32, #tpu.memory_space<hbm>>
      %dma_wait3A_316 = arith.constant 0 : i32
      %dma_wait3A_317 = tpu.memref_slice %arg2[%dma_wait3A_316] : memref<320000xi32, #tpu.memory_space<hbm>> -> memref<6400xi32, #tpu.memory_space<hbm>>
      tpu.wait_dma2 semaphore(%arg16 : memref<!tpu.dma_semaphore, #tpu.memory_space<semaphore_mem>>) src(%dma_wait3A_317 : memref<6400xi32, #tpu.memory_space<hbm>>) dst(%arg10 : memref<6400xi32, #tpu.memory_space<vmem>>)
      %add3A_318 = arith.constant 1 : i32
      %add3A_319 = arith.addi %mul3A_310, %add3A_318 : i32
      %mul3A_320 = arith.constant 6400 : i32
      %mul3A_321 = arith.muli %add3A_319, %mul3A_320 : i32
      %multiple_of3A_322 = tpu.assume_multiple %mul3A_321, 6400 : i32
      %dma_start3A_323 = tpu.memref_slice %arg2[%multiple_of3A_322] : memref<320000xi32, #tpu.memory_space<hbm>> -> memref<6400xi32, #tpu.memory_space<hbm>>
      %dma_start3A_324 = tpu.memref_slice %arg2[%multiple_of3A_322] : memref<320000xi32, #tpu.memory_space<hbm>> -> memref<6400xi32, #tpu.memory_space<hbm>>
      tpu.enqueue_dma source(%dma_start3A_324 : memref<6400xi32, #tpu.memory_space<hbm>>) target(%arg9 : memref<6400xi32, #tpu.memory_space<vmem>>) target_semaphore(%arg17 : memref<!tpu.dma_semaphore, #tpu.memory_space<semaphore_mem>>)
      %dma_start3A_325 = tpu.memref_slice %arg3[%multiple_of3A_322] : memref<320000xi32, #tpu.memory_space<hbm>> -> memref<6400xi32, #tpu.memory_space<hbm>>
      %dma_start3A_326 = tpu.memref_slice %arg3[%multiple_of3A_322] : memref<320000xi32, #tpu.memory_space<hbm>> -> memref<6400xi32, #tpu.memory_space<hbm>>
      tpu.enqueue_dma source(%dma_start3A_326 : memref<6400xi32, #tpu.memory_space<hbm>>) target(%arg11 : memref<6400xi32, #tpu.memory_space<vmem>>) target_semaphore(%arg17 : memref<!tpu.dma_semaphore, #tpu.memory_space<semaphore_mem>>)
      %scan3A_327 = arith.constant 0 : i32
      %scan3A_328 = arith.constant 100 : i32
      %scan3A_329 = arith.addi %scan3A_327, %scan3A_328 : i32
      %scan3A_330 = arith.constant 1 : i32
      %scan3A_331 = scf.for %scan3A_369 = %scan3A_327 to %scan3A_329 step %scan3A_330 iter_args(%scan3A_370 = %scan3A_307) -> (i32)  : i32 {
        %mul3A_371 = arith.constant 4 : i32
        %mul3A_372 = arith.muli %scan3A_369, %mul3A_371 : i32
        %add3A_373 = arith.constant 0 : i32
        %add3A_374 = arith.addi %mul3A_372, %add3A_373 : i32
        %mul3A_375 = arith.constant 16 : i32
        %mul3A_376 = arith.muli %add3A_374, %mul3A_375 : i32
        %get3A = arith.index_cast %mul3A_376 : i32 to index
        %get3A_377 = tpu.vector_load %arg8[%get3A] {strides = array<i32>} : memref<6400xi32, #tpu.memory_space<vmem>>, vector<16xi32>,
        %mul3A_378 = arith.constant 16 : i32
        %mul3A_379 = arith.muli %add3A_374, %mul3A_378 : i32
        %get3A_380 = arith.index_cast %mul3A_379 : i32 to index
        %get3A_381 = tpu.vector_load %arg10[%get3A_380] {strides = array<i32>} : memref<6400xi32, #tpu.memory_space<vmem>>, vector<16xi32>,
        %ge3A_382 = vector.broadcast %mul3A_2 : i32 to vector<16xi32>
        %ge3A_383 = arith.cmpi sge, %get3A_381, %ge3A_382 : vector<16xi32>
        %add3A_384 = arith.constant 320 : i32
        %add3A_385 = arith.addi %mul3A_2, %add3A_384 : i32
        %lt3A_386 = vector.broadcast %add3A_385 : i32 to vector<16xi32>
        %lt3A_387 = arith.cmpi slt, %get3A_381, %lt3A_386 : vector<16xi32>
        %and3A = arith.andi %ge3A_383, %lt3A_387 : vector<16xi1>
        %sub3A_388 = vector.broadcast %mul3A_2 : i32 to vector<16xi32>
        %sub3A_389 = arith.subi %get3A_381, %sub3A_388 : vector<16xi32>
        tpu.vector_store_idx %arg14[%sub3A_389], %broadcast_in_dim3A_7 masked %and3A {add = true} : memref<320xf32, #tpu.memory_space<vmem>>[vector<16xi32>], vector<16xf32>, vector<16xi1>
        %swap3A_390 = arith.index_cast %scan3A_370 : i32 to index
        %swap3A_391 = tpu.vector_load %arg12[%swap3A_390] masked %and3A {strides = array<i32>} : memref<12832xi32, #tpu.memory_space<vmem>>, vector<16xi32>, vector<16xi1>
        tpu.vector_store %arg12[%swap3A_390], %get3A_377 masked %and3A {strides = array<i32>} : memref<12832xi32, #tpu.memory_space<vmem>>, vector<16xi32>, vector<16xi1>
        %add3A_392 = vector.broadcast %mul3A_6 : i32 to vector<16xi32>
        %add3A_393 = arith.addi %sub3A_389, %add3A_392 : vector<16xi32>
        %swap3A_394 = arith.index_cast %scan3A_370 : i32 to index
        %swap3A_395 = tpu.vector_load %arg13[%swap3A_394] masked %and3A {strides = array<i32>} : memref<12832xi32, #tpu.memory_space<vmem>>, vector<16xi32>, vector<16xi1>
        tpu.vector_store %arg13[%swap3A_394], %add3A_393 masked %and3A {strides = array<i32>} : memref<12832xi32, #tpu.memory_space<vmem>>, vector<16xi32>, vector<16xi1>
        %all_reduce_population_count3A = tpu.all_reduce %and3A {dim = 0 : i64, kind = #tpu.reduction_kind<sum>} : vector<16xi1> -> vector<16xi32>
        %slice3A = vector.extract_strided_slice %all_reduce_population_count3A {offsets = [0], sizes = [1], strides = [1]} : vector<16xi32> to vector<1xi32>
        %squeeze3A = vector.extract %slice3A[0] : i32 from vector<1xi32>
        %add3A_396 = arith.addi %scan3A_370, %squeeze3A : i32
        %mul3A_397 = arith.constant 4 : i32
        %mul3A_398 = arith.muli %scan3A_369, %mul3A_397 : i32
        %add3A_399 = arith.constant 1 : i32
        %add3A_400 = arith.addi %mul3A_398, %add3A_399 : i32
        %mul3A_401 = arith.constant 16 : i32
        %mul3A_402 = arith.muli %add3A_400, %mul3A_401 : i32
        %get3A_403 = arith.index_cast %mul3A_402 : i32 to index
        %get3A_404 = tpu.vector_load %arg8[%get3A_403] {strides = array<i32>} : memref<6400xi32, #tpu.memory_space<vmem>>, vector<16xi32>,
        %mul3A_405 = arith.constant 16 : i32
        %mul3A_406 = arith.muli %add3A_400, %mul3A_405 : i32
        %get3A_407 = arith.index_cast %mul3A_406 : i32 to index
        %get3A_408 = tpu.vector_load %arg10[%get3A_407] {strides = array<i32>} : memref<6400xi32, #tpu.memory_space<vmem>>, vector<16xi32>,
        %ge3A_409 = vector.broadcast %mul3A_2 : i32 to vector<16xi32>
        %ge3A_410 = arith.cmpi sge, %get3A_408, %ge3A_409 : vector<16xi32>
        %add3A_411 = arith.constant 320 : i32
        %add3A_412 = arith.addi %mul3A_2, %add3A_411 : i32
        %lt3A_413 = vector.broadcast %add3A_412 : i32 to vector<16xi32>
        %lt3A_414 = arith.cmpi slt, %get3A_408, %lt3A_413 : vector<16xi32>
        %and3A_415 = arith.andi %ge3A_410, %lt3A_414 : vector<16xi1>
        %sub3A_416 = vector.broadcast %mul3A_2 : i32 to vector<16xi32>
        %sub3A_417 = arith.subi %get3A_408, %sub3A_416 : vector<16xi32>
        tpu.vector_store_idx %arg14[%sub3A_417], %broadcast_in_dim3A_7 masked %and3A_415 {add = true} : memref<320xf32, #tpu.memory_space<vmem>>[vector<16xi32>], vector<16xf32>, vector<16xi1>
        %swap3A_418 = arith.index_cast %add3A_396 : i32 to index
        %swap3A_419 = tpu.vector_load %arg12[%swap3A_418] masked %and3A_415 {strides = array<i32>} : memref<12832xi32, #tpu.memory_space<vmem>>, vector<16xi32>, vector<16xi1>
        tpu.vector_store %arg12[%swap3A_418], %get3A_404 masked %and3A_415 {strides = array<i32>} : memref<12832xi32, #tpu.memory_space<vmem>>, vector<16xi32>, vector<16xi1>
        %add3A_420 = vector.broadcast %mul3A_6 : i32 to vector<16xi32>
        %add3A_421 = arith.addi %sub3A_417, %add3A_420 : vector<16xi32>
        %swap3A_422 = arith.index_cast %add3A_396 : i32 to index
        %swap3A_423 = tpu.vector_load %arg13[%swap3A_422] masked %and3A_415 {strides = array<i32>} : memref<12832xi32, #tpu.memory_space<vmem>>, vector<16xi32>, vector<16xi1>
        tpu.vector_store %arg13[%swap3A_422], %add3A_421 masked %and3A_415 {strides = array<i32>} : memref<12832xi32, #tpu.memory_space<vmem>>, vector<16xi32>, vector<16xi1>
        %all_reduce_population_count3A_424 = tpu.all_reduce %and3A_415 {dim = 0 : i64, kind = #tpu.reduction_kind<sum>} : vector<16xi1> -> vector<16xi32>
        %slice3A_425 = vector.extract_strided_slice %all_reduce_population_count3A_424 {offsets = [0], sizes = [1], strides = [1]} : vector<16xi32> to vector<1xi32>
        %squeeze3A_426 = vector.extract %slice3A_425[0] : i32 from vector<1xi32>
        %add3A_427 = arith.addi %add3A_396, %squeeze3A_426 : i32
        %mul3A_428 = arith.constant 4 : i32
        %mul3A_429 = arith.muli %scan3A_369, %mul3A_428 : i32
        %add3A_430 = arith.constant 2 : i32
        %add3A_431 = arith.addi %mul3A_429, %add3A_430 : i32
        %mul3A_432 = arith.constant 16 : i32
        %mul3A_433 = arith.muli %add3A_431, %mul3A_432 : i32
        %get3A_434 = arith.index_cast %mul3A_433 : i32 to index
        %get3A_435 = tpu.vector_load %arg8[%get3A_434] {strides = array<i32>} : memref<6400xi32, #tpu.memory_space<vmem>>, vector<16xi32>,
        %mul3A_436 = arith.constant 16 : i32
        %mul3A_437 = arith.muli %add3A_431, %mul3A_436 : i32
        %get3A_438 = arith.index_cast %mul3A_437 : i32 to index
        %get3A_439 = tpu.vector_load %arg10[%get3A_438] {strides = array<i32>} : memref<6400xi32, #tpu.memory_space<vmem>>, vector<16xi32>,
        %ge3A_440 = vector.broadcast %mul3A_2 : i32 to vector<16xi32>
        %ge3A_441 = arith.cmpi sge, %get3A_439, %ge3A_440 : vector<16xi32>
        %add3A_442 = arith.constant 320 : i32
        %add3A_443 = arith.addi %mul3A_2, %add3A_442 : i32
        %lt3A_444 = vector.broadcast %add3A_443 : i32 to vector<16xi32>
        %lt3A_445 = arith.cmpi slt, %get3A_439, %lt3A_444 : vector<16xi32>
        %and3A_446 = arith.andi %ge3A_441, %lt3A_445 : vector<16xi1>
        %sub3A_447 = vector.broadcast %mul3A_2 : i32 to vector<16xi32>
        %sub3A_448 = arith.subi %get3A_439, %sub3A_447 : vector<16xi32>
        tpu.vector_store_idx %arg14[%sub3A_448], %broadcast_in_dim3A_7 masked %and3A_446 {add = true} : memref<320xf32, #tpu.memory_space<vmem>>[vector<16xi32>], vector<16xf32>, vector<16xi1>
        %swap3A_449 = arith.index_cast %add3A_427 : i32 to index
        %swap3A_450 = tpu.vector_load %arg12[%swap3A_449] masked %and3A_446 {strides = array<i32>} : memref<12832xi32, #tpu.memory_space<vmem>>, vector<16xi32>, vector<16xi1>
        tpu.vector_store %arg12[%swap3A_449], %get3A_435 masked %and3A_446 {strides = array<i32>} : memref<12832xi32, #tpu.memory_space<vmem>>, vector<16xi32>, vector<16xi1>
        %add3A_451 = vector.broadcast %mul3A_6 : i32 to vector<16xi32>
        %add3A_452 = arith.addi %sub3A_448, %add3A_451 : vector<16xi32>
        %swap3A_453 = arith.index_cast %add3A_427 : i32 to index
        %swap3A_454 = tpu.vector_load %arg13[%swap3A_453] masked %and3A_446 {strides = array<i32>} : memref<12832xi32, #tpu.memory_space<vmem>>, vector<16xi32>, vector<16xi1>
        tpu.vector_store %arg13[%swap3A_453], %add3A_452 masked %and3A_446 {strides = array<i32>} : memref<12832xi32, #tpu.memory_space<vmem>>, vector<16xi32>, vector<16xi1>
        %all_reduce_population_count3A_455 = tpu.all_reduce %and3A_446 {dim = 0 : i64, kind = #tpu.reduction_kind<sum>} : vector<16xi1> -> vector<16xi32>
        %slice3A_456 = vector.extract_strided_slice %all_reduce_population_count3A_455 {offsets = [0], sizes = [1], strides = [1]} : vector<16xi32> to vector<1xi32>
        %squeeze3A_457 = vector.extract %slice3A_456[0] : i32 from vector<1xi32>
        %add3A_458 = arith.addi %add3A_427, %squeeze3A_457 : i32
        %mul3A_459 = arith.constant 4 : i32
        %mul3A_460 = arith.muli %scan3A_369, %mul3A_459 : i32
        %add3A_461 = arith.constant 3 : i32
        %add3A_462 = arith.addi %mul3A_460, %add3A_461 : i32
        %mul3A_463 = arith.constant 16 : i32
        %mul3A_464 = arith.muli %add3A_462, %mul3A_463 : i32
        %get3A_465 = arith.index_cast %mul3A_464 : i32 to index
        %get3A_466 = tpu.vector_load %arg8[%get3A_465] {strides = array<i32>} : memref<6400xi32, #tpu.memory_space<vmem>>, vector<16xi32>,
        %mul3A_467 = arith.constant 16 : i32
        %mul3A_468 = arith.muli %add3A_462, %mul3A_467 : i32
        %get3A_469 = arith.index_cast %mul3A_468 : i32 to index
        %get3A_470 = tpu.vector_load %arg10[%get3A_469] {strides = array<i32>} : memref<6400xi32, #tpu.memory_space<vmem>>, vector<16xi32>,
        %ge3A_471 = vector.broadcast %mul3A_2 : i32 to vector<16xi32>
        %ge3A_472 = arith.cmpi sge, %get3A_470, %ge3A_471 : vector<16xi32>
        %add3A_473 = arith.constant 320 : i32
        %add3A_474 = arith.addi %mul3A_2, %add3A_473 : i32
        %lt3A_475 = vector.broadcast %add3A_474 : i32 to vector<16xi32>
        %lt3A_476 = arith.cmpi slt, %get3A_470, %lt3A_475 : vector<16xi32>
        %and3A_477 = arith.andi %ge3A_472, %lt3A_476 : vector<16xi1>
        %sub3A_478 = vector.broadcast %mul3A_2 : i32 to vector<16xi32>
        %sub3A_479 = arith.subi %get3A_470, %sub3A_478 : vector<16xi32>
        tpu.vector_store_idx %arg14[%sub3A_479], %broadcast_in_dim3A_7 masked %and3A_477 {add = true} : memref<320xf32, #tpu.memory_space<vmem>>[vector<16xi32>], vector<16xf32>, vector<16xi1>
        %swap3A_480 = arith.index_cast %add3A_458 : i32 to index
        %swap3A_481 = tpu.vector_load %arg12[%swap3A_480] masked %and3A_477 {strides = array<i32>} : memref<12832xi32, #tpu.memory_space<vmem>>, vector<16xi32>, vector<16xi1>
        tpu.vector_store %arg12[%swap3A_480], %get3A_466 masked %and3A_477 {strides = array<i32>} : memref<12832xi32, #tpu.memory_space<vmem>>, vector<16xi32>, vector<16xi1>
        %add3A_482 = vector.broadcast %mul3A_6 : i32 to vector<16xi32>
        %add3A_483 = arith.addi %sub3A_479, %add3A_482 : vector<16xi32>
        %swap3A_484 = arith.index_cast %add3A_458 : i32 to index
        %swap3A_485 = tpu.vector_load %arg13[%swap3A_484] masked %and3A_477 {strides = array<i32>} : memref<12832xi32, #tpu.memory_space<vmem>>, vector<16xi32>, vector<16xi1>
        tpu.vector_store %arg13[%swap3A_484], %add3A_483 masked %and3A_477 {strides = array<i32>} : memref<12832xi32, #tpu.memory_space<vmem>>, vector<16xi32>, vector<16xi1>
        %all_reduce_population_count3A_486 = tpu.all_reduce %and3A_477 {dim = 0 : i64, kind = #tpu.reduction_kind<sum>} : vector<16xi1> -> vector<16xi32>
        %slice3A_487 = vector.extract_strided_slice %all_reduce_population_count3A_486 {offsets = [0], sizes = [1], strides = [1]} : vector<16xi32> to vector<1xi32>
        %squeeze3A_488 = vector.extract %slice3A_487[0] : i32 from vector<1xi32>
        %add3A_489 = arith.addi %add3A_458, %squeeze3A_488 : i32
        scf.yield %add3A_489 : i32
      }
      %scan3A_332 = arith.constant 100 : i32
      %ge3A = arith.constant 6400 : i32
      %ge3A_333 = arith.cmpi sge, %scan3A_331, %ge3A : i32
      %convert_element_type3A = arith.extui %ge3A_333 : i1 to i32
      %cond3A = arith.constant 0 : i32
      %cond3A_334 = arith.cmpi ne, %convert_element_type3A, %cond3A : i32
      scf.if %cond3A_334 {
        %add3A_369 = arith.addi %mul3A_4, %scan3A_308 : i32
        %multiple_of3A_370 = tpu.assume_multiple %add3A_369, 8 : i32
        "tpu.region"() ({
          %run_scoped3A = tpu.sem_alloc : memref<!tpu.dma_semaphore, #tpu.memory_space<semaphore_mem>>
          %dma_start3A_377 = arith.constant 0 : i32
          %dma_start3A_378 = tpu.memref_slice %arg12[%dma_start3A_377] : memref<12832xi32, #tpu.memory_space<vmem>> -> memref<6400xi32, #tpu.memory_space<vmem>>
          %dma_start3A_379 = tpu.memref_slice %arg5[%multiple_of3A_370] : memref<10502144xi32, #tpu.memory_space<hbm>> -> memref<6400xi32, #tpu.memory_space<hbm>>
          %dma_start3A_380 = tpu.memref_slice %arg5[%multiple_of3A_370] : memref<10502144xi32, #tpu.memory_space<hbm>> -> memref<6400xi32, #tpu.memory_space<hbm>>
          %dma_start3A_381 = arith.constant 0 : i32
          %dma_start3A_382 = tpu.memref_slice %arg12[%dma_start3A_381] : memref<12832xi32, #tpu.memory_space<vmem>> -> memref<6400xi32, #tpu.memory_space<vmem>>
          tpu.enqueue_dma source(%dma_start3A_382 : memref<6400xi32, #tpu.memory_space<vmem>>) target(%dma_start3A_380 : memref<6400xi32, #tpu.memory_space<hbm>>) target_semaphore(%run_scoped3A : memref<!tpu.dma_semaphore, #tpu.memory_space<semaphore_mem>>)
          %dma_wait3A_383 = arith.constant 0 : i32
          %dma_wait3A_384 = tpu.memref_slice %arg12[%dma_wait3A_383] : memref<12832xi32, #tpu.memory_space<vmem>> -> memref<6400xi32, #tpu.memory_space<vmem>>
          %dma_wait3A_385 = tpu.memref_slice %arg5[%multiple_of3A_370] : memref<10502144xi32, #tpu.memory_space<hbm>> -> memref<6400xi32, #tpu.memory_space<hbm>>
          %dma_wait3A_386 = tpu.memref_slice %arg5[%multiple_of3A_370] : memref<10502144xi32, #tpu.memory_space<hbm>> -> memref<6400xi32, #tpu.memory_space<hbm>>
          %dma_wait3A_387 = arith.constant 0 : i32
          %dma_wait3A_388 = tpu.memref_slice %arg12[%dma_wait3A_387] : memref<12832xi32, #tpu.memory_space<vmem>> -> memref<6400xi32, #tpu.memory_space<vmem>>
          tpu.wait_dma2 semaphore(%run_scoped3A : memref<!tpu.dma_semaphore, #tpu.memory_space<semaphore_mem>>) src(%dma_wait3A_388 : memref<6400xi32, #tpu.memory_space<vmem>>) dst(%dma_wait3A_386 : memref<6400xi32, #tpu.memory_space<hbm>>)
          tpu.yield
        }) : () -> ()
        "tpu.region"() ({
          %run_scoped3A = tpu.sem_alloc : memref<!tpu.dma_semaphore, #tpu.memory_space<semaphore_mem>>
          %dma_start3A_377 = arith.constant 0 : i32
          %dma_start3A_378 = tpu.memref_slice %arg13[%dma_start3A_377] : memref<12832xi32, #tpu.memory_space<vmem>> -> memref<6400xi32, #tpu.memory_space<vmem>>
          %dma_start3A_379 = tpu.memref_slice %arg6[%multiple_of3A_370] : memref<10502144xi32, #tpu.memory_space<hbm>> -> memref<6400xi32, #tpu.memory_space<hbm>>
          %dma_start3A_380 = tpu.memref_slice %arg6[%multiple_of3A_370] : memref<10502144xi32, #tpu.memory_space<hbm>> -> memref<6400xi32, #tpu.memory_space<hbm>>
          %dma_start3A_381 = arith.constant 0 : i32
          %dma_start3A_382 = tpu.memref_slice %arg13[%dma_start3A_381] : memref<12832xi32, #tpu.memory_space<vmem>> -> memref<6400xi32, #tpu.memory_space<vmem>>
          tpu.enqueue_dma source(%dma_start3A_382 : memref<6400xi32, #tpu.memory_space<vmem>>) target(%dma_start3A_380 : memref<6400xi32, #tpu.memory_space<hbm>>) target_semaphore(%run_scoped3A : memref<!tpu.dma_semaphore, #tpu.memory_space<semaphore_mem>>)
          %dma_wait3A_383 = arith.constant 0 : i32
          %dma_wait3A_384 = tpu.memref_slice %arg13[%dma_wait3A_383] : memref<12832xi32, #tpu.memory_space<vmem>> -> memref<6400xi32, #tpu.memory_space<vmem>>
          %dma_wait3A_385 = tpu.memref_slice %arg6[%multiple_of3A_370] : memref<10502144xi32, #tpu.memory_space<hbm>> -> memref<6400xi32, #tpu.memory_space<hbm>>
          %dma_wait3A_386 = tpu.memref_slice %arg6[%multiple_of3A_370] : memref<10502144xi32, #tpu.memory_space<hbm>> -> memref<6400xi32, #tpu.memory_space<hbm>>
          %dma_wait3A_387 = arith.constant 0 : i32
          %dma_wait3A_388 = tpu.memref_slice %arg13[%dma_wait3A_387] : memref<12832xi32, #tpu.memory_space<vmem>> -> memref<6400xi32, #tpu.memory_space<vmem>>
          tpu.wait_dma2 semaphore(%run_scoped3A : memref<!tpu.dma_semaphore, #tpu.memory_space<semaphore_mem>>) src(%dma_wait3A_388 : memref<6400xi32, #tpu.memory_space<vmem>>) dst(%dma_wait3A_386 : memref<6400xi32, #tpu.memory_space<hbm>>)
          tpu.yield
        }) : () -> ()
        %scan3A_371 = arith.constant 0 : i32
        %scan3A_372 = arith.constant 0 : i32
        %scan3A_373 = arith.constant 402 : i32
        %scan3A_374 = arith.addi %scan3A_372, %scan3A_373 : i32
        %scan3A_375 = arith.constant 1 : i32
        scf.for %scan3A_377 = %scan3A_372 to %scan3A_374 step %scan3A_375  : i32 {
          %mul3A_378 = arith.constant 16 : i32
          %mul3A_379 = arith.muli %scan3A_377, %mul3A_378 : i32
          %add3A_380 = arith.constant 6400 : i32
          %add3A_381 = arith.addi %add3A_380, %mul3A_379 : i32
          %get3A = arith.index_cast %add3A_381 : i32 to index
          %get3A_382 = tpu.vector_load %arg12[%get3A] {strides = array<i32>} : memref<12832xi32, #tpu.memory_space<vmem>>, vector<16xi32>,
          %mul3A_383 = arith.constant 16 : i32
          %mul3A_384 = arith.muli %scan3A_377, %mul3A_383 : i32
          %swap3A_385 = arith.index_cast %mul3A_384 : i32 to index
          %swap3A_386 = tpu.vector_load %arg12[%swap3A_385] {strides = array<i32>} : memref<12832xi32, #tpu.memory_space<vmem>>, vector<16xi32>,
          tpu.vector_store %arg12[%swap3A_385], %get3A_382 {strides = array<i32>} : memref<12832xi32, #tpu.memory_space<vmem>>, vector<16xi32>,
          %mul3A_387 = arith.constant 16 : i32
          %mul3A_388 = arith.muli %scan3A_377, %mul3A_387 : i32
          %add3A_389 = arith.constant 6400 : i32
          %add3A_390 = arith.addi %add3A_389, %mul3A_388 : i32
          %get3A_391 = arith.index_cast %add3A_390 : i32 to index
          %get3A_392 = tpu.vector_load %arg13[%get3A_391] {strides = array<i32>} : memref<12832xi32, #tpu.memory_space<vmem>>, vector<16xi32>,
          %mul3A_393 = arith.constant 16 : i32
          %mul3A_394 = arith.muli %scan3A_377, %mul3A_393 : i32
          %swap3A_395 = arith.index_cast %mul3A_394 : i32 to index
          %swap3A_396 = tpu.vector_load %arg13[%swap3A_395] {strides = array<i32>} : memref<12832xi32, #tpu.memory_space<vmem>>, vector<16xi32>,
          tpu.vector_store %arg13[%swap3A_395], %get3A_392 {strides = array<i32>} : memref<12832xi32, #tpu.memory_space<vmem>>, vector<16xi32>,
        }
        %scan3A_376 = arith.constant 402 : i32
      } else {
      }
      %sub3A_335 = arith.constant 6400 : i32
      %sub3A_336 = arith.subi %scan3A_331, %sub3A_335 : i32
      %select_n3A = arith.select %ge3A_333, %sub3A_336, %scan3A_331 : i32
      %add3A_337 = arith.constant 6400 : i32
      %add3A_338 = arith.addi %scan3A_308, %add3A_337 : i32
      %select_n3A_339 = arith.select %ge3A_333, %add3A_338, %scan3A_308 : i32
      %dma_wait3A_340 = arith.constant 0 : i32
      %dma_wait3A_341 = tpu.memref_slice %arg2[%dma_wait3A_340] : memref<320000xi32, #tpu.memory_space<hbm>> -> memref<6400xi32, #tpu.memory_space<hbm>>
      %dma_wait3A_342 = arith.constant 0 : i32
      %dma_wait3A_343 = tpu.memref_slice %arg2[%dma_wait3A_342] : memref<320000xi32, #tpu.memory_space<hbm>> -> memref<6400xi32, #tpu.memory_space<hbm>>
      tpu.wait_dma2 semaphore(%arg17 : memref<!tpu.dma_semaphore, #tpu.memory_space<semaphore_mem>>) src(%dma_wait3A_343 : memref<6400xi32, #tpu.memory_space<hbm>>) dst(%arg9 : memref<6400xi32, #tpu.memory_space<vmem>>)
      %dma_wait3A_344 = arith.constant 0 : i32
      %dma_wait3A_345 = tpu.memref_slice %arg2[%dma_wait3A_344] : memref<320000xi32, #tpu.memory_space<hbm>> -> memref<6400xi32, #tpu.memory_space<hbm>>
      %dma_wait3A_346 = arith.constant 0 : i32
      %dma_wait3A_347 = tpu.memref_slice %arg2[%dma_wait3A_346] : memref<320000xi32, #tpu.memory_space<hbm>> -> memref<6400xi32, #tpu.memory_space<hbm>>
      tpu.wait_dma2 semaphore(%arg17 : memref<!tpu.dma_semaphore, #tpu.memory_space<semaphore_mem>>) src(%dma_wait3A_347 : memref<6400xi32, #tpu.memory_space<hbm>>) dst(%arg11 : memref<6400xi32, #tpu.memory_space<vmem>>)
      %lt3A = arith.constant 24 : i32
      %lt3A_348 = arith.cmpi slt, %scan3A_306, %lt3A : i32
      %convert_element_type3A_349 = arith.extui %lt3A_348 : i1 to i32
      %cond3A_350 = arith.constant 0 : i32
      %cond3A_351 = arith.cmpi ne, %convert_element_type3A_349, %cond3A_350 : i32
      scf.if %cond3A_351 {
        %add3A_369 = arith.constant 2 : i32
        %add3A_370 = arith.addi %mul3A_310, %add3A_369 : i32
        %mul3A_371 = arith.constant 6400 : i32
        %mul3A_372 = arith.muli %add3A_370, %mul3A_371 : i32
        %multiple_of3A_373 = tpu.assume_multiple %mul3A_372, 6400 : i32
        %dma_start3A_374 = tpu.memref_slice %arg2[%multiple_of3A_373] : memref<320000xi32, #tpu.memory_space<hbm>> -> memref<6400xi32, #tpu.memory_space<hbm>>
        %dma_start3A_375 = tpu.memref_slice %arg2[%multiple_of3A_373] : memref<320000xi32, #tpu.memory_space<hbm>> -> memref<6400xi32, #tpu.memory_space<hbm>>
        tpu.enqueue_dma source(%dma_start3A_375 : memref<6400xi32, #tpu.memory_space<hbm>>) target(%arg8 : memref<6400xi32, #tpu.memory_space<vmem>>) target_semaphore(%arg16 : memref<!tpu.dma_semaphore, #tpu.memory_space<semaphore_mem>>)
        %dma_start3A_376 = tpu.memref_slice %arg3[%multiple_of3A_373] : memref<320000xi32, #tpu.memory_space<hbm>> -> memref<6400xi32, #tpu.memory_space<hbm>>
        %dma_start3A_377 = tpu.memref_slice %arg3[%multiple_of3A_373] : memref<320000xi32, #tpu.memory_space<hbm>> -> memref<6400xi32, #tpu.memory_space<hbm>>
        tpu.enqueue_dma source(%dma_start3A_377 : memref<6400xi32, #tpu.memory_space<hbm>>) target(%arg10 : memref<6400xi32, #tpu.memory_space<vmem>>) target_semaphore(%arg16 : memref<!tpu.dma_semaphore, #tpu.memory_space<semaphore_mem>>)
      } else {
      }
      %scan3A_352 = arith.constant 0 : i32
      %scan3A_353 = arith.constant 100 : i32
      %scan3A_354 = arith.addi %scan3A_352, %scan3A_353 : i32
      %scan3A_355 = arith.constant 1 : i32
      %scan3A_356 = scf.for %scan3A_369 = %scan3A_352 to %scan3A_354 step %scan3A_355 iter_args(%scan3A_370 = %select_n3A) -> (i32)  : i32 {
        %mul3A_371 = arith.constant 4 : i32
        %mul3A_372 = arith.muli %scan3A_369, %mul3A_371 : i32
        %add3A_373 = arith.constant 0 : i32
        %add3A_374 = arith.addi %mul3A_372, %add3A_373 : i32
        %mul3A_375 = arith.constant 16 : i32
        %mul3A_376 = arith.muli %add3A_374, %mul3A_375 : i32
        %get3A = arith.index_cast %mul3A_376 : i32 to index
        %get3A_377 = tpu.vector_load %arg9[%get3A] {strides = array<i32>} : memref<6400xi32, #tpu.memory_space<vmem>>, vector<16xi32>,
        %mul3A_378 = arith.constant 16 : i32
        %mul3A_379 = arith.muli %add3A_374, %mul3A_378 : i32
        %get3A_380 = arith.index_cast %mul3A_379 : i32 to index
        %get3A_381 = tpu.vector_load %arg11[%get3A_380] {strides = array<i32>} : memref<6400xi32, #tpu.memory_space<vmem>>, vector<16xi32>,
        %ge3A_382 = vector.broadcast %mul3A_2 : i32 to vector<16xi32>
        %ge3A_383 = arith.cmpi sge, %get3A_381, %ge3A_382 : vector<16xi32>
        %add3A_384 = arith.constant 320 : i32
        %add3A_385 = arith.addi %mul3A_2, %add3A_384 : i32
        %lt3A_386 = vector.broadcast %add3A_385 : i32 to vector<16xi32>
        %lt3A_387 = arith.cmpi slt, %get3A_381, %lt3A_386 : vector<16xi32>
        %and3A = arith.andi %ge3A_383, %lt3A_387 : vector<16xi1>
        %sub3A_388 = vector.broadcast %mul3A_2 : i32 to vector<16xi32>
        %sub3A_389 = arith.subi %get3A_381, %sub3A_388 : vector<16xi32>
        tpu.vector_store_idx %arg14[%sub3A_389], %broadcast_in_dim3A_7 masked %and3A {add = true} : memref<320xf32, #tpu.memory_space<vmem>>[vector<16xi32>], vector<16xf32>, vector<16xi1>
        %swap3A_390 = arith.index_cast %scan3A_370 : i32 to index
        %swap3A_391 = tpu.vector_load %arg12[%swap3A_390] masked %and3A {strides = array<i32>} : memref<12832xi32, #tpu.memory_space<vmem>>, vector<16xi32>, vector<16xi1>
        tpu.vector_store %arg12[%swap3A_390], %get3A_377 masked %and3A {strides = array<i32>} : memref<12832xi32, #tpu.memory_space<vmem>>, vector<16xi32>, vector<16xi1>
        %add3A_392 = vector.broadcast %mul3A_6 : i32 to vector<16xi32>
        %add3A_393 = arith.addi %sub3A_389, %add3A_392 : vector<16xi32>
        %swap3A_394 = arith.index_cast %scan3A_370 : i32 to index
        %swap3A_395 = tpu.vector_load %arg13[%swap3A_394] masked %and3A {strides = array<i32>} : memref<12832xi32, #tpu.memory_space<vmem>>, vector<16xi32>, vector<16xi1>
        tpu.vector_store %arg13[%swap3A_394], %add3A_393 masked %and3A {strides = array<i32>} : memref<12832xi32, #tpu.memory_space<vmem>>, vector<16xi32>, vector<16xi1>
        %all_reduce_population_count3A = tpu.all_reduce %and3A {dim = 0 : i64, kind = #tpu.reduction_kind<sum>} : vector<16xi1> -> vector<16xi32>
        %slice3A = vector.extract_strided_slice %all_reduce_population_count3A {offsets = [0], sizes = [1], strides = [1]} : vector<16xi32> to vector<1xi32>
        %squeeze3A = vector.extract %slice3A[0] : i32 from vector<1xi32>
        %add3A_396 = arith.addi %scan3A_370, %squeeze3A : i32
        %mul3A_397 = arith.constant 4 : i32
        %mul3A_398 = arith.muli %scan3A_369, %mul3A_397 : i32
        %add3A_399 = arith.constant 1 : i32
        %add3A_400 = arith.addi %mul3A_398, %add3A_399 : i32
        %mul3A_401 = arith.constant 16 : i32
        %mul3A_402 = arith.muli %add3A_400, %mul3A_401 : i32
        %get3A_403 = arith.index_cast %mul3A_402 : i32 to index
        %get3A_404 = tpu.vector_load %arg9[%get3A_403] {strides = array<i32>} : memref<6400xi32, #tpu.memory_space<vmem>>, vector<16xi32>,
        %mul3A_405 = arith.constant 16 : i32
        %mul3A_406 = arith.muli %add3A_400, %mul3A_405 : i32
        %get3A_407 = arith.index_cast %mul3A_406 : i32 to index
        %get3A_408 = tpu.vector_load %arg11[%get3A_407] {strides = array<i32>} : memref<6400xi32, #tpu.memory_space<vmem>>, vector<16xi32>,
        %ge3A_409 = vector.broadcast %mul3A_2 : i32 to vector<16xi32>
        %ge3A_410 = arith.cmpi sge, %get3A_408, %ge3A_409 : vector<16xi32>
        %add3A_411 = arith.constant 320 : i32
        %add3A_412 = arith.addi %mul3A_2, %add3A_411 : i32
        %lt3A_413 = vector.broadcast %add3A_412 : i32 to vector<16xi32>
        %lt3A_414 = arith.cmpi slt, %get3A_408, %lt3A_413 : vector<16xi32>
        %and3A_415 = arith.andi %ge3A_410, %lt3A_414 : vector<16xi1>
        %sub3A_416 = vector.broadcast %mul3A_2 : i32 to vector<16xi32>
        %sub3A_417 = arith.subi %get3A_408, %sub3A_416 : vector<16xi32>
        tpu.vector_store_idx %arg14[%sub3A_417], %broadcast_in_dim3A_7 masked %and3A_415 {add = true} : memref<320xf32, #tpu.memory_space<vmem>>[vector<16xi32>], vector<16xf32>, vector<16xi1>
        %swap3A_418 = arith.index_cast %add3A_396 : i32 to index
        %swap3A_419 = tpu.vector_load %arg12[%swap3A_418] masked %and3A_415 {strides = array<i32>} : memref<12832xi32, #tpu.memory_space<vmem>>, vector<16xi32>, vector<16xi1>
        tpu.vector_store %arg12[%swap3A_418], %get3A_404 masked %and3A_415 {strides = array<i32>} : memref<12832xi32, #tpu.memory_space<vmem>>, vector<16xi32>, vector<16xi1>
        %add3A_420 = vector.broadcast %mul3A_6 : i32 to vector<16xi32>
        %add3A_421 = arith.addi %sub3A_417, %add3A_420 : vector<16xi32>
        %swap3A_422 = arith.index_cast %add3A_396 : i32 to index
        %swap3A_423 = tpu.vector_load %arg13[%swap3A_422] masked %and3A_415 {strides = array<i32>} : memref<12832xi32, #tpu.memory_space<vmem>>, vector<16xi32>, vector<16xi1>
        tpu.vector_store %arg13[%swap3A_422], %add3A_421 masked %and3A_415 {strides = array<i32>} : memref<12832xi32, #tpu.memory_space<vmem>>, vector<16xi32>, vector<16xi1>
        %all_reduce_population_count3A_424 = tpu.all_reduce %and3A_415 {dim = 0 : i64, kind = #tpu.reduction_kind<sum>} : vector<16xi1> -> vector<16xi32>
        %slice3A_425 = vector.extract_strided_slice %all_reduce_population_count3A_424 {offsets = [0], sizes = [1], strides = [1]} : vector<16xi32> to vector<1xi32>
        %squeeze3A_426 = vector.extract %slice3A_425[0] : i32 from vector<1xi32>
        %add3A_427 = arith.addi %add3A_396, %squeeze3A_426 : i32
        %mul3A_428 = arith.constant 4 : i32
        %mul3A_429 = arith.muli %scan3A_369, %mul3A_428 : i32
        %add3A_430 = arith.constant 2 : i32
        %add3A_431 = arith.addi %mul3A_429, %add3A_430 : i32
        %mul3A_432 = arith.constant 16 : i32
        %mul3A_433 = arith.muli %add3A_431, %mul3A_432 : i32
        %get3A_434 = arith.index_cast %mul3A_433 : i32 to index
        %get3A_435 = tpu.vector_load %arg9[%get3A_434] {strides = array<i32>} : memref<6400xi32, #tpu.memory_space<vmem>>, vector<16xi32>,
        %mul3A_436 = arith.constant 16 : i32
        %mul3A_437 = arith.muli %add3A_431, %mul3A_436 : i32
        %get3A_438 = arith.index_cast %mul3A_437 : i32 to index
        %get3A_439 = tpu.vector_load %arg11[%get3A_438] {strides = array<i32>} : memref<6400xi32, #tpu.memory_space<vmem>>, vector<16xi32>,
        %ge3A_440 = vector.broadcast %mul3A_2 : i32 to vector<16xi32>
        %ge3A_441 = arith.cmpi sge, %get3A_439, %ge3A_440 : vector<16xi32>
        %add3A_442 = arith.constant 320 : i32
        %add3A_443 = arith.addi %mul3A_2, %add3A_442 : i32
        %lt3A_444 = vector.broadcast %add3A_443 : i32 to vector<16xi32>
        %lt3A_445 = arith.cmpi slt, %get3A_439, %lt3A_444 : vector<16xi32>
        %and3A_446 = arith.andi %ge3A_441, %lt3A_445 : vector<16xi1>
        %sub3A_447 = vector.broadcast %mul3A_2 : i32 to vector<16xi32>
        %sub3A_448 = arith.subi %get3A_439, %sub3A_447 : vector<16xi32>
        tpu.vector_store_idx %arg14[%sub3A_448], %broadcast_in_dim3A_7 masked %and3A_446 {add = true} : memref<320xf32, #tpu.memory_space<vmem>>[vector<16xi32>], vector<16xf32>, vector<16xi1>
        %swap3A_449 = arith.index_cast %add3A_427 : i32 to index
        %swap3A_450 = tpu.vector_load %arg12[%swap3A_449] masked %and3A_446 {strides = array<i32>} : memref<12832xi32, #tpu.memory_space<vmem>>, vector<16xi32>, vector<16xi1>
        tpu.vector_store %arg12[%swap3A_449], %get3A_435 masked %and3A_446 {strides = array<i32>} : memref<12832xi32, #tpu.memory_space<vmem>>, vector<16xi32>, vector<16xi1>
        %add3A_451 = vector.broadcast %mul3A_6 : i32 to vector<16xi32>
        %add3A_452 = arith.addi %sub3A_448, %add3A_451 : vector<16xi32>
        %swap3A_453 = arith.index_cast %add3A_427 : i32 to index
        %swap3A_454 = tpu.vector_load %arg13[%swap3A_453] masked %and3A_446 {strides = array<i32>} : memref<12832xi32, #tpu.memory_space<vmem>>, vector<16xi32>, vector<16xi1>
        tpu.vector_store %arg13[%swap3A_453], %add3A_452 masked %and3A_446 {strides = array<i32>} : memref<12832xi32, #tpu.memory_space<vmem>>, vector<16xi32>, vector<16xi1>
        %all_reduce_population_count3A_455 = tpu.all_reduce %and3A_446 {dim = 0 : i64, kind = #tpu.reduction_kind<sum>} : vector<16xi1> -> vector<16xi32>
        %slice3A_456 = vector.extract_strided_slice %all_reduce_population_count3A_455 {offsets = [0], sizes = [1], strides = [1]} : vector<16xi32> to vector<1xi32>
        %squeeze3A_457 = vector.extract %slice3A_456[0] : i32 from vector<1xi32>
        %add3A_458 = arith.addi %add3A_427, %squeeze3A_457 : i32
        %mul3A_459 = arith.constant 4 : i32
        %mul3A_460 = arith.muli %scan3A_369, %mul3A_459 : i32
        %add3A_461 = arith.constant 3 : i32
        %add3A_462 = arith.addi %mul3A_460, %add3A_461 : i32
        %mul3A_463 = arith.constant 16 : i32
        %mul3A_464 = arith.muli %add3A_462, %mul3A_463 : i32
        %get3A_465 = arith.index_cast %mul3A_464 : i32 to index
        %get3A_466 = tpu.vector_load %arg9[%get3A_465] {strides = array<i32>} : memref<6400xi32, #tpu.memory_space<vmem>>, vector<16xi32>,
        %mul3A_467 = arith.constant 16 : i32
        %mul3A_468 = arith.muli %add3A_462, %mul3A_467 : i32
        %get3A_469 = arith.index_cast %mul3A_468 : i32 to index
        %get3A_470 = tpu.vector_load %arg11[%get3A_469] {strides = array<i32>} : memref<6400xi32, #tpu.memory_space<vmem>>, vector<16xi32>,
        %ge3A_471 = vector.broadcast %mul3A_2 : i32 to vector<16xi32>
        %ge3A_472 = arith.cmpi sge, %get3A_470, %ge3A_471 : vector<16xi32>
        %add3A_473 = arith.constant 320 : i32
        %add3A_474 = arith.addi %mul3A_2, %add3A_473 : i32
        %lt3A_475 = vector.broadcast %add3A_474 : i32 to vector<16xi32>
        %lt3A_476 = arith.cmpi slt, %get3A_470, %lt3A_475 : vector<16xi32>
        %and3A_477 = arith.andi %ge3A_472, %lt3A_476 : vector<16xi1>
        %sub3A_478 = vector.broadcast %mul3A_2 : i32 to vector<16xi32>
        %sub3A_479 = arith.subi %get3A_470, %sub3A_478 : vector<16xi32>
        tpu.vector_store_idx %arg14[%sub3A_479], %broadcast_in_dim3A_7 masked %and3A_477 {add = true} : memref<320xf32, #tpu.memory_space<vmem>>[vector<16xi32>], vector<16xf32>, vector<16xi1>
        %swap3A_480 = arith.index_cast %add3A_458 : i32 to index
        %swap3A_481 = tpu.vector_load %arg12[%swap3A_480] masked %and3A_477 {strides = array<i32>} : memref<12832xi32, #tpu.memory_space<vmem>>, vector<16xi32>, vector<16xi1>
        tpu.vector_store %arg12[%swap3A_480], %get3A_466 masked %and3A_477 {strides = array<i32>} : memref<12832xi32, #tpu.memory_space<vmem>>, vector<16xi32>, vector<16xi1>
        %add3A_482 = vector.broadcast %mul3A_6 : i32 to vector<16xi32>
        %add3A_483 = arith.addi %sub3A_479, %add3A_482 : vector<16xi32>
        %swap3A_484 = arith.index_cast %add3A_458 : i32 to index
        %swap3A_485 = tpu.vector_load %arg13[%swap3A_484] masked %and3A_477 {strides = array<i32>} : memref<12832xi32, #tpu.memory_space<vmem>>, vector<16xi32>, vector<16xi1>
        tpu.vector_store %arg13[%swap3A_484], %add3A_483 masked %and3A_477 {strides = array<i32>} : memref<12832xi32, #tpu.memory_space<vmem>>, vector<16xi32>, vector<16xi1>
        %all_reduce_population_count3A_486 = tpu.all_reduce %and3A_477 {dim = 0 : i64, kind = #tpu.reduction_kind<sum>} : vector<16xi1> -> vector<16xi32>
        %slice3A_487 = vector.extract_strided_slice %all_reduce_population_count3A_486 {offsets = [0], sizes = [1], strides = [1]} : vector<16xi32> to vector<1xi32>
        %squeeze3A_488 = vector.extract %slice3A_487[0] : i32 from vector<1xi32>
        %add3A_489 = arith.addi %add3A_458, %squeeze3A_488 : i32
        scf.yield %add3A_489 : i32
      }
      %scan3A_357 = arith.constant 100 : i32
      %ge3A_358 = arith.constant 6400 : i32
      %ge3A_359 = arith.cmpi sge, %scan3A_356, %ge3A_358 : i32
      %convert_element_type3A_360 = arith.extui %ge3A_359 : i1 to i32
      %cond3A_361 = arith.constant 0 : i32
      %cond3A_362 = arith.cmpi ne, %convert_element_type3A_360, %cond3A_361 : i32
      scf.if %cond3A_362 {
        %add3A_369 = arith.addi %mul3A_4, %select_n3A_339 : i32
        %multiple_of3A_370 = tpu.assume_multiple %add3A_369, 8 : i32
        "tpu.region"() ({
          %run_scoped3A = tpu.sem_alloc : memref<!tpu.dma_semaphore, #tpu.memory_space<semaphore_mem>>
          %dma_start3A_377 = arith.constant 0 : i32
          %dma_start3A_378 = tpu.memref_slice %arg12[%dma_start3A_377] : memref<12832xi32, #tpu.memory_space<vmem>> -> memref<6400xi32, #tpu.memory_space<vmem>>
          %dma_start3A_379 = tpu.memref_slice %arg5[%multiple_of3A_370] : memref<10502144xi32, #tpu.memory_space<hbm>> -> memref<6400xi32, #tpu.memory_space<hbm>>
          %dma_start3A_380 = tpu.memref_slice %arg5[%multiple_of3A_370] : memref<10502144xi32, #tpu.memory_space<hbm>> -> memref<6400xi32, #tpu.memory_space<hbm>>
          %dma_start3A_381 = arith.constant 0 : i32
          %dma_start3A_382 = tpu.memref_slice %arg12[%dma_start3A_381] : memref<12832xi32, #tpu.memory_space<vmem>> -> memref<6400xi32, #tpu.memory_space<vmem>>
          tpu.enqueue_dma source(%dma_start3A_382 : memref<6400xi32, #tpu.memory_space<vmem>>) target(%dma_start3A_380 : memref<6400xi32, #tpu.memory_space<hbm>>) target_semaphore(%run_scoped3A : memref<!tpu.dma_semaphore, #tpu.memory_space<semaphore_mem>>)
          %dma_wait3A_383 = arith.constant 0 : i32
          %dma_wait3A_384 = tpu.memref_slice %arg12[%dma_wait3A_383] : memref<12832xi32, #tpu.memory_space<vmem>> -> memref<6400xi32, #tpu.memory_space<vmem>>
          %dma_wait3A_385 = tpu.memref_slice %arg5[%multiple_of3A_370] : memref<10502144xi32, #tpu.memory_space<hbm>> -> memref<6400xi32, #tpu.memory_space<hbm>>
          %dma_wait3A_386 = tpu.memref_slice %arg5[%multiple_of3A_370] : memref<10502144xi32, #tpu.memory_space<hbm>> -> memref<6400xi32, #tpu.memory_space<hbm>>
          %dma_wait3A_387 = arith.constant 0 : i32
          %dma_wait3A_388 = tpu.memref_slice %arg12[%dma_wait3A_387] : memref<12832xi32, #tpu.memory_space<vmem>> -> memref<6400xi32, #tpu.memory_space<vmem>>
          tpu.wait_dma2 semaphore(%run_scoped3A : memref<!tpu.dma_semaphore, #tpu.memory_space<semaphore_mem>>) src(%dma_wait3A_388 : memref<6400xi32, #tpu.memory_space<vmem>>) dst(%dma_wait3A_386 : memref<6400xi32, #tpu.memory_space<hbm>>)
          tpu.yield
        }) : () -> ()
        "tpu.region"() ({
          %run_scoped3A = tpu.sem_alloc : memref<!tpu.dma_semaphore, #tpu.memory_space<semaphore_mem>>
          %dma_start3A_377 = arith.constant 0 : i32
          %dma_start3A_378 = tpu.memref_slice %arg13[%dma_start3A_377] : memref<12832xi32, #tpu.memory_space<vmem>> -> memref<6400xi32, #tpu.memory_space<vmem>>
          %dma_start3A_379 = tpu.memref_slice %arg6[%multiple_of3A_370] : memref<10502144xi32, #tpu.memory_space<hbm>> -> memref<6400xi32, #tpu.memory_space<hbm>>
          %dma_start3A_380 = tpu.memref_slice %arg6[%multiple_of3A_370] : memref<10502144xi32, #tpu.memory_space<hbm>> -> memref<6400xi32, #tpu.memory_space<hbm>>
          %dma_start3A_381 = arith.constant 0 : i32
          %dma_start3A_382 = tpu.memref_slice %arg13[%dma_start3A_381] : memref<12832xi32, #tpu.memory_space<vmem>> -> memref<6400xi32, #tpu.memory_space<vmem>>
          tpu.enqueue_dma source(%dma_start3A_382 : memref<6400xi32, #tpu.memory_space<vmem>>) target(%dma_start3A_380 : memref<6400xi32, #tpu.memory_space<hbm>>) target_semaphore(%run_scoped3A : memref<!tpu.dma_semaphore, #tpu.memory_space<semaphore_mem>>)
          %dma_wait3A_383 = arith.constant 0 : i32
          %dma_wait3A_384 = tpu.memref_slice %arg13[%dma_wait3A_383] : memref<12832xi32, #tpu.memory_space<vmem>> -> memref<6400xi32, #tpu.memory_space<vmem>>
          %dma_wait3A_385 = tpu.memref_slice %arg6[%multiple_of3A_370] : memref<10502144xi32, #tpu.memory_space<hbm>> -> memref<6400xi32, #tpu.memory_space<hbm>>
          %dma_wait3A_386 = tpu.memref_slice %arg6[%multiple_of3A_370] : memref<10502144xi32, #tpu.memory_space<hbm>> -> memref<6400xi32, #tpu.memory_space<hbm>>
          %dma_wait3A_387 = arith.constant 0 : i32
          %dma_wait3A_388 = tpu.memref_slice %arg13[%dma_wait3A_387] : memref<12832xi32, #tpu.memory_space<vmem>> -> memref<6400xi32, #tpu.memory_space<vmem>>
          tpu.wait_dma2 semaphore(%run_scoped3A : memref<!tpu.dma_semaphore, #tpu.memory_space<semaphore_mem>>) src(%dma_wait3A_388 : memref<6400xi32, #tpu.memory_space<vmem>>) dst(%dma_wait3A_386 : memref<6400xi32, #tpu.memory_space<hbm>>)
          tpu.yield
        }) : () -> ()
        %scan3A_371 = arith.constant 0 : i32
        %scan3A_372 = arith.constant 0 : i32
        %scan3A_373 = arith.constant 402 : i32
        %scan3A_374 = arith.addi %scan3A_372, %scan3A_373 : i32
        %scan3A_375 = arith.constant 1 : i32
        scf.for %scan3A_377 = %scan3A_372 to %scan3A_374 step %scan3A_375  : i32 {
          %mul3A_378 = arith.constant 16 : i32
          %mul3A_379 = arith.muli %scan3A_377, %mul3A_378 : i32
          %add3A_380 = arith.constant 6400 : i32
          %add3A_381 = arith.addi %add3A_380, %mul3A_379 : i32
          %get3A = arith.index_cast %add3A_381 : i32 to index
          %get3A_382 = tpu.vector_load %arg12[%get3A] {strides = array<i32>} : memref<12832xi32, #tpu.memory_space<vmem>>, vector<16xi32>,
          %mul3A_383 = arith.constant 16 : i32
          %mul3A_384 = arith.muli %scan3A_377, %mul3A_383 : i32
          %swap3A_385 = arith.index_cast %mul3A_384 : i32 to index
          %swap3A_386 = tpu.vector_load %arg12[%swap3A_385] {strides = array<i32>} : memref<12832xi32, #tpu.memory_space<vmem>>, vector<16xi32>,
          tpu.vector_store %arg12[%swap3A_385], %get3A_382 {strides = array<i32>} : memref<12832xi32, #tpu.memory_space<vmem>>, vector<16xi32>,
          %mul3A_387 = arith.constant 16 : i32
          %mul3A_388 = arith.muli %scan3A_377, %mul3A_387 : i32
          %add3A_389 = arith.constant 6400 : i32
          %add3A_390 = arith.addi %add3A_389, %mul3A_388 : i32
          %get3A_391 = arith.index_cast %add3A_390 : i32 to index
          %get3A_392 = tpu.vector_load %arg13[%get3A_391] {strides = array<i32>} : memref<12832xi32, #tpu.memory_space<vmem>>, vector<16xi32>,
          %mul3A_393 = arith.constant 16 : i32
          %mul3A_394 = arith.muli %scan3A_377, %mul3A_393 : i32
          %swap3A_395 = arith.index_cast %mul3A_394 : i32 to index
          %swap3A_396 = tpu.vector_load %arg13[%swap3A_395] {strides = array<i32>} : memref<12832xi32, #tpu.memory_space<vmem>>, vector<16xi32>,
          tpu.vector_store %arg13[%swap3A_395], %get3A_392 {strides = array<i32>} : memref<12832xi32, #tpu.memory_space<vmem>>, vector<16xi32>,
        }
        %scan3A_376 = arith.constant 402 : i32
      } else {
      }
      %sub3A_363 = arith.constant 6400 : i32
      %sub3A_364 = arith.subi %scan3A_356, %sub3A_363 : i32
      %select_n3A_365 = arith.select %ge3A_359, %sub3A_364, %scan3A_356 : i32
      %add3A_366 = arith.constant 6400 : i32
      %add3A_367 = arith.addi %select_n3A_339, %add3A_366 : i32
      %select_n3A_368 = arith.select %ge3A_359, %add3A_367, %select_n3A_339 : i32
      scf.yield %select_n3A_365, %select_n3A_368 : i32, i32
    }
    %scan3A_26 = arith.constant 25 : i32
    %broadcast_in_dim3A_27 = arith.constant 0 : i32
    %broadcast_in_dim3A_28 = vector.broadcast %broadcast_in_dim3A_27 : i32 to vector<16xi32>
    %broadcast_in_dim3A_29 = arith.constant 320 : i32
    %broadcast_in_dim3A_30 = vector.broadcast %broadcast_in_dim3A_29 : i32 to vector<16xi32>
    %add3A_31 = vector.broadcast %mul3A_6 : i32 to vector<16xi32>
    %add3A_32 = arith.addi %broadcast_in_dim3A_30, %add3A_31 : vector<16xi32>
    %add3A_33 = arith.constant 0 : i32
    %add3A_34 = arith.addi %scan3A_25#0, %add3A_33 : i32
    %swap3A = arith.index_cast %add3A_34 : i32 to index
    %swap3A_35 = tpu.vector_load %arg12[%swap3A] {strides = array<i32>} : memref<12832xi32, #tpu.memory_space<vmem>>, vector<16xi32>,
    tpu.vector_store %arg12[%swap3A], %broadcast_in_dim3A_28 {strides = array<i32>} : memref<12832xi32, #tpu.memory_space<vmem>>, vector<16xi32>,
    %add3A_36 = arith.constant 0 : i32
    %add3A_37 = arith.addi %scan3A_25#0, %add3A_36 : i32
    %swap3A_38 = arith.index_cast %add3A_37 : i32 to index
    %swap3A_39 = tpu.vector_load %arg13[%swap3A_38] {strides = array<i32>} : memref<12832xi32, #tpu.memory_space<vmem>>, vector<16xi32>,
    tpu.vector_store %arg13[%swap3A_38], %add3A_32 {strides = array<i32>} : memref<12832xi32, #tpu.memory_space<vmem>>, vector<16xi32>,
    %add3A_40 = arith.constant 16 : i32
    %add3A_41 = arith.addi %scan3A_25#0, %add3A_40 : i32
    %swap3A_42 = arith.index_cast %add3A_41 : i32 to index
    %swap3A_43 = tpu.vector_load %arg12[%swap3A_42] {strides = array<i32>} : memref<12832xi32, #tpu.memory_space<vmem>>, vector<16xi32>,
    tpu.vector_store %arg12[%swap3A_42], %broadcast_in_dim3A_28 {strides = array<i32>} : memref<12832xi32, #tpu.memory_space<vmem>>, vector<16xi32>,
    %add3A_44 = arith.constant 16 : i32
    %add3A_45 = arith.addi %scan3A_25#0, %add3A_44 : i32
    %swap3A_46 = arith.index_cast %add3A_45 : i32 to index
    %swap3A_47 = tpu.vector_load %arg13[%swap3A_46] {strides = array<i32>} : memref<12832xi32, #tpu.memory_space<vmem>>, vector<16xi32>,
    tpu.vector_store %arg13[%swap3A_46], %add3A_32 {strides = array<i32>} : memref<12832xi32, #tpu.memory_space<vmem>>, vector<16xi32>,
    %add3A_48 = arith.constant 32 : i32
    %add3A_49 = arith.addi %scan3A_25#0, %add3A_48 : i32
    %swap3A_50 = arith.index_cast %add3A_49 : i32 to index
    %swap3A_51 = tpu.vector_load %arg12[%swap3A_50] {strides = array<i32>} : memref<12832xi32, #tpu.memory_space<vmem>>, vector<16xi32>,
    tpu.vector_store %arg12[%swap3A_50], %broadcast_in_dim3A_28 {strides = array<i32>} : memref<12832xi32, #tpu.memory_space<vmem>>, vector<16xi32>,
    %add3A_52 = arith.constant 32 : i32
    %add3A_53 = arith.addi %scan3A_25#0, %add3A_52 : i32
    %swap3A_54 = arith.index_cast %add3A_53 : i32 to index
    %swap3A_55 = tpu.vector_load %arg13[%swap3A_54] {strides = array<i32>} : memref<12832xi32, #tpu.memory_space<vmem>>, vector<16xi32>,
    tpu.vector_store %arg13[%swap3A_54], %add3A_32 {strides = array<i32>} : memref<12832xi32, #tpu.memory_space<vmem>>, vector<16xi32>,
    %add3A_56 = arith.constant 48 : i32
    %add3A_57 = arith.addi %scan3A_25#0, %add3A_56 : i32
    %swap3A_58 = arith.index_cast %add3A_57 : i32 to index
    %swap3A_59 = tpu.vector_load %arg12[%swap3A_58] {strides = array<i32>} : memref<12832xi32, #tpu.memory_space<vmem>>, vector<16xi32>,
    tpu.vector_store %arg12[%swap3A_58], %broadcast_in_dim3A_28 {strides = array<i32>} : memref<12832xi32, #tpu.memory_space<vmem>>, vector<16xi32>,
    %add3A_60 = arith.constant 48 : i32
    %add3A_61 = arith.addi %scan3A_25#0, %add3A_60 : i32
    %swap3A_62 = arith.index_cast %add3A_61 : i32 to index
    %swap3A_63 = tpu.vector_load %arg13[%swap3A_62] {strides = array<i32>} : memref<12832xi32, #tpu.memory_space<vmem>>, vector<16xi32>,
    tpu.vector_store %arg13[%swap3A_62], %add3A_32 {strides = array<i32>} : memref<12832xi32, #tpu.memory_space<vmem>>, vector<16xi32>,
    %add3A_64 = arith.constant 64 : i32
    %add3A_65 = arith.addi %scan3A_25#0, %add3A_64 : i32
    %swap3A_66 = arith.index_cast %add3A_65 : i32 to index
    %swap3A_67 = tpu.vector_load %arg12[%swap3A_66] {strides = array<i32>} : memref<12832xi32, #tpu.memory_space<vmem>>, vector<16xi32>,
    tpu.vector_store %arg12[%swap3A_66], %broadcast_in_dim3A_28 {strides = array<i32>} : memref<12832xi32, #tpu.memory_space<vmem>>, vector<16xi32>,
    %add3A_68 = arith.constant 64 : i32
    %add3A_69 = arith.addi %scan3A_25#0, %add3A_68 : i32
    %swap3A_70 = arith.index_cast %add3A_69 : i32 to index
    %swap3A_71 = tpu.vector_load %arg13[%swap3A_70] {strides = array<i32>} : memref<12832xi32, #tpu.memory_space<vmem>>, vector<16xi32>,
    tpu.vector_store %arg13[%swap3A_70], %add3A_32 {strides = array<i32>} : memref<12832xi32, #tpu.memory_space<vmem>>, vector<16xi32>,
    %add3A_72 = arith.constant 80 : i32
    %add3A_73 = arith.addi %scan3A_25#0, %add3A_72 : i32
    %swap3A_74 = arith.index_cast %add3A_73 : i32 to index
    %swap3A_75 = tpu.vector_load %arg12[%swap3A_74] {strides = array<i32>} : memref<12832xi32, #tpu.memory_space<vmem>>, vector<16xi32>,
    tpu.vector_store %arg12[%swap3A_74], %broadcast_in_dim3A_28 {strides = array<i32>} : memref<12832xi32, #tpu.memory_space<vmem>>, vector<16xi32>,
    %add3A_76 = arith.constant 80 : i32
    %add3A_77 = arith.addi %scan3A_25#0, %add3A_76 : i32
    %swap3A_78 = arith.index_cast %add3A_77 : i32 to index
    %swap3A_79 = tpu.vector_load %arg13[%swap3A_78] {strides = array<i32>} : memref<12832xi32, #tpu.memory_space<vmem>>, vector<16xi32>,
    tpu.vector_store %arg13[%swap3A_78], %add3A_32 {strides = array<i32>} : memref<12832xi32, #tpu.memory_space<vmem>>, vector<16xi32>,
    %add3A_80 = arith.constant 96 : i32
    %add3A_81 = arith.addi %scan3A_25#0, %add3A_80 : i32
    %swap3A_82 = arith.index_cast %add3A_81 : i32 to index
    %swap3A_83 = tpu.vector_load %arg12[%swap3A_82] {strides = array<i32>} : memref<12832xi32, #tpu.memory_space<vmem>>, vector<16xi32>,
    tpu.vector_store %arg12[%swap3A_82], %broadcast_in_dim3A_28 {strides = array<i32>} : memref<12832xi32, #tpu.memory_space<vmem>>, vector<16xi32>,
    %add3A_84 = arith.constant 96 : i32
    %add3A_85 = arith.addi %scan3A_25#0, %add3A_84 : i32
    %swap3A_86 = arith.index_cast %add3A_85 : i32 to index
    %swap3A_87 = tpu.vector_load %arg13[%swap3A_86] {strides = array<i32>} : memref<12832xi32, #tpu.memory_space<vmem>>, vector<16xi32>,
    tpu.vector_store %arg13[%swap3A_86], %add3A_32 {strides = array<i32>} : memref<12832xi32, #tpu.memory_space<vmem>>, vector<16xi32>,
    %add3A_88 = arith.constant 112 : i32
    %add3A_89 = arith.addi %scan3A_25#0, %add3A_88 : i32
    %swap3A_90 = arith.index_cast %add3A_89 : i32 to index
    %swap3A_91 = tpu.vector_load %arg12[%swap3A_90] {strides = array<i32>} : memref<12832xi32, #tpu.memory_space<vmem>>, vector<16xi32>,
    tpu.vector_store %arg12[%swap3A_90], %broadcast_in_dim3A_28 {strides = array<i32>} : memref<12832xi32, #tpu.memory_space<vmem>>, vector<16xi32>,
    %add3A_92 = arith.constant 112 : i32
    %add3A_93 = arith.addi %scan3A_25#0, %add3A_92 : i32
    %swap3A_94 = arith.index_cast %add3A_93 : i32 to index
    %swap3A_95 = tpu.vector_load %arg13[%swap3A_94] {strides = array<i32>} : memref<12832xi32, #tpu.memory_space<vmem>>, vector<16xi32>,
    tpu.vector_store %arg13[%swap3A_94], %add3A_32 {strides = array<i32>} : memref<12832xi32, #tpu.memory_space<vmem>>, vector<16xi32>,
    %add3A_96 = arith.constant 128 : i32
    %add3A_97 = arith.addi %scan3A_25#0, %add3A_96 : i32
    %swap3A_98 = arith.index_cast %add3A_97 : i32 to index
    %swap3A_99 = tpu.vector_load %arg12[%swap3A_98] {strides = array<i32>} : memref<12832xi32, #tpu.memory_space<vmem>>, vector<16xi32>,
    tpu.vector_store %arg12[%swap3A_98], %broadcast_in_dim3A_28 {strides = array<i32>} : memref<12832xi32, #tpu.memory_space<vmem>>, vector<16xi32>,
    %add3A_100 = arith.constant 128 : i32
    %add3A_101 = arith.addi %scan3A_25#0, %add3A_100 : i32
    %swap3A_102 = arith.index_cast %add3A_101 : i32 to index
    %swap3A_103 = tpu.vector_load %arg13[%swap3A_102] {strides = array<i32>} : memref<12832xi32, #tpu.memory_space<vmem>>, vector<16xi32>,
    tpu.vector_store %arg13[%swap3A_102], %add3A_32 {strides = array<i32>} : memref<12832xi32, #tpu.memory_space<vmem>>, vector<16xi32>,
    %add3A_104 = arith.constant 144 : i32
    %add3A_105 = arith.addi %scan3A_25#0, %add3A_104 : i32
    %swap3A_106 = arith.index_cast %add3A_105 : i32 to index
    %swap3A_107 = tpu.vector_load %arg12[%swap3A_106] {strides = array<i32>} : memref<12832xi32, #tpu.memory_space<vmem>>, vector<16xi32>,
    tpu.vector_store %arg12[%swap3A_106], %broadcast_in_dim3A_28 {strides = array<i32>} : memref<12832xi32, #tpu.memory_space<vmem>>, vector<16xi32>,
    %add3A_108 = arith.constant 144 : i32
    %add3A_109 = arith.addi %scan3A_25#0, %add3A_108 : i32
    %swap3A_110 = arith.index_cast %add3A_109 : i32 to index
    %swap3A_111 = tpu.vector_load %arg13[%swap3A_110] {strides = array<i32>} : memref<12832xi32, #tpu.memory_space<vmem>>, vector<16xi32>,
    tpu.vector_store %arg13[%swap3A_110], %add3A_32 {strides = array<i32>} : memref<12832xi32, #tpu.memory_space<vmem>>, vector<16xi32>,
    %add3A_112 = arith.constant 160 : i32
    %add3A_113 = arith.addi %scan3A_25#0, %add3A_112 : i32
    %swap3A_114 = arith.index_cast %add3A_113 : i32 to index
    %swap3A_115 = tpu.vector_load %arg12[%swap3A_114] {strides = array<i32>} : memref<12832xi32, #tpu.memory_space<vmem>>, vector<16xi32>,
    tpu.vector_store %arg12[%swap3A_114], %broadcast_in_dim3A_28 {strides = array<i32>} : memref<12832xi32, #tpu.memory_space<vmem>>, vector<16xi32>,
    %add3A_116 = arith.constant 160 : i32
    %add3A_117 = arith.addi %scan3A_25#0, %add3A_116 : i32
    %swap3A_118 = arith.index_cast %add3A_117 : i32 to index
    %swap3A_119 = tpu.vector_load %arg13[%swap3A_118] {strides = array<i32>} : memref<12832xi32, #tpu.memory_space<vmem>>, vector<16xi32>,
    tpu.vector_store %arg13[%swap3A_118], %add3A_32 {strides = array<i32>} : memref<12832xi32, #tpu.memory_space<vmem>>, vector<16xi32>,
    %add3A_120 = arith.constant 176 : i32
    %add3A_121 = arith.addi %scan3A_25#0, %add3A_120 : i32
    %swap3A_122 = arith.index_cast %add3A_121 : i32 to index
    %swap3A_123 = tpu.vector_load %arg12[%swap3A_122] {strides = array<i32>} : memref<12832xi32, #tpu.memory_space<vmem>>, vector<16xi32>,
    tpu.vector_store %arg12[%swap3A_122], %broadcast_in_dim3A_28 {strides = array<i32>} : memref<12832xi32, #tpu.memory_space<vmem>>, vector<16xi32>,
    %add3A_124 = arith.constant 176 : i32
    %add3A_125 = arith.addi %scan3A_25#0, %add3A_124 : i32
    %swap3A_126 = arith.index_cast %add3A_125 : i32 to index
    %swap3A_127 = tpu.vector_load %arg13[%swap3A_126] {strides = array<i32>} : memref<12832xi32, #tpu.memory_space<vmem>>, vector<16xi32>,
    tpu.vector_store %arg13[%swap3A_126], %add3A_32 {strides = array<i32>} : memref<12832xi32, #tpu.memory_space<vmem>>, vector<16xi32>,
    %add3A_128 = arith.constant 192 : i32
    %add3A_129 = arith.addi %scan3A_25#0, %add3A_128 : i32
    %swap3A_130 = arith.index_cast %add3A_129 : i32 to index
    %swap3A_131 = tpu.vector_load %arg12[%swap3A_130] {strides = array<i32>} : memref<12832xi32, #tpu.memory_space<vmem>>, vector<16xi32>,
    tpu.vector_store %arg12[%swap3A_130], %broadcast_in_dim3A_28 {strides = array<i32>} : memref<12832xi32, #tpu.memory_space<vmem>>, vector<16xi32>,
    %add3A_132 = arith.constant 192 : i32
    %add3A_133 = arith.addi %scan3A_25#0, %add3A_132 : i32
    %swap3A_134 = arith.index_cast %add3A_133 : i32 to index
    %swap3A_135 = tpu.vector_load %arg13[%swap3A_134] {strides = array<i32>} : memref<12832xi32, #tpu.memory_space<vmem>>, vector<16xi32>,
    tpu.vector_store %arg13[%swap3A_134], %add3A_32 {strides = array<i32>} : memref<12832xi32, #tpu.memory_space<vmem>>, vector<16xi32>,
    %add3A_136 = arith.constant 208 : i32
    %add3A_137 = arith.addi %scan3A_25#0, %add3A_136 : i32
    %swap3A_138 = arith.index_cast %add3A_137 : i32 to index
    %swap3A_139 = tpu.vector_load %arg12[%swap3A_138] {strides = array<i32>} : memref<12832xi32, #tpu.memory_space<vmem>>, vector<16xi32>,
    tpu.vector_store %arg12[%swap3A_138], %broadcast_in_dim3A_28 {strides = array<i32>} : memref<12832xi32, #tpu.memory_space<vmem>>, vector<16xi32>,
    %add3A_140 = arith.constant 208 : i32
    %add3A_141 = arith.addi %scan3A_25#0, %add3A_140 : i32
    %swap3A_142 = arith.index_cast %add3A_141 : i32 to index
    %swap3A_143 = tpu.vector_load %arg13[%swap3A_142] {strides = array<i32>} : memref<12832xi32, #tpu.memory_space<vmem>>, vector<16xi32>,
    tpu.vector_store %arg13[%swap3A_142], %add3A_32 {strides = array<i32>} : memref<12832xi32, #tpu.memory_space<vmem>>, vector<16xi32>,
    %add3A_144 = arith.constant 224 : i32
    %add3A_145 = arith.addi %scan3A_25#0, %add3A_144 : i32
    %swap3A_146 = arith.index_cast %add3A_145 : i32 to index
    %swap3A_147 = tpu.vector_load %arg12[%swap3A_146] {strides = array<i32>} : memref<12832xi32, #tpu.memory_space<vmem>>, vector<16xi32>,
    tpu.vector_store %arg12[%swap3A_146], %broadcast_in_dim3A_28 {strides = array<i32>} : memref<12832xi32, #tpu.memory_space<vmem>>, vector<16xi32>,
    %add3A_148 = arith.constant 224 : i32
    %add3A_149 = arith.addi %scan3A_25#0, %add3A_148 : i32
    %swap3A_150 = arith.index_cast %add3A_149 : i32 to index
    %swap3A_151 = tpu.vector_load %arg13[%swap3A_150] {strides = array<i32>} : memref<12832xi32, #tpu.memory_space<vmem>>, vector<16xi32>,
    tpu.vector_store %arg13[%swap3A_150], %add3A_32 {strides = array<i32>} : memref<12832xi32, #tpu.memory_space<vmem>>, vector<16xi32>,
    %add3A_152 = arith.constant 240 : i32
    %add3A_153 = arith.addi %scan3A_25#0, %add3A_152 : i32
    %swap3A_154 = arith.index_cast %add3A_153 : i32 to index
    %swap3A_155 = tpu.vector_load %arg12[%swap3A_154] {strides = array<i32>} : memref<12832xi32, #tpu.memory_space<vmem>>, vector<16xi32>,
    tpu.vector_store %arg12[%swap3A_154], %broadcast_in_dim3A_28 {strides = array<i32>} : memref<12832xi32, #tpu.memory_space<vmem>>, vector<16xi32>,
    %add3A_156 = arith.constant 240 : i32
    %add3A_157 = arith.addi %scan3A_25#0, %add3A_156 : i32
    %swap3A_158 = arith.index_cast %add3A_157 : i32 to index
    %swap3A_159 = tpu.vector_load %arg13[%swap3A_158] {strides = array<i32>} : memref<12832xi32, #tpu.memory_space<vmem>>, vector<16xi32>,
    tpu.vector_store %arg13[%swap3A_158], %add3A_32 {strides = array<i32>} : memref<12832xi32, #tpu.memory_space<vmem>>, vector<16xi32>,
    %add3A_160 = arith.constant 256 : i32
    %add3A_161 = arith.addi %scan3A_25#0, %add3A_160 : i32
    %swap3A_162 = arith.index_cast %add3A_161 : i32 to index
    %swap3A_163 = tpu.vector_load %arg12[%swap3A_162] {strides = array<i32>} : memref<12832xi32, #tpu.memory_space<vmem>>, vector<16xi32>,
    tpu.vector_store %arg12[%swap3A_162], %broadcast_in_dim3A_28 {strides = array<i32>} : memref<12832xi32, #tpu.memory_space<vmem>>, vector<16xi32>,
    %add3A_164 = arith.constant 256 : i32
    %add3A_165 = arith.addi %scan3A_25#0, %add3A_164 : i32
    %swap3A_166 = arith.index_cast %add3A_165 : i32 to index
    %swap3A_167 = tpu.vector_load %arg13[%swap3A_166] {strides = array<i32>} : memref<12832xi32, #tpu.memory_space<vmem>>, vector<16xi32>,
    tpu.vector_store %arg13[%swap3A_166], %add3A_32 {strides = array<i32>} : memref<12832xi32, #tpu.memory_space<vmem>>, vector<16xi32>,
    %add3A_168 = arith.constant 272 : i32
    %add3A_169 = arith.addi %scan3A_25#0, %add3A_168 : i32
    %swap3A_170 = arith.index_cast %add3A_169 : i32 to index
    %swap3A_171 = tpu.vector_load %arg12[%swap3A_170] {strides = array<i32>} : memref<12832xi32, #tpu.memory_space<vmem>>, vector<16xi32>,
    tpu.vector_store %arg12[%swap3A_170], %broadcast_in_dim3A_28 {strides = array<i32>} : memref<12832xi32, #tpu.memory_space<vmem>>, vector<16xi32>,
    %add3A_172 = arith.constant 272 : i32
    %add3A_173 = arith.addi %scan3A_25#0, %add3A_172 : i32
    %swap3A_174 = arith.index_cast %add3A_173 : i32 to index
    %swap3A_175 = tpu.vector_load %arg13[%swap3A_174] {strides = array<i32>} : memref<12832xi32, #tpu.memory_space<vmem>>, vector<16xi32>,
    tpu.vector_store %arg13[%swap3A_174], %add3A_32 {strides = array<i32>} : memref<12832xi32, #tpu.memory_space<vmem>>, vector<16xi32>,
    %add3A_176 = arith.constant 288 : i32
    %add3A_177 = arith.addi %scan3A_25#0, %add3A_176 : i32
    %swap3A_178 = arith.index_cast %add3A_177 : i32 to index
    %swap3A_179 = tpu.vector_load %arg12[%swap3A_178] {strides = array<i32>} : memref<12832xi32, #tpu.memory_space<vmem>>, vector<16xi32>,
    tpu.vector_store %arg12[%swap3A_178], %broadcast_in_dim3A_28 {strides = array<i32>} : memref<12832xi32, #tpu.memory_space<vmem>>, vector<16xi32>,
    %add3A_180 = arith.constant 288 : i32
    %add3A_181 = arith.addi %scan3A_25#0, %add3A_180 : i32
    %swap3A_182 = arith.index_cast %add3A_181 : i32 to index
    %swap3A_183 = tpu.vector_load %arg13[%swap3A_182] {strides = array<i32>} : memref<12832xi32, #tpu.memory_space<vmem>>, vector<16xi32>,
    tpu.vector_store %arg13[%swap3A_182], %add3A_32 {strides = array<i32>} : memref<12832xi32, #tpu.memory_space<vmem>>, vector<16xi32>,
    %add3A_184 = arith.constant 304 : i32
    %add3A_185 = arith.addi %scan3A_25#0, %add3A_184 : i32
    %swap3A_186 = arith.index_cast %add3A_185 : i32 to index
    %swap3A_187 = tpu.vector_load %arg12[%swap3A_186] {strides = array<i32>} : memref<12832xi32, #tpu.memory_space<vmem>>, vector<16xi32>,
    tpu.vector_store %arg12[%swap3A_186], %broadcast_in_dim3A_28 {strides = array<i32>} : memref<12832xi32, #tpu.memory_space<vmem>>, vector<16xi32>,
    %add3A_188 = arith.constant 304 : i32
    %add3A_189 = arith.addi %scan3A_25#0, %add3A_188 : i32
    %swap3A_190 = arith.index_cast %add3A_189 : i32 to index
    %swap3A_191 = tpu.vector_load %arg13[%swap3A_190] {strides = array<i32>} : memref<12832xi32, #tpu.memory_space<vmem>>, vector<16xi32>,
    tpu.vector_store %arg13[%swap3A_190], %add3A_32 {strides = array<i32>} : memref<12832xi32, #tpu.memory_space<vmem>>, vector<16xi32>,
    %add3A_192 = arith.constant 320 : i32
    %add3A_193 = arith.addi %scan3A_25#0, %add3A_192 : i32
    %swap3A_194 = arith.index_cast %add3A_193 : i32 to index
    %swap3A_195 = tpu.vector_load %arg12[%swap3A_194] {strides = array<i32>} : memref<12832xi32, #tpu.memory_space<vmem>>, vector<16xi32>,
    tpu.vector_store %arg12[%swap3A_194], %broadcast_in_dim3A_28 {strides = array<i32>} : memref<12832xi32, #tpu.memory_space<vmem>>, vector<16xi32>,
    %add3A_196 = arith.constant 320 : i32
    %add3A_197 = arith.addi %scan3A_25#0, %add3A_196 : i32
    %swap3A_198 = arith.index_cast %add3A_197 : i32 to index
    %swap3A_199 = tpu.vector_load %arg13[%swap3A_198] {strides = array<i32>} : memref<12832xi32, #tpu.memory_space<vmem>>, vector<16xi32>,
    tpu.vector_store %arg13[%swap3A_198], %add3A_32 {strides = array<i32>} : memref<12832xi32, #tpu.memory_space<vmem>>, vector<16xi32>,
    %add3A_200 = arith.constant 336 : i32
    %add3A_201 = arith.addi %scan3A_25#0, %add3A_200 : i32
    %swap3A_202 = arith.index_cast %add3A_201 : i32 to index
    %swap3A_203 = tpu.vector_load %arg12[%swap3A_202] {strides = array<i32>} : memref<12832xi32, #tpu.memory_space<vmem>>, vector<16xi32>,
    tpu.vector_store %arg12[%swap3A_202], %broadcast_in_dim3A_28 {strides = array<i32>} : memref<12832xi32, #tpu.memory_space<vmem>>, vector<16xi32>,
    %add3A_204 = arith.constant 336 : i32
    %add3A_205 = arith.addi %scan3A_25#0, %add3A_204 : i32
    %swap3A_206 = arith.index_cast %add3A_205 : i32 to index
    %swap3A_207 = tpu.vector_load %arg13[%swap3A_206] {strides = array<i32>} : memref<12832xi32, #tpu.memory_space<vmem>>, vector<16xi32>,
    tpu.vector_store %arg13[%swap3A_206], %add3A_32 {strides = array<i32>} : memref<12832xi32, #tpu.memory_space<vmem>>, vector<16xi32>,
    %add3A_208 = arith.constant 352 : i32
    %add3A_209 = arith.addi %scan3A_25#0, %add3A_208 : i32
    %swap3A_210 = arith.index_cast %add3A_209 : i32 to index
    %swap3A_211 = tpu.vector_load %arg12[%swap3A_210] {strides = array<i32>} : memref<12832xi32, #tpu.memory_space<vmem>>, vector<16xi32>,
    tpu.vector_store %arg12[%swap3A_210], %broadcast_in_dim3A_28 {strides = array<i32>} : memref<12832xi32, #tpu.memory_space<vmem>>, vector<16xi32>,
    %add3A_212 = arith.constant 352 : i32
    %add3A_213 = arith.addi %scan3A_25#0, %add3A_212 : i32
    %swap3A_214 = arith.index_cast %add3A_213 : i32 to index
    %swap3A_215 = tpu.vector_load %arg13[%swap3A_214] {strides = array<i32>} : memref<12832xi32, #tpu.memory_space<vmem>>, vector<16xi32>,
    tpu.vector_store %arg13[%swap3A_214], %add3A_32 {strides = array<i32>} : memref<12832xi32, #tpu.memory_space<vmem>>, vector<16xi32>,
    %add3A_216 = arith.constant 368 : i32
    %add3A_217 = arith.addi %scan3A_25#0, %add3A_216 : i32
    %swap3A_218 = arith.index_cast %add3A_217 : i32 to index
    %swap3A_219 = tpu.vector_load %arg12[%swap3A_218] {strides = array<i32>} : memref<12832xi32, #tpu.memory_space<vmem>>, vector<16xi32>,
    tpu.vector_store %arg12[%swap3A_218], %broadcast_in_dim3A_28 {strides = array<i32>} : memref<12832xi32, #tpu.memory_space<vmem>>, vector<16xi32>,
    %add3A_220 = arith.constant 368 : i32
    %add3A_221 = arith.addi %scan3A_25#0, %add3A_220 : i32
    %swap3A_222 = arith.index_cast %add3A_221 : i32 to index
    %swap3A_223 = tpu.vector_load %arg13[%swap3A_222] {strides = array<i32>} : memref<12832xi32, #tpu.memory_space<vmem>>, vector<16xi32>,
    tpu.vector_store %arg13[%swap3A_222], %add3A_32 {strides = array<i32>} : memref<12832xi32, #tpu.memory_space<vmem>>, vector<16xi32>,
    %add3A_224 = arith.constant 384 : i32
    %add3A_225 = arith.addi %scan3A_25#0, %add3A_224 : i32
    %swap3A_226 = arith.index_cast %add3A_225 : i32 to index
    %swap3A_227 = tpu.vector_load %arg12[%swap3A_226] {strides = array<i32>} : memref<12832xi32, #tpu.memory_space<vmem>>, vector<16xi32>,
    tpu.vector_store %arg12[%swap3A_226], %broadcast_in_dim3A_28 {strides = array<i32>} : memref<12832xi32, #tpu.memory_space<vmem>>, vector<16xi32>,
    %add3A_228 = arith.constant 384 : i32
    %add3A_229 = arith.addi %scan3A_25#0, %add3A_228 : i32
    %swap3A_230 = arith.index_cast %add3A_229 : i32 to index
    %swap3A_231 = tpu.vector_load %arg13[%swap3A_230] {strides = array<i32>} : memref<12832xi32, #tpu.memory_space<vmem>>, vector<16xi32>,
    tpu.vector_store %arg13[%swap3A_230], %add3A_32 {strides = array<i32>} : memref<12832xi32, #tpu.memory_space<vmem>>, vector<16xi32>,
    %add3A_232 = arith.constant 400 : i32
    %add3A_233 = arith.addi %scan3A_25#0, %add3A_232 : i32
    %swap3A_234 = arith.index_cast %add3A_233 : i32 to index
    %swap3A_235 = tpu.vector_load %arg12[%swap3A_234] {strides = array<i32>} : memref<12832xi32, #tpu.memory_space<vmem>>, vector<16xi32>,
    tpu.vector_store %arg12[%swap3A_234], %broadcast_in_dim3A_28 {strides = array<i32>} : memref<12832xi32, #tpu.memory_space<vmem>>, vector<16xi32>,
    %add3A_236 = arith.constant 400 : i32
    %add3A_237 = arith.addi %scan3A_25#0, %add3A_236 : i32
    %swap3A_238 = arith.index_cast %add3A_237 : i32 to index
    %swap3A_239 = tpu.vector_load %arg13[%swap3A_238] {strides = array<i32>} : memref<12832xi32, #tpu.memory_space<vmem>>, vector<16xi32>,
    tpu.vector_store %arg13[%swap3A_238], %add3A_32 {strides = array<i32>} : memref<12832xi32, #tpu.memory_space<vmem>>, vector<16xi32>,
    %add3A_240 = arith.constant 416 : i32
    %add3A_241 = arith.addi %scan3A_25#0, %add3A_240 : i32
    %swap3A_242 = arith.index_cast %add3A_241 : i32 to index
    %swap3A_243 = tpu.vector_load %arg12[%swap3A_242] {strides = array<i32>} : memref<12832xi32, #tpu.memory_space<vmem>>, vector<16xi32>,
    tpu.vector_store %arg12[%swap3A_242], %broadcast_in_dim3A_28 {strides = array<i32>} : memref<12832xi32, #tpu.memory_space<vmem>>, vector<16xi32>,
    %add3A_244 = arith.constant 416 : i32
    %add3A_245 = arith.addi %scan3A_25#0, %add3A_244 : i32
    %swap3A_246 = arith.index_cast %add3A_245 : i32 to index
    %swap3A_247 = tpu.vector_load %arg13[%swap3A_246] {strides = array<i32>} : memref<12832xi32, #tpu.memory_space<vmem>>, vector<16xi32>,
    tpu.vector_store %arg13[%swap3A_246], %add3A_32 {strides = array<i32>} : memref<12832xi32, #tpu.memory_space<vmem>>, vector<16xi32>,
    %add3A_248 = arith.constant 432 : i32
    %add3A_249 = arith.addi %scan3A_25#0, %add3A_248 : i32
    %swap3A_250 = arith.index_cast %add3A_249 : i32 to index
    %swap3A_251 = tpu.vector_load %arg12[%swap3A_250] {strides = array<i32>} : memref<12832xi32, #tpu.memory_space<vmem>>, vector<16xi32>,
    tpu.vector_store %arg12[%swap3A_250], %broadcast_in_dim3A_28 {strides = array<i32>} : memref<12832xi32, #tpu.memory_space<vmem>>, vector<16xi32>,
    %add3A_252 = arith.constant 432 : i32
    %add3A_253 = arith.addi %scan3A_25#0, %add3A_252 : i32
    %swap3A_254 = arith.index_cast %add3A_253 : i32 to index
    %swap3A_255 = tpu.vector_load %arg13[%swap3A_254] {strides = array<i32>} : memref<12832xi32, #tpu.memory_space<vmem>>, vector<16xi32>,
    tpu.vector_store %arg13[%swap3A_254], %add3A_32 {strides = array<i32>} : memref<12832xi32, #tpu.memory_space<vmem>>, vector<16xi32>,
    %add3A_256 = arith.constant 448 : i32
    %add3A_257 = arith.addi %scan3A_25#0, %add3A_256 : i32
    %swap3A_258 = arith.index_cast %add3A_257 : i32 to index
    %swap3A_259 = tpu.vector_load %arg12[%swap3A_258] {strides = array<i32>} : memref<12832xi32, #tpu.memory_space<vmem>>, vector<16xi32>,
    tpu.vector_store %arg12[%swap3A_258], %broadcast_in_dim3A_28 {strides = array<i32>} : memref<12832xi32, #tpu.memory_space<vmem>>, vector<16xi32>,
    %add3A_260 = arith.constant 448 : i32
    %add3A_261 = arith.addi %scan3A_25#0, %add3A_260 : i32
    %swap3A_262 = arith.index_cast %add3A_261 : i32 to index
    %swap3A_263 = tpu.vector_load %arg13[%swap3A_262] {strides = array<i32>} : memref<12832xi32, #tpu.memory_space<vmem>>, vector<16xi32>,
    tpu.vector_store %arg13[%swap3A_262], %add3A_32 {strides = array<i32>} : memref<12832xi32, #tpu.memory_space<vmem>>, vector<16xi32>,
    %add3A_264 = arith.constant 464 : i32
    %add3A_265 = arith.addi %scan3A_25#0, %add3A_264 : i32
    %swap3A_266 = arith.index_cast %add3A_265 : i32 to index
    %swap3A_267 = tpu.vector_load %arg12[%swap3A_266] {strides = array<i32>} : memref<12832xi32, #tpu.memory_space<vmem>>, vector<16xi32>,
    tpu.vector_store %arg12[%swap3A_266], %broadcast_in_dim3A_28 {strides = array<i32>} : memref<12832xi32, #tpu.memory_space<vmem>>, vector<16xi32>,
    %add3A_268 = arith.constant 464 : i32
    %add3A_269 = arith.addi %scan3A_25#0, %add3A_268 : i32
    %swap3A_270 = arith.index_cast %add3A_269 : i32 to index
    %swap3A_271 = tpu.vector_load %arg13[%swap3A_270] {strides = array<i32>} : memref<12832xi32, #tpu.memory_space<vmem>>, vector<16xi32>,
    tpu.vector_store %arg13[%swap3A_270], %add3A_32 {strides = array<i32>} : memref<12832xi32, #tpu.memory_space<vmem>>, vector<16xi32>,
    %add3A_272 = arith.constant 480 : i32
    %add3A_273 = arith.addi %scan3A_25#0, %add3A_272 : i32
    %swap3A_274 = arith.index_cast %add3A_273 : i32 to index
    %swap3A_275 = tpu.vector_load %arg12[%swap3A_274] {strides = array<i32>} : memref<12832xi32, #tpu.memory_space<vmem>>, vector<16xi32>,
    tpu.vector_store %arg12[%swap3A_274], %broadcast_in_dim3A_28 {strides = array<i32>} : memref<12832xi32, #tpu.memory_space<vmem>>, vector<16xi32>,
    %add3A_276 = arith.constant 480 : i32
    %add3A_277 = arith.addi %scan3A_25#0, %add3A_276 : i32
    %swap3A_278 = arith.index_cast %add3A_277 : i32 to index
    %swap3A_279 = tpu.vector_load %arg13[%swap3A_278] {strides = array<i32>} : memref<12832xi32, #tpu.memory_space<vmem>>, vector<16xi32>,
    tpu.vector_store %arg13[%swap3A_278], %add3A_32 {strides = array<i32>} : memref<12832xi32, #tpu.memory_space<vmem>>, vector<16xi32>,
    %add3A_280 = arith.constant 496 : i32
    %add3A_281 = arith.addi %scan3A_25#0, %add3A_280 : i32
    %swap3A_282 = arith.index_cast %add3A_281 : i32 to index
    %swap3A_283 = tpu.vector_load %arg12[%swap3A_282] {strides = array<i32>} : memref<12832xi32, #tpu.memory_space<vmem>>, vector<16xi32>,
    tpu.vector_store %arg12[%swap3A_282], %broadcast_in_dim3A_28 {strides = array<i32>} : memref<12832xi32, #tpu.memory_space<vmem>>, vector<16xi32>,
    %add3A_284 = arith.constant 496 : i32
    %add3A_285 = arith.addi %scan3A_25#0, %add3A_284 : i32
    %swap3A_286 = arith.index_cast %add3A_285 : i32 to index
    %swap3A_287 = tpu.vector_load %arg13[%swap3A_286] {strides = array<i32>} : memref<12832xi32, #tpu.memory_space<vmem>>, vector<16xi32>,
    tpu.vector_store %arg13[%swap3A_286], %add3A_32 {strides = array<i32>} : memref<12832xi32, #tpu.memory_space<vmem>>, vector<16xi32>,
    %add3A_288 = arith.addi %scan3A_25#1, %scan3A_25#0 : i32
    %shift_right_logical3A = arith.constant 9 : i32
    %shift_right_logical3A_289 = arith.shrui %add3A_288, %shift_right_logical3A : i32
    %shift_left3A = arith.constant 9 : i32
    %shift_left3A_290 = arith.shli %shift_right_logical3A_289, %shift_left3A : i32
    %add3A_291 = arith.constant 512 : i32
    %add3A_292 = arith.addi %shift_left3A_290, %add3A_291 : i32
    %sub3A = arith.subi %add3A_292, %scan3A_25#1 : i32
    %add3A_293 = arith.addi %mul3A_4, %scan3A_25#1 : i32
    %multiple_of3A_294 = tpu.assume_multiple %add3A_293, 8 : i32
    "tpu.region"() ({
      %run_scoped3A = tpu.sem_alloc : memref<!tpu.dma_semaphore, #tpu.memory_space<semaphore_mem>>
      %dma_start3A_306 = arith.constant 0 : i32
      %dma_start3A_307 = tpu.memref_slice %arg12[%dma_start3A_306] : memref<12832xi32, #tpu.memory_space<vmem>> -> memref<6912xi32, #tpu.memory_space<vmem>>
      %dma_start3A_308 = tpu.memref_slice %arg5[%multiple_of3A_294] : memref<10502144xi32, #tpu.memory_space<hbm>> -> memref<6912xi32, #tpu.memory_space<hbm>>
      %dma_start3A_309 = tpu.memref_slice %arg5[%multiple_of3A_294] : memref<10502144xi32, #tpu.memory_space<hbm>> -> memref<6912xi32, #tpu.memory_space<hbm>>
      %dma_start3A_310 = arith.constant 0 : i32
      %dma_start3A_311 = tpu.memref_slice %arg12[%dma_start3A_310] : memref<12832xi32, #tpu.memory_space<vmem>> -> memref<6912xi32, #tpu.memory_space<vmem>>
      tpu.enqueue_dma source(%dma_start3A_311 : memref<6912xi32, #tpu.memory_space<vmem>>) target(%dma_start3A_309 : memref<6912xi32, #tpu.memory_space<hbm>>) target_semaphore(%run_scoped3A : memref<!tpu.dma_semaphore, #tpu.memory_space<semaphore_mem>>)
      %dma_wait3A = arith.constant 0 : i32
      %dma_wait3A_312 = tpu.memref_slice %arg12[%dma_wait3A] : memref<12832xi32, #tpu.memory_space<vmem>> -> memref<6912xi32, #tpu.memory_space<vmem>>
      %dma_wait3A_313 = tpu.memref_slice %arg5[%multiple_of3A_294] : memref<10502144xi32, #tpu.memory_space<hbm>> -> memref<6912xi32, #tpu.memory_space<hbm>>
      %dma_wait3A_314 = tpu.memref_slice %arg5[%multiple_of3A_294] : memref<10502144xi32, #tpu.memory_space<hbm>> -> memref<6912xi32, #tpu.memory_space<hbm>>
      %dma_wait3A_315 = arith.constant 0 : i32
      %dma_wait3A_316 = tpu.memref_slice %arg12[%dma_wait3A_315] : memref<12832xi32, #tpu.memory_space<vmem>> -> memref<6912xi32, #tpu.memory_space<vmem>>
      tpu.wait_dma2 semaphore(%run_scoped3A : memref<!tpu.dma_semaphore, #tpu.memory_space<semaphore_mem>>) src(%dma_wait3A_316 : memref<6912xi32, #tpu.memory_space<vmem>>) dst(%dma_wait3A_314 : memref<6912xi32, #tpu.memory_space<hbm>>)
      tpu.yield
    }) : () -> ()
    "tpu.region"() ({
      %run_scoped3A = tpu.sem_alloc : memref<!tpu.dma_semaphore, #tpu.memory_space<semaphore_mem>>
      %dma_start3A_306 = arith.constant 0 : i32
      %dma_start3A_307 = tpu.memref_slice %arg13[%dma_start3A_306] : memref<12832xi32, #tpu.memory_space<vmem>> -> memref<6912xi32, #tpu.memory_space<vmem>>
      %dma_start3A_308 = tpu.memref_slice %arg6[%multiple_of3A_294] : memref<10502144xi32, #tpu.memory_space<hbm>> -> memref<6912xi32, #tpu.memory_space<hbm>>
      %dma_start3A_309 = tpu.memref_slice %arg6[%multiple_of3A_294] : memref<10502144xi32, #tpu.memory_space<hbm>> -> memref<6912xi32, #tpu.memory_space<hbm>>
      %dma_start3A_310 = arith.constant 0 : i32
      %dma_start3A_311 = tpu.memref_slice %arg13[%dma_start3A_310] : memref<12832xi32, #tpu.memory_space<vmem>> -> memref<6912xi32, #tpu.memory_space<vmem>>
      tpu.enqueue_dma source(%dma_start3A_311 : memref<6912xi32, #tpu.memory_space<vmem>>) target(%dma_start3A_309 : memref<6912xi32, #tpu.memory_space<hbm>>) target_semaphore(%run_scoped3A : memref<!tpu.dma_semaphore, #tpu.memory_space<semaphore_mem>>)
      %dma_wait3A = arith.constant 0 : i32
      %dma_wait3A_312 = tpu.memref_slice %arg13[%dma_wait3A] : memref<12832xi32, #tpu.memory_space<vmem>> -> memref<6912xi32, #tpu.memory_space<vmem>>
      %dma_wait3A_313 = tpu.memref_slice %arg6[%multiple_of3A_294] : memref<10502144xi32, #tpu.memory_space<hbm>> -> memref<6912xi32, #tpu.memory_space<hbm>>
      %dma_wait3A_314 = tpu.memref_slice %arg6[%multiple_of3A_294] : memref<10502144xi32, #tpu.memory_space<hbm>> -> memref<6912xi32, #tpu.memory_space<hbm>>
      %dma_wait3A_315 = arith.constant 0 : i32
      %dma_wait3A_316 = tpu.memref_slice %arg13[%dma_wait3A_315] : memref<12832xi32, #tpu.memory_space<vmem>> -> memref<6912xi32, #tpu.memory_space<vmem>>
      tpu.wait_dma2 semaphore(%run_scoped3A : memref<!tpu.dma_semaphore, #tpu.memory_space<semaphore_mem>>) src(%dma_wait3A_316 : memref<6912xi32, #tpu.memory_space<vmem>>) dst(%dma_wait3A_314 : memref<6912xi32, #tpu.memory_space<hbm>>)
      tpu.yield
    }) : () -> ()
    %broadcast_in_dim3A_295 = arith.constant 0 : i32
    %broadcast_in_dim3A_296 = vector.broadcast %broadcast_in_dim3A_295 : i32 to vector<16xi32>
    %add3A_297 = arith.addi %scan3A_25#1, %sub3A : i32
    %add3A_298 = vector.broadcast %add3A_297 : i32 to vector<16xi32>
    %add3A_299 = arith.addi %broadcast_in_dim3A_296, %add3A_298 : vector<16xi32>
    %swap3A_300 = arith.constant 0 : index
    %swap3A_301 = tpu.vector_load %arg15[%swap3A_300] {strides = array<i32>} : memref<16xi32, #tpu.memory_space<vmem>>, vector<16xi32>,
    tpu.vector_store %arg15[%swap3A_300], %add3A_299 {strides = array<i32>} : memref<16xi32, #tpu.memory_space<vmem>>, vector<16xi32>,
    %mul3A_302 = arith.constant 16 : i32
    %mul3A_303 = arith.muli %add3A, %mul3A_302 : i32
    %multiple_of3A_304 = tpu.assume_multiple %mul3A_303, 16 : i32
    "tpu.region"() ({
      %run_scoped3A = tpu.sem_alloc : memref<!tpu.dma_semaphore, #tpu.memory_space<semaphore_mem>>
      %dma_start3A_306 = tpu.memref_slice %arg7[%multiple_of3A_304] : memref<512xi32, #tpu.memory_space<hbm>> -> memref<16xi32, #tpu.memory_space<hbm>>
      %dma_start3A_307 = tpu.memref_slice %arg7[%multiple_of3A_304] : memref<512xi32, #tpu.memory_space<hbm>> -> memref<16xi32, #tpu.memory_space<hbm>>
      tpu.enqueue_dma source(%arg15 : memref<16xi32, #tpu.memory_space<vmem>>) target(%dma_start3A_307 : memref<16xi32, #tpu.memory_space<hbm>>) target_semaphore(%run_scoped3A : memref<!tpu.dma_semaphore, #tpu.memory_space<semaphore_mem>>)
      %dma_wait3A = tpu.memref_slice %arg7[%multiple_of3A_304] : memref<512xi32, #tpu.memory_space<hbm>> -> memref<16xi32, #tpu.memory_space<hbm>>
      %dma_wait3A_308 = tpu.memref_slice %arg7[%multiple_of3A_304] : memref<512xi32, #tpu.memory_space<hbm>> -> memref<16xi32, #tpu.memory_space<hbm>>
      tpu.wait_dma2 semaphore(%run_scoped3A : memref<!tpu.dma_semaphore, #tpu.memory_space<semaphore_mem>>) src(%arg15 : memref<16xi32, #tpu.memory_space<vmem>>) dst(%dma_wait3A_308 : memref<16xi32, #tpu.memory_space<hbm>>)
      tpu.yield
    }) : () -> ()
    %multiple_of3A_305 = tpu.assume_multiple %mul3A_2, 320 : i32
    "tpu.region"() ({
      %run_scoped3A = tpu.sem_alloc : memref<!tpu.dma_semaphore, #tpu.memory_space<semaphore_mem>>
      %dma_start3A_306 = tpu.memref_slice %arg4[%multiple_of3A_305] : memref<10240xf32, #tpu.memory_space<hbm>> -> memref<320xf32, #tpu.memory_space<hbm>>
      %dma_start3A_307 = tpu.memref_slice %arg4[%multiple_of3A_305] : memref<10240xf32, #tpu.memory_space<hbm>> -> memref<320xf32, #tpu.memory_space<hbm>>
      tpu.enqueue_dma source(%arg14 : memref<320xf32, #tpu.memory_space<vmem>>) target(%dma_start3A_307 : memref<320xf32, #tpu.memory_space<hbm>>) target_semaphore(%run_scoped3A : memref<!tpu.dma_semaphore, #tpu.memory_space<semaphore_mem>>)
      %dma_wait3A = tpu.memref_slice %arg4[%multiple_of3A_305] : memref<10240xf32, #tpu.memory_space<hbm>> -> memref<320xf32, #tpu.memory_space<hbm>>
      %dma_wait3A_308 = tpu.memref_slice %arg4[%multiple_of3A_305] : memref<10240xf32, #tpu.memory_space<hbm>> -> memref<320xf32, #tpu.memory_space<hbm>>
      tpu.wait_dma2 semaphore(%run_scoped3A : memref<!tpu.dma_semaphore, #tpu.memory_space<semaphore_mem>>) src(%arg14 : memref<320xf32, #tpu.memory_space<vmem>>) dst(%dma_wait3A_308 : memref<320xf32, #tpu.memory_space<hbm>>)
      tpu.yield
    }) : () -> ()
    return
  }
}

#map = affine_map<(d0, d1) -> (0, 0)>
#map1 = affine_map<(d0, d1) -> (0)>
module attributes {stable_mosaic.version = 14 : i64} {
  func.func @_agg_body(%arg0: i32, %arg1: i32, %arg2: memref<10240x128xf32, #tpu.memory_space<hbm>>, %arg3: memref<10502144xi32, #tpu.memory_space<hbm>>, %arg4: memref<10502144xi32, #tpu.memory_space<hbm>>, %arg5: memref<512xi32, #tpu.memory_space<hbm>>, %arg6: memref<10240x128xf32, #tpu.memory_space<hbm>>, %arg7: memref<16xi32, #tpu.memory_space<vmem>>, %arg8: memref<128xi32, #tpu.memory_space<vmem>>, %arg9: memref<128xi32, #tpu.memory_space<vmem>>, %arg10: memref<128xi32, #tpu.memory_space<vmem>>, %arg11: memref<128xi32, #tpu.memory_space<vmem>>, %arg12: memref<128xi32, #tpu.memory_space<vmem>>, %arg13: memref<128xi32, #tpu.memory_space<vmem>>, %arg14: memref<128x128xf32, #tpu.memory_space<vmem>>, %arg15: memref<128x128xf32, #tpu.memory_space<vmem>>, %arg16: memref<5248x128xf32, #tpu.memory_space<vmem_shared>>, %arg17: memref<!tpu.dma_semaphore, #tpu.memory_space<semaphore_mem>>, %arg18: memref<!tpu.dma_semaphore, #tpu.memory_space<semaphore_mem>>, %arg19: memref<!tpu.dma_semaphore, #tpu.memory_space<semaphore_mem>>, %arg20: memref<!tpu.dma_semaphore, #tpu.memory_space<semaphore_mem>>, %arg21: memref<!tpu.dma_semaphore, #tpu.memory_space<semaphore_mem>>, %arg22: memref<!tpu.dma_semaphore, #tpu.memory_space<semaphore_mem>>) attributes {dimension_semantics = [#tpu.dimension_semantics<core_parallel>, #tpu.dimension_semantics<subcore_parallel>], iteration_bounds = array<i64: 2, 16>, scalar_prefetch = 0 : i64, scratch_operands = 16 : i64, tpu.core_type = #tpu.core_type<sc_vector_subcore>, window_params = [{transform_indices = #map}, {transform_indices = #map1}, {transform_indices = #map1}, {transform_indices = #map1}, {transform_indices = #map}]} {
    %mul3A = arith.constant 2 : i32
    %mul3A_0 = arith.muli %arg1, %mul3A : i32
    %add3A = arith.addi %mul3A_0, %arg0 : i32
    %mul3A_1 = arith.constant 328 : i32
    %mul3A_2 = arith.muli %arg1, %mul3A_1 : i32
    %multiple_of3A = tpu.assume_multiple %mul3A_2, 8 : i32
    %broadcast_in_dim3A = arith.constant 0.000000e+00 : f32
    %broadcast_in_dim3A_3 = vector.broadcast %broadcast_in_dim3A : f32 to vector<16xf32>
    %scan3A = arith.constant 0 : i32
    %scan3A_4 = arith.constant 0 : i32
    %scan3A_5 = arith.constant 128 : i32
    %scan3A_6 = arith.addi %scan3A_4, %scan3A_5 : i32
    %scan3A_7 = arith.constant 1 : i32
    scf.for %scan3A_99 = %scan3A_4 to %scan3A_6 step %scan3A_7  : i32 {
      %swap3A = arith.index_cast %scan3A_99 : i32 to index
      %swap3A_100 = arith.constant 0 : index
      %swap3A_101 = tpu.vector_load %arg14[%swap3A, %swap3A_100] {strides = array<i32>} : memref<128x128xf32, #tpu.memory_space<vmem>>, vector<16xf32>,
      tpu.vector_store %arg14[%swap3A, %swap3A_100], %broadcast_in_dim3A_3 {strides = array<i32>} : memref<128x128xf32, #tpu.memory_space<vmem>>, vector<16xf32>,
      %swap3A_102 = arith.index_cast %scan3A_99 : i32 to index
      %swap3A_103 = arith.constant 16 : index
      %swap3A_104 = tpu.vector_load %arg14[%swap3A_102, %swap3A_103] {strides = array<i32>} : memref<128x128xf32, #tpu.memory_space<vmem>>, vector<16xf32>,
      tpu.vector_store %arg14[%swap3A_102, %swap3A_103], %broadcast_in_dim3A_3 {strides = array<i32>} : memref<128x128xf32, #tpu.memory_space<vmem>>, vector<16xf32>,
      %swap3A_105 = arith.index_cast %scan3A_99 : i32 to index
      %swap3A_106 = arith.constant 32 : index
      %swap3A_107 = tpu.vector_load %arg14[%swap3A_105, %swap3A_106] {strides = array<i32>} : memref<128x128xf32, #tpu.memory_space<vmem>>, vector<16xf32>,
      tpu.vector_store %arg14[%swap3A_105, %swap3A_106], %broadcast_in_dim3A_3 {strides = array<i32>} : memref<128x128xf32, #tpu.memory_space<vmem>>, vector<16xf32>,
      %swap3A_108 = arith.index_cast %scan3A_99 : i32 to index
      %swap3A_109 = arith.constant 48 : index
      %swap3A_110 = tpu.vector_load %arg14[%swap3A_108, %swap3A_109] {strides = array<i32>} : memref<128x128xf32, #tpu.memory_space<vmem>>, vector<16xf32>,
      tpu.vector_store %arg14[%swap3A_108, %swap3A_109], %broadcast_in_dim3A_3 {strides = array<i32>} : memref<128x128xf32, #tpu.memory_space<vmem>>, vector<16xf32>,
      %swap3A_111 = arith.index_cast %scan3A_99 : i32 to index
      %swap3A_112 = arith.constant 64 : index
      %swap3A_113 = tpu.vector_load %arg14[%swap3A_111, %swap3A_112] {strides = array<i32>} : memref<128x128xf32, #tpu.memory_space<vmem>>, vector<16xf32>,
      tpu.vector_store %arg14[%swap3A_111, %swap3A_112], %broadcast_in_dim3A_3 {strides = array<i32>} : memref<128x128xf32, #tpu.memory_space<vmem>>, vector<16xf32>,
      %swap3A_114 = arith.index_cast %scan3A_99 : i32 to index
      %swap3A_115 = arith.constant 80 : index
      %swap3A_116 = tpu.vector_load %arg14[%swap3A_114, %swap3A_115] {strides = array<i32>} : memref<128x128xf32, #tpu.memory_space<vmem>>, vector<16xf32>,
      tpu.vector_store %arg14[%swap3A_114, %swap3A_115], %broadcast_in_dim3A_3 {strides = array<i32>} : memref<128x128xf32, #tpu.memory_space<vmem>>, vector<16xf32>,
      %swap3A_117 = arith.index_cast %scan3A_99 : i32 to index
      %swap3A_118 = arith.constant 96 : index
      %swap3A_119 = tpu.vector_load %arg14[%swap3A_117, %swap3A_118] {strides = array<i32>} : memref<128x128xf32, #tpu.memory_space<vmem>>, vector<16xf32>,
      tpu.vector_store %arg14[%swap3A_117, %swap3A_118], %broadcast_in_dim3A_3 {strides = array<i32>} : memref<128x128xf32, #tpu.memory_space<vmem>>, vector<16xf32>,
      %swap3A_120 = arith.index_cast %scan3A_99 : i32 to index
      %swap3A_121 = arith.constant 112 : index
      %swap3A_122 = tpu.vector_load %arg14[%swap3A_120, %swap3A_121] {strides = array<i32>} : memref<128x128xf32, #tpu.memory_space<vmem>>, vector<16xf32>,
      tpu.vector_store %arg14[%swap3A_120, %swap3A_121], %broadcast_in_dim3A_3 {strides = array<i32>} : memref<128x128xf32, #tpu.memory_space<vmem>>, vector<16xf32>,
    }
    %scan3A_8 = arith.constant 128 : i32
    "tpu.region"() ({
      %run_scoped3A = tpu.sem_alloc : memref<!tpu.dma_semaphore, #tpu.memory_space<semaphore_mem>>
      %dma_start3A_99 = arith.constant 0 : i32
      %dma_start3A_100 = tpu.memref_slice %arg16[%multiple_of3A, %dma_start3A_99] : memref<5248x128xf32, #tpu.memory_space<vmem_shared>> -> memref<128x128xf32, #tpu.memory_space<vmem_shared>>
      %dma_start3A_101 = arith.constant 0 : i32
      %dma_start3A_102 = tpu.memref_slice %arg16[%multiple_of3A, %dma_start3A_101] : memref<5248x128xf32, #tpu.memory_space<vmem_shared>> -> memref<128x128xf32, #tpu.memory_space<vmem_shared>>
      tpu.enqueue_dma source(%arg14 : memref<128x128xf32, #tpu.memory_space<vmem>>) target(%dma_start3A_102 : memref<128x128xf32, #tpu.memory_space<vmem_shared>>) target_semaphore(%run_scoped3A : memref<!tpu.dma_semaphore, #tpu.memory_space<semaphore_mem>>)
      %dma_wait3A_103 = arith.constant 0 : i32
      %dma_wait3A_104 = tpu.memref_slice %arg16[%multiple_of3A, %dma_wait3A_103] : memref<5248x128xf32, #tpu.memory_space<vmem_shared>> -> memref<128x128xf32, #tpu.memory_space<vmem_shared>>
      %dma_wait3A_105 = arith.constant 0 : i32
      %dma_wait3A_106 = tpu.memref_slice %arg16[%multiple_of3A, %dma_wait3A_105] : memref<5248x128xf32, #tpu.memory_space<vmem_shared>> -> memref<128x128xf32, #tpu.memory_space<vmem_shared>>
      tpu.wait_dma2 semaphore(%run_scoped3A : memref<!tpu.dma_semaphore, #tpu.memory_space<semaphore_mem>>) src(%arg14 : memref<128x128xf32, #tpu.memory_space<vmem>>) dst(%dma_wait3A_106 : memref<128x128xf32, #tpu.memory_space<vmem_shared>>)
      tpu.yield
    }) : () -> ()
    %add3A_9 = arith.constant 128 : i32
    %add3A_10 = arith.addi %multiple_of3A, %add3A_9 : i32
    "tpu.region"() ({
      %run_scoped3A = tpu.sem_alloc : memref<!tpu.dma_semaphore, #tpu.memory_space<semaphore_mem>>
      %dma_start3A_99 = arith.constant 0 : i32
      %dma_start3A_100 = tpu.memref_slice %arg16[%add3A_10, %dma_start3A_99] : memref<5248x128xf32, #tpu.memory_space<vmem_shared>> -> memref<128x128xf32, #tpu.memory_space<vmem_shared>>
      %dma_start3A_101 = arith.constant 0 : i32
      %dma_start3A_102 = tpu.memref_slice %arg16[%add3A_10, %dma_start3A_101] : memref<5248x128xf32, #tpu.memory_space<vmem_shared>> -> memref<128x128xf32, #tpu.memory_space<vmem_shared>>
      tpu.enqueue_dma source(%arg14 : memref<128x128xf32, #tpu.memory_space<vmem>>) target(%dma_start3A_102 : memref<128x128xf32, #tpu.memory_space<vmem_shared>>) target_semaphore(%run_scoped3A : memref<!tpu.dma_semaphore, #tpu.memory_space<semaphore_mem>>)
      %dma_wait3A_103 = arith.constant 0 : i32
      %dma_wait3A_104 = tpu.memref_slice %arg16[%add3A_10, %dma_wait3A_103] : memref<5248x128xf32, #tpu.memory_space<vmem_shared>> -> memref<128x128xf32, #tpu.memory_space<vmem_shared>>
      %dma_wait3A_105 = arith.constant 0 : i32
      %dma_wait3A_106 = tpu.memref_slice %arg16[%add3A_10, %dma_wait3A_105] : memref<5248x128xf32, #tpu.memory_space<vmem_shared>> -> memref<128x128xf32, #tpu.memory_space<vmem_shared>>
      tpu.wait_dma2 semaphore(%run_scoped3A : memref<!tpu.dma_semaphore, #tpu.memory_space<semaphore_mem>>) src(%arg14 : memref<128x128xf32, #tpu.memory_space<vmem>>) dst(%dma_wait3A_106 : memref<128x128xf32, #tpu.memory_space<vmem_shared>>)
      tpu.yield
    }) : () -> ()
    %add3A_11 = arith.constant 256 : i32
    %add3A_12 = arith.addi %multiple_of3A, %add3A_11 : i32
    "tpu.region"() ({
      %run_scoped3A = tpu.sem_alloc : memref<!tpu.dma_semaphore, #tpu.memory_space<semaphore_mem>>
      %dma_start3A_99 = arith.constant 0 : i32
      %dma_start3A_100 = arith.constant 0 : i32
      %dma_start3A_101 = tpu.memref_slice %arg14[%dma_start3A_99, %dma_start3A_100] : memref<128x128xf32, #tpu.memory_space<vmem>> -> memref<72x128xf32, #tpu.memory_space<vmem>>
      %dma_start3A_102 = arith.constant 0 : i32
      %dma_start3A_103 = tpu.memref_slice %arg16[%add3A_12, %dma_start3A_102] : memref<5248x128xf32, #tpu.memory_space<vmem_shared>> -> memref<72x128xf32, #tpu.memory_space<vmem_shared>>
      %dma_start3A_104 = arith.constant 0 : i32
      %dma_start3A_105 = tpu.memref_slice %arg16[%add3A_12, %dma_start3A_104] : memref<5248x128xf32, #tpu.memory_space<vmem_shared>> -> memref<72x128xf32, #tpu.memory_space<vmem_shared>>
      %dma_start3A_106 = arith.constant 0 : i32
      %dma_start3A_107 = arith.constant 0 : i32
      %dma_start3A_108 = tpu.memref_slice %arg14[%dma_start3A_106, %dma_start3A_107] : memref<128x128xf32, #tpu.memory_space<vmem>> -> memref<72x128xf32, #tpu.memory_space<vmem>>
      tpu.enqueue_dma source(%dma_start3A_108 : memref<72x128xf32, #tpu.memory_space<vmem>>) target(%dma_start3A_105 : memref<72x128xf32, #tpu.memory_space<vmem_shared>>) target_semaphore(%run_scoped3A : memref<!tpu.dma_semaphore, #tpu.memory_space<semaphore_mem>>)
      %dma_wait3A_109 = arith.constant 0 : i32
      %dma_wait3A_110 = arith.constant 0 : i32
      %dma_wait3A_111 = tpu.memref_slice %arg14[%dma_wait3A_109, %dma_wait3A_110] : memref<128x128xf32, #tpu.memory_space<vmem>> -> memref<72x128xf32, #tpu.memory_space<vmem>>
      %dma_wait3A_112 = arith.constant 0 : i32
      %dma_wait3A_113 = tpu.memref_slice %arg16[%add3A_12, %dma_wait3A_112] : memref<5248x128xf32, #tpu.memory_space<vmem_shared>> -> memref<72x128xf32, #tpu.memory_space<vmem_shared>>
      %dma_wait3A_114 = arith.constant 0 : i32
      %dma_wait3A_115 = tpu.memref_slice %arg16[%add3A_12, %dma_wait3A_114] : memref<5248x128xf32, #tpu.memory_space<vmem_shared>> -> memref<72x128xf32, #tpu.memory_space<vmem_shared>>
      %dma_wait3A_116 = arith.constant 0 : i32
      %dma_wait3A_117 = arith.constant 0 : i32
      %dma_wait3A_118 = tpu.memref_slice %arg14[%dma_wait3A_116, %dma_wait3A_117] : memref<128x128xf32, #tpu.memory_space<vmem>> -> memref<72x128xf32, #tpu.memory_space<vmem>>
      tpu.wait_dma2 semaphore(%run_scoped3A : memref<!tpu.dma_semaphore, #tpu.memory_space<semaphore_mem>>) src(%dma_wait3A_118 : memref<72x128xf32, #tpu.memory_space<vmem>>) dst(%dma_wait3A_115 : memref<72x128xf32, #tpu.memory_space<vmem_shared>>)
      tpu.yield
    }) : () -> ()
    %mul3A_13 = arith.constant 16 : i32
    %mul3A_14 = arith.muli %add3A, %mul3A_13 : i32
    %multiple_of3A_15 = tpu.assume_multiple %mul3A_14, 16 : i32
    "tpu.region"() ({
      %run_scoped3A = tpu.sem_alloc : memref<!tpu.dma_semaphore, #tpu.memory_space<semaphore_mem>>
      %dma_start3A_99 = tpu.memref_slice %arg5[%multiple_of3A_15] : memref<512xi32, #tpu.memory_space<hbm>> -> memref<16xi32, #tpu.memory_space<hbm>>
      %dma_start3A_100 = tpu.memref_slice %arg5[%multiple_of3A_15] : memref<512xi32, #tpu.memory_space<hbm>> -> memref<16xi32, #tpu.memory_space<hbm>>
      tpu.enqueue_dma source(%dma_start3A_100 : memref<16xi32, #tpu.memory_space<hbm>>) target(%arg7 : memref<16xi32, #tpu.memory_space<vmem>>) target_semaphore(%run_scoped3A : memref<!tpu.dma_semaphore, #tpu.memory_space<semaphore_mem>>)
      %dma_wait3A_101 = tpu.memref_slice %arg5[%multiple_of3A_15] : memref<512xi32, #tpu.memory_space<hbm>> -> memref<16xi32, #tpu.memory_space<hbm>>
      %dma_wait3A_102 = tpu.memref_slice %arg5[%multiple_of3A_15] : memref<512xi32, #tpu.memory_space<hbm>> -> memref<16xi32, #tpu.memory_space<hbm>>
      tpu.wait_dma2 semaphore(%run_scoped3A : memref<!tpu.dma_semaphore, #tpu.memory_space<semaphore_mem>>) src(%dma_wait3A_102 : memref<16xi32, #tpu.memory_space<hbm>>) dst(%arg7 : memref<16xi32, #tpu.memory_space<vmem>>)
      tpu.yield
    }) : () -> ()
    %get3A = arith.constant 0 : index
    %get3A_16 = tpu.vector_load %arg7[%get3A] {strides = array<i32>} : memref<16xi32, #tpu.memory_space<vmem>>, vector<16xi32>,
    %reduce_max3A = arith.constant true
    %reduce_max3A_17 = vector.broadcast %reduce_max3A : i1 to vector<16xi1>
    %reduce_max3A_18 = arith.constant -2147483648 : i32
    %reduce_max3A_19 = vector.broadcast %reduce_max3A_18 : i32 to vector<16xi32>
    %reduce_max3A_20 = arith.xori %get3A_16, %reduce_max3A_19 : vector<16xi32>
    %reduce_max3A_21 = tpu.scan <max>, %reduce_max3A_20 masked %reduce_max3A_17 : vector<16xi32>, vector<16xi1> -> vector<16xi32>
    %reduce_max3A_22 = arith.xori %reduce_max3A_21, %reduce_max3A_19 : vector<16xi32>
    %reduce_max3A_23 = vector.extract %reduce_max3A_22[15] : i32 from vector<16xi32>
    %shift_right_logical3A = arith.constant 7 : i32
    %shift_right_logical3A_24 = arith.shrui %reduce_max3A_23, %shift_right_logical3A : i32
    %shift_right_logical3A_25 = arith.constant 1 : i32
    %shift_right_logical3A_26 = arith.shrui %shift_right_logical3A_24, %shift_right_logical3A_25 : i32
    %mul3A_27 = arith.constant 328192 : i32
    %mul3A_28 = arith.muli %add3A, %mul3A_27 : i32
    %add3A_29 = arith.constant 0 : i32
    %add3A_30 = arith.addi %mul3A_28, %add3A_29 : i32
    %multiple_of3A_31 = tpu.assume_multiple %add3A_30, 128 : i32
    %dma_start3A = tpu.memref_slice %arg3[%multiple_of3A_31] : memref<10502144xi32, #tpu.memory_space<hbm>> -> memref<128xi32, #tpu.memory_space<hbm>>
    %dma_start3A_32 = tpu.memref_slice %arg3[%multiple_of3A_31] : memref<10502144xi32, #tpu.memory_space<hbm>> -> memref<128xi32, #tpu.memory_space<hbm>>
    tpu.enqueue_dma source(%dma_start3A_32 : memref<128xi32, #tpu.memory_space<hbm>>) target(%arg8 : memref<128xi32, #tpu.memory_space<vmem>>) target_semaphore(%arg17 : memref<!tpu.dma_semaphore, #tpu.memory_space<semaphore_mem>>)
    %dma_start3A_33 = tpu.memref_slice %arg4[%multiple_of3A_31] : memref<10502144xi32, #tpu.memory_space<hbm>> -> memref<128xi32, #tpu.memory_space<hbm>>
    %dma_start3A_34 = tpu.memref_slice %arg4[%multiple_of3A_31] : memref<10502144xi32, #tpu.memory_space<hbm>> -> memref<128xi32, #tpu.memory_space<hbm>>
    tpu.enqueue_dma source(%dma_start3A_34 : memref<128xi32, #tpu.memory_space<hbm>>) target(%arg10 : memref<128xi32, #tpu.memory_space<vmem>>) target_semaphore(%arg17 : memref<!tpu.dma_semaphore, #tpu.memory_space<semaphore_mem>>)
    %dma_wait3A = arith.constant 0 : i32
    %dma_wait3A_35 = tpu.memref_slice %arg3[%dma_wait3A] : memref<10502144xi32, #tpu.memory_space<hbm>> -> memref<128xi32, #tpu.memory_space<hbm>>
    %dma_wait3A_36 = arith.constant 0 : i32
    %dma_wait3A_37 = tpu.memref_slice %arg3[%dma_wait3A_36] : memref<10502144xi32, #tpu.memory_space<hbm>> -> memref<128xi32, #tpu.memory_space<hbm>>
    tpu.wait_dma2 semaphore(%arg17 : memref<!tpu.dma_semaphore, #tpu.memory_space<semaphore_mem>>) src(%dma_wait3A_37 : memref<128xi32, #tpu.memory_space<hbm>>) dst(%arg8 : memref<128xi32, #tpu.memory_space<vmem>>)
    %dma_wait3A_38 = arith.constant 0 : i32
    %dma_wait3A_39 = tpu.memref_slice %arg3[%dma_wait3A_38] : memref<10502144xi32, #tpu.memory_space<hbm>> -> memref<128xi32, #tpu.memory_space<hbm>>
    %dma_wait3A_40 = arith.constant 0 : i32
    %dma_wait3A_41 = tpu.memref_slice %arg3[%dma_wait3A_40] : memref<10502144xi32, #tpu.memory_space<hbm>> -> memref<128xi32, #tpu.memory_space<hbm>>
    tpu.wait_dma2 semaphore(%arg17 : memref<!tpu.dma_semaphore, #tpu.memory_space<semaphore_mem>>) src(%dma_wait3A_41 : memref<128xi32, #tpu.memory_space<hbm>>) dst(%arg10 : memref<128xi32, #tpu.memory_space<vmem>>)
    %multiple_of3A_42 = arith.constant 0 : i32
    %multiple_of3A_43 = tpu.assume_multiple %multiple_of3A_42, 32 : i32
    %dma_start3A_44 = arith.constant 0 : i32
    %dma_start3A_45 = tpu.memref_slice %arg14[%multiple_of3A_43, %dma_start3A_44] : memref<128x128xf32, #tpu.memory_space<vmem>> -> memref<32x128xf32, #tpu.memory_space<vmem>>
    %dma_start3A_46 = tpu.memref_slice %arg8[%multiple_of3A_43] : memref<128xi32, #tpu.memory_space<vmem>> -> memref<32xi32, #tpu.memory_space<vmem>>
    %dma_start3A_47 = arith.constant 0 : i32
    %dma_start3A_48 = arith.constant 0 : i32
    %dma_start3A_49 = tpu.memref_slice %arg2[%dma_start3A_47, %dma_start3A_48] : memref<10240x128xf32, #tpu.memory_space<hbm>> -> memref<10240x128xf32, #tpu.memory_space<hbm>>
    tpu.enqueue_indirect_dma source(%dma_start3A_49 : memref<10240x128xf32, #tpu.memory_space<hbm>>) target(%dma_start3A_45 : memref<32x128xf32, #tpu.memory_space<vmem>>) offsets(%dma_start3A_46 : memref<32xi32, #tpu.memory_space<vmem>>) semaphore(%arg19 : memref<!tpu.dma_semaphore, #tpu.memory_space<semaphore_mem>>)
    %multiple_of3A_50 = arith.constant 32 : i32
    %multiple_of3A_51 = tpu.assume_multiple %multiple_of3A_50, 32 : i32
    %dma_start3A_52 = arith.constant 0 : i32
    %dma_start3A_53 = tpu.memref_slice %arg14[%multiple_of3A_51, %dma_start3A_52] : memref<128x128xf32, #tpu.memory_space<vmem>> -> memref<32x128xf32, #tpu.memory_space<vmem>>
    %dma_start3A_54 = tpu.memref_slice %arg8[%multiple_of3A_51] : memref<128xi32, #tpu.memory_space<vmem>> -> memref<32xi32, #tpu.memory_space<vmem>>
    %dma_start3A_55 = arith.constant 0 : i32
    %dma_start3A_56 = arith.constant 0 : i32
    %dma_start3A_57 = tpu.memref_slice %arg2[%dma_start3A_55, %dma_start3A_56] : memref<10240x128xf32, #tpu.memory_space<hbm>> -> memref<10240x128xf32, #tpu.memory_space<hbm>>
    tpu.enqueue_indirect_dma source(%dma_start3A_57 : memref<10240x128xf32, #tpu.memory_space<hbm>>) target(%dma_start3A_53 : memref<32x128xf32, #tpu.memory_space<vmem>>) offsets(%dma_start3A_54 : memref<32xi32, #tpu.memory_space<vmem>>) semaphore(%arg19 : memref<!tpu.dma_semaphore, #tpu.memory_space<semaphore_mem>>)
    %multiple_of3A_58 = arith.constant 64 : i32
    %multiple_of3A_59 = tpu.assume_multiple %multiple_of3A_58, 32 : i32
    %dma_start3A_60 = arith.constant 0 : i32
    %dma_start3A_61 = tpu.memref_slice %arg14[%multiple_of3A_59, %dma_start3A_60] : memref<128x128xf32, #tpu.memory_space<vmem>> -> memref<32x128xf32, #tpu.memory_space<vmem>>
    %dma_start3A_62 = tpu.memref_slice %arg8[%multiple_of3A_59] : memref<128xi32, #tpu.memory_space<vmem>> -> memref<32xi32, #tpu.memory_space<vmem>>
    %dma_start3A_63 = arith.constant 0 : i32
    %dma_start3A_64 = arith.constant 0 : i32
    %dma_start3A_65 = tpu.memref_slice %arg2[%dma_start3A_63, %dma_start3A_64] : memref<10240x128xf32, #tpu.memory_space<hbm>> -> memref<10240x128xf32, #tpu.memory_space<hbm>>
    tpu.enqueue_indirect_dma source(%dma_start3A_65 : memref<10240x128xf32, #tpu.memory_space<hbm>>) target(%dma_start3A_61 : memref<32x128xf32, #tpu.memory_space<vmem>>) offsets(%dma_start3A_62 : memref<32xi32, #tpu.memory_space<vmem>>) semaphore(%arg19 : memref<!tpu.dma_semaphore, #tpu.memory_space<semaphore_mem>>)
    %multiple_of3A_66 = arith.constant 96 : i32
    %multiple_of3A_67 = tpu.assume_multiple %multiple_of3A_66, 32 : i32
    %dma_start3A_68 = arith.constant 0 : i32
    %dma_start3A_69 = tpu.memref_slice %arg14[%multiple_of3A_67, %dma_start3A_68] : memref<128x128xf32, #tpu.memory_space<vmem>> -> memref<32x128xf32, #tpu.memory_space<vmem>>
    %dma_start3A_70 = tpu.memref_slice %arg8[%multiple_of3A_67] : memref<128xi32, #tpu.memory_space<vmem>> -> memref<32xi32, #tpu.memory_space<vmem>>
    %dma_start3A_71 = arith.constant 0 : i32
    %dma_start3A_72 = arith.constant 0 : i32
    %dma_start3A_73 = tpu.memref_slice %arg2[%dma_start3A_71, %dma_start3A_72] : memref<10240x128xf32, #tpu.memory_space<hbm>> -> memref<10240x128xf32, #tpu.memory_space<hbm>>
    tpu.enqueue_indirect_dma source(%dma_start3A_73 : memref<10240x128xf32, #tpu.memory_space<hbm>>) target(%dma_start3A_69 : memref<32x128xf32, #tpu.memory_space<vmem>>) offsets(%dma_start3A_70 : memref<32xi32, #tpu.memory_space<vmem>>) semaphore(%arg19 : memref<!tpu.dma_semaphore, #tpu.memory_space<semaphore_mem>>)
    %add3A_74 = arith.constant 128 : i32
    %add3A_75 = arith.addi %mul3A_28, %add3A_74 : i32
    %multiple_of3A_76 = tpu.assume_multiple %add3A_75, 128 : i32
    %dma_start3A_77 = tpu.memref_slice %arg3[%multiple_of3A_76] : memref<10502144xi32, #tpu.memory_space<hbm>> -> memref<128xi32, #tpu.memory_space<hbm>>
    %dma_start3A_78 = tpu.memref_slice %arg3[%multiple_of3A_76] : memref<10502144xi32, #tpu.memory_space<hbm>> -> memref<128xi32, #tpu.memory_space<hbm>>
    tpu.enqueue_dma source(%dma_start3A_78 : memref<128xi32, #tpu.memory_space<hbm>>) target(%arg9 : memref<128xi32, #tpu.memory_space<vmem>>) target_semaphore(%arg18 : memref<!tpu.dma_semaphore, #tpu.memory_space<semaphore_mem>>)
    %dma_start3A_79 = tpu.memref_slice %arg4[%multiple_of3A_76] : memref<10502144xi32, #tpu.memory_space<hbm>> -> memref<128xi32, #tpu.memory_space<hbm>>
    %dma_start3A_80 = tpu.memref_slice %arg4[%multiple_of3A_76] : memref<10502144xi32, #tpu.memory_space<hbm>> -> memref<128xi32, #tpu.memory_space<hbm>>
    tpu.enqueue_dma source(%dma_start3A_80 : memref<128xi32, #tpu.memory_space<hbm>>) target(%arg11 : memref<128xi32, #tpu.memory_space<vmem>>) target_semaphore(%arg18 : memref<!tpu.dma_semaphore, #tpu.memory_space<semaphore_mem>>)
    %while3A = arith.constant 0 : i32
    %while3A_81 = arith.constant 0 : i32
    %while3A_82 = arith.subi %shift_right_logical3A_26, %while3A_81 : i32
    %while3A_83 = arith.addi %while3A_81, %while3A_82 : i32
    %while3A_84 = arith.constant 1 : i32
    %while3A_85 = arith.divsi %while3A_82, %while3A_84 : i32
    %while3A_86 = arith.muli %while3A_85, %while3A_84 : i32
    %while3A_87 = arith.addi %while3A_81, %while3A_86 : i32
    %while3A_88 = arith.constant 1 : i32
    scf.for %while3A_99 = %while3A_81 to %while3A_87 step %while3A_88  : i32 {
      %mul3A_100 = arith.constant 2 : i32
      %mul3A_101 = arith.muli %while3A_99, %mul3A_100 : i32
      %dma_wait3A_102 = arith.constant 0 : i32
      %dma_wait3A_103 = tpu.memref_slice %arg3[%dma_wait3A_102] : memref<10502144xi32, #tpu.memory_space<hbm>> -> memref<128xi32, #tpu.memory_space<hbm>>
      %dma_wait3A_104 = arith.constant 0 : i32
      %dma_wait3A_105 = tpu.memref_slice %arg3[%dma_wait3A_104] : memref<10502144xi32, #tpu.memory_space<hbm>> -> memref<128xi32, #tpu.memory_space<hbm>>
      tpu.wait_dma2 semaphore(%arg18 : memref<!tpu.dma_semaphore, #tpu.memory_space<semaphore_mem>>) src(%dma_wait3A_105 : memref<128xi32, #tpu.memory_space<hbm>>) dst(%arg9 : memref<128xi32, #tpu.memory_space<vmem>>)
      %dma_wait3A_106 = arith.constant 0 : i32
      %dma_wait3A_107 = tpu.memref_slice %arg3[%dma_wait3A_106] : memref<10502144xi32, #tpu.memory_space<hbm>> -> memref<128xi32, #tpu.memory_space<hbm>>
      %dma_wait3A_108 = arith.constant 0 : i32
      %dma_wait3A_109 = tpu.memref_slice %arg3[%dma_wait3A_108] : memref<10502144xi32, #tpu.memory_space<hbm>> -> memref<128xi32, #tpu.memory_space<hbm>>
      tpu.wait_dma2 semaphore(%arg18 : memref<!tpu.dma_semaphore, #tpu.memory_space<semaphore_mem>>) src(%dma_wait3A_109 : memref<128xi32, #tpu.memory_space<hbm>>) dst(%arg11 : memref<128xi32, #tpu.memory_space<vmem>>)
      %gt3A = arith.constant 0 : i32
      %gt3A_110 = arith.cmpi sgt, %while3A_99, %gt3A : i32
      %convert_element_type3A = arith.extui %gt3A_110 : i1 to i32
      %cond3A = arith.constant 0 : i32
      %cond3A_111 = arith.cmpi ne, %convert_element_type3A, %cond3A : i32
      scf.if %cond3A_111 {
        %dma_wait3A_284 = arith.constant 0 : i32
        %dma_wait3A_285 = arith.constant 0 : i32
        %dma_wait3A_286 = tpu.memref_slice %arg16[%dma_wait3A_284, %dma_wait3A_285] : memref<5248x128xf32, #tpu.memory_space<vmem_shared>> -> memref<5248x128xf32, #tpu.memory_space<vmem_shared>>
        tpu.wait_indirect_dma semaphore(%arg22 : memref<!tpu.dma_semaphore, #tpu.memory_space<semaphore_mem>>) src(%arg15 : memref<128x128xf32, #tpu.memory_space<vmem>>) dst(%dma_wait3A_286 : memref<5248x128xf32, #tpu.memory_space<vmem_shared>>)
      } else {
      }
      %multiple_of3A_112 = arith.constant 0 : i32
      %multiple_of3A_113 = tpu.assume_multiple %multiple_of3A_112, 32 : i32
      %dma_start3A_114 = arith.constant 0 : i32
      %dma_start3A_115 = tpu.memref_slice %arg15[%multiple_of3A_113, %dma_start3A_114] : memref<128x128xf32, #tpu.memory_space<vmem>> -> memref<32x128xf32, #tpu.memory_space<vmem>>
      %dma_start3A_116 = tpu.memref_slice %arg9[%multiple_of3A_113] : memref<128xi32, #tpu.memory_space<vmem>> -> memref<32xi32, #tpu.memory_space<vmem>>
      %dma_start3A_117 = arith.constant 0 : i32
      %dma_start3A_118 = arith.constant 0 : i32
      %dma_start3A_119 = tpu.memref_slice %arg2[%dma_start3A_117, %dma_start3A_118] : memref<10240x128xf32, #tpu.memory_space<hbm>> -> memref<10240x128xf32, #tpu.memory_space<hbm>>
      tpu.enqueue_indirect_dma source(%dma_start3A_119 : memref<10240x128xf32, #tpu.memory_space<hbm>>) target(%dma_start3A_115 : memref<32x128xf32, #tpu.memory_space<vmem>>) offsets(%dma_start3A_116 : memref<32xi32, #tpu.memory_space<vmem>>) semaphore(%arg20 : memref<!tpu.dma_semaphore, #tpu.memory_space<semaphore_mem>>)
      %multiple_of3A_120 = arith.constant 32 : i32
      %multiple_of3A_121 = tpu.assume_multiple %multiple_of3A_120, 32 : i32
      %dma_start3A_122 = arith.constant 0 : i32
      %dma_start3A_123 = tpu.memref_slice %arg15[%multiple_of3A_121, %dma_start3A_122] : memref<128x128xf32, #tpu.memory_space<vmem>> -> memref<32x128xf32, #tpu.memory_space<vmem>>
      %dma_start3A_124 = tpu.memref_slice %arg9[%multiple_of3A_121] : memref<128xi32, #tpu.memory_space<vmem>> -> memref<32xi32, #tpu.memory_space<vmem>>
      %dma_start3A_125 = arith.constant 0 : i32
      %dma_start3A_126 = arith.constant 0 : i32
      %dma_start3A_127 = tpu.memref_slice %arg2[%dma_start3A_125, %dma_start3A_126] : memref<10240x128xf32, #tpu.memory_space<hbm>> -> memref<10240x128xf32, #tpu.memory_space<hbm>>
      tpu.enqueue_indirect_dma source(%dma_start3A_127 : memref<10240x128xf32, #tpu.memory_space<hbm>>) target(%dma_start3A_123 : memref<32x128xf32, #tpu.memory_space<vmem>>) offsets(%dma_start3A_124 : memref<32xi32, #tpu.memory_space<vmem>>) semaphore(%arg20 : memref<!tpu.dma_semaphore, #tpu.memory_space<semaphore_mem>>)
      %multiple_of3A_128 = arith.constant 64 : i32
      %multiple_of3A_129 = tpu.assume_multiple %multiple_of3A_128, 32 : i32
      %dma_start3A_130 = arith.constant 0 : i32
      %dma_start3A_131 = tpu.memref_slice %arg15[%multiple_of3A_129, %dma_start3A_130] : memref<128x128xf32, #tpu.memory_space<vmem>> -> memref<32x128xf32, #tpu.memory_space<vmem>>
      %dma_start3A_132 = tpu.memref_slice %arg9[%multiple_of3A_129] : memref<128xi32, #tpu.memory_space<vmem>> -> memref<32xi32, #tpu.memory_space<vmem>>
      %dma_start3A_133 = arith.constant 0 : i32
      %dma_start3A_134 = arith.constant 0 : i32
      %dma_start3A_135 = tpu.memref_slice %arg2[%dma_start3A_133, %dma_start3A_134] : memref<10240x128xf32, #tpu.memory_space<hbm>> -> memref<10240x128xf32, #tpu.memory_space<hbm>>
      tpu.enqueue_indirect_dma source(%dma_start3A_135 : memref<10240x128xf32, #tpu.memory_space<hbm>>) target(%dma_start3A_131 : memref<32x128xf32, #tpu.memory_space<vmem>>) offsets(%dma_start3A_132 : memref<32xi32, #tpu.memory_space<vmem>>) semaphore(%arg20 : memref<!tpu.dma_semaphore, #tpu.memory_space<semaphore_mem>>)
      %multiple_of3A_136 = arith.constant 96 : i32
      %multiple_of3A_137 = tpu.assume_multiple %multiple_of3A_136, 32 : i32
      %dma_start3A_138 = arith.constant 0 : i32
      %dma_start3A_139 = tpu.memref_slice %arg15[%multiple_of3A_137, %dma_start3A_138] : memref<128x128xf32, #tpu.memory_space<vmem>> -> memref<32x128xf32, #tpu.memory_space<vmem>>
      %dma_start3A_140 = tpu.memref_slice %arg9[%multiple_of3A_137] : memref<128xi32, #tpu.memory_space<vmem>> -> memref<32xi32, #tpu.memory_space<vmem>>
      %dma_start3A_141 = arith.constant 0 : i32
      %dma_start3A_142 = arith.constant 0 : i32
      %dma_start3A_143 = tpu.memref_slice %arg2[%dma_start3A_141, %dma_start3A_142] : memref<10240x128xf32, #tpu.memory_space<hbm>> -> memref<10240x128xf32, #tpu.memory_space<hbm>>
      tpu.enqueue_indirect_dma source(%dma_start3A_143 : memref<10240x128xf32, #tpu.memory_space<hbm>>) target(%dma_start3A_139 : memref<32x128xf32, #tpu.memory_space<vmem>>) offsets(%dma_start3A_140 : memref<32xi32, #tpu.memory_space<vmem>>) semaphore(%arg20 : memref<!tpu.dma_semaphore, #tpu.memory_space<semaphore_mem>>)
      %multiple_of3A_144 = arith.constant 0 : i32
      %multiple_of3A_145 = tpu.assume_multiple %multiple_of3A_144, 32 : i32
      %dma_wait3A_146 = arith.constant 0 : i32
      %dma_wait3A_147 = tpu.memref_slice %arg14[%multiple_of3A_145, %dma_wait3A_146] : memref<128x128xf32, #tpu.memory_space<vmem>> -> memref<32x128xf32, #tpu.memory_space<vmem>>
      %dma_wait3A_148 = tpu.memref_slice %arg8[%multiple_of3A_145] : memref<128xi32, #tpu.memory_space<vmem>> -> memref<32xi32, #tpu.memory_space<vmem>>
      %dma_wait3A_149 = arith.constant 0 : i32
      %dma_wait3A_150 = arith.constant 0 : i32
      %dma_wait3A_151 = tpu.memref_slice %arg2[%dma_wait3A_149, %dma_wait3A_150] : memref<10240x128xf32, #tpu.memory_space<hbm>> -> memref<10240x128xf32, #tpu.memory_space<hbm>>
      tpu.wait_indirect_dma semaphore(%arg19 : memref<!tpu.dma_semaphore, #tpu.memory_space<semaphore_mem>>) src(%dma_wait3A_151 : memref<10240x128xf32, #tpu.memory_space<hbm>>) dst(%dma_wait3A_147 : memref<32x128xf32, #tpu.memory_space<vmem>>)
      %multiple_of3A_152 = arith.constant 32 : i32
      %multiple_of3A_153 = tpu.assume_multiple %multiple_of3A_152, 32 : i32
      %dma_wait3A_154 = arith.constant 0 : i32
      %dma_wait3A_155 = tpu.memref_slice %arg14[%multiple_of3A_153, %dma_wait3A_154] : memref<128x128xf32, #tpu.memory_space<vmem>> -> memref<32x128xf32, #tpu.memory_space<vmem>>
      %dma_wait3A_156 = tpu.memref_slice %arg8[%multiple_of3A_153] : memref<128xi32, #tpu.memory_space<vmem>> -> memref<32xi32, #tpu.memory_space<vmem>>
      %dma_wait3A_157 = arith.constant 0 : i32
      %dma_wait3A_158 = arith.constant 0 : i32
      %dma_wait3A_159 = tpu.memref_slice %arg2[%dma_wait3A_157, %dma_wait3A_158] : memref<10240x128xf32, #tpu.memory_space<hbm>> -> memref<10240x128xf32, #tpu.memory_space<hbm>>
      tpu.wait_indirect_dma semaphore(%arg19 : memref<!tpu.dma_semaphore, #tpu.memory_space<semaphore_mem>>) src(%dma_wait3A_159 : memref<10240x128xf32, #tpu.memory_space<hbm>>) dst(%dma_wait3A_155 : memref<32x128xf32, #tpu.memory_space<vmem>>)
      %multiple_of3A_160 = arith.constant 64 : i32
      %multiple_of3A_161 = tpu.assume_multiple %multiple_of3A_160, 32 : i32
      %dma_wait3A_162 = arith.constant 0 : i32
      %dma_wait3A_163 = tpu.memref_slice %arg14[%multiple_of3A_161, %dma_wait3A_162] : memref<128x128xf32, #tpu.memory_space<vmem>> -> memref<32x128xf32, #tpu.memory_space<vmem>>
      %dma_wait3A_164 = tpu.memref_slice %arg8[%multiple_of3A_161] : memref<128xi32, #tpu.memory_space<vmem>> -> memref<32xi32, #tpu.memory_space<vmem>>
      %dma_wait3A_165 = arith.constant 0 : i32
      %dma_wait3A_166 = arith.constant 0 : i32
      %dma_wait3A_167 = tpu.memref_slice %arg2[%dma_wait3A_165, %dma_wait3A_166] : memref<10240x128xf32, #tpu.memory_space<hbm>> -> memref<10240x128xf32, #tpu.memory_space<hbm>>
      tpu.wait_indirect_dma semaphore(%arg19 : memref<!tpu.dma_semaphore, #tpu.memory_space<semaphore_mem>>) src(%dma_wait3A_167 : memref<10240x128xf32, #tpu.memory_space<hbm>>) dst(%dma_wait3A_163 : memref<32x128xf32, #tpu.memory_space<vmem>>)
      %multiple_of3A_168 = arith.constant 96 : i32
      %multiple_of3A_169 = tpu.assume_multiple %multiple_of3A_168, 32 : i32
      %dma_wait3A_170 = arith.constant 0 : i32
      %dma_wait3A_171 = tpu.memref_slice %arg14[%multiple_of3A_169, %dma_wait3A_170] : memref<128x128xf32, #tpu.memory_space<vmem>> -> memref<32x128xf32, #tpu.memory_space<vmem>>
      %dma_wait3A_172 = tpu.memref_slice %arg8[%multiple_of3A_169] : memref<128xi32, #tpu.memory_space<vmem>> -> memref<32xi32, #tpu.memory_space<vmem>>
      %dma_wait3A_173 = arith.constant 0 : i32
      %dma_wait3A_174 = arith.constant 0 : i32
      %dma_wait3A_175 = tpu.memref_slice %arg2[%dma_wait3A_173, %dma_wait3A_174] : memref<10240x128xf32, #tpu.memory_space<hbm>> -> memref<10240x128xf32, #tpu.memory_space<hbm>>
      tpu.wait_indirect_dma semaphore(%arg19 : memref<!tpu.dma_semaphore, #tpu.memory_space<semaphore_mem>>) src(%dma_wait3A_175 : memref<10240x128xf32, #tpu.memory_space<hbm>>) dst(%dma_wait3A_171 : memref<32x128xf32, #tpu.memory_space<vmem>>)
      %get3A_176 = arith.constant 0 : index
      %get3A_177 = tpu.vector_load %arg10[%get3A_176] {strides = array<i32>} : memref<128xi32, #tpu.memory_space<vmem>>, vector<16xi32>,
      %swap3A = arith.constant 0 : index
      %swap3A_178 = tpu.vector_load %arg12[%swap3A] {strides = array<i32>} : memref<128xi32, #tpu.memory_space<vmem>>, vector<16xi32>,
      tpu.vector_store %arg12[%swap3A], %get3A_177 {strides = array<i32>} : memref<128xi32, #tpu.memory_space<vmem>>, vector<16xi32>,
      %get3A_179 = arith.constant 16 : index
      %get3A_180 = tpu.vector_load %arg10[%get3A_179] {strides = array<i32>} : memref<128xi32, #tpu.memory_space<vmem>>, vector<16xi32>,
      %swap3A_181 = arith.constant 16 : index
      %swap3A_182 = tpu.vector_load %arg12[%swap3A_181] {strides = array<i32>} : memref<128xi32, #tpu.memory_space<vmem>>, vector<16xi32>,
      tpu.vector_store %arg12[%swap3A_181], %get3A_180 {strides = array<i32>} : memref<128xi32, #tpu.memory_space<vmem>>, vector<16xi32>,
      %get3A_183 = arith.constant 32 : index
      %get3A_184 = tpu.vector_load %arg10[%get3A_183] {strides = array<i32>} : memref<128xi32, #tpu.memory_space<vmem>>, vector<16xi32>,
      %swap3A_185 = arith.constant 32 : index
      %swap3A_186 = tpu.vector_load %arg12[%swap3A_185] {strides = array<i32>} : memref<128xi32, #tpu.memory_space<vmem>>, vector<16xi32>,
      tpu.vector_store %arg12[%swap3A_185], %get3A_184 {strides = array<i32>} : memref<128xi32, #tpu.memory_space<vmem>>, vector<16xi32>,
      %get3A_187 = arith.constant 48 : index
      %get3A_188 = tpu.vector_load %arg10[%get3A_187] {strides = array<i32>} : memref<128xi32, #tpu.memory_space<vmem>>, vector<16xi32>,
      %swap3A_189 = arith.constant 48 : index
      %swap3A_190 = tpu.vector_load %arg12[%swap3A_189] {strides = array<i32>} : memref<128xi32, #tpu.memory_space<vmem>>, vector<16xi32>,
      tpu.vector_store %arg12[%swap3A_189], %get3A_188 {strides = array<i32>} : memref<128xi32, #tpu.memory_space<vmem>>, vector<16xi32>,
      %get3A_191 = arith.constant 64 : index
      %get3A_192 = tpu.vector_load %arg10[%get3A_191] {strides = array<i32>} : memref<128xi32, #tpu.memory_space<vmem>>, vector<16xi32>,
      %swap3A_193 = arith.constant 64 : index
      %swap3A_194 = tpu.vector_load %arg12[%swap3A_193] {strides = array<i32>} : memref<128xi32, #tpu.memory_space<vmem>>, vector<16xi32>,
      tpu.vector_store %arg12[%swap3A_193], %get3A_192 {strides = array<i32>} : memref<128xi32, #tpu.memory_space<vmem>>, vector<16xi32>,
      %get3A_195 = arith.constant 80 : index
      %get3A_196 = tpu.vector_load %arg10[%get3A_195] {strides = array<i32>} : memref<128xi32, #tpu.memory_space<vmem>>, vector<16xi32>,
      %swap3A_197 = arith.constant 80 : index
      %swap3A_198 = tpu.vector_load %arg12[%swap3A_197] {strides = array<i32>} : memref<128xi32, #tpu.memory_space<vmem>>, vector<16xi32>,
      tpu.vector_store %arg12[%swap3A_197], %get3A_196 {strides = array<i32>} : memref<128xi32, #tpu.memory_space<vmem>>, vector<16xi32>,
      %get3A_199 = arith.constant 96 : index
      %get3A_200 = tpu.vector_load %arg10[%get3A_199] {strides = array<i32>} : memref<128xi32, #tpu.memory_space<vmem>>, vector<16xi32>,
      %swap3A_201 = arith.constant 96 : index
      %swap3A_202 = tpu.vector_load %arg12[%swap3A_201] {strides = array<i32>} : memref<128xi32, #tpu.memory_space<vmem>>, vector<16xi32>,
      tpu.vector_store %arg12[%swap3A_201], %get3A_200 {strides = array<i32>} : memref<128xi32, #tpu.memory_space<vmem>>, vector<16xi32>,
      %get3A_203 = arith.constant 112 : index
      %get3A_204 = tpu.vector_load %arg10[%get3A_203] {strides = array<i32>} : memref<128xi32, #tpu.memory_space<vmem>>, vector<16xi32>,
      %swap3A_205 = arith.constant 112 : index
      %swap3A_206 = tpu.vector_load %arg12[%swap3A_205] {strides = array<i32>} : memref<128xi32, #tpu.memory_space<vmem>>, vector<16xi32>,
      tpu.vector_store %arg12[%swap3A_205], %get3A_204 {strides = array<i32>} : memref<128xi32, #tpu.memory_space<vmem>>, vector<16xi32>,
      %dma_start3A_207 = arith.constant 0 : i32
      %dma_start3A_208 = arith.constant 0 : i32
      %dma_start3A_209 = tpu.memref_slice %arg16[%dma_start3A_207, %dma_start3A_208] : memref<5248x128xf32, #tpu.memory_space<vmem_shared>> -> memref<5248x128xf32, #tpu.memory_space<vmem_shared>>
      tpu.enqueue_indirect_dma source(%arg14 : memref<128x128xf32, #tpu.memory_space<vmem>>) target(%dma_start3A_209 : memref<5248x128xf32, #tpu.memory_space<vmem_shared>>) offsets(%arg12 : memref<128xi32, #tpu.memory_space<vmem>>) semaphore(%arg21 : memref<!tpu.dma_semaphore, #tpu.memory_space<semaphore_mem>>) {add = true}
      %sub3A = arith.constant 1 : i32
      %sub3A_210 = arith.subi %shift_right_logical3A_26, %sub3A : i32
      %lt3A = arith.cmpi slt, %while3A_99, %sub3A_210 : i32
      %convert_element_type3A_211 = arith.extui %lt3A : i1 to i32
      %cond3A_212 = arith.constant 0 : i32
      %cond3A_213 = arith.cmpi ne, %convert_element_type3A_211, %cond3A_212 : i32
      scf.if %cond3A_213 {
        %add3A_284 = arith.constant 2 : i32
        %add3A_285 = arith.addi %mul3A_101, %add3A_284 : i32
        %mul3A_286 = arith.constant 128 : i32
        %mul3A_287 = arith.muli %add3A_285, %mul3A_286 : i32
        %add3A_288 = arith.addi %mul3A_28, %mul3A_287 : i32
        %multiple_of3A_289 = tpu.assume_multiple %add3A_288, 128 : i32
        %dma_start3A_290 = tpu.memref_slice %arg3[%multiple_of3A_289] : memref<10502144xi32, #tpu.memory_space<hbm>> -> memref<128xi32, #tpu.memory_space<hbm>>
        %dma_start3A_291 = tpu.memref_slice %arg3[%multiple_of3A_289] : memref<10502144xi32, #tpu.memory_space<hbm>> -> memref<128xi32, #tpu.memory_space<hbm>>
        tpu.enqueue_dma source(%dma_start3A_291 : memref<128xi32, #tpu.memory_space<hbm>>) target(%arg8 : memref<128xi32, #tpu.memory_space<vmem>>) target_semaphore(%arg17 : memref<!tpu.dma_semaphore, #tpu.memory_space<semaphore_mem>>)
        %dma_start3A_292 = tpu.memref_slice %arg4[%multiple_of3A_289] : memref<10502144xi32, #tpu.memory_space<hbm>> -> memref<128xi32, #tpu.memory_space<hbm>>
        %dma_start3A_293 = tpu.memref_slice %arg4[%multiple_of3A_289] : memref<10502144xi32, #tpu.memory_space<hbm>> -> memref<128xi32, #tpu.memory_space<hbm>>
        tpu.enqueue_dma source(%dma_start3A_293 : memref<128xi32, #tpu.memory_space<hbm>>) target(%arg10 : memref<128xi32, #tpu.memory_space<vmem>>) target_semaphore(%arg17 : memref<!tpu.dma_semaphore, #tpu.memory_space<semaphore_mem>>)
      } else {
      }
      %multiple_of3A_214 = arith.constant 0 : i32
      %multiple_of3A_215 = tpu.assume_multiple %multiple_of3A_214, 32 : i32
      %dma_wait3A_216 = arith.constant 0 : i32
      %dma_wait3A_217 = tpu.memref_slice %arg15[%multiple_of3A_215, %dma_wait3A_216] : memref<128x128xf32, #tpu.memory_space<vmem>> -> memref<32x128xf32, #tpu.memory_space<vmem>>
      %dma_wait3A_218 = tpu.memref_slice %arg9[%multiple_of3A_215] : memref<128xi32, #tpu.memory_space<vmem>> -> memref<32xi32, #tpu.memory_space<vmem>>
      %dma_wait3A_219 = arith.constant 0 : i32
      %dma_wait3A_220 = arith.constant 0 : i32
      %dma_wait3A_221 = tpu.memref_slice %arg2[%dma_wait3A_219, %dma_wait3A_220] : memref<10240x128xf32, #tpu.memory_space<hbm>> -> memref<10240x128xf32, #tpu.memory_space<hbm>>
      tpu.wait_indirect_dma semaphore(%arg20 : memref<!tpu.dma_semaphore, #tpu.memory_space<semaphore_mem>>) src(%dma_wait3A_221 : memref<10240x128xf32, #tpu.memory_space<hbm>>) dst(%dma_wait3A_217 : memref<32x128xf32, #tpu.memory_space<vmem>>)
      %multiple_of3A_222 = arith.constant 32 : i32
      %multiple_of3A_223 = tpu.assume_multiple %multiple_of3A_222, 32 : i32
      %dma_wait3A_224 = arith.constant 0 : i32
      %dma_wait3A_225 = tpu.memref_slice %arg15[%multiple_of3A_223, %dma_wait3A_224] : memref<128x128xf32, #tpu.memory_space<vmem>> -> memref<32x128xf32, #tpu.memory_space<vmem>>
      %dma_wait3A_226 = tpu.memref_slice %arg9[%multiple_of3A_223] : memref<128xi32, #tpu.memory_space<vmem>> -> memref<32xi32, #tpu.memory_space<vmem>>
      %dma_wait3A_227 = arith.constant 0 : i32
      %dma_wait3A_228 = arith.constant 0 : i32
      %dma_wait3A_229 = tpu.memref_slice %arg2[%dma_wait3A_227, %dma_wait3A_228] : memref<10240x128xf32, #tpu.memory_space<hbm>> -> memref<10240x128xf32, #tpu.memory_space<hbm>>
      tpu.wait_indirect_dma semaphore(%arg20 : memref<!tpu.dma_semaphore, #tpu.memory_space<semaphore_mem>>) src(%dma_wait3A_229 : memref<10240x128xf32, #tpu.memory_space<hbm>>) dst(%dma_wait3A_225 : memref<32x128xf32, #tpu.memory_space<vmem>>)
      %multiple_of3A_230 = arith.constant 64 : i32
      %multiple_of3A_231 = tpu.assume_multiple %multiple_of3A_230, 32 : i32
      %dma_wait3A_232 = arith.constant 0 : i32
      %dma_wait3A_233 = tpu.memref_slice %arg15[%multiple_of3A_231, %dma_wait3A_232] : memref<128x128xf32, #tpu.memory_space<vmem>> -> memref<32x128xf32, #tpu.memory_space<vmem>>
      %dma_wait3A_234 = tpu.memref_slice %arg9[%multiple_of3A_231] : memref<128xi32, #tpu.memory_space<vmem>> -> memref<32xi32, #tpu.memory_space<vmem>>
      %dma_wait3A_235 = arith.constant 0 : i32
      %dma_wait3A_236 = arith.constant 0 : i32
      %dma_wait3A_237 = tpu.memref_slice %arg2[%dma_wait3A_235, %dma_wait3A_236] : memref<10240x128xf32, #tpu.memory_space<hbm>> -> memref<10240x128xf32, #tpu.memory_space<hbm>>
      tpu.wait_indirect_dma semaphore(%arg20 : memref<!tpu.dma_semaphore, #tpu.memory_space<semaphore_mem>>) src(%dma_wait3A_237 : memref<10240x128xf32, #tpu.memory_space<hbm>>) dst(%dma_wait3A_233 : memref<32x128xf32, #tpu.memory_space<vmem>>)
      %multiple_of3A_238 = arith.constant 96 : i32
      %multiple_of3A_239 = tpu.assume_multiple %multiple_of3A_238, 32 : i32
      %dma_wait3A_240 = arith.constant 0 : i32
      %dma_wait3A_241 = tpu.memref_slice %arg15[%multiple_of3A_239, %dma_wait3A_240] : memref<128x128xf32, #tpu.memory_space<vmem>> -> memref<32x128xf32, #tpu.memory_space<vmem>>
      %dma_wait3A_242 = tpu.memref_slice %arg9[%multiple_of3A_239] : memref<128xi32, #tpu.memory_space<vmem>> -> memref<32xi32, #tpu.memory_space<vmem>>
      %dma_wait3A_243 = arith.constant 0 : i32
      %dma_wait3A_244 = arith.constant 0 : i32
      %dma_wait3A_245 = tpu.memref_slice %arg2[%dma_wait3A_243, %dma_wait3A_244] : memref<10240x128xf32, #tpu.memory_space<hbm>> -> memref<10240x128xf32, #tpu.memory_space<hbm>>
      tpu.wait_indirect_dma semaphore(%arg20 : memref<!tpu.dma_semaphore, #tpu.memory_space<semaphore_mem>>) src(%dma_wait3A_245 : memref<10240x128xf32, #tpu.memory_space<hbm>>) dst(%dma_wait3A_241 : memref<32x128xf32, #tpu.memory_space<vmem>>)
      %get3A_246 = arith.constant 0 : index
      %get3A_247 = tpu.vector_load %arg11[%get3A_246] {strides = array<i32>} : memref<128xi32, #tpu.memory_space<vmem>>, vector<16xi32>,
      %swap3A_248 = arith.constant 0 : index
      %swap3A_249 = tpu.vector_load %arg13[%swap3A_248] {strides = array<i32>} : memref<128xi32, #tpu.memory_space<vmem>>, vector<16xi32>,
      tpu.vector_store %arg13[%swap3A_248], %get3A_247 {strides = array<i32>} : memref<128xi32, #tpu.memory_space<vmem>>, vector<16xi32>,
      %get3A_250 = arith.constant 16 : index
      %get3A_251 = tpu.vector_load %arg11[%get3A_250] {strides = array<i32>} : memref<128xi32, #tpu.memory_space<vmem>>, vector<16xi32>,
      %swap3A_252 = arith.constant 16 : index
      %swap3A_253 = tpu.vector_load %arg13[%swap3A_252] {strides = array<i32>} : memref<128xi32, #tpu.memory_space<vmem>>, vector<16xi32>,
      tpu.vector_store %arg13[%swap3A_252], %get3A_251 {strides = array<i32>} : memref<128xi32, #tpu.memory_space<vmem>>, vector<16xi32>,
      %get3A_254 = arith.constant 32 : index
      %get3A_255 = tpu.vector_load %arg11[%get3A_254] {strides = array<i32>} : memref<128xi32, #tpu.memory_space<vmem>>, vector<16xi32>,
      %swap3A_256 = arith.constant 32 : index
      %swap3A_257 = tpu.vector_load %arg13[%swap3A_256] {strides = array<i32>} : memref<128xi32, #tpu.memory_space<vmem>>, vector<16xi32>,
      tpu.vector_store %arg13[%swap3A_256], %get3A_255 {strides = array<i32>} : memref<128xi32, #tpu.memory_space<vmem>>, vector<16xi32>,
      %get3A_258 = arith.constant 48 : index
      %get3A_259 = tpu.vector_load %arg11[%get3A_258] {strides = array<i32>} : memref<128xi32, #tpu.memory_space<vmem>>, vector<16xi32>,
      %swap3A_260 = arith.constant 48 : index
      %swap3A_261 = tpu.vector_load %arg13[%swap3A_260] {strides = array<i32>} : memref<128xi32, #tpu.memory_space<vmem>>, vector<16xi32>,
      tpu.vector_store %arg13[%swap3A_260], %get3A_259 {strides = array<i32>} : memref<128xi32, #tpu.memory_space<vmem>>, vector<16xi32>,
      %get3A_262 = arith.constant 64 : index
      %get3A_263 = tpu.vector_load %arg11[%get3A_262] {strides = array<i32>} : memref<128xi32, #tpu.memory_space<vmem>>, vector<16xi32>,
      %swap3A_264 = arith.constant 64 : index
      %swap3A_265 = tpu.vector_load %arg13[%swap3A_264] {strides = array<i32>} : memref<128xi32, #tpu.memory_space<vmem>>, vector<16xi32>,
      tpu.vector_store %arg13[%swap3A_264], %get3A_263 {strides = array<i32>} : memref<128xi32, #tpu.memory_space<vmem>>, vector<16xi32>,
      %get3A_266 = arith.constant 80 : index
      %get3A_267 = tpu.vector_load %arg11[%get3A_266] {strides = array<i32>} : memref<128xi32, #tpu.memory_space<vmem>>, vector<16xi32>,
      %swap3A_268 = arith.constant 80 : index
      %swap3A_269 = tpu.vector_load %arg13[%swap3A_268] {strides = array<i32>} : memref<128xi32, #tpu.memory_space<vmem>>, vector<16xi32>,
      tpu.vector_store %arg13[%swap3A_268], %get3A_267 {strides = array<i32>} : memref<128xi32, #tpu.memory_space<vmem>>, vector<16xi32>,
      %get3A_270 = arith.constant 96 : index
      %get3A_271 = tpu.vector_load %arg11[%get3A_270] {strides = array<i32>} : memref<128xi32, #tpu.memory_space<vmem>>, vector<16xi32>,
      %swap3A_272 = arith.constant 96 : index
      %swap3A_273 = tpu.vector_load %arg13[%swap3A_272] {strides = array<i32>} : memref<128xi32, #tpu.memory_space<vmem>>, vector<16xi32>,
      tpu.vector_store %arg13[%swap3A_272], %get3A_271 {strides = array<i32>} : memref<128xi32, #tpu.memory_space<vmem>>, vector<16xi32>,
      %get3A_274 = arith.constant 112 : index
      %get3A_275 = tpu.vector_load %arg11[%get3A_274] {strides = array<i32>} : memref<128xi32, #tpu.memory_space<vmem>>, vector<16xi32>,
      %swap3A_276 = arith.constant 112 : index
      %swap3A_277 = tpu.vector_load %arg13[%swap3A_276] {strides = array<i32>} : memref<128xi32, #tpu.memory_space<vmem>>, vector<16xi32>,
      tpu.vector_store %arg13[%swap3A_276], %get3A_275 {strides = array<i32>} : memref<128xi32, #tpu.memory_space<vmem>>, vector<16xi32>,
      %dma_start3A_278 = arith.constant 0 : i32
      %dma_start3A_279 = arith.constant 0 : i32
      %dma_start3A_280 = tpu.memref_slice %arg16[%dma_start3A_278, %dma_start3A_279] : memref<5248x128xf32, #tpu.memory_space<vmem_shared>> -> memref<5248x128xf32, #tpu.memory_space<vmem_shared>>
      tpu.enqueue_indirect_dma source(%arg15 : memref<128x128xf32, #tpu.memory_space<vmem>>) target(%dma_start3A_280 : memref<5248x128xf32, #tpu.memory_space<vmem_shared>>) offsets(%arg13 : memref<128xi32, #tpu.memory_space<vmem>>) semaphore(%arg22 : memref<!tpu.dma_semaphore, #tpu.memory_space<semaphore_mem>>) {add = true}
      %convert_element_type3A_281 = arith.extui %lt3A : i1 to i32
      %cond3A_282 = arith.constant 0 : i32
      %cond3A_283 = arith.cmpi ne, %convert_element_type3A_281, %cond3A_282 : i32
      scf.if %cond3A_283 {
        %add3A_284 = arith.constant 3 : i32
        %add3A_285 = arith.addi %mul3A_101, %add3A_284 : i32
        %mul3A_286 = arith.constant 128 : i32
        %mul3A_287 = arith.muli %add3A_285, %mul3A_286 : i32
        %add3A_288 = arith.addi %mul3A_28, %mul3A_287 : i32
        %multiple_of3A_289 = tpu.assume_multiple %add3A_288, 128 : i32
        %dma_start3A_290 = tpu.memref_slice %arg3[%multiple_of3A_289] : memref<10502144xi32, #tpu.memory_space<hbm>> -> memref<128xi32, #tpu.memory_space<hbm>>
        %dma_start3A_291 = tpu.memref_slice %arg3[%multiple_of3A_289] : memref<10502144xi32, #tpu.memory_space<hbm>> -> memref<128xi32, #tpu.memory_space<hbm>>
        tpu.enqueue_dma source(%dma_start3A_291 : memref<128xi32, #tpu.memory_space<hbm>>) target(%arg9 : memref<128xi32, #tpu.memory_space<vmem>>) target_semaphore(%arg18 : memref<!tpu.dma_semaphore, #tpu.memory_space<semaphore_mem>>)
        %dma_start3A_292 = tpu.memref_slice %arg4[%multiple_of3A_289] : memref<10502144xi32, #tpu.memory_space<hbm>> -> memref<128xi32, #tpu.memory_space<hbm>>
        %dma_start3A_293 = tpu.memref_slice %arg4[%multiple_of3A_289] : memref<10502144xi32, #tpu.memory_space<hbm>> -> memref<128xi32, #tpu.memory_space<hbm>>
        tpu.enqueue_dma source(%dma_start3A_293 : memref<128xi32, #tpu.memory_space<hbm>>) target(%arg11 : memref<128xi32, #tpu.memory_space<vmem>>) target_semaphore(%arg18 : memref<!tpu.dma_semaphore, #tpu.memory_space<semaphore_mem>>)
        %dma_wait3A_294 = arith.constant 0 : i32
        %dma_wait3A_295 = arith.constant 0 : i32
        %dma_wait3A_296 = tpu.memref_slice %arg16[%dma_wait3A_294, %dma_wait3A_295] : memref<5248x128xf32, #tpu.memory_space<vmem_shared>> -> memref<5248x128xf32, #tpu.memory_space<vmem_shared>>
        tpu.wait_indirect_dma semaphore(%arg21 : memref<!tpu.dma_semaphore, #tpu.memory_space<semaphore_mem>>) src(%arg14 : memref<128x128xf32, #tpu.memory_space<vmem>>) dst(%dma_wait3A_296 : memref<5248x128xf32, #tpu.memory_space<vmem_shared>>)
        %dma_wait3A_297 = arith.constant 0 : i32
        %dma_wait3A_298 = tpu.memref_slice %arg3[%dma_wait3A_297] : memref<10502144xi32, #tpu.memory_space<hbm>> -> memref<128xi32, #tpu.memory_space<hbm>>
        %dma_wait3A_299 = arith.constant 0 : i32
        %dma_wait3A_300 = tpu.memref_slice %arg3[%dma_wait3A_299] : memref<10502144xi32, #tpu.memory_space<hbm>> -> memref<128xi32, #tpu.memory_space<hbm>>
        tpu.wait_dma2 semaphore(%arg17 : memref<!tpu.dma_semaphore, #tpu.memory_space<semaphore_mem>>) src(%dma_wait3A_300 : memref<128xi32, #tpu.memory_space<hbm>>) dst(%arg8 : memref<128xi32, #tpu.memory_space<vmem>>)
        %dma_wait3A_301 = arith.constant 0 : i32
        %dma_wait3A_302 = tpu.memref_slice %arg3[%dma_wait3A_301] : memref<10502144xi32, #tpu.memory_space<hbm>> -> memref<128xi32, #tpu.memory_space<hbm>>
        %dma_wait3A_303 = arith.constant 0 : i32
        %dma_wait3A_304 = tpu.memref_slice %arg3[%dma_wait3A_303] : memref<10502144xi32, #tpu.memory_space<hbm>> -> memref<128xi32, #tpu.memory_space<hbm>>
        tpu.wait_dma2 semaphore(%arg17 : memref<!tpu.dma_semaphore, #tpu.memory_space<semaphore_mem>>) src(%dma_wait3A_304 : memref<128xi32, #tpu.memory_space<hbm>>) dst(%arg10 : memref<128xi32, #tpu.memory_space<vmem>>)
        %multiple_of3A_305 = arith.constant 0 : i32
        %multiple_of3A_306 = tpu.assume_multiple %multiple_of3A_305, 32 : i32
        %dma_start3A_307 = arith.constant 0 : i32
        %dma_start3A_308 = tpu.memref_slice %arg14[%multiple_of3A_306, %dma_start3A_307] : memref<128x128xf32, #tpu.memory_space<vmem>> -> memref<32x128xf32, #tpu.memory_space<vmem>>
        %dma_start3A_309 = tpu.memref_slice %arg8[%multiple_of3A_306] : memref<128xi32, #tpu.memory_space<vmem>> -> memref<32xi32, #tpu.memory_space<vmem>>
        %dma_start3A_310 = arith.constant 0 : i32
        %dma_start3A_311 = arith.constant 0 : i32
        %dma_start3A_312 = tpu.memref_slice %arg2[%dma_start3A_310, %dma_start3A_311] : memref<10240x128xf32, #tpu.memory_space<hbm>> -> memref<10240x128xf32, #tpu.memory_space<hbm>>
        tpu.enqueue_indirect_dma source(%dma_start3A_312 : memref<10240x128xf32, #tpu.memory_space<hbm>>) target(%dma_start3A_308 : memref<32x128xf32, #tpu.memory_space<vmem>>) offsets(%dma_start3A_309 : memref<32xi32, #tpu.memory_space<vmem>>) semaphore(%arg19 : memref<!tpu.dma_semaphore, #tpu.memory_space<semaphore_mem>>)
        %multiple_of3A_313 = arith.constant 32 : i32
        %multiple_of3A_314 = tpu.assume_multiple %multiple_of3A_313, 32 : i32
        %dma_start3A_315 = arith.constant 0 : i32
        %dma_start3A_316 = tpu.memref_slice %arg14[%multiple_of3A_314, %dma_start3A_315] : memref<128x128xf32, #tpu.memory_space<vmem>> -> memref<32x128xf32, #tpu.memory_space<vmem>>
        %dma_start3A_317 = tpu.memref_slice %arg8[%multiple_of3A_314] : memref<128xi32, #tpu.memory_space<vmem>> -> memref<32xi32, #tpu.memory_space<vmem>>
        %dma_start3A_318 = arith.constant 0 : i32
        %dma_start3A_319 = arith.constant 0 : i32
        %dma_start3A_320 = tpu.memref_slice %arg2[%dma_start3A_318, %dma_start3A_319] : memref<10240x128xf32, #tpu.memory_space<hbm>> -> memref<10240x128xf32, #tpu.memory_space<hbm>>
        tpu.enqueue_indirect_dma source(%dma_start3A_320 : memref<10240x128xf32, #tpu.memory_space<hbm>>) target(%dma_start3A_316 : memref<32x128xf32, #tpu.memory_space<vmem>>) offsets(%dma_start3A_317 : memref<32xi32, #tpu.memory_space<vmem>>) semaphore(%arg19 : memref<!tpu.dma_semaphore, #tpu.memory_space<semaphore_mem>>)
        %multiple_of3A_321 = arith.constant 64 : i32
        %multiple_of3A_322 = tpu.assume_multiple %multiple_of3A_321, 32 : i32
        %dma_start3A_323 = arith.constant 0 : i32
        %dma_start3A_324 = tpu.memref_slice %arg14[%multiple_of3A_322, %dma_start3A_323] : memref<128x128xf32, #tpu.memory_space<vmem>> -> memref<32x128xf32, #tpu.memory_space<vmem>>
        %dma_start3A_325 = tpu.memref_slice %arg8[%multiple_of3A_322] : memref<128xi32, #tpu.memory_space<vmem>> -> memref<32xi32, #tpu.memory_space<vmem>>
        %dma_start3A_326 = arith.constant 0 : i32
        %dma_start3A_327 = arith.constant 0 : i32
        %dma_start3A_328 = tpu.memref_slice %arg2[%dma_start3A_326, %dma_start3A_327] : memref<10240x128xf32, #tpu.memory_space<hbm>> -> memref<10240x128xf32, #tpu.memory_space<hbm>>
        tpu.enqueue_indirect_dma source(%dma_start3A_328 : memref<10240x128xf32, #tpu.memory_space<hbm>>) target(%dma_start3A_324 : memref<32x128xf32, #tpu.memory_space<vmem>>) offsets(%dma_start3A_325 : memref<32xi32, #tpu.memory_space<vmem>>) semaphore(%arg19 : memref<!tpu.dma_semaphore, #tpu.memory_space<semaphore_mem>>)
        %multiple_of3A_329 = arith.constant 96 : i32
        %multiple_of3A_330 = tpu.assume_multiple %multiple_of3A_329, 32 : i32
        %dma_start3A_331 = arith.constant 0 : i32
        %dma_start3A_332 = tpu.memref_slice %arg14[%multiple_of3A_330, %dma_start3A_331] : memref<128x128xf32, #tpu.memory_space<vmem>> -> memref<32x128xf32, #tpu.memory_space<vmem>>
        %dma_start3A_333 = tpu.memref_slice %arg8[%multiple_of3A_330] : memref<128xi32, #tpu.memory_space<vmem>> -> memref<32xi32, #tpu.memory_space<vmem>>
        %dma_start3A_334 = arith.constant 0 : i32
        %dma_start3A_335 = arith.constant 0 : i32
        %dma_start3A_336 = tpu.memref_slice %arg2[%dma_start3A_334, %dma_start3A_335] : memref<10240x128xf32, #tpu.memory_space<hbm>> -> memref<10240x128xf32, #tpu.memory_space<hbm>>
        tpu.enqueue_indirect_dma source(%dma_start3A_336 : memref<10240x128xf32, #tpu.memory_space<hbm>>) target(%dma_start3A_332 : memref<32x128xf32, #tpu.memory_space<vmem>>) offsets(%dma_start3A_333 : memref<32xi32, #tpu.memory_space<vmem>>) semaphore(%arg19 : memref<!tpu.dma_semaphore, #tpu.memory_space<semaphore_mem>>)
      } else {
      }
    }
    %while3A_89 = arith.constant 1 : i32
    scf.for %while3A_99 = %while3A_87 to %while3A_83 step %while3A_89  : i32 {
      %mul3A_100 = arith.constant 2 : i32
      %mul3A_101 = arith.muli %while3A_99, %mul3A_100 : i32
      %dma_wait3A_102 = arith.constant 0 : i32
      %dma_wait3A_103 = tpu.memref_slice %arg3[%dma_wait3A_102] : memref<10502144xi32, #tpu.memory_space<hbm>> -> memref<128xi32, #tpu.memory_space<hbm>>
      %dma_wait3A_104 = arith.constant 0 : i32
      %dma_wait3A_105 = tpu.memref_slice %arg3[%dma_wait3A_104] : memref<10502144xi32, #tpu.memory_space<hbm>> -> memref<128xi32, #tpu.memory_space<hbm>>
      tpu.wait_dma2 semaphore(%arg18 : memref<!tpu.dma_semaphore, #tpu.memory_space<semaphore_mem>>) src(%dma_wait3A_105 : memref<128xi32, #tpu.memory_space<hbm>>) dst(%arg9 : memref<128xi32, #tpu.memory_space<vmem>>)
      %dma_wait3A_106 = arith.constant 0 : i32
      %dma_wait3A_107 = tpu.memref_slice %arg3[%dma_wait3A_106] : memref<10502144xi32, #tpu.memory_space<hbm>> -> memref<128xi32, #tpu.memory_space<hbm>>
      %dma_wait3A_108 = arith.constant 0 : i32
      %dma_wait3A_109 = tpu.memref_slice %arg3[%dma_wait3A_108] : memref<10502144xi32, #tpu.memory_space<hbm>> -> memref<128xi32, #tpu.memory_space<hbm>>
      tpu.wait_dma2 semaphore(%arg18 : memref<!tpu.dma_semaphore, #tpu.memory_space<semaphore_mem>>) src(%dma_wait3A_109 : memref<128xi32, #tpu.memory_space<hbm>>) dst(%arg11 : memref<128xi32, #tpu.memory_space<vmem>>)
      %gt3A = arith.constant 0 : i32
      %gt3A_110 = arith.cmpi sgt, %while3A_99, %gt3A : i32
      %convert_element_type3A = arith.extui %gt3A_110 : i1 to i32
      %cond3A = arith.constant 0 : i32
      %cond3A_111 = arith.cmpi ne, %convert_element_type3A, %cond3A : i32
      scf.if %cond3A_111 {
        %dma_wait3A_284 = arith.constant 0 : i32
        %dma_wait3A_285 = arith.constant 0 : i32
        %dma_wait3A_286 = tpu.memref_slice %arg16[%dma_wait3A_284, %dma_wait3A_285] : memref<5248x128xf32, #tpu.memory_space<vmem_shared>> -> memref<5248x128xf32, #tpu.memory_space<vmem_shared>>
        tpu.wait_indirect_dma semaphore(%arg22 : memref<!tpu.dma_semaphore, #tpu.memory_space<semaphore_mem>>) src(%arg15 : memref<128x128xf32, #tpu.memory_space<vmem>>) dst(%dma_wait3A_286 : memref<5248x128xf32, #tpu.memory_space<vmem_shared>>)
      } else {
      }
      %multiple_of3A_112 = arith.constant 0 : i32
      %multiple_of3A_113 = tpu.assume_multiple %multiple_of3A_112, 32 : i32
      %dma_start3A_114 = arith.constant 0 : i32
      %dma_start3A_115 = tpu.memref_slice %arg15[%multiple_of3A_113, %dma_start3A_114] : memref<128x128xf32, #tpu.memory_space<vmem>> -> memref<32x128xf32, #tpu.memory_space<vmem>>
      %dma_start3A_116 = tpu.memref_slice %arg9[%multiple_of3A_113] : memref<128xi32, #tpu.memory_space<vmem>> -> memref<32xi32, #tpu.memory_space<vmem>>
      %dma_start3A_117 = arith.constant 0 : i32
      %dma_start3A_118 = arith.constant 0 : i32
      %dma_start3A_119 = tpu.memref_slice %arg2[%dma_start3A_117, %dma_start3A_118] : memref<10240x128xf32, #tpu.memory_space<hbm>> -> memref<10240x128xf32, #tpu.memory_space<hbm>>
      tpu.enqueue_indirect_dma source(%dma_start3A_119 : memref<10240x128xf32, #tpu.memory_space<hbm>>) target(%dma_start3A_115 : memref<32x128xf32, #tpu.memory_space<vmem>>) offsets(%dma_start3A_116 : memref<32xi32, #tpu.memory_space<vmem>>) semaphore(%arg20 : memref<!tpu.dma_semaphore, #tpu.memory_space<semaphore_mem>>)
      %multiple_of3A_120 = arith.constant 32 : i32
      %multiple_of3A_121 = tpu.assume_multiple %multiple_of3A_120, 32 : i32
      %dma_start3A_122 = arith.constant 0 : i32
      %dma_start3A_123 = tpu.memref_slice %arg15[%multiple_of3A_121, %dma_start3A_122] : memref<128x128xf32, #tpu.memory_space<vmem>> -> memref<32x128xf32, #tpu.memory_space<vmem>>
      %dma_start3A_124 = tpu.memref_slice %arg9[%multiple_of3A_121] : memref<128xi32, #tpu.memory_space<vmem>> -> memref<32xi32, #tpu.memory_space<vmem>>
      %dma_start3A_125 = arith.constant 0 : i32
      %dma_start3A_126 = arith.constant 0 : i32
      %dma_start3A_127 = tpu.memref_slice %arg2[%dma_start3A_125, %dma_start3A_126] : memref<10240x128xf32, #tpu.memory_space<hbm>> -> memref<10240x128xf32, #tpu.memory_space<hbm>>
      tpu.enqueue_indirect_dma source(%dma_start3A_127 : memref<10240x128xf32, #tpu.memory_space<hbm>>) target(%dma_start3A_123 : memref<32x128xf32, #tpu.memory_space<vmem>>) offsets(%dma_start3A_124 : memref<32xi32, #tpu.memory_space<vmem>>) semaphore(%arg20 : memref<!tpu.dma_semaphore, #tpu.memory_space<semaphore_mem>>)
      %multiple_of3A_128 = arith.constant 64 : i32
      %multiple_of3A_129 = tpu.assume_multiple %multiple_of3A_128, 32 : i32
      %dma_start3A_130 = arith.constant 0 : i32
      %dma_start3A_131 = tpu.memref_slice %arg15[%multiple_of3A_129, %dma_start3A_130] : memref<128x128xf32, #tpu.memory_space<vmem>> -> memref<32x128xf32, #tpu.memory_space<vmem>>
      %dma_start3A_132 = tpu.memref_slice %arg9[%multiple_of3A_129] : memref<128xi32, #tpu.memory_space<vmem>> -> memref<32xi32, #tpu.memory_space<vmem>>
      %dma_start3A_133 = arith.constant 0 : i32
      %dma_start3A_134 = arith.constant 0 : i32
      %dma_start3A_135 = tpu.memref_slice %arg2[%dma_start3A_133, %dma_start3A_134] : memref<10240x128xf32, #tpu.memory_space<hbm>> -> memref<10240x128xf32, #tpu.memory_space<hbm>>
      tpu.enqueue_indirect_dma source(%dma_start3A_135 : memref<10240x128xf32, #tpu.memory_space<hbm>>) target(%dma_start3A_131 : memref<32x128xf32, #tpu.memory_space<vmem>>) offsets(%dma_start3A_132 : memref<32xi32, #tpu.memory_space<vmem>>) semaphore(%arg20 : memref<!tpu.dma_semaphore, #tpu.memory_space<semaphore_mem>>)
      %multiple_of3A_136 = arith.constant 96 : i32
      %multiple_of3A_137 = tpu.assume_multiple %multiple_of3A_136, 32 : i32
      %dma_start3A_138 = arith.constant 0 : i32
      %dma_start3A_139 = tpu.memref_slice %arg15[%multiple_of3A_137, %dma_start3A_138] : memref<128x128xf32, #tpu.memory_space<vmem>> -> memref<32x128xf32, #tpu.memory_space<vmem>>
      %dma_start3A_140 = tpu.memref_slice %arg9[%multiple_of3A_137] : memref<128xi32, #tpu.memory_space<vmem>> -> memref<32xi32, #tpu.memory_space<vmem>>
      %dma_start3A_141 = arith.constant 0 : i32
      %dma_start3A_142 = arith.constant 0 : i32
      %dma_start3A_143 = tpu.memref_slice %arg2[%dma_start3A_141, %dma_start3A_142] : memref<10240x128xf32, #tpu.memory_space<hbm>> -> memref<10240x128xf32, #tpu.memory_space<hbm>>
      tpu.enqueue_indirect_dma source(%dma_start3A_143 : memref<10240x128xf32, #tpu.memory_space<hbm>>) target(%dma_start3A_139 : memref<32x128xf32, #tpu.memory_space<vmem>>) offsets(%dma_start3A_140 : memref<32xi32, #tpu.memory_space<vmem>>) semaphore(%arg20 : memref<!tpu.dma_semaphore, #tpu.memory_space<semaphore_mem>>)
      %multiple_of3A_144 = arith.constant 0 : i32
      %multiple_of3A_145 = tpu.assume_multiple %multiple_of3A_144, 32 : i32
      %dma_wait3A_146 = arith.constant 0 : i32
      %dma_wait3A_147 = tpu.memref_slice %arg14[%multiple_of3A_145, %dma_wait3A_146] : memref<128x128xf32, #tpu.memory_space<vmem>> -> memref<32x128xf32, #tpu.memory_space<vmem>>
      %dma_wait3A_148 = tpu.memref_slice %arg8[%multiple_of3A_145] : memref<128xi32, #tpu.memory_space<vmem>> -> memref<32xi32, #tpu.memory_space<vmem>>
      %dma_wait3A_149 = arith.constant 0 : i32
      %dma_wait3A_150 = arith.constant 0 : i32
      %dma_wait3A_151 = tpu.memref_slice %arg2[%dma_wait3A_149, %dma_wait3A_150] : memref<10240x128xf32, #tpu.memory_space<hbm>> -> memref<10240x128xf32, #tpu.memory_space<hbm>>
      tpu.wait_indirect_dma semaphore(%arg19 : memref<!tpu.dma_semaphore, #tpu.memory_space<semaphore_mem>>) src(%dma_wait3A_151 : memref<10240x128xf32, #tpu.memory_space<hbm>>) dst(%dma_wait3A_147 : memref<32x128xf32, #tpu.memory_space<vmem>>)
      %multiple_of3A_152 = arith.constant 32 : i32
      %multiple_of3A_153 = tpu.assume_multiple %multiple_of3A_152, 32 : i32
      %dma_wait3A_154 = arith.constant 0 : i32
      %dma_wait3A_155 = tpu.memref_slice %arg14[%multiple_of3A_153, %dma_wait3A_154] : memref<128x128xf32, #tpu.memory_space<vmem>> -> memref<32x128xf32, #tpu.memory_space<vmem>>
      %dma_wait3A_156 = tpu.memref_slice %arg8[%multiple_of3A_153] : memref<128xi32, #tpu.memory_space<vmem>> -> memref<32xi32, #tpu.memory_space<vmem>>
      %dma_wait3A_157 = arith.constant 0 : i32
      %dma_wait3A_158 = arith.constant 0 : i32
      %dma_wait3A_159 = tpu.memref_slice %arg2[%dma_wait3A_157, %dma_wait3A_158] : memref<10240x128xf32, #tpu.memory_space<hbm>> -> memref<10240x128xf32, #tpu.memory_space<hbm>>
      tpu.wait_indirect_dma semaphore(%arg19 : memref<!tpu.dma_semaphore, #tpu.memory_space<semaphore_mem>>) src(%dma_wait3A_159 : memref<10240x128xf32, #tpu.memory_space<hbm>>) dst(%dma_wait3A_155 : memref<32x128xf32, #tpu.memory_space<vmem>>)
      %multiple_of3A_160 = arith.constant 64 : i32
      %multiple_of3A_161 = tpu.assume_multiple %multiple_of3A_160, 32 : i32
      %dma_wait3A_162 = arith.constant 0 : i32
      %dma_wait3A_163 = tpu.memref_slice %arg14[%multiple_of3A_161, %dma_wait3A_162] : memref<128x128xf32, #tpu.memory_space<vmem>> -> memref<32x128xf32, #tpu.memory_space<vmem>>
      %dma_wait3A_164 = tpu.memref_slice %arg8[%multiple_of3A_161] : memref<128xi32, #tpu.memory_space<vmem>> -> memref<32xi32, #tpu.memory_space<vmem>>
      %dma_wait3A_165 = arith.constant 0 : i32
      %dma_wait3A_166 = arith.constant 0 : i32
      %dma_wait3A_167 = tpu.memref_slice %arg2[%dma_wait3A_165, %dma_wait3A_166] : memref<10240x128xf32, #tpu.memory_space<hbm>> -> memref<10240x128xf32, #tpu.memory_space<hbm>>
      tpu.wait_indirect_dma semaphore(%arg19 : memref<!tpu.dma_semaphore, #tpu.memory_space<semaphore_mem>>) src(%dma_wait3A_167 : memref<10240x128xf32, #tpu.memory_space<hbm>>) dst(%dma_wait3A_163 : memref<32x128xf32, #tpu.memory_space<vmem>>)
      %multiple_of3A_168 = arith.constant 96 : i32
      %multiple_of3A_169 = tpu.assume_multiple %multiple_of3A_168, 32 : i32
      %dma_wait3A_170 = arith.constant 0 : i32
      %dma_wait3A_171 = tpu.memref_slice %arg14[%multiple_of3A_169, %dma_wait3A_170] : memref<128x128xf32, #tpu.memory_space<vmem>> -> memref<32x128xf32, #tpu.memory_space<vmem>>
      %dma_wait3A_172 = tpu.memref_slice %arg8[%multiple_of3A_169] : memref<128xi32, #tpu.memory_space<vmem>> -> memref<32xi32, #tpu.memory_space<vmem>>
      %dma_wait3A_173 = arith.constant 0 : i32
      %dma_wait3A_174 = arith.constant 0 : i32
      %dma_wait3A_175 = tpu.memref_slice %arg2[%dma_wait3A_173, %dma_wait3A_174] : memref<10240x128xf32, #tpu.memory_space<hbm>> -> memref<10240x128xf32, #tpu.memory_space<hbm>>
      tpu.wait_indirect_dma semaphore(%arg19 : memref<!tpu.dma_semaphore, #tpu.memory_space<semaphore_mem>>) src(%dma_wait3A_175 : memref<10240x128xf32, #tpu.memory_space<hbm>>) dst(%dma_wait3A_171 : memref<32x128xf32, #tpu.memory_space<vmem>>)
      %get3A_176 = arith.constant 0 : index
      %get3A_177 = tpu.vector_load %arg10[%get3A_176] {strides = array<i32>} : memref<128xi32, #tpu.memory_space<vmem>>, vector<16xi32>,
      %swap3A = arith.constant 0 : index
      %swap3A_178 = tpu.vector_load %arg12[%swap3A] {strides = array<i32>} : memref<128xi32, #tpu.memory_space<vmem>>, vector<16xi32>,
      tpu.vector_store %arg12[%swap3A], %get3A_177 {strides = array<i32>} : memref<128xi32, #tpu.memory_space<vmem>>, vector<16xi32>,
      %get3A_179 = arith.constant 16 : index
      %get3A_180 = tpu.vector_load %arg10[%get3A_179] {strides = array<i32>} : memref<128xi32, #tpu.memory_space<vmem>>, vector<16xi32>,
      %swap3A_181 = arith.constant 16 : index
      %swap3A_182 = tpu.vector_load %arg12[%swap3A_181] {strides = array<i32>} : memref<128xi32, #tpu.memory_space<vmem>>, vector<16xi32>,
      tpu.vector_store %arg12[%swap3A_181], %get3A_180 {strides = array<i32>} : memref<128xi32, #tpu.memory_space<vmem>>, vector<16xi32>,
      %get3A_183 = arith.constant 32 : index
      %get3A_184 = tpu.vector_load %arg10[%get3A_183] {strides = array<i32>} : memref<128xi32, #tpu.memory_space<vmem>>, vector<16xi32>,
      %swap3A_185 = arith.constant 32 : index
      %swap3A_186 = tpu.vector_load %arg12[%swap3A_185] {strides = array<i32>} : memref<128xi32, #tpu.memory_space<vmem>>, vector<16xi32>,
      tpu.vector_store %arg12[%swap3A_185], %get3A_184 {strides = array<i32>} : memref<128xi32, #tpu.memory_space<vmem>>, vector<16xi32>,
      %get3A_187 = arith.constant 48 : index
      %get3A_188 = tpu.vector_load %arg10[%get3A_187] {strides = array<i32>} : memref<128xi32, #tpu.memory_space<vmem>>, vector<16xi32>,
      %swap3A_189 = arith.constant 48 : index
      %swap3A_190 = tpu.vector_load %arg12[%swap3A_189] {strides = array<i32>} : memref<128xi32, #tpu.memory_space<vmem>>, vector<16xi32>,
      tpu.vector_store %arg12[%swap3A_189], %get3A_188 {strides = array<i32>} : memref<128xi32, #tpu.memory_space<vmem>>, vector<16xi32>,
      %get3A_191 = arith.constant 64 : index
      %get3A_192 = tpu.vector_load %arg10[%get3A_191] {strides = array<i32>} : memref<128xi32, #tpu.memory_space<vmem>>, vector<16xi32>,
      %swap3A_193 = arith.constant 64 : index
      %swap3A_194 = tpu.vector_load %arg12[%swap3A_193] {strides = array<i32>} : memref<128xi32, #tpu.memory_space<vmem>>, vector<16xi32>,
      tpu.vector_store %arg12[%swap3A_193], %get3A_192 {strides = array<i32>} : memref<128xi32, #tpu.memory_space<vmem>>, vector<16xi32>,
      %get3A_195 = arith.constant 80 : index
      %get3A_196 = tpu.vector_load %arg10[%get3A_195] {strides = array<i32>} : memref<128xi32, #tpu.memory_space<vmem>>, vector<16xi32>,
      %swap3A_197 = arith.constant 80 : index
      %swap3A_198 = tpu.vector_load %arg12[%swap3A_197] {strides = array<i32>} : memref<128xi32, #tpu.memory_space<vmem>>, vector<16xi32>,
      tpu.vector_store %arg12[%swap3A_197], %get3A_196 {strides = array<i32>} : memref<128xi32, #tpu.memory_space<vmem>>, vector<16xi32>,
      %get3A_199 = arith.constant 96 : index
      %get3A_200 = tpu.vector_load %arg10[%get3A_199] {strides = array<i32>} : memref<128xi32, #tpu.memory_space<vmem>>, vector<16xi32>,
      %swap3A_201 = arith.constant 96 : index
      %swap3A_202 = tpu.vector_load %arg12[%swap3A_201] {strides = array<i32>} : memref<128xi32, #tpu.memory_space<vmem>>, vector<16xi32>,
      tpu.vector_store %arg12[%swap3A_201], %get3A_200 {strides = array<i32>} : memref<128xi32, #tpu.memory_space<vmem>>, vector<16xi32>,
      %get3A_203 = arith.constant 112 : index
      %get3A_204 = tpu.vector_load %arg10[%get3A_203] {strides = array<i32>} : memref<128xi32, #tpu.memory_space<vmem>>, vector<16xi32>,
      %swap3A_205 = arith.constant 112 : index
      %swap3A_206 = tpu.vector_load %arg12[%swap3A_205] {strides = array<i32>} : memref<128xi32, #tpu.memory_space<vmem>>, vector<16xi32>,
      tpu.vector_store %arg12[%swap3A_205], %get3A_204 {strides = array<i32>} : memref<128xi32, #tpu.memory_space<vmem>>, vector<16xi32>,
      %dma_start3A_207 = arith.constant 0 : i32
      %dma_start3A_208 = arith.constant 0 : i32
      %dma_start3A_209 = tpu.memref_slice %arg16[%dma_start3A_207, %dma_start3A_208] : memref<5248x128xf32, #tpu.memory_space<vmem_shared>> -> memref<5248x128xf32, #tpu.memory_space<vmem_shared>>
      tpu.enqueue_indirect_dma source(%arg14 : memref<128x128xf32, #tpu.memory_space<vmem>>) target(%dma_start3A_209 : memref<5248x128xf32, #tpu.memory_space<vmem_shared>>) offsets(%arg12 : memref<128xi32, #tpu.memory_space<vmem>>) semaphore(%arg21 : memref<!tpu.dma_semaphore, #tpu.memory_space<semaphore_mem>>) {add = true}
      %sub3A = arith.constant 1 : i32
      %sub3A_210 = arith.subi %shift_right_logical3A_26, %sub3A : i32
      %lt3A = arith.cmpi slt, %while3A_99, %sub3A_210 : i32
      %convert_element_type3A_211 = arith.extui %lt3A : i1 to i32
      %cond3A_212 = arith.constant 0 : i32
      %cond3A_213 = arith.cmpi ne, %convert_element_type3A_211, %cond3A_212 : i32
      scf.if %cond3A_213 {
        %add3A_284 = arith.constant 2 : i32
        %add3A_285 = arith.addi %mul3A_101, %add3A_284 : i32
        %mul3A_286 = arith.constant 128 : i32
        %mul3A_287 = arith.muli %add3A_285, %mul3A_286 : i32
        %add3A_288 = arith.addi %mul3A_28, %mul3A_287 : i32
        %multiple_of3A_289 = tpu.assume_multiple %add3A_288, 128 : i32
        %dma_start3A_290 = tpu.memref_slice %arg3[%multiple_of3A_289] : memref<10502144xi32, #tpu.memory_space<hbm>> -> memref<128xi32, #tpu.memory_space<hbm>>
        %dma_start3A_291 = tpu.memref_slice %arg3[%multiple_of3A_289] : memref<10502144xi32, #tpu.memory_space<hbm>> -> memref<128xi32, #tpu.memory_space<hbm>>
        tpu.enqueue_dma source(%dma_start3A_291 : memref<128xi32, #tpu.memory_space<hbm>>) target(%arg8 : memref<128xi32, #tpu.memory_space<vmem>>) target_semaphore(%arg17 : memref<!tpu.dma_semaphore, #tpu.memory_space<semaphore_mem>>)
        %dma_start3A_292 = tpu.memref_slice %arg4[%multiple_of3A_289] : memref<10502144xi32, #tpu.memory_space<hbm>> -> memref<128xi32, #tpu.memory_space<hbm>>
        %dma_start3A_293 = tpu.memref_slice %arg4[%multiple_of3A_289] : memref<10502144xi32, #tpu.memory_space<hbm>> -> memref<128xi32, #tpu.memory_space<hbm>>
        tpu.enqueue_dma source(%dma_start3A_293 : memref<128xi32, #tpu.memory_space<hbm>>) target(%arg10 : memref<128xi32, #tpu.memory_space<vmem>>) target_semaphore(%arg17 : memref<!tpu.dma_semaphore, #tpu.memory_space<semaphore_mem>>)
      } else {
      }
      %multiple_of3A_214 = arith.constant 0 : i32
      %multiple_of3A_215 = tpu.assume_multiple %multiple_of3A_214, 32 : i32
      %dma_wait3A_216 = arith.constant 0 : i32
      %dma_wait3A_217 = tpu.memref_slice %arg15[%multiple_of3A_215, %dma_wait3A_216] : memref<128x128xf32, #tpu.memory_space<vmem>> -> memref<32x128xf32, #tpu.memory_space<vmem>>
      %dma_wait3A_218 = tpu.memref_slice %arg9[%multiple_of3A_215] : memref<128xi32, #tpu.memory_space<vmem>> -> memref<32xi32, #tpu.memory_space<vmem>>
      %dma_wait3A_219 = arith.constant 0 : i32
      %dma_wait3A_220 = arith.constant 0 : i32
      %dma_wait3A_221 = tpu.memref_slice %arg2[%dma_wait3A_219, %dma_wait3A_220] : memref<10240x128xf32, #tpu.memory_space<hbm>> -> memref<10240x128xf32, #tpu.memory_space<hbm>>
      tpu.wait_indirect_dma semaphore(%arg20 : memref<!tpu.dma_semaphore, #tpu.memory_space<semaphore_mem>>) src(%dma_wait3A_221 : memref<10240x128xf32, #tpu.memory_space<hbm>>) dst(%dma_wait3A_217 : memref<32x128xf32, #tpu.memory_space<vmem>>)
      %multiple_of3A_222 = arith.constant 32 : i32
      %multiple_of3A_223 = tpu.assume_multiple %multiple_of3A_222, 32 : i32
      %dma_wait3A_224 = arith.constant 0 : i32
      %dma_wait3A_225 = tpu.memref_slice %arg15[%multiple_of3A_223, %dma_wait3A_224] : memref<128x128xf32, #tpu.memory_space<vmem>> -> memref<32x128xf32, #tpu.memory_space<vmem>>
      %dma_wait3A_226 = tpu.memref_slice %arg9[%multiple_of3A_223] : memref<128xi32, #tpu.memory_space<vmem>> -> memref<32xi32, #tpu.memory_space<vmem>>
      %dma_wait3A_227 = arith.constant 0 : i32
      %dma_wait3A_228 = arith.constant 0 : i32
      %dma_wait3A_229 = tpu.memref_slice %arg2[%dma_wait3A_227, %dma_wait3A_228] : memref<10240x128xf32, #tpu.memory_space<hbm>> -> memref<10240x128xf32, #tpu.memory_space<hbm>>
      tpu.wait_indirect_dma semaphore(%arg20 : memref<!tpu.dma_semaphore, #tpu.memory_space<semaphore_mem>>) src(%dma_wait3A_229 : memref<10240x128xf32, #tpu.memory_space<hbm>>) dst(%dma_wait3A_225 : memref<32x128xf32, #tpu.memory_space<vmem>>)
      %multiple_of3A_230 = arith.constant 64 : i32
      %multiple_of3A_231 = tpu.assume_multiple %multiple_of3A_230, 32 : i32
      %dma_wait3A_232 = arith.constant 0 : i32
      %dma_wait3A_233 = tpu.memref_slice %arg15[%multiple_of3A_231, %dma_wait3A_232] : memref<128x128xf32, #tpu.memory_space<vmem>> -> memref<32x128xf32, #tpu.memory_space<vmem>>
      %dma_wait3A_234 = tpu.memref_slice %arg9[%multiple_of3A_231] : memref<128xi32, #tpu.memory_space<vmem>> -> memref<32xi32, #tpu.memory_space<vmem>>
      %dma_wait3A_235 = arith.constant 0 : i32
      %dma_wait3A_236 = arith.constant 0 : i32
      %dma_wait3A_237 = tpu.memref_slice %arg2[%dma_wait3A_235, %dma_wait3A_236] : memref<10240x128xf32, #tpu.memory_space<hbm>> -> memref<10240x128xf32, #tpu.memory_space<hbm>>
      tpu.wait_indirect_dma semaphore(%arg20 : memref<!tpu.dma_semaphore, #tpu.memory_space<semaphore_mem>>) src(%dma_wait3A_237 : memref<10240x128xf32, #tpu.memory_space<hbm>>) dst(%dma_wait3A_233 : memref<32x128xf32, #tpu.memory_space<vmem>>)
      %multiple_of3A_238 = arith.constant 96 : i32
      %multiple_of3A_239 = tpu.assume_multiple %multiple_of3A_238, 32 : i32
      %dma_wait3A_240 = arith.constant 0 : i32
      %dma_wait3A_241 = tpu.memref_slice %arg15[%multiple_of3A_239, %dma_wait3A_240] : memref<128x128xf32, #tpu.memory_space<vmem>> -> memref<32x128xf32, #tpu.memory_space<vmem>>
      %dma_wait3A_242 = tpu.memref_slice %arg9[%multiple_of3A_239] : memref<128xi32, #tpu.memory_space<vmem>> -> memref<32xi32, #tpu.memory_space<vmem>>
      %dma_wait3A_243 = arith.constant 0 : i32
      %dma_wait3A_244 = arith.constant 0 : i32
      %dma_wait3A_245 = tpu.memref_slice %arg2[%dma_wait3A_243, %dma_wait3A_244] : memref<10240x128xf32, #tpu.memory_space<hbm>> -> memref<10240x128xf32, #tpu.memory_space<hbm>>
      tpu.wait_indirect_dma semaphore(%arg20 : memref<!tpu.dma_semaphore, #tpu.memory_space<semaphore_mem>>) src(%dma_wait3A_245 : memref<10240x128xf32, #tpu.memory_space<hbm>>) dst(%dma_wait3A_241 : memref<32x128xf32, #tpu.memory_space<vmem>>)
      %get3A_246 = arith.constant 0 : index
      %get3A_247 = tpu.vector_load %arg11[%get3A_246] {strides = array<i32>} : memref<128xi32, #tpu.memory_space<vmem>>, vector<16xi32>,
      %swap3A_248 = arith.constant 0 : index
      %swap3A_249 = tpu.vector_load %arg13[%swap3A_248] {strides = array<i32>} : memref<128xi32, #tpu.memory_space<vmem>>, vector<16xi32>,
      tpu.vector_store %arg13[%swap3A_248], %get3A_247 {strides = array<i32>} : memref<128xi32, #tpu.memory_space<vmem>>, vector<16xi32>,
      %get3A_250 = arith.constant 16 : index
      %get3A_251 = tpu.vector_load %arg11[%get3A_250] {strides = array<i32>} : memref<128xi32, #tpu.memory_space<vmem>>, vector<16xi32>,
      %swap3A_252 = arith.constant 16 : index
      %swap3A_253 = tpu.vector_load %arg13[%swap3A_252] {strides = array<i32>} : memref<128xi32, #tpu.memory_space<vmem>>, vector<16xi32>,
      tpu.vector_store %arg13[%swap3A_252], %get3A_251 {strides = array<i32>} : memref<128xi32, #tpu.memory_space<vmem>>, vector<16xi32>,
      %get3A_254 = arith.constant 32 : index
      %get3A_255 = tpu.vector_load %arg11[%get3A_254] {strides = array<i32>} : memref<128xi32, #tpu.memory_space<vmem>>, vector<16xi32>,
      %swap3A_256 = arith.constant 32 : index
      %swap3A_257 = tpu.vector_load %arg13[%swap3A_256] {strides = array<i32>} : memref<128xi32, #tpu.memory_space<vmem>>, vector<16xi32>,
      tpu.vector_store %arg13[%swap3A_256], %get3A_255 {strides = array<i32>} : memref<128xi32, #tpu.memory_space<vmem>>, vector<16xi32>,
      %get3A_258 = arith.constant 48 : index
      %get3A_259 = tpu.vector_load %arg11[%get3A_258] {strides = array<i32>} : memref<128xi32, #tpu.memory_space<vmem>>, vector<16xi32>,
      %swap3A_260 = arith.constant 48 : index
      %swap3A_261 = tpu.vector_load %arg13[%swap3A_260] {strides = array<i32>} : memref<128xi32, #tpu.memory_space<vmem>>, vector<16xi32>,
      tpu.vector_store %arg13[%swap3A_260], %get3A_259 {strides = array<i32>} : memref<128xi32, #tpu.memory_space<vmem>>, vector<16xi32>,
      %get3A_262 = arith.constant 64 : index
      %get3A_263 = tpu.vector_load %arg11[%get3A_262] {strides = array<i32>} : memref<128xi32, #tpu.memory_space<vmem>>, vector<16xi32>,
      %swap3A_264 = arith.constant 64 : index
      %swap3A_265 = tpu.vector_load %arg13[%swap3A_264] {strides = array<i32>} : memref<128xi32, #tpu.memory_space<vmem>>, vector<16xi32>,
      tpu.vector_store %arg13[%swap3A_264], %get3A_263 {strides = array<i32>} : memref<128xi32, #tpu.memory_space<vmem>>, vector<16xi32>,
      %get3A_266 = arith.constant 80 : index
      %get3A_267 = tpu.vector_load %arg11[%get3A_266] {strides = array<i32>} : memref<128xi32, #tpu.memory_space<vmem>>, vector<16xi32>,
      %swap3A_268 = arith.constant 80 : index
      %swap3A_269 = tpu.vector_load %arg13[%swap3A_268] {strides = array<i32>} : memref<128xi32, #tpu.memory_space<vmem>>, vector<16xi32>,
      tpu.vector_store %arg13[%swap3A_268], %get3A_267 {strides = array<i32>} : memref<128xi32, #tpu.memory_space<vmem>>, vector<16xi32>,
      %get3A_270 = arith.constant 96 : index
      %get3A_271 = tpu.vector_load %arg11[%get3A_270] {strides = array<i32>} : memref<128xi32, #tpu.memory_space<vmem>>, vector<16xi32>,
      %swap3A_272 = arith.constant 96 : index
      %swap3A_273 = tpu.vector_load %arg13[%swap3A_272] {strides = array<i32>} : memref<128xi32, #tpu.memory_space<vmem>>, vector<16xi32>,
      tpu.vector_store %arg13[%swap3A_272], %get3A_271 {strides = array<i32>} : memref<128xi32, #tpu.memory_space<vmem>>, vector<16xi32>,
      %get3A_274 = arith.constant 112 : index
      %get3A_275 = tpu.vector_load %arg11[%get3A_274] {strides = array<i32>} : memref<128xi32, #tpu.memory_space<vmem>>, vector<16xi32>,
      %swap3A_276 = arith.constant 112 : index
      %swap3A_277 = tpu.vector_load %arg13[%swap3A_276] {strides = array<i32>} : memref<128xi32, #tpu.memory_space<vmem>>, vector<16xi32>,
      tpu.vector_store %arg13[%swap3A_276], %get3A_275 {strides = array<i32>} : memref<128xi32, #tpu.memory_space<vmem>>, vector<16xi32>,
      %dma_start3A_278 = arith.constant 0 : i32
      %dma_start3A_279 = arith.constant 0 : i32
      %dma_start3A_280 = tpu.memref_slice %arg16[%dma_start3A_278, %dma_start3A_279] : memref<5248x128xf32, #tpu.memory_space<vmem_shared>> -> memref<5248x128xf32, #tpu.memory_space<vmem_shared>>
      tpu.enqueue_indirect_dma source(%arg15 : memref<128x128xf32, #tpu.memory_space<vmem>>) target(%dma_start3A_280 : memref<5248x128xf32, #tpu.memory_space<vmem_shared>>) offsets(%arg13 : memref<128xi32, #tpu.memory_space<vmem>>) semaphore(%arg22 : memref<!tpu.dma_semaphore, #tpu.memory_space<semaphore_mem>>) {add = true}
      %convert_element_type3A_281 = arith.extui %lt3A : i1 to i32
      %cond3A_282 = arith.constant 0 : i32
      %cond3A_283 = arith.cmpi ne, %convert_element_type3A_281, %cond3A_282 : i32
      scf.if %cond3A_283 {
        %add3A_284 = arith.constant 3 : i32
        %add3A_285 = arith.addi %mul3A_101, %add3A_284 : i32
        %mul3A_286 = arith.constant 128 : i32
        %mul3A_287 = arith.muli %add3A_285, %mul3A_286 : i32
        %add3A_288 = arith.addi %mul3A_28, %mul3A_287 : i32
        %multiple_of3A_289 = tpu.assume_multiple %add3A_288, 128 : i32
        %dma_start3A_290 = tpu.memref_slice %arg3[%multiple_of3A_289] : memref<10502144xi32, #tpu.memory_space<hbm>> -> memref<128xi32, #tpu.memory_space<hbm>>
        %dma_start3A_291 = tpu.memref_slice %arg3[%multiple_of3A_289] : memref<10502144xi32, #tpu.memory_space<hbm>> -> memref<128xi32, #tpu.memory_space<hbm>>
        tpu.enqueue_dma source(%dma_start3A_291 : memref<128xi32, #tpu.memory_space<hbm>>) target(%arg9 : memref<128xi32, #tpu.memory_space<vmem>>) target_semaphore(%arg18 : memref<!tpu.dma_semaphore, #tpu.memory_space<semaphore_mem>>)
        %dma_start3A_292 = tpu.memref_slice %arg4[%multiple_of3A_289] : memref<10502144xi32, #tpu.memory_space<hbm>> -> memref<128xi32, #tpu.memory_space<hbm>>
        %dma_start3A_293 = tpu.memref_slice %arg4[%multiple_of3A_289] : memref<10502144xi32, #tpu.memory_space<hbm>> -> memref<128xi32, #tpu.memory_space<hbm>>
        tpu.enqueue_dma source(%dma_start3A_293 : memref<128xi32, #tpu.memory_space<hbm>>) target(%arg11 : memref<128xi32, #tpu.memory_space<vmem>>) target_semaphore(%arg18 : memref<!tpu.dma_semaphore, #tpu.memory_space<semaphore_mem>>)
        %dma_wait3A_294 = arith.constant 0 : i32
        %dma_wait3A_295 = arith.constant 0 : i32
        %dma_wait3A_296 = tpu.memref_slice %arg16[%dma_wait3A_294, %dma_wait3A_295] : memref<5248x128xf32, #tpu.memory_space<vmem_shared>> -> memref<5248x128xf32, #tpu.memory_space<vmem_shared>>
        tpu.wait_indirect_dma semaphore(%arg21 : memref<!tpu.dma_semaphore, #tpu.memory_space<semaphore_mem>>) src(%arg14 : memref<128x128xf32, #tpu.memory_space<vmem>>) dst(%dma_wait3A_296 : memref<5248x128xf32, #tpu.memory_space<vmem_shared>>)
        %dma_wait3A_297 = arith.constant 0 : i32
        %dma_wait3A_298 = tpu.memref_slice %arg3[%dma_wait3A_297] : memref<10502144xi32, #tpu.memory_space<hbm>> -> memref<128xi32, #tpu.memory_space<hbm>>
        %dma_wait3A_299 = arith.constant 0 : i32
        %dma_wait3A_300 = tpu.memref_slice %arg3[%dma_wait3A_299] : memref<10502144xi32, #tpu.memory_space<hbm>> -> memref<128xi32, #tpu.memory_space<hbm>>
        tpu.wait_dma2 semaphore(%arg17 : memref<!tpu.dma_semaphore, #tpu.memory_space<semaphore_mem>>) src(%dma_wait3A_300 : memref<128xi32, #tpu.memory_space<hbm>>) dst(%arg8 : memref<128xi32, #tpu.memory_space<vmem>>)
        %dma_wait3A_301 = arith.constant 0 : i32
        %dma_wait3A_302 = tpu.memref_slice %arg3[%dma_wait3A_301] : memref<10502144xi32, #tpu.memory_space<hbm>> -> memref<128xi32, #tpu.memory_space<hbm>>
        %dma_wait3A_303 = arith.constant 0 : i32
        %dma_wait3A_304 = tpu.memref_slice %arg3[%dma_wait3A_303] : memref<10502144xi32, #tpu.memory_space<hbm>> -> memref<128xi32, #tpu.memory_space<hbm>>
        tpu.wait_dma2 semaphore(%arg17 : memref<!tpu.dma_semaphore, #tpu.memory_space<semaphore_mem>>) src(%dma_wait3A_304 : memref<128xi32, #tpu.memory_space<hbm>>) dst(%arg10 : memref<128xi32, #tpu.memory_space<vmem>>)
        %multiple_of3A_305 = arith.constant 0 : i32
        %multiple_of3A_306 = tpu.assume_multiple %multiple_of3A_305, 32 : i32
        %dma_start3A_307 = arith.constant 0 : i32
        %dma_start3A_308 = tpu.memref_slice %arg14[%multiple_of3A_306, %dma_start3A_307] : memref<128x128xf32, #tpu.memory_space<vmem>> -> memref<32x128xf32, #tpu.memory_space<vmem>>
        %dma_start3A_309 = tpu.memref_slice %arg8[%multiple_of3A_306] : memref<128xi32, #tpu.memory_space<vmem>> -> memref<32xi32, #tpu.memory_space<vmem>>
        %dma_start3A_310 = arith.constant 0 : i32
        %dma_start3A_311 = arith.constant 0 : i32
        %dma_start3A_312 = tpu.memref_slice %arg2[%dma_start3A_310, %dma_start3A_311] : memref<10240x128xf32, #tpu.memory_space<hbm>> -> memref<10240x128xf32, #tpu.memory_space<hbm>>
        tpu.enqueue_indirect_dma source(%dma_start3A_312 : memref<10240x128xf32, #tpu.memory_space<hbm>>) target(%dma_start3A_308 : memref<32x128xf32, #tpu.memory_space<vmem>>) offsets(%dma_start3A_309 : memref<32xi32, #tpu.memory_space<vmem>>) semaphore(%arg19 : memref<!tpu.dma_semaphore, #tpu.memory_space<semaphore_mem>>)
        %multiple_of3A_313 = arith.constant 32 : i32
        %multiple_of3A_314 = tpu.assume_multiple %multiple_of3A_313, 32 : i32
        %dma_start3A_315 = arith.constant 0 : i32
        %dma_start3A_316 = tpu.memref_slice %arg14[%multiple_of3A_314, %dma_start3A_315] : memref<128x128xf32, #tpu.memory_space<vmem>> -> memref<32x128xf32, #tpu.memory_space<vmem>>
        %dma_start3A_317 = tpu.memref_slice %arg8[%multiple_of3A_314] : memref<128xi32, #tpu.memory_space<vmem>> -> memref<32xi32, #tpu.memory_space<vmem>>
        %dma_start3A_318 = arith.constant 0 : i32
        %dma_start3A_319 = arith.constant 0 : i32
        %dma_start3A_320 = tpu.memref_slice %arg2[%dma_start3A_318, %dma_start3A_319] : memref<10240x128xf32, #tpu.memory_space<hbm>> -> memref<10240x128xf32, #tpu.memory_space<hbm>>
        tpu.enqueue_indirect_dma source(%dma_start3A_320 : memref<10240x128xf32, #tpu.memory_space<hbm>>) target(%dma_start3A_316 : memref<32x128xf32, #tpu.memory_space<vmem>>) offsets(%dma_start3A_317 : memref<32xi32, #tpu.memory_space<vmem>>) semaphore(%arg19 : memref<!tpu.dma_semaphore, #tpu.memory_space<semaphore_mem>>)
        %multiple_of3A_321 = arith.constant 64 : i32
        %multiple_of3A_322 = tpu.assume_multiple %multiple_of3A_321, 32 : i32
        %dma_start3A_323 = arith.constant 0 : i32
        %dma_start3A_324 = tpu.memref_slice %arg14[%multiple_of3A_322, %dma_start3A_323] : memref<128x128xf32, #tpu.memory_space<vmem>> -> memref<32x128xf32, #tpu.memory_space<vmem>>
        %dma_start3A_325 = tpu.memref_slice %arg8[%multiple_of3A_322] : memref<128xi32, #tpu.memory_space<vmem>> -> memref<32xi32, #tpu.memory_space<vmem>>
        %dma_start3A_326 = arith.constant 0 : i32
        %dma_start3A_327 = arith.constant 0 : i32
        %dma_start3A_328 = tpu.memref_slice %arg2[%dma_start3A_326, %dma_start3A_327] : memref<10240x128xf32, #tpu.memory_space<hbm>> -> memref<10240x128xf32, #tpu.memory_space<hbm>>
        tpu.enqueue_indirect_dma source(%dma_start3A_328 : memref<10240x128xf32, #tpu.memory_space<hbm>>) target(%dma_start3A_324 : memref<32x128xf32, #tpu.memory_space<vmem>>) offsets(%dma_start3A_325 : memref<32xi32, #tpu.memory_space<vmem>>) semaphore(%arg19 : memref<!tpu.dma_semaphore, #tpu.memory_space<semaphore_mem>>)
        %multiple_of3A_329 = arith.constant 96 : i32
        %multiple_of3A_330 = tpu.assume_multiple %multiple_of3A_329, 32 : i32
        %dma_start3A_331 = arith.constant 0 : i32
        %dma_start3A_332 = tpu.memref_slice %arg14[%multiple_of3A_330, %dma_start3A_331] : memref<128x128xf32, #tpu.memory_space<vmem>> -> memref<32x128xf32, #tpu.memory_space<vmem>>
        %dma_start3A_333 = tpu.memref_slice %arg8[%multiple_of3A_330] : memref<128xi32, #tpu.memory_space<vmem>> -> memref<32xi32, #tpu.memory_space<vmem>>
        %dma_start3A_334 = arith.constant 0 : i32
        %dma_start3A_335 = arith.constant 0 : i32
        %dma_start3A_336 = tpu.memref_slice %arg2[%dma_start3A_334, %dma_start3A_335] : memref<10240x128xf32, #tpu.memory_space<hbm>> -> memref<10240x128xf32, #tpu.memory_space<hbm>>
        tpu.enqueue_indirect_dma source(%dma_start3A_336 : memref<10240x128xf32, #tpu.memory_space<hbm>>) target(%dma_start3A_332 : memref<32x128xf32, #tpu.memory_space<vmem>>) offsets(%dma_start3A_333 : memref<32xi32, #tpu.memory_space<vmem>>) semaphore(%arg19 : memref<!tpu.dma_semaphore, #tpu.memory_space<semaphore_mem>>)
      } else {
      }
    }
    %dma_wait3A_90 = arith.constant 0 : i32
    %dma_wait3A_91 = arith.constant 0 : i32
    %dma_wait3A_92 = tpu.memref_slice %arg16[%dma_wait3A_90, %dma_wait3A_91] : memref<5248x128xf32, #tpu.memory_space<vmem_shared>> -> memref<5248x128xf32, #tpu.memory_space<vmem_shared>>
    tpu.wait_indirect_dma semaphore(%arg21 : memref<!tpu.dma_semaphore, #tpu.memory_space<semaphore_mem>>) src(%arg14 : memref<128x128xf32, #tpu.memory_space<vmem>>) dst(%dma_wait3A_92 : memref<5248x128xf32, #tpu.memory_space<vmem_shared>>)
    %dma_wait3A_93 = arith.constant 0 : i32
    %dma_wait3A_94 = arith.constant 0 : i32
    %dma_wait3A_95 = tpu.memref_slice %arg16[%dma_wait3A_93, %dma_wait3A_94] : memref<5248x128xf32, #tpu.memory_space<vmem_shared>> -> memref<5248x128xf32, #tpu.memory_space<vmem_shared>>
    tpu.wait_indirect_dma semaphore(%arg22 : memref<!tpu.dma_semaphore, #tpu.memory_space<semaphore_mem>>) src(%arg15 : memref<128x128xf32, #tpu.memory_space<vmem>>) dst(%dma_wait3A_95 : memref<5248x128xf32, #tpu.memory_space<vmem_shared>>)
    %mul3A_96 = arith.constant 320 : i32
    %mul3A_97 = arith.muli %add3A, %mul3A_96 : i32
    %multiple_of3A_98 = tpu.assume_multiple %mul3A_97, 320 : i32
    "tpu.region"() ({
      %run_scoped3A = tpu.sem_alloc : memref<!tpu.dma_semaphore, #tpu.memory_space<semaphore_mem>>
      %dma_start3A_99 = arith.constant 0 : i32
      %dma_start3A_100 = tpu.memref_slice %arg6[%multiple_of3A_98, %dma_start3A_99] : memref<10240x128xf32, #tpu.memory_space<hbm>> -> memref<320x128xf32, #tpu.memory_space<hbm>>
      %dma_start3A_101 = arith.constant 0 : i32
      %dma_start3A_102 = tpu.memref_slice %arg16[%multiple_of3A, %dma_start3A_101] : memref<5248x128xf32, #tpu.memory_space<vmem_shared>> -> memref<320x128xf32, #tpu.memory_space<vmem_shared>>
      tpu.enqueue_dma source(%dma_start3A_102 : memref<320x128xf32, #tpu.memory_space<vmem_shared>>) target(%dma_start3A_100 : memref<320x128xf32, #tpu.memory_space<hbm>>) target_semaphore(%run_scoped3A : memref<!tpu.dma_semaphore, #tpu.memory_space<semaphore_mem>>)
      %dma_wait3A_103 = arith.constant 0 : i32
      %dma_wait3A_104 = tpu.memref_slice %arg6[%multiple_of3A_98, %dma_wait3A_103] : memref<10240x128xf32, #tpu.memory_space<hbm>> -> memref<320x128xf32, #tpu.memory_space<hbm>>
      %dma_wait3A_105 = arith.constant 0 : i32
      %dma_wait3A_106 = tpu.memref_slice %arg16[%multiple_of3A, %dma_wait3A_105] : memref<5248x128xf32, #tpu.memory_space<vmem_shared>> -> memref<320x128xf32, #tpu.memory_space<vmem_shared>>
      tpu.wait_dma2 semaphore(%run_scoped3A : memref<!tpu.dma_semaphore, #tpu.memory_space<semaphore_mem>>) src(%dma_wait3A_106 : memref<320x128xf32, #tpu.memory_space<vmem_shared>>) dst(%dma_wait3A_104 : memref<320x128xf32, #tpu.memory_space<hbm>>)
      tpu.yield
    }) : () -> ()
    return
  }
}

#map = affine_map<(d0, d1) -> (0, 0)>
#map1 = affine_map<(d0, d1) -> (0)>
module attributes {stable_mosaic.version = 14 : i64} {
  func.func @_agg_body(%arg0: i32, %arg1: i32, %arg2: memref<10240x128xf32, #tpu.memory_space<hbm>>, %arg3: memref<10502144xi32, #tpu.memory_space<hbm>>, %arg4: memref<10502144xi32, #tpu.memory_space<hbm>>, %arg5: memref<512xi32, #tpu.memory_space<hbm>>, %arg6: memref<10240x128xf32, #tpu.memory_space<hbm>>, %arg7: memref<16xi32, #tpu.memory_space<vmem>>, %arg8: memref<128xi32, #tpu.memory_space<vmem>>, %arg9: memref<128xi32, #tpu.memory_space<vmem>>, %arg10: memref<128xi32, #tpu.memory_space<vmem>>, %arg11: memref<128xi32, #tpu.memory_space<vmem>>, %arg12: memref<128xi32, #tpu.memory_space<vmem>>, %arg13: memref<128xi32, #tpu.memory_space<vmem>>, %arg14: memref<128x128xf32, #tpu.memory_space<vmem>>, %arg15: memref<128x128xf32, #tpu.memory_space<vmem>>, %arg16: memref<5248x128xf32, #tpu.memory_space<vmem_shared>>, %arg17: memref<!tpu.dma_semaphore, #tpu.memory_space<semaphore_mem>>, %arg18: memref<!tpu.dma_semaphore, #tpu.memory_space<semaphore_mem>>, %arg19: memref<!tpu.dma_semaphore, #tpu.memory_space<semaphore_mem>>, %arg20: memref<!tpu.dma_semaphore, #tpu.memory_space<semaphore_mem>>, %arg21: memref<!tpu.dma_semaphore, #tpu.memory_space<semaphore_mem>>, %arg22: memref<!tpu.dma_semaphore, #tpu.memory_space<semaphore_mem>>) attributes {dimension_semantics = [#tpu.dimension_semantics<core_parallel>, #tpu.dimension_semantics<subcore_parallel>], iteration_bounds = array<i64: 2, 16>, scalar_prefetch = 0 : i64, scratch_operands = 16 : i64, tpu.core_type = #tpu.core_type<sc_vector_subcore>, window_params = [{transform_indices = #map}, {transform_indices = #map1}, {transform_indices = #map1}, {transform_indices = #map1}, {transform_indices = #map}]} {
    %mul3A = arith.constant 2 : i32
    %mul3A_0 = arith.muli %arg1, %mul3A : i32
    %add3A = arith.addi %mul3A_0, %arg0 : i32
    %mul3A_1 = arith.constant 328 : i32
    %mul3A_2 = arith.muli %arg1, %mul3A_1 : i32
    %multiple_of3A = tpu.assume_multiple %mul3A_2, 8 : i32
    %broadcast_in_dim3A = arith.constant 0.000000e+00 : f32
    %broadcast_in_dim3A_3 = vector.broadcast %broadcast_in_dim3A : f32 to vector<16xf32>
    %scan3A = arith.constant 0 : i32
    %scan3A_4 = arith.constant 0 : i32
    %scan3A_5 = arith.constant 128 : i32
    %scan3A_6 = arith.addi %scan3A_4, %scan3A_5 : i32
    %scan3A_7 = arith.constant 1 : i32
    scf.for %scan3A_99 = %scan3A_4 to %scan3A_6 step %scan3A_7  : i32 {
      %swap3A = arith.index_cast %scan3A_99 : i32 to index
      %swap3A_100 = arith.constant 0 : index
      %swap3A_101 = tpu.vector_load %arg14[%swap3A, %swap3A_100] {strides = array<i32>} : memref<128x128xf32, #tpu.memory_space<vmem>>, vector<16xf32>,
      tpu.vector_store %arg14[%swap3A, %swap3A_100], %broadcast_in_dim3A_3 {strides = array<i32>} : memref<128x128xf32, #tpu.memory_space<vmem>>, vector<16xf32>,
      %swap3A_102 = arith.index_cast %scan3A_99 : i32 to index
      %swap3A_103 = arith.constant 16 : index
      %swap3A_104 = tpu.vector_load %arg14[%swap3A_102, %swap3A_103] {strides = array<i32>} : memref<128x128xf32, #tpu.memory_space<vmem>>, vector<16xf32>,
      tpu.vector_store %arg14[%swap3A_102, %swap3A_103], %broadcast_in_dim3A_3 {strides = array<i32>} : memref<128x128xf32, #tpu.memory_space<vmem>>, vector<16xf32>,
      %swap3A_105 = arith.index_cast %scan3A_99 : i32 to index
      %swap3A_106 = arith.constant 32 : index
      %swap3A_107 = tpu.vector_load %arg14[%swap3A_105, %swap3A_106] {strides = array<i32>} : memref<128x128xf32, #tpu.memory_space<vmem>>, vector<16xf32>,
      tpu.vector_store %arg14[%swap3A_105, %swap3A_106], %broadcast_in_dim3A_3 {strides = array<i32>} : memref<128x128xf32, #tpu.memory_space<vmem>>, vector<16xf32>,
      %swap3A_108 = arith.index_cast %scan3A_99 : i32 to index
      %swap3A_109 = arith.constant 48 : index
      %swap3A_110 = tpu.vector_load %arg14[%swap3A_108, %swap3A_109] {strides = array<i32>} : memref<128x128xf32, #tpu.memory_space<vmem>>, vector<16xf32>,
      tpu.vector_store %arg14[%swap3A_108, %swap3A_109], %broadcast_in_dim3A_3 {strides = array<i32>} : memref<128x128xf32, #tpu.memory_space<vmem>>, vector<16xf32>,
      %swap3A_111 = arith.index_cast %scan3A_99 : i32 to index
      %swap3A_112 = arith.constant 64 : index
      %swap3A_113 = tpu.vector_load %arg14[%swap3A_111, %swap3A_112] {strides = array<i32>} : memref<128x128xf32, #tpu.memory_space<vmem>>, vector<16xf32>,
      tpu.vector_store %arg14[%swap3A_111, %swap3A_112], %broadcast_in_dim3A_3 {strides = array<i32>} : memref<128x128xf32, #tpu.memory_space<vmem>>, vector<16xf32>,
      %swap3A_114 = arith.index_cast %scan3A_99 : i32 to index
      %swap3A_115 = arith.constant 80 : index
      %swap3A_116 = tpu.vector_load %arg14[%swap3A_114, %swap3A_115] {strides = array<i32>} : memref<128x128xf32, #tpu.memory_space<vmem>>, vector<16xf32>,
      tpu.vector_store %arg14[%swap3A_114, %swap3A_115], %broadcast_in_dim3A_3 {strides = array<i32>} : memref<128x128xf32, #tpu.memory_space<vmem>>, vector<16xf32>,
      %swap3A_117 = arith.index_cast %scan3A_99 : i32 to index
      %swap3A_118 = arith.constant 96 : index
      %swap3A_119 = tpu.vector_load %arg14[%swap3A_117, %swap3A_118] {strides = array<i32>} : memref<128x128xf32, #tpu.memory_space<vmem>>, vector<16xf32>,
      tpu.vector_store %arg14[%swap3A_117, %swap3A_118], %broadcast_in_dim3A_3 {strides = array<i32>} : memref<128x128xf32, #tpu.memory_space<vmem>>, vector<16xf32>,
      %swap3A_120 = arith.index_cast %scan3A_99 : i32 to index
      %swap3A_121 = arith.constant 112 : index
      %swap3A_122 = tpu.vector_load %arg14[%swap3A_120, %swap3A_121] {strides = array<i32>} : memref<128x128xf32, #tpu.memory_space<vmem>>, vector<16xf32>,
      tpu.vector_store %arg14[%swap3A_120, %swap3A_121], %broadcast_in_dim3A_3 {strides = array<i32>} : memref<128x128xf32, #tpu.memory_space<vmem>>, vector<16xf32>,
    }
    %scan3A_8 = arith.constant 128 : i32
    "tpu.region"() ({
      %run_scoped3A = tpu.sem_alloc : memref<!tpu.dma_semaphore, #tpu.memory_space<semaphore_mem>>
      %dma_start3A_99 = arith.constant 0 : i32
      %dma_start3A_100 = tpu.memref_slice %arg16[%multiple_of3A, %dma_start3A_99] : memref<5248x128xf32, #tpu.memory_space<vmem_shared>> -> memref<128x128xf32, #tpu.memory_space<vmem_shared>>
      %dma_start3A_101 = arith.constant 0 : i32
      %dma_start3A_102 = tpu.memref_slice %arg16[%multiple_of3A, %dma_start3A_101] : memref<5248x128xf32, #tpu.memory_space<vmem_shared>> -> memref<128x128xf32, #tpu.memory_space<vmem_shared>>
      tpu.enqueue_dma source(%arg14 : memref<128x128xf32, #tpu.memory_space<vmem>>) target(%dma_start3A_102 : memref<128x128xf32, #tpu.memory_space<vmem_shared>>) target_semaphore(%run_scoped3A : memref<!tpu.dma_semaphore, #tpu.memory_space<semaphore_mem>>)
      %dma_wait3A_103 = arith.constant 0 : i32
      %dma_wait3A_104 = tpu.memref_slice %arg16[%multiple_of3A, %dma_wait3A_103] : memref<5248x128xf32, #tpu.memory_space<vmem_shared>> -> memref<128x128xf32, #tpu.memory_space<vmem_shared>>
      %dma_wait3A_105 = arith.constant 0 : i32
      %dma_wait3A_106 = tpu.memref_slice %arg16[%multiple_of3A, %dma_wait3A_105] : memref<5248x128xf32, #tpu.memory_space<vmem_shared>> -> memref<128x128xf32, #tpu.memory_space<vmem_shared>>
      tpu.wait_dma2 semaphore(%run_scoped3A : memref<!tpu.dma_semaphore, #tpu.memory_space<semaphore_mem>>) src(%arg14 : memref<128x128xf32, #tpu.memory_space<vmem>>) dst(%dma_wait3A_106 : memref<128x128xf32, #tpu.memory_space<vmem_shared>>)
      tpu.yield
    }) : () -> ()
    %add3A_9 = arith.constant 128 : i32
    %add3A_10 = arith.addi %multiple_of3A, %add3A_9 : i32
    "tpu.region"() ({
      %run_scoped3A = tpu.sem_alloc : memref<!tpu.dma_semaphore, #tpu.memory_space<semaphore_mem>>
      %dma_start3A_99 = arith.constant 0 : i32
      %dma_start3A_100 = tpu.memref_slice %arg16[%add3A_10, %dma_start3A_99] : memref<5248x128xf32, #tpu.memory_space<vmem_shared>> -> memref<128x128xf32, #tpu.memory_space<vmem_shared>>
      %dma_start3A_101 = arith.constant 0 : i32
      %dma_start3A_102 = tpu.memref_slice %arg16[%add3A_10, %dma_start3A_101] : memref<5248x128xf32, #tpu.memory_space<vmem_shared>> -> memref<128x128xf32, #tpu.memory_space<vmem_shared>>
      tpu.enqueue_dma source(%arg14 : memref<128x128xf32, #tpu.memory_space<vmem>>) target(%dma_start3A_102 : memref<128x128xf32, #tpu.memory_space<vmem_shared>>) target_semaphore(%run_scoped3A : memref<!tpu.dma_semaphore, #tpu.memory_space<semaphore_mem>>)
      %dma_wait3A_103 = arith.constant 0 : i32
      %dma_wait3A_104 = tpu.memref_slice %arg16[%add3A_10, %dma_wait3A_103] : memref<5248x128xf32, #tpu.memory_space<vmem_shared>> -> memref<128x128xf32, #tpu.memory_space<vmem_shared>>
      %dma_wait3A_105 = arith.constant 0 : i32
      %dma_wait3A_106 = tpu.memref_slice %arg16[%add3A_10, %dma_wait3A_105] : memref<5248x128xf32, #tpu.memory_space<vmem_shared>> -> memref<128x128xf32, #tpu.memory_space<vmem_shared>>
      tpu.wait_dma2 semaphore(%run_scoped3A : memref<!tpu.dma_semaphore, #tpu.memory_space<semaphore_mem>>) src(%arg14 : memref<128x128xf32, #tpu.memory_space<vmem>>) dst(%dma_wait3A_106 : memref<128x128xf32, #tpu.memory_space<vmem_shared>>)
      tpu.yield
    }) : () -> ()
    %add3A_11 = arith.constant 256 : i32
    %add3A_12 = arith.addi %multiple_of3A, %add3A_11 : i32
    "tpu.region"() ({
      %run_scoped3A = tpu.sem_alloc : memref<!tpu.dma_semaphore, #tpu.memory_space<semaphore_mem>>
      %dma_start3A_99 = arith.constant 0 : i32
      %dma_start3A_100 = arith.constant 0 : i32
      %dma_start3A_101 = tpu.memref_slice %arg14[%dma_start3A_99, %dma_start3A_100] : memref<128x128xf32, #tpu.memory_space<vmem>> -> memref<72x128xf32, #tpu.memory_space<vmem>>
      %dma_start3A_102 = arith.constant 0 : i32
      %dma_start3A_103 = tpu.memref_slice %arg16[%add3A_12, %dma_start3A_102] : memref<5248x128xf32, #tpu.memory_space<vmem_shared>> -> memref<72x128xf32, #tpu.memory_space<vmem_shared>>
      %dma_start3A_104 = arith.constant 0 : i32
      %dma_start3A_105 = tpu.memref_slice %arg16[%add3A_12, %dma_start3A_104] : memref<5248x128xf32, #tpu.memory_space<vmem_shared>> -> memref<72x128xf32, #tpu.memory_space<vmem_shared>>
      %dma_start3A_106 = arith.constant 0 : i32
      %dma_start3A_107 = arith.constant 0 : i32
      %dma_start3A_108 = tpu.memref_slice %arg14[%dma_start3A_106, %dma_start3A_107] : memref<128x128xf32, #tpu.memory_space<vmem>> -> memref<72x128xf32, #tpu.memory_space<vmem>>
      tpu.enqueue_dma source(%dma_start3A_108 : memref<72x128xf32, #tpu.memory_space<vmem>>) target(%dma_start3A_105 : memref<72x128xf32, #tpu.memory_space<vmem_shared>>) target_semaphore(%run_scoped3A : memref<!tpu.dma_semaphore, #tpu.memory_space<semaphore_mem>>)
      %dma_wait3A_109 = arith.constant 0 : i32
      %dma_wait3A_110 = arith.constant 0 : i32
      %dma_wait3A_111 = tpu.memref_slice %arg14[%dma_wait3A_109, %dma_wait3A_110] : memref<128x128xf32, #tpu.memory_space<vmem>> -> memref<72x128xf32, #tpu.memory_space<vmem>>
      %dma_wait3A_112 = arith.constant 0 : i32
      %dma_wait3A_113 = tpu.memref_slice %arg16[%add3A_12, %dma_wait3A_112] : memref<5248x128xf32, #tpu.memory_space<vmem_shared>> -> memref<72x128xf32, #tpu.memory_space<vmem_shared>>
      %dma_wait3A_114 = arith.constant 0 : i32
      %dma_wait3A_115 = tpu.memref_slice %arg16[%add3A_12, %dma_wait3A_114] : memref<5248x128xf32, #tpu.memory_space<vmem_shared>> -> memref<72x128xf32, #tpu.memory_space<vmem_shared>>
      %dma_wait3A_116 = arith.constant 0 : i32
      %dma_wait3A_117 = arith.constant 0 : i32
      %dma_wait3A_118 = tpu.memref_slice %arg14[%dma_wait3A_116, %dma_wait3A_117] : memref<128x128xf32, #tpu.memory_space<vmem>> -> memref<72x128xf32, #tpu.memory_space<vmem>>
      tpu.wait_dma2 semaphore(%run_scoped3A : memref<!tpu.dma_semaphore, #tpu.memory_space<semaphore_mem>>) src(%dma_wait3A_118 : memref<72x128xf32, #tpu.memory_space<vmem>>) dst(%dma_wait3A_115 : memref<72x128xf32, #tpu.memory_space<vmem_shared>>)
      tpu.yield
    }) : () -> ()
    %mul3A_13 = arith.constant 16 : i32
    %mul3A_14 = arith.muli %add3A, %mul3A_13 : i32
    %multiple_of3A_15 = tpu.assume_multiple %mul3A_14, 16 : i32
    "tpu.region"() ({
      %run_scoped3A = tpu.sem_alloc : memref<!tpu.dma_semaphore, #tpu.memory_space<semaphore_mem>>
      %dma_start3A_99 = tpu.memref_slice %arg5[%multiple_of3A_15] : memref<512xi32, #tpu.memory_space<hbm>> -> memref<16xi32, #tpu.memory_space<hbm>>
      %dma_start3A_100 = tpu.memref_slice %arg5[%multiple_of3A_15] : memref<512xi32, #tpu.memory_space<hbm>> -> memref<16xi32, #tpu.memory_space<hbm>>
      tpu.enqueue_dma source(%dma_start3A_100 : memref<16xi32, #tpu.memory_space<hbm>>) target(%arg7 : memref<16xi32, #tpu.memory_space<vmem>>) target_semaphore(%run_scoped3A : memref<!tpu.dma_semaphore, #tpu.memory_space<semaphore_mem>>)
      %dma_wait3A_101 = tpu.memref_slice %arg5[%multiple_of3A_15] : memref<512xi32, #tpu.memory_space<hbm>> -> memref<16xi32, #tpu.memory_space<hbm>>
      %dma_wait3A_102 = tpu.memref_slice %arg5[%multiple_of3A_15] : memref<512xi32, #tpu.memory_space<hbm>> -> memref<16xi32, #tpu.memory_space<hbm>>
      tpu.wait_dma2 semaphore(%run_scoped3A : memref<!tpu.dma_semaphore, #tpu.memory_space<semaphore_mem>>) src(%dma_wait3A_102 : memref<16xi32, #tpu.memory_space<hbm>>) dst(%arg7 : memref<16xi32, #tpu.memory_space<vmem>>)
      tpu.yield
    }) : () -> ()
    %get3A = arith.constant 0 : index
    %get3A_16 = tpu.vector_load %arg7[%get3A] {strides = array<i32>} : memref<16xi32, #tpu.memory_space<vmem>>, vector<16xi32>,
    %reduce_max3A = arith.constant true
    %reduce_max3A_17 = vector.broadcast %reduce_max3A : i1 to vector<16xi1>
    %reduce_max3A_18 = arith.constant -2147483648 : i32
    %reduce_max3A_19 = vector.broadcast %reduce_max3A_18 : i32 to vector<16xi32>
    %reduce_max3A_20 = arith.xori %get3A_16, %reduce_max3A_19 : vector<16xi32>
    %reduce_max3A_21 = tpu.scan <max>, %reduce_max3A_20 masked %reduce_max3A_17 : vector<16xi32>, vector<16xi1> -> vector<16xi32>
    %reduce_max3A_22 = arith.xori %reduce_max3A_21, %reduce_max3A_19 : vector<16xi32>
    %reduce_max3A_23 = vector.extract %reduce_max3A_22[15] : i32 from vector<16xi32>
    %shift_right_logical3A = arith.constant 7 : i32
    %shift_right_logical3A_24 = arith.shrui %reduce_max3A_23, %shift_right_logical3A : i32
    %shift_right_logical3A_25 = arith.constant 1 : i32
    %shift_right_logical3A_26 = arith.shrui %shift_right_logical3A_24, %shift_right_logical3A_25 : i32
    %mul3A_27 = arith.constant 328192 : i32
    %mul3A_28 = arith.muli %add3A, %mul3A_27 : i32
    %add3A_29 = arith.constant 0 : i32
    %add3A_30 = arith.addi %mul3A_28, %add3A_29 : i32
    %multiple_of3A_31 = tpu.assume_multiple %add3A_30, 128 : i32
    %dma_start3A = tpu.memref_slice %arg3[%multiple_of3A_31] : memref<10502144xi32, #tpu.memory_space<hbm>> -> memref<128xi32, #tpu.memory_space<hbm>>
    %dma_start3A_32 = tpu.memref_slice %arg3[%multiple_of3A_31] : memref<10502144xi32, #tpu.memory_space<hbm>> -> memref<128xi32, #tpu.memory_space<hbm>>
    tpu.enqueue_dma source(%dma_start3A_32 : memref<128xi32, #tpu.memory_space<hbm>>) target(%arg8 : memref<128xi32, #tpu.memory_space<vmem>>) target_semaphore(%arg17 : memref<!tpu.dma_semaphore, #tpu.memory_space<semaphore_mem>>)
    %dma_start3A_33 = tpu.memref_slice %arg4[%multiple_of3A_31] : memref<10502144xi32, #tpu.memory_space<hbm>> -> memref<128xi32, #tpu.memory_space<hbm>>
    %dma_start3A_34 = tpu.memref_slice %arg4[%multiple_of3A_31] : memref<10502144xi32, #tpu.memory_space<hbm>> -> memref<128xi32, #tpu.memory_space<hbm>>
    tpu.enqueue_dma source(%dma_start3A_34 : memref<128xi32, #tpu.memory_space<hbm>>) target(%arg10 : memref<128xi32, #tpu.memory_space<vmem>>) target_semaphore(%arg17 : memref<!tpu.dma_semaphore, #tpu.memory_space<semaphore_mem>>)
    %dma_wait3A = arith.constant 0 : i32
    %dma_wait3A_35 = tpu.memref_slice %arg3[%dma_wait3A] : memref<10502144xi32, #tpu.memory_space<hbm>> -> memref<128xi32, #tpu.memory_space<hbm>>
    %dma_wait3A_36 = arith.constant 0 : i32
    %dma_wait3A_37 = tpu.memref_slice %arg3[%dma_wait3A_36] : memref<10502144xi32, #tpu.memory_space<hbm>> -> memref<128xi32, #tpu.memory_space<hbm>>
    tpu.wait_dma2 semaphore(%arg17 : memref<!tpu.dma_semaphore, #tpu.memory_space<semaphore_mem>>) src(%dma_wait3A_37 : memref<128xi32, #tpu.memory_space<hbm>>) dst(%arg8 : memref<128xi32, #tpu.memory_space<vmem>>)
    %dma_wait3A_38 = arith.constant 0 : i32
    %dma_wait3A_39 = tpu.memref_slice %arg3[%dma_wait3A_38] : memref<10502144xi32, #tpu.memory_space<hbm>> -> memref<128xi32, #tpu.memory_space<hbm>>
    %dma_wait3A_40 = arith.constant 0 : i32
    %dma_wait3A_41 = tpu.memref_slice %arg3[%dma_wait3A_40] : memref<10502144xi32, #tpu.memory_space<hbm>> -> memref<128xi32, #tpu.memory_space<hbm>>
    tpu.wait_dma2 semaphore(%arg17 : memref<!tpu.dma_semaphore, #tpu.memory_space<semaphore_mem>>) src(%dma_wait3A_41 : memref<128xi32, #tpu.memory_space<hbm>>) dst(%arg10 : memref<128xi32, #tpu.memory_space<vmem>>)
    %multiple_of3A_42 = arith.constant 0 : i32
    %multiple_of3A_43 = tpu.assume_multiple %multiple_of3A_42, 32 : i32
    %dma_start3A_44 = arith.constant 0 : i32
    %dma_start3A_45 = tpu.memref_slice %arg14[%multiple_of3A_43, %dma_start3A_44] : memref<128x128xf32, #tpu.memory_space<vmem>> -> memref<32x128xf32, #tpu.memory_space<vmem>>
    %dma_start3A_46 = tpu.memref_slice %arg8[%multiple_of3A_43] : memref<128xi32, #tpu.memory_space<vmem>> -> memref<32xi32, #tpu.memory_space<vmem>>
    %dma_start3A_47 = arith.constant 0 : i32
    %dma_start3A_48 = arith.constant 0 : i32
    %dma_start3A_49 = tpu.memref_slice %arg2[%dma_start3A_47, %dma_start3A_48] : memref<10240x128xf32, #tpu.memory_space<hbm>> -> memref<10240x128xf32, #tpu.memory_space<hbm>>
    tpu.enqueue_indirect_dma source(%dma_start3A_49 : memref<10240x128xf32, #tpu.memory_space<hbm>>) target(%dma_start3A_45 : memref<32x128xf32, #tpu.memory_space<vmem>>) offsets(%dma_start3A_46 : memref<32xi32, #tpu.memory_space<vmem>>) semaphore(%arg19 : memref<!tpu.dma_semaphore, #tpu.memory_space<semaphore_mem>>)
    %multiple_of3A_50 = arith.constant 32 : i32
    %multiple_of3A_51 = tpu.assume_multiple %multiple_of3A_50, 32 : i32
    %dma_start3A_52 = arith.constant 0 : i32
    %dma_start3A_53 = tpu.memref_slice %arg14[%multiple_of3A_51, %dma_start3A_52] : memref<128x128xf32, #tpu.memory_space<vmem>> -> memref<32x128xf32, #tpu.memory_space<vmem>>
    %dma_start3A_54 = tpu.memref_slice %arg8[%multiple_of3A_51] : memref<128xi32, #tpu.memory_space<vmem>> -> memref<32xi32, #tpu.memory_space<vmem>>
    %dma_start3A_55 = arith.constant 0 : i32
    %dma_start3A_56 = arith.constant 0 : i32
    %dma_start3A_57 = tpu.memref_slice %arg2[%dma_start3A_55, %dma_start3A_56] : memref<10240x128xf32, #tpu.memory_space<hbm>> -> memref<10240x128xf32, #tpu.memory_space<hbm>>
    tpu.enqueue_indirect_dma source(%dma_start3A_57 : memref<10240x128xf32, #tpu.memory_space<hbm>>) target(%dma_start3A_53 : memref<32x128xf32, #tpu.memory_space<vmem>>) offsets(%dma_start3A_54 : memref<32xi32, #tpu.memory_space<vmem>>) semaphore(%arg19 : memref<!tpu.dma_semaphore, #tpu.memory_space<semaphore_mem>>)
    %multiple_of3A_58 = arith.constant 64 : i32
    %multiple_of3A_59 = tpu.assume_multiple %multiple_of3A_58, 32 : i32
    %dma_start3A_60 = arith.constant 0 : i32
    %dma_start3A_61 = tpu.memref_slice %arg14[%multiple_of3A_59, %dma_start3A_60] : memref<128x128xf32, #tpu.memory_space<vmem>> -> memref<32x128xf32, #tpu.memory_space<vmem>>
    %dma_start3A_62 = tpu.memref_slice %arg8[%multiple_of3A_59] : memref<128xi32, #tpu.memory_space<vmem>> -> memref<32xi32, #tpu.memory_space<vmem>>
    %dma_start3A_63 = arith.constant 0 : i32
    %dma_start3A_64 = arith.constant 0 : i32
    %dma_start3A_65 = tpu.memref_slice %arg2[%dma_start3A_63, %dma_start3A_64] : memref<10240x128xf32, #tpu.memory_space<hbm>> -> memref<10240x128xf32, #tpu.memory_space<hbm>>
    tpu.enqueue_indirect_dma source(%dma_start3A_65 : memref<10240x128xf32, #tpu.memory_space<hbm>>) target(%dma_start3A_61 : memref<32x128xf32, #tpu.memory_space<vmem>>) offsets(%dma_start3A_62 : memref<32xi32, #tpu.memory_space<vmem>>) semaphore(%arg19 : memref<!tpu.dma_semaphore, #tpu.memory_space<semaphore_mem>>)
    %multiple_of3A_66 = arith.constant 96 : i32
    %multiple_of3A_67 = tpu.assume_multiple %multiple_of3A_66, 32 : i32
    %dma_start3A_68 = arith.constant 0 : i32
    %dma_start3A_69 = tpu.memref_slice %arg14[%multiple_of3A_67, %dma_start3A_68] : memref<128x128xf32, #tpu.memory_space<vmem>> -> memref<32x128xf32, #tpu.memory_space<vmem>>
    %dma_start3A_70 = tpu.memref_slice %arg8[%multiple_of3A_67] : memref<128xi32, #tpu.memory_space<vmem>> -> memref<32xi32, #tpu.memory_space<vmem>>
    %dma_start3A_71 = arith.constant 0 : i32
    %dma_start3A_72 = arith.constant 0 : i32
    %dma_start3A_73 = tpu.memref_slice %arg2[%dma_start3A_71, %dma_start3A_72] : memref<10240x128xf32, #tpu.memory_space<hbm>> -> memref<10240x128xf32, #tpu.memory_space<hbm>>
    tpu.enqueue_indirect_dma source(%dma_start3A_73 : memref<10240x128xf32, #tpu.memory_space<hbm>>) target(%dma_start3A_69 : memref<32x128xf32, #tpu.memory_space<vmem>>) offsets(%dma_start3A_70 : memref<32xi32, #tpu.memory_space<vmem>>) semaphore(%arg19 : memref<!tpu.dma_semaphore, #tpu.memory_space<semaphore_mem>>)
    %add3A_74 = arith.constant 128 : i32
    %add3A_75 = arith.addi %mul3A_28, %add3A_74 : i32
    %multiple_of3A_76 = tpu.assume_multiple %add3A_75, 128 : i32
    %dma_start3A_77 = tpu.memref_slice %arg3[%multiple_of3A_76] : memref<10502144xi32, #tpu.memory_space<hbm>> -> memref<128xi32, #tpu.memory_space<hbm>>
    %dma_start3A_78 = tpu.memref_slice %arg3[%multiple_of3A_76] : memref<10502144xi32, #tpu.memory_space<hbm>> -> memref<128xi32, #tpu.memory_space<hbm>>
    tpu.enqueue_dma source(%dma_start3A_78 : memref<128xi32, #tpu.memory_space<hbm>>) target(%arg9 : memref<128xi32, #tpu.memory_space<vmem>>) target_semaphore(%arg18 : memref<!tpu.dma_semaphore, #tpu.memory_space<semaphore_mem>>)
    %dma_start3A_79 = tpu.memref_slice %arg4[%multiple_of3A_76] : memref<10502144xi32, #tpu.memory_space<hbm>> -> memref<128xi32, #tpu.memory_space<hbm>>
    %dma_start3A_80 = tpu.memref_slice %arg4[%multiple_of3A_76] : memref<10502144xi32, #tpu.memory_space<hbm>> -> memref<128xi32, #tpu.memory_space<hbm>>
    tpu.enqueue_dma source(%dma_start3A_80 : memref<128xi32, #tpu.memory_space<hbm>>) target(%arg11 : memref<128xi32, #tpu.memory_space<vmem>>) target_semaphore(%arg18 : memref<!tpu.dma_semaphore, #tpu.memory_space<semaphore_mem>>)
    %while3A = arith.constant 0 : i32
    %while3A_81 = arith.constant 0 : i32
    %while3A_82 = arith.subi %shift_right_logical3A_26, %while3A_81 : i32
    %while3A_83 = arith.addi %while3A_81, %while3A_82 : i32
    %while3A_84 = arith.constant 1 : i32
    %while3A_85 = arith.divsi %while3A_82, %while3A_84 : i32
    %while3A_86 = arith.muli %while3A_85, %while3A_84 : i32
    %while3A_87 = arith.addi %while3A_81, %while3A_86 : i32
    %while3A_88 = arith.constant 1 : i32
    scf.for %while3A_99 = %while3A_81 to %while3A_87 step %while3A_88  : i32 {
      %mul3A_100 = arith.constant 2 : i32
      %mul3A_101 = arith.muli %while3A_99, %mul3A_100 : i32
      %dma_wait3A_102 = arith.constant 0 : i32
      %dma_wait3A_103 = tpu.memref_slice %arg3[%dma_wait3A_102] : memref<10502144xi32, #tpu.memory_space<hbm>> -> memref<128xi32, #tpu.memory_space<hbm>>
      %dma_wait3A_104 = arith.constant 0 : i32
      %dma_wait3A_105 = tpu.memref_slice %arg3[%dma_wait3A_104] : memref<10502144xi32, #tpu.memory_space<hbm>> -> memref<128xi32, #tpu.memory_space<hbm>>
      tpu.wait_dma2 semaphore(%arg18 : memref<!tpu.dma_semaphore, #tpu.memory_space<semaphore_mem>>) src(%dma_wait3A_105 : memref<128xi32, #tpu.memory_space<hbm>>) dst(%arg9 : memref<128xi32, #tpu.memory_space<vmem>>)
      %dma_wait3A_106 = arith.constant 0 : i32
      %dma_wait3A_107 = tpu.memref_slice %arg3[%dma_wait3A_106] : memref<10502144xi32, #tpu.memory_space<hbm>> -> memref<128xi32, #tpu.memory_space<hbm>>
      %dma_wait3A_108 = arith.constant 0 : i32
      %dma_wait3A_109 = tpu.memref_slice %arg3[%dma_wait3A_108] : memref<10502144xi32, #tpu.memory_space<hbm>> -> memref<128xi32, #tpu.memory_space<hbm>>
      tpu.wait_dma2 semaphore(%arg18 : memref<!tpu.dma_semaphore, #tpu.memory_space<semaphore_mem>>) src(%dma_wait3A_109 : memref<128xi32, #tpu.memory_space<hbm>>) dst(%arg11 : memref<128xi32, #tpu.memory_space<vmem>>)
      %gt3A = arith.constant 0 : i32
      %gt3A_110 = arith.cmpi sgt, %while3A_99, %gt3A : i32
      %convert_element_type3A = arith.extui %gt3A_110 : i1 to i32
      %cond3A = arith.constant 0 : i32
      %cond3A_111 = arith.cmpi ne, %convert_element_type3A, %cond3A : i32
      scf.if %cond3A_111 {
        %dma_wait3A_284 = arith.constant 0 : i32
        %dma_wait3A_285 = arith.constant 0 : i32
        %dma_wait3A_286 = tpu.memref_slice %arg16[%dma_wait3A_284, %dma_wait3A_285] : memref<5248x128xf32, #tpu.memory_space<vmem_shared>> -> memref<5248x128xf32, #tpu.memory_space<vmem_shared>>
        tpu.wait_indirect_dma semaphore(%arg22 : memref<!tpu.dma_semaphore, #tpu.memory_space<semaphore_mem>>) src(%arg15 : memref<128x128xf32, #tpu.memory_space<vmem>>) dst(%dma_wait3A_286 : memref<5248x128xf32, #tpu.memory_space<vmem_shared>>)
      } else {
      }
      %multiple_of3A_112 = arith.constant 0 : i32
      %multiple_of3A_113 = tpu.assume_multiple %multiple_of3A_112, 32 : i32
      %dma_start3A_114 = arith.constant 0 : i32
      %dma_start3A_115 = tpu.memref_slice %arg15[%multiple_of3A_113, %dma_start3A_114] : memref<128x128xf32, #tpu.memory_space<vmem>> -> memref<32x128xf32, #tpu.memory_space<vmem>>
      %dma_start3A_116 = tpu.memref_slice %arg9[%multiple_of3A_113] : memref<128xi32, #tpu.memory_space<vmem>> -> memref<32xi32, #tpu.memory_space<vmem>>
      %dma_start3A_117 = arith.constant 0 : i32
      %dma_start3A_118 = arith.constant 0 : i32
      %dma_start3A_119 = tpu.memref_slice %arg2[%dma_start3A_117, %dma_start3A_118] : memref<10240x128xf32, #tpu.memory_space<hbm>> -> memref<10240x128xf32, #tpu.memory_space<hbm>>
      tpu.enqueue_indirect_dma source(%dma_start3A_119 : memref<10240x128xf32, #tpu.memory_space<hbm>>) target(%dma_start3A_115 : memref<32x128xf32, #tpu.memory_space<vmem>>) offsets(%dma_start3A_116 : memref<32xi32, #tpu.memory_space<vmem>>) semaphore(%arg20 : memref<!tpu.dma_semaphore, #tpu.memory_space<semaphore_mem>>)
      %multiple_of3A_120 = arith.constant 32 : i32
      %multiple_of3A_121 = tpu.assume_multiple %multiple_of3A_120, 32 : i32
      %dma_start3A_122 = arith.constant 0 : i32
      %dma_start3A_123 = tpu.memref_slice %arg15[%multiple_of3A_121, %dma_start3A_122] : memref<128x128xf32, #tpu.memory_space<vmem>> -> memref<32x128xf32, #tpu.memory_space<vmem>>
      %dma_start3A_124 = tpu.memref_slice %arg9[%multiple_of3A_121] : memref<128xi32, #tpu.memory_space<vmem>> -> memref<32xi32, #tpu.memory_space<vmem>>
      %dma_start3A_125 = arith.constant 0 : i32
      %dma_start3A_126 = arith.constant 0 : i32
      %dma_start3A_127 = tpu.memref_slice %arg2[%dma_start3A_125, %dma_start3A_126] : memref<10240x128xf32, #tpu.memory_space<hbm>> -> memref<10240x128xf32, #tpu.memory_space<hbm>>
      tpu.enqueue_indirect_dma source(%dma_start3A_127 : memref<10240x128xf32, #tpu.memory_space<hbm>>) target(%dma_start3A_123 : memref<32x128xf32, #tpu.memory_space<vmem>>) offsets(%dma_start3A_124 : memref<32xi32, #tpu.memory_space<vmem>>) semaphore(%arg20 : memref<!tpu.dma_semaphore, #tpu.memory_space<semaphore_mem>>)
      %multiple_of3A_128 = arith.constant 64 : i32
      %multiple_of3A_129 = tpu.assume_multiple %multiple_of3A_128, 32 : i32
      %dma_start3A_130 = arith.constant 0 : i32
      %dma_start3A_131 = tpu.memref_slice %arg15[%multiple_of3A_129, %dma_start3A_130] : memref<128x128xf32, #tpu.memory_space<vmem>> -> memref<32x128xf32, #tpu.memory_space<vmem>>
      %dma_start3A_132 = tpu.memref_slice %arg9[%multiple_of3A_129] : memref<128xi32, #tpu.memory_space<vmem>> -> memref<32xi32, #tpu.memory_space<vmem>>
      %dma_start3A_133 = arith.constant 0 : i32
      %dma_start3A_134 = arith.constant 0 : i32
      %dma_start3A_135 = tpu.memref_slice %arg2[%dma_start3A_133, %dma_start3A_134] : memref<10240x128xf32, #tpu.memory_space<hbm>> -> memref<10240x128xf32, #tpu.memory_space<hbm>>
      tpu.enqueue_indirect_dma source(%dma_start3A_135 : memref<10240x128xf32, #tpu.memory_space<hbm>>) target(%dma_start3A_131 : memref<32x128xf32, #tpu.memory_space<vmem>>) offsets(%dma_start3A_132 : memref<32xi32, #tpu.memory_space<vmem>>) semaphore(%arg20 : memref<!tpu.dma_semaphore, #tpu.memory_space<semaphore_mem>>)
      %multiple_of3A_136 = arith.constant 96 : i32
      %multiple_of3A_137 = tpu.assume_multiple %multiple_of3A_136, 32 : i32
      %dma_start3A_138 = arith.constant 0 : i32
      %dma_start3A_139 = tpu.memref_slice %arg15[%multiple_of3A_137, %dma_start3A_138] : memref<128x128xf32, #tpu.memory_space<vmem>> -> memref<32x128xf32, #tpu.memory_space<vmem>>
      %dma_start3A_140 = tpu.memref_slice %arg9[%multiple_of3A_137] : memref<128xi32, #tpu.memory_space<vmem>> -> memref<32xi32, #tpu.memory_space<vmem>>
      %dma_start3A_141 = arith.constant 0 : i32
      %dma_start3A_142 = arith.constant 0 : i32
      %dma_start3A_143 = tpu.memref_slice %arg2[%dma_start3A_141, %dma_start3A_142] : memref<10240x128xf32, #tpu.memory_space<hbm>> -> memref<10240x128xf32, #tpu.memory_space<hbm>>
      tpu.enqueue_indirect_dma source(%dma_start3A_143 : memref<10240x128xf32, #tpu.memory_space<hbm>>) target(%dma_start3A_139 : memref<32x128xf32, #tpu.memory_space<vmem>>) offsets(%dma_start3A_140 : memref<32xi32, #tpu.memory_space<vmem>>) semaphore(%arg20 : memref<!tpu.dma_semaphore, #tpu.memory_space<semaphore_mem>>)
      %multiple_of3A_144 = arith.constant 0 : i32
      %multiple_of3A_145 = tpu.assume_multiple %multiple_of3A_144, 32 : i32
      %dma_wait3A_146 = arith.constant 0 : i32
      %dma_wait3A_147 = tpu.memref_slice %arg14[%multiple_of3A_145, %dma_wait3A_146] : memref<128x128xf32, #tpu.memory_space<vmem>> -> memref<32x128xf32, #tpu.memory_space<vmem>>
      %dma_wait3A_148 = tpu.memref_slice %arg8[%multiple_of3A_145] : memref<128xi32, #tpu.memory_space<vmem>> -> memref<32xi32, #tpu.memory_space<vmem>>
      %dma_wait3A_149 = arith.constant 0 : i32
      %dma_wait3A_150 = arith.constant 0 : i32
      %dma_wait3A_151 = tpu.memref_slice %arg2[%dma_wait3A_149, %dma_wait3A_150] : memref<10240x128xf32, #tpu.memory_space<hbm>> -> memref<10240x128xf32, #tpu.memory_space<hbm>>
      tpu.wait_indirect_dma semaphore(%arg19 : memref<!tpu.dma_semaphore, #tpu.memory_space<semaphore_mem>>) src(%dma_wait3A_151 : memref<10240x128xf32, #tpu.memory_space<hbm>>) dst(%dma_wait3A_147 : memref<32x128xf32, #tpu.memory_space<vmem>>)
      %multiple_of3A_152 = arith.constant 32 : i32
      %multiple_of3A_153 = tpu.assume_multiple %multiple_of3A_152, 32 : i32
      %dma_wait3A_154 = arith.constant 0 : i32
      %dma_wait3A_155 = tpu.memref_slice %arg14[%multiple_of3A_153, %dma_wait3A_154] : memref<128x128xf32, #tpu.memory_space<vmem>> -> memref<32x128xf32, #tpu.memory_space<vmem>>
      %dma_wait3A_156 = tpu.memref_slice %arg8[%multiple_of3A_153] : memref<128xi32, #tpu.memory_space<vmem>> -> memref<32xi32, #tpu.memory_space<vmem>>
      %dma_wait3A_157 = arith.constant 0 : i32
      %dma_wait3A_158 = arith.constant 0 : i32
      %dma_wait3A_159 = tpu.memref_slice %arg2[%dma_wait3A_157, %dma_wait3A_158] : memref<10240x128xf32, #tpu.memory_space<hbm>> -> memref<10240x128xf32, #tpu.memory_space<hbm>>
      tpu.wait_indirect_dma semaphore(%arg19 : memref<!tpu.dma_semaphore, #tpu.memory_space<semaphore_mem>>) src(%dma_wait3A_159 : memref<10240x128xf32, #tpu.memory_space<hbm>>) dst(%dma_wait3A_155 : memref<32x128xf32, #tpu.memory_space<vmem>>)
      %multiple_of3A_160 = arith.constant 64 : i32
      %multiple_of3A_161 = tpu.assume_multiple %multiple_of3A_160, 32 : i32
      %dma_wait3A_162 = arith.constant 0 : i32
      %dma_wait3A_163 = tpu.memref_slice %arg14[%multiple_of3A_161, %dma_wait3A_162] : memref<128x128xf32, #tpu.memory_space<vmem>> -> memref<32x128xf32, #tpu.memory_space<vmem>>
      %dma_wait3A_164 = tpu.memref_slice %arg8[%multiple_of3A_161] : memref<128xi32, #tpu.memory_space<vmem>> -> memref<32xi32, #tpu.memory_space<vmem>>
      %dma_wait3A_165 = arith.constant 0 : i32
      %dma_wait3A_166 = arith.constant 0 : i32
      %dma_wait3A_167 = tpu.memref_slice %arg2[%dma_wait3A_165, %dma_wait3A_166] : memref<10240x128xf32, #tpu.memory_space<hbm>> -> memref<10240x128xf32, #tpu.memory_space<hbm>>
      tpu.wait_indirect_dma semaphore(%arg19 : memref<!tpu.dma_semaphore, #tpu.memory_space<semaphore_mem>>) src(%dma_wait3A_167 : memref<10240x128xf32, #tpu.memory_space<hbm>>) dst(%dma_wait3A_163 : memref<32x128xf32, #tpu.memory_space<vmem>>)
      %multiple_of3A_168 = arith.constant 96 : i32
      %multiple_of3A_169 = tpu.assume_multiple %multiple_of3A_168, 32 : i32
      %dma_wait3A_170 = arith.constant 0 : i32
      %dma_wait3A_171 = tpu.memref_slice %arg14[%multiple_of3A_169, %dma_wait3A_170] : memref<128x128xf32, #tpu.memory_space<vmem>> -> memref<32x128xf32, #tpu.memory_space<vmem>>
      %dma_wait3A_172 = tpu.memref_slice %arg8[%multiple_of3A_169] : memref<128xi32, #tpu.memory_space<vmem>> -> memref<32xi32, #tpu.memory_space<vmem>>
      %dma_wait3A_173 = arith.constant 0 : i32
      %dma_wait3A_174 = arith.constant 0 : i32
      %dma_wait3A_175 = tpu.memref_slice %arg2[%dma_wait3A_173, %dma_wait3A_174] : memref<10240x128xf32, #tpu.memory_space<hbm>> -> memref<10240x128xf32, #tpu.memory_space<hbm>>
      tpu.wait_indirect_dma semaphore(%arg19 : memref<!tpu.dma_semaphore, #tpu.memory_space<semaphore_mem>>) src(%dma_wait3A_175 : memref<10240x128xf32, #tpu.memory_space<hbm>>) dst(%dma_wait3A_171 : memref<32x128xf32, #tpu.memory_space<vmem>>)
      %get3A_176 = arith.constant 0 : index
      %get3A_177 = tpu.vector_load %arg10[%get3A_176] {strides = array<i32>} : memref<128xi32, #tpu.memory_space<vmem>>, vector<16xi32>,
      %swap3A = arith.constant 0 : index
      %swap3A_178 = tpu.vector_load %arg12[%swap3A] {strides = array<i32>} : memref<128xi32, #tpu.memory_space<vmem>>, vector<16xi32>,
      tpu.vector_store %arg12[%swap3A], %get3A_177 {strides = array<i32>} : memref<128xi32, #tpu.memory_space<vmem>>, vector<16xi32>,
      %get3A_179 = arith.constant 16 : index
      %get3A_180 = tpu.vector_load %arg10[%get3A_179] {strides = array<i32>} : memref<128xi32, #tpu.memory_space<vmem>>, vector<16xi32>,
      %swap3A_181 = arith.constant 16 : index
      %swap3A_182 = tpu.vector_load %arg12[%swap3A_181] {strides = array<i32>} : memref<128xi32, #tpu.memory_space<vmem>>, vector<16xi32>,
      tpu.vector_store %arg12[%swap3A_181], %get3A_180 {strides = array<i32>} : memref<128xi32, #tpu.memory_space<vmem>>, vector<16xi32>,
      %get3A_183 = arith.constant 32 : index
      %get3A_184 = tpu.vector_load %arg10[%get3A_183] {strides = array<i32>} : memref<128xi32, #tpu.memory_space<vmem>>, vector<16xi32>,
      %swap3A_185 = arith.constant 32 : index
      %swap3A_186 = tpu.vector_load %arg12[%swap3A_185] {strides = array<i32>} : memref<128xi32, #tpu.memory_space<vmem>>, vector<16xi32>,
      tpu.vector_store %arg12[%swap3A_185], %get3A_184 {strides = array<i32>} : memref<128xi32, #tpu.memory_space<vmem>>, vector<16xi32>,
      %get3A_187 = arith.constant 48 : index
      %get3A_188 = tpu.vector_load %arg10[%get3A_187] {strides = array<i32>} : memref<128xi32, #tpu.memory_space<vmem>>, vector<16xi32>,
      %swap3A_189 = arith.constant 48 : index
      %swap3A_190 = tpu.vector_load %arg12[%swap3A_189] {strides = array<i32>} : memref<128xi32, #tpu.memory_space<vmem>>, vector<16xi32>,
      tpu.vector_store %arg12[%swap3A_189], %get3A_188 {strides = array<i32>} : memref<128xi32, #tpu.memory_space<vmem>>, vector<16xi32>,
      %get3A_191 = arith.constant 64 : index
      %get3A_192 = tpu.vector_load %arg10[%get3A_191] {strides = array<i32>} : memref<128xi32, #tpu.memory_space<vmem>>, vector<16xi32>,
      %swap3A_193 = arith.constant 64 : index
      %swap3A_194 = tpu.vector_load %arg12[%swap3A_193] {strides = array<i32>} : memref<128xi32, #tpu.memory_space<vmem>>, vector<16xi32>,
      tpu.vector_store %arg12[%swap3A_193], %get3A_192 {strides = array<i32>} : memref<128xi32, #tpu.memory_space<vmem>>, vector<16xi32>,
      %get3A_195 = arith.constant 80 : index
      %get3A_196 = tpu.vector_load %arg10[%get3A_195] {strides = array<i32>} : memref<128xi32, #tpu.memory_space<vmem>>, vector<16xi32>,
      %swap3A_197 = arith.constant 80 : index
      %swap3A_198 = tpu.vector_load %arg12[%swap3A_197] {strides = array<i32>} : memref<128xi32, #tpu.memory_space<vmem>>, vector<16xi32>,
      tpu.vector_store %arg12[%swap3A_197], %get3A_196 {strides = array<i32>} : memref<128xi32, #tpu.memory_space<vmem>>, vector<16xi32>,
      %get3A_199 = arith.constant 96 : index
      %get3A_200 = tpu.vector_load %arg10[%get3A_199] {strides = array<i32>} : memref<128xi32, #tpu.memory_space<vmem>>, vector<16xi32>,
      %swap3A_201 = arith.constant 96 : index
      %swap3A_202 = tpu.vector_load %arg12[%swap3A_201] {strides = array<i32>} : memref<128xi32, #tpu.memory_space<vmem>>, vector<16xi32>,
      tpu.vector_store %arg12[%swap3A_201], %get3A_200 {strides = array<i32>} : memref<128xi32, #tpu.memory_space<vmem>>, vector<16xi32>,
      %get3A_203 = arith.constant 112 : index
      %get3A_204 = tpu.vector_load %arg10[%get3A_203] {strides = array<i32>} : memref<128xi32, #tpu.memory_space<vmem>>, vector<16xi32>,
      %swap3A_205 = arith.constant 112 : index
      %swap3A_206 = tpu.vector_load %arg12[%swap3A_205] {strides = array<i32>} : memref<128xi32, #tpu.memory_space<vmem>>, vector<16xi32>,
      tpu.vector_store %arg12[%swap3A_205], %get3A_204 {strides = array<i32>} : memref<128xi32, #tpu.memory_space<vmem>>, vector<16xi32>,
      %dma_start3A_207 = arith.constant 0 : i32
      %dma_start3A_208 = arith.constant 0 : i32
      %dma_start3A_209 = tpu.memref_slice %arg16[%dma_start3A_207, %dma_start3A_208] : memref<5248x128xf32, #tpu.memory_space<vmem_shared>> -> memref<5248x128xf32, #tpu.memory_space<vmem_shared>>
      tpu.enqueue_indirect_dma source(%arg14 : memref<128x128xf32, #tpu.memory_space<vmem>>) target(%dma_start3A_209 : memref<5248x128xf32, #tpu.memory_space<vmem_shared>>) offsets(%arg12 : memref<128xi32, #tpu.memory_space<vmem>>) semaphore(%arg21 : memref<!tpu.dma_semaphore, #tpu.memory_space<semaphore_mem>>) {add = true}
      %sub3A = arith.constant 1 : i32
      %sub3A_210 = arith.subi %shift_right_logical3A_26, %sub3A : i32
      %lt3A = arith.cmpi slt, %while3A_99, %sub3A_210 : i32
      %convert_element_type3A_211 = arith.extui %lt3A : i1 to i32
      %cond3A_212 = arith.constant 0 : i32
      %cond3A_213 = arith.cmpi ne, %convert_element_type3A_211, %cond3A_212 : i32
      scf.if %cond3A_213 {
        %add3A_284 = arith.constant 2 : i32
        %add3A_285 = arith.addi %mul3A_101, %add3A_284 : i32
        %mul3A_286 = arith.constant 128 : i32
        %mul3A_287 = arith.muli %add3A_285, %mul3A_286 : i32
        %add3A_288 = arith.addi %mul3A_28, %mul3A_287 : i32
        %multiple_of3A_289 = tpu.assume_multiple %add3A_288, 128 : i32
        %dma_start3A_290 = tpu.memref_slice %arg3[%multiple_of3A_289] : memref<10502144xi32, #tpu.memory_space<hbm>> -> memref<128xi32, #tpu.memory_space<hbm>>
        %dma_start3A_291 = tpu.memref_slice %arg3[%multiple_of3A_289] : memref<10502144xi32, #tpu.memory_space<hbm>> -> memref<128xi32, #tpu.memory_space<hbm>>
        tpu.enqueue_dma source(%dma_start3A_291 : memref<128xi32, #tpu.memory_space<hbm>>) target(%arg8 : memref<128xi32, #tpu.memory_space<vmem>>) target_semaphore(%arg17 : memref<!tpu.dma_semaphore, #tpu.memory_space<semaphore_mem>>)
        %dma_start3A_292 = tpu.memref_slice %arg4[%multiple_of3A_289] : memref<10502144xi32, #tpu.memory_space<hbm>> -> memref<128xi32, #tpu.memory_space<hbm>>
        %dma_start3A_293 = tpu.memref_slice %arg4[%multiple_of3A_289] : memref<10502144xi32, #tpu.memory_space<hbm>> -> memref<128xi32, #tpu.memory_space<hbm>>
        tpu.enqueue_dma source(%dma_start3A_293 : memref<128xi32, #tpu.memory_space<hbm>>) target(%arg10 : memref<128xi32, #tpu.memory_space<vmem>>) target_semaphore(%arg17 : memref<!tpu.dma_semaphore, #tpu.memory_space<semaphore_mem>>)
      } else {
      }
      %multiple_of3A_214 = arith.constant 0 : i32
      %multiple_of3A_215 = tpu.assume_multiple %multiple_of3A_214, 32 : i32
      %dma_wait3A_216 = arith.constant 0 : i32
      %dma_wait3A_217 = tpu.memref_slice %arg15[%multiple_of3A_215, %dma_wait3A_216] : memref<128x128xf32, #tpu.memory_space<vmem>> -> memref<32x128xf32, #tpu.memory_space<vmem>>
      %dma_wait3A_218 = tpu.memref_slice %arg9[%multiple_of3A_215] : memref<128xi32, #tpu.memory_space<vmem>> -> memref<32xi32, #tpu.memory_space<vmem>>
      %dma_wait3A_219 = arith.constant 0 : i32
      %dma_wait3A_220 = arith.constant 0 : i32
      %dma_wait3A_221 = tpu.memref_slice %arg2[%dma_wait3A_219, %dma_wait3A_220] : memref<10240x128xf32, #tpu.memory_space<hbm>> -> memref<10240x128xf32, #tpu.memory_space<hbm>>
      tpu.wait_indirect_dma semaphore(%arg20 : memref<!tpu.dma_semaphore, #tpu.memory_space<semaphore_mem>>) src(%dma_wait3A_221 : memref<10240x128xf32, #tpu.memory_space<hbm>>) dst(%dma_wait3A_217 : memref<32x128xf32, #tpu.memory_space<vmem>>)
      %multiple_of3A_222 = arith.constant 32 : i32
      %multiple_of3A_223 = tpu.assume_multiple %multiple_of3A_222, 32 : i32
      %dma_wait3A_224 = arith.constant 0 : i32
      %dma_wait3A_225 = tpu.memref_slice %arg15[%multiple_of3A_223, %dma_wait3A_224] : memref<128x128xf32, #tpu.memory_space<vmem>> -> memref<32x128xf32, #tpu.memory_space<vmem>>
      %dma_wait3A_226 = tpu.memref_slice %arg9[%multiple_of3A_223] : memref<128xi32, #tpu.memory_space<vmem>> -> memref<32xi32, #tpu.memory_space<vmem>>
      %dma_wait3A_227 = arith.constant 0 : i32
      %dma_wait3A_228 = arith.constant 0 : i32
      %dma_wait3A_229 = tpu.memref_slice %arg2[%dma_wait3A_227, %dma_wait3A_228] : memref<10240x128xf32, #tpu.memory_space<hbm>> -> memref<10240x128xf32, #tpu.memory_space<hbm>>
      tpu.wait_indirect_dma semaphore(%arg20 : memref<!tpu.dma_semaphore, #tpu.memory_space<semaphore_mem>>) src(%dma_wait3A_229 : memref<10240x128xf32, #tpu.memory_space<hbm>>) dst(%dma_wait3A_225 : memref<32x128xf32, #tpu.memory_space<vmem>>)
      %multiple_of3A_230 = arith.constant 64 : i32
      %multiple_of3A_231 = tpu.assume_multiple %multiple_of3A_230, 32 : i32
      %dma_wait3A_232 = arith.constant 0 : i32
      %dma_wait3A_233 = tpu.memref_slice %arg15[%multiple_of3A_231, %dma_wait3A_232] : memref<128x128xf32, #tpu.memory_space<vmem>> -> memref<32x128xf32, #tpu.memory_space<vmem>>
      %dma_wait3A_234 = tpu.memref_slice %arg9[%multiple_of3A_231] : memref<128xi32, #tpu.memory_space<vmem>> -> memref<32xi32, #tpu.memory_space<vmem>>
      %dma_wait3A_235 = arith.constant 0 : i32
      %dma_wait3A_236 = arith.constant 0 : i32
      %dma_wait3A_237 = tpu.memref_slice %arg2[%dma_wait3A_235, %dma_wait3A_236] : memref<10240x128xf32, #tpu.memory_space<hbm>> -> memref<10240x128xf32, #tpu.memory_space<hbm>>
      tpu.wait_indirect_dma semaphore(%arg20 : memref<!tpu.dma_semaphore, #tpu.memory_space<semaphore_mem>>) src(%dma_wait3A_237 : memref<10240x128xf32, #tpu.memory_space<hbm>>) dst(%dma_wait3A_233 : memref<32x128xf32, #tpu.memory_space<vmem>>)
      %multiple_of3A_238 = arith.constant 96 : i32
      %multiple_of3A_239 = tpu.assume_multiple %multiple_of3A_238, 32 : i32
      %dma_wait3A_240 = arith.constant 0 : i32
      %dma_wait3A_241 = tpu.memref_slice %arg15[%multiple_of3A_239, %dma_wait3A_240] : memref<128x128xf32, #tpu.memory_space<vmem>> -> memref<32x128xf32, #tpu.memory_space<vmem>>
      %dma_wait3A_242 = tpu.memref_slice %arg9[%multiple_of3A_239] : memref<128xi32, #tpu.memory_space<vmem>> -> memref<32xi32, #tpu.memory_space<vmem>>
      %dma_wait3A_243 = arith.constant 0 : i32
      %dma_wait3A_244 = arith.constant 0 : i32
      %dma_wait3A_245 = tpu.memref_slice %arg2[%dma_wait3A_243, %dma_wait3A_244] : memref<10240x128xf32, #tpu.memory_space<hbm>> -> memref<10240x128xf32, #tpu.memory_space<hbm>>
      tpu.wait_indirect_dma semaphore(%arg20 : memref<!tpu.dma_semaphore, #tpu.memory_space<semaphore_mem>>) src(%dma_wait3A_245 : memref<10240x128xf32, #tpu.memory_space<hbm>>) dst(%dma_wait3A_241 : memref<32x128xf32, #tpu.memory_space<vmem>>)
      %get3A_246 = arith.constant 0 : index
      %get3A_247 = tpu.vector_load %arg11[%get3A_246] {strides = array<i32>} : memref<128xi32, #tpu.memory_space<vmem>>, vector<16xi32>,
      %swap3A_248 = arith.constant 0 : index
      %swap3A_249 = tpu.vector_load %arg13[%swap3A_248] {strides = array<i32>} : memref<128xi32, #tpu.memory_space<vmem>>, vector<16xi32>,
      tpu.vector_store %arg13[%swap3A_248], %get3A_247 {strides = array<i32>} : memref<128xi32, #tpu.memory_space<vmem>>, vector<16xi32>,
      %get3A_250 = arith.constant 16 : index
      %get3A_251 = tpu.vector_load %arg11[%get3A_250] {strides = array<i32>} : memref<128xi32, #tpu.memory_space<vmem>>, vector<16xi32>,
      %swap3A_252 = arith.constant 16 : index
      %swap3A_253 = tpu.vector_load %arg13[%swap3A_252] {strides = array<i32>} : memref<128xi32, #tpu.memory_space<vmem>>, vector<16xi32>,
      tpu.vector_store %arg13[%swap3A_252], %get3A_251 {strides = array<i32>} : memref<128xi32, #tpu.memory_space<vmem>>, vector<16xi32>,
      %get3A_254 = arith.constant 32 : index
      %get3A_255 = tpu.vector_load %arg11[%get3A_254] {strides = array<i32>} : memref<128xi32, #tpu.memory_space<vmem>>, vector<16xi32>,
      %swap3A_256 = arith.constant 32 : index
      %swap3A_257 = tpu.vector_load %arg13[%swap3A_256] {strides = array<i32>} : memref<128xi32, #tpu.memory_space<vmem>>, vector<16xi32>,
      tpu.vector_store %arg13[%swap3A_256], %get3A_255 {strides = array<i32>} : memref<128xi32, #tpu.memory_space<vmem>>, vector<16xi32>,
      %get3A_258 = arith.constant 48 : index
      %get3A_259 = tpu.vector_load %arg11[%get3A_258] {strides = array<i32>} : memref<128xi32, #tpu.memory_space<vmem>>, vector<16xi32>,
      %swap3A_260 = arith.constant 48 : index
      %swap3A_261 = tpu.vector_load %arg13[%swap3A_260] {strides = array<i32>} : memref<128xi32, #tpu.memory_space<vmem>>, vector<16xi32>,
      tpu.vector_store %arg13[%swap3A_260], %get3A_259 {strides = array<i32>} : memref<128xi32, #tpu.memory_space<vmem>>, vector<16xi32>,
      %get3A_262 = arith.constant 64 : index
      %get3A_263 = tpu.vector_load %arg11[%get3A_262] {strides = array<i32>} : memref<128xi32, #tpu.memory_space<vmem>>, vector<16xi32>,
      %swap3A_264 = arith.constant 64 : index
      %swap3A_265 = tpu.vector_load %arg13[%swap3A_264] {strides = array<i32>} : memref<128xi32, #tpu.memory_space<vmem>>, vector<16xi32>,
      tpu.vector_store %arg13[%swap3A_264], %get3A_263 {strides = array<i32>} : memref<128xi32, #tpu.memory_space<vmem>>, vector<16xi32>,
      %get3A_266 = arith.constant 80 : index
      %get3A_267 = tpu.vector_load %arg11[%get3A_266] {strides = array<i32>} : memref<128xi32, #tpu.memory_space<vmem>>, vector<16xi32>,
      %swap3A_268 = arith.constant 80 : index
      %swap3A_269 = tpu.vector_load %arg13[%swap3A_268] {strides = array<i32>} : memref<128xi32, #tpu.memory_space<vmem>>, vector<16xi32>,
      tpu.vector_store %arg13[%swap3A_268], %get3A_267 {strides = array<i32>} : memref<128xi32, #tpu.memory_space<vmem>>, vector<16xi32>,
      %get3A_270 = arith.constant 96 : index
      %get3A_271 = tpu.vector_load %arg11[%get3A_270] {strides = array<i32>} : memref<128xi32, #tpu.memory_space<vmem>>, vector<16xi32>,
      %swap3A_272 = arith.constant 96 : index
      %swap3A_273 = tpu.vector_load %arg13[%swap3A_272] {strides = array<i32>} : memref<128xi32, #tpu.memory_space<vmem>>, vector<16xi32>,
      tpu.vector_store %arg13[%swap3A_272], %get3A_271 {strides = array<i32>} : memref<128xi32, #tpu.memory_space<vmem>>, vector<16xi32>,
      %get3A_274 = arith.constant 112 : index
      %get3A_275 = tpu.vector_load %arg11[%get3A_274] {strides = array<i32>} : memref<128xi32, #tpu.memory_space<vmem>>, vector<16xi32>,
      %swap3A_276 = arith.constant 112 : index
      %swap3A_277 = tpu.vector_load %arg13[%swap3A_276] {strides = array<i32>} : memref<128xi32, #tpu.memory_space<vmem>>, vector<16xi32>,
      tpu.vector_store %arg13[%swap3A_276], %get3A_275 {strides = array<i32>} : memref<128xi32, #tpu.memory_space<vmem>>, vector<16xi32>,
      %dma_start3A_278 = arith.constant 0 : i32
      %dma_start3A_279 = arith.constant 0 : i32
      %dma_start3A_280 = tpu.memref_slice %arg16[%dma_start3A_278, %dma_start3A_279] : memref<5248x128xf32, #tpu.memory_space<vmem_shared>> -> memref<5248x128xf32, #tpu.memory_space<vmem_shared>>
      tpu.enqueue_indirect_dma source(%arg15 : memref<128x128xf32, #tpu.memory_space<vmem>>) target(%dma_start3A_280 : memref<5248x128xf32, #tpu.memory_space<vmem_shared>>) offsets(%arg13 : memref<128xi32, #tpu.memory_space<vmem>>) semaphore(%arg22 : memref<!tpu.dma_semaphore, #tpu.memory_space<semaphore_mem>>) {add = true}
      %convert_element_type3A_281 = arith.extui %lt3A : i1 to i32
      %cond3A_282 = arith.constant 0 : i32
      %cond3A_283 = arith.cmpi ne, %convert_element_type3A_281, %cond3A_282 : i32
      scf.if %cond3A_283 {
        %add3A_284 = arith.constant 3 : i32
        %add3A_285 = arith.addi %mul3A_101, %add3A_284 : i32
        %mul3A_286 = arith.constant 128 : i32
        %mul3A_287 = arith.muli %add3A_285, %mul3A_286 : i32
        %add3A_288 = arith.addi %mul3A_28, %mul3A_287 : i32
        %multiple_of3A_289 = tpu.assume_multiple %add3A_288, 128 : i32
        %dma_start3A_290 = tpu.memref_slice %arg3[%multiple_of3A_289] : memref<10502144xi32, #tpu.memory_space<hbm>> -> memref<128xi32, #tpu.memory_space<hbm>>
        %dma_start3A_291 = tpu.memref_slice %arg3[%multiple_of3A_289] : memref<10502144xi32, #tpu.memory_space<hbm>> -> memref<128xi32, #tpu.memory_space<hbm>>
        tpu.enqueue_dma source(%dma_start3A_291 : memref<128xi32, #tpu.memory_space<hbm>>) target(%arg9 : memref<128xi32, #tpu.memory_space<vmem>>) target_semaphore(%arg18 : memref<!tpu.dma_semaphore, #tpu.memory_space<semaphore_mem>>)
        %dma_start3A_292 = tpu.memref_slice %arg4[%multiple_of3A_289] : memref<10502144xi32, #tpu.memory_space<hbm>> -> memref<128xi32, #tpu.memory_space<hbm>>
        %dma_start3A_293 = tpu.memref_slice %arg4[%multiple_of3A_289] : memref<10502144xi32, #tpu.memory_space<hbm>> -> memref<128xi32, #tpu.memory_space<hbm>>
        tpu.enqueue_dma source(%dma_start3A_293 : memref<128xi32, #tpu.memory_space<hbm>>) target(%arg11 : memref<128xi32, #tpu.memory_space<vmem>>) target_semaphore(%arg18 : memref<!tpu.dma_semaphore, #tpu.memory_space<semaphore_mem>>)
        %dma_wait3A_294 = arith.constant 0 : i32
        %dma_wait3A_295 = arith.constant 0 : i32
        %dma_wait3A_296 = tpu.memref_slice %arg16[%dma_wait3A_294, %dma_wait3A_295] : memref<5248x128xf32, #tpu.memory_space<vmem_shared>> -> memref<5248x128xf32, #tpu.memory_space<vmem_shared>>
        tpu.wait_indirect_dma semaphore(%arg21 : memref<!tpu.dma_semaphore, #tpu.memory_space<semaphore_mem>>) src(%arg14 : memref<128x128xf32, #tpu.memory_space<vmem>>) dst(%dma_wait3A_296 : memref<5248x128xf32, #tpu.memory_space<vmem_shared>>)
        %dma_wait3A_297 = arith.constant 0 : i32
        %dma_wait3A_298 = tpu.memref_slice %arg3[%dma_wait3A_297] : memref<10502144xi32, #tpu.memory_space<hbm>> -> memref<128xi32, #tpu.memory_space<hbm>>
        %dma_wait3A_299 = arith.constant 0 : i32
        %dma_wait3A_300 = tpu.memref_slice %arg3[%dma_wait3A_299] : memref<10502144xi32, #tpu.memory_space<hbm>> -> memref<128xi32, #tpu.memory_space<hbm>>
        tpu.wait_dma2 semaphore(%arg17 : memref<!tpu.dma_semaphore, #tpu.memory_space<semaphore_mem>>) src(%dma_wait3A_300 : memref<128xi32, #tpu.memory_space<hbm>>) dst(%arg8 : memref<128xi32, #tpu.memory_space<vmem>>)
        %dma_wait3A_301 = arith.constant 0 : i32
        %dma_wait3A_302 = tpu.memref_slice %arg3[%dma_wait3A_301] : memref<10502144xi32, #tpu.memory_space<hbm>> -> memref<128xi32, #tpu.memory_space<hbm>>
        %dma_wait3A_303 = arith.constant 0 : i32
        %dma_wait3A_304 = tpu.memref_slice %arg3[%dma_wait3A_303] : memref<10502144xi32, #tpu.memory_space<hbm>> -> memref<128xi32, #tpu.memory_space<hbm>>
        tpu.wait_dma2 semaphore(%arg17 : memref<!tpu.dma_semaphore, #tpu.memory_space<semaphore_mem>>) src(%dma_wait3A_304 : memref<128xi32, #tpu.memory_space<hbm>>) dst(%arg10 : memref<128xi32, #tpu.memory_space<vmem>>)
        %multiple_of3A_305 = arith.constant 0 : i32
        %multiple_of3A_306 = tpu.assume_multiple %multiple_of3A_305, 32 : i32
        %dma_start3A_307 = arith.constant 0 : i32
        %dma_start3A_308 = tpu.memref_slice %arg14[%multiple_of3A_306, %dma_start3A_307] : memref<128x128xf32, #tpu.memory_space<vmem>> -> memref<32x128xf32, #tpu.memory_space<vmem>>
        %dma_start3A_309 = tpu.memref_slice %arg8[%multiple_of3A_306] : memref<128xi32, #tpu.memory_space<vmem>> -> memref<32xi32, #tpu.memory_space<vmem>>
        %dma_start3A_310 = arith.constant 0 : i32
        %dma_start3A_311 = arith.constant 0 : i32
        %dma_start3A_312 = tpu.memref_slice %arg2[%dma_start3A_310, %dma_start3A_311] : memref<10240x128xf32, #tpu.memory_space<hbm>> -> memref<10240x128xf32, #tpu.memory_space<hbm>>
        tpu.enqueue_indirect_dma source(%dma_start3A_312 : memref<10240x128xf32, #tpu.memory_space<hbm>>) target(%dma_start3A_308 : memref<32x128xf32, #tpu.memory_space<vmem>>) offsets(%dma_start3A_309 : memref<32xi32, #tpu.memory_space<vmem>>) semaphore(%arg19 : memref<!tpu.dma_semaphore, #tpu.memory_space<semaphore_mem>>)
        %multiple_of3A_313 = arith.constant 32 : i32
        %multiple_of3A_314 = tpu.assume_multiple %multiple_of3A_313, 32 : i32
        %dma_start3A_315 = arith.constant 0 : i32
        %dma_start3A_316 = tpu.memref_slice %arg14[%multiple_of3A_314, %dma_start3A_315] : memref<128x128xf32, #tpu.memory_space<vmem>> -> memref<32x128xf32, #tpu.memory_space<vmem>>
        %dma_start3A_317 = tpu.memref_slice %arg8[%multiple_of3A_314] : memref<128xi32, #tpu.memory_space<vmem>> -> memref<32xi32, #tpu.memory_space<vmem>>
        %dma_start3A_318 = arith.constant 0 : i32
        %dma_start3A_319 = arith.constant 0 : i32
        %dma_start3A_320 = tpu.memref_slice %arg2[%dma_start3A_318, %dma_start3A_319] : memref<10240x128xf32, #tpu.memory_space<hbm>> -> memref<10240x128xf32, #tpu.memory_space<hbm>>
        tpu.enqueue_indirect_dma source(%dma_start3A_320 : memref<10240x128xf32, #tpu.memory_space<hbm>>) target(%dma_start3A_316 : memref<32x128xf32, #tpu.memory_space<vmem>>) offsets(%dma_start3A_317 : memref<32xi32, #tpu.memory_space<vmem>>) semaphore(%arg19 : memref<!tpu.dma_semaphore, #tpu.memory_space<semaphore_mem>>)
        %multiple_of3A_321 = arith.constant 64 : i32
        %multiple_of3A_322 = tpu.assume_multiple %multiple_of3A_321, 32 : i32
        %dma_start3A_323 = arith.constant 0 : i32
        %dma_start3A_324 = tpu.memref_slice %arg14[%multiple_of3A_322, %dma_start3A_323] : memref<128x128xf32, #tpu.memory_space<vmem>> -> memref<32x128xf32, #tpu.memory_space<vmem>>
        %dma_start3A_325 = tpu.memref_slice %arg8[%multiple_of3A_322] : memref<128xi32, #tpu.memory_space<vmem>> -> memref<32xi32, #tpu.memory_space<vmem>>
        %dma_start3A_326 = arith.constant 0 : i32
        %dma_start3A_327 = arith.constant 0 : i32
        %dma_start3A_328 = tpu.memref_slice %arg2[%dma_start3A_326, %dma_start3A_327] : memref<10240x128xf32, #tpu.memory_space<hbm>> -> memref<10240x128xf32, #tpu.memory_space<hbm>>
        tpu.enqueue_indirect_dma source(%dma_start3A_328 : memref<10240x128xf32, #tpu.memory_space<hbm>>) target(%dma_start3A_324 : memref<32x128xf32, #tpu.memory_space<vmem>>) offsets(%dma_start3A_325 : memref<32xi32, #tpu.memory_space<vmem>>) semaphore(%arg19 : memref<!tpu.dma_semaphore, #tpu.memory_space<semaphore_mem>>)
        %multiple_of3A_329 = arith.constant 96 : i32
        %multiple_of3A_330 = tpu.assume_multiple %multiple_of3A_329, 32 : i32
        %dma_start3A_331 = arith.constant 0 : i32
        %dma_start3A_332 = tpu.memref_slice %arg14[%multiple_of3A_330, %dma_start3A_331] : memref<128x128xf32, #tpu.memory_space<vmem>> -> memref<32x128xf32, #tpu.memory_space<vmem>>
        %dma_start3A_333 = tpu.memref_slice %arg8[%multiple_of3A_330] : memref<128xi32, #tpu.memory_space<vmem>> -> memref<32xi32, #tpu.memory_space<vmem>>
        %dma_start3A_334 = arith.constant 0 : i32
        %dma_start3A_335 = arith.constant 0 : i32
        %dma_start3A_336 = tpu.memref_slice %arg2[%dma_start3A_334, %dma_start3A_335] : memref<10240x128xf32, #tpu.memory_space<hbm>> -> memref<10240x128xf32, #tpu.memory_space<hbm>>
        tpu.enqueue_indirect_dma source(%dma_start3A_336 : memref<10240x128xf32, #tpu.memory_space<hbm>>) target(%dma_start3A_332 : memref<32x128xf32, #tpu.memory_space<vmem>>) offsets(%dma_start3A_333 : memref<32xi32, #tpu.memory_space<vmem>>) semaphore(%arg19 : memref<!tpu.dma_semaphore, #tpu.memory_space<semaphore_mem>>)
      } else {
      }
    }
    %while3A_89 = arith.constant 1 : i32
    scf.for %while3A_99 = %while3A_87 to %while3A_83 step %while3A_89  : i32 {
      %mul3A_100 = arith.constant 2 : i32
      %mul3A_101 = arith.muli %while3A_99, %mul3A_100 : i32
      %dma_wait3A_102 = arith.constant 0 : i32
      %dma_wait3A_103 = tpu.memref_slice %arg3[%dma_wait3A_102] : memref<10502144xi32, #tpu.memory_space<hbm>> -> memref<128xi32, #tpu.memory_space<hbm>>
      %dma_wait3A_104 = arith.constant 0 : i32
      %dma_wait3A_105 = tpu.memref_slice %arg3[%dma_wait3A_104] : memref<10502144xi32, #tpu.memory_space<hbm>> -> memref<128xi32, #tpu.memory_space<hbm>>
      tpu.wait_dma2 semaphore(%arg18 : memref<!tpu.dma_semaphore, #tpu.memory_space<semaphore_mem>>) src(%dma_wait3A_105 : memref<128xi32, #tpu.memory_space<hbm>>) dst(%arg9 : memref<128xi32, #tpu.memory_space<vmem>>)
      %dma_wait3A_106 = arith.constant 0 : i32
      %dma_wait3A_107 = tpu.memref_slice %arg3[%dma_wait3A_106] : memref<10502144xi32, #tpu.memory_space<hbm>> -> memref<128xi32, #tpu.memory_space<hbm>>
      %dma_wait3A_108 = arith.constant 0 : i32
      %dma_wait3A_109 = tpu.memref_slice %arg3[%dma_wait3A_108] : memref<10502144xi32, #tpu.memory_space<hbm>> -> memref<128xi32, #tpu.memory_space<hbm>>
      tpu.wait_dma2 semaphore(%arg18 : memref<!tpu.dma_semaphore, #tpu.memory_space<semaphore_mem>>) src(%dma_wait3A_109 : memref<128xi32, #tpu.memory_space<hbm>>) dst(%arg11 : memref<128xi32, #tpu.memory_space<vmem>>)
      %gt3A = arith.constant 0 : i32
      %gt3A_110 = arith.cmpi sgt, %while3A_99, %gt3A : i32
      %convert_element_type3A = arith.extui %gt3A_110 : i1 to i32
      %cond3A = arith.constant 0 : i32
      %cond3A_111 = arith.cmpi ne, %convert_element_type3A, %cond3A : i32
      scf.if %cond3A_111 {
        %dma_wait3A_284 = arith.constant 0 : i32
        %dma_wait3A_285 = arith.constant 0 : i32
        %dma_wait3A_286 = tpu.memref_slice %arg16[%dma_wait3A_284, %dma_wait3A_285] : memref<5248x128xf32, #tpu.memory_space<vmem_shared>> -> memref<5248x128xf32, #tpu.memory_space<vmem_shared>>
        tpu.wait_indirect_dma semaphore(%arg22 : memref<!tpu.dma_semaphore, #tpu.memory_space<semaphore_mem>>) src(%arg15 : memref<128x128xf32, #tpu.memory_space<vmem>>) dst(%dma_wait3A_286 : memref<5248x128xf32, #tpu.memory_space<vmem_shared>>)
      } else {
      }
      %multiple_of3A_112 = arith.constant 0 : i32
      %multiple_of3A_113 = tpu.assume_multiple %multiple_of3A_112, 32 : i32
      %dma_start3A_114 = arith.constant 0 : i32
      %dma_start3A_115 = tpu.memref_slice %arg15[%multiple_of3A_113, %dma_start3A_114] : memref<128x128xf32, #tpu.memory_space<vmem>> -> memref<32x128xf32, #tpu.memory_space<vmem>>
      %dma_start3A_116 = tpu.memref_slice %arg9[%multiple_of3A_113] : memref<128xi32, #tpu.memory_space<vmem>> -> memref<32xi32, #tpu.memory_space<vmem>>
      %dma_start3A_117 = arith.constant 0 : i32
      %dma_start3A_118 = arith.constant 0 : i32
      %dma_start3A_119 = tpu.memref_slice %arg2[%dma_start3A_117, %dma_start3A_118] : memref<10240x128xf32, #tpu.memory_space<hbm>> -> memref<10240x128xf32, #tpu.memory_space<hbm>>
      tpu.enqueue_indirect_dma source(%dma_start3A_119 : memref<10240x128xf32, #tpu.memory_space<hbm>>) target(%dma_start3A_115 : memref<32x128xf32, #tpu.memory_space<vmem>>) offsets(%dma_start3A_116 : memref<32xi32, #tpu.memory_space<vmem>>) semaphore(%arg20 : memref<!tpu.dma_semaphore, #tpu.memory_space<semaphore_mem>>)
      %multiple_of3A_120 = arith.constant 32 : i32
      %multiple_of3A_121 = tpu.assume_multiple %multiple_of3A_120, 32 : i32
      %dma_start3A_122 = arith.constant 0 : i32
      %dma_start3A_123 = tpu.memref_slice %arg15[%multiple_of3A_121, %dma_start3A_122] : memref<128x128xf32, #tpu.memory_space<vmem>> -> memref<32x128xf32, #tpu.memory_space<vmem>>
      %dma_start3A_124 = tpu.memref_slice %arg9[%multiple_of3A_121] : memref<128xi32, #tpu.memory_space<vmem>> -> memref<32xi32, #tpu.memory_space<vmem>>
      %dma_start3A_125 = arith.constant 0 : i32
      %dma_start3A_126 = arith.constant 0 : i32
      %dma_start3A_127 = tpu.memref_slice %arg2[%dma_start3A_125, %dma_start3A_126] : memref<10240x128xf32, #tpu.memory_space<hbm>> -> memref<10240x128xf32, #tpu.memory_space<hbm>>
      tpu.enqueue_indirect_dma source(%dma_start3A_127 : memref<10240x128xf32, #tpu.memory_space<hbm>>) target(%dma_start3A_123 : memref<32x128xf32, #tpu.memory_space<vmem>>) offsets(%dma_start3A_124 : memref<32xi32, #tpu.memory_space<vmem>>) semaphore(%arg20 : memref<!tpu.dma_semaphore, #tpu.memory_space<semaphore_mem>>)
      %multiple_of3A_128 = arith.constant 64 : i32
      %multiple_of3A_129 = tpu.assume_multiple %multiple_of3A_128, 32 : i32
      %dma_start3A_130 = arith.constant 0 : i32
      %dma_start3A_131 = tpu.memref_slice %arg15[%multiple_of3A_129, %dma_start3A_130] : memref<128x128xf32, #tpu.memory_space<vmem>> -> memref<32x128xf32, #tpu.memory_space<vmem>>
      %dma_start3A_132 = tpu.memref_slice %arg9[%multiple_of3A_129] : memref<128xi32, #tpu.memory_space<vmem>> -> memref<32xi32, #tpu.memory_space<vmem>>
      %dma_start3A_133 = arith.constant 0 : i32
      %dma_start3A_134 = arith.constant 0 : i32
      %dma_start3A_135 = tpu.memref_slice %arg2[%dma_start3A_133, %dma_start3A_134] : memref<10240x128xf32, #tpu.memory_space<hbm>> -> memref<10240x128xf32, #tpu.memory_space<hbm>>
      tpu.enqueue_indirect_dma source(%dma_start3A_135 : memref<10240x128xf32, #tpu.memory_space<hbm>>) target(%dma_start3A_131 : memref<32x128xf32, #tpu.memory_space<vmem>>) offsets(%dma_start3A_132 : memref<32xi32, #tpu.memory_space<vmem>>) semaphore(%arg20 : memref<!tpu.dma_semaphore, #tpu.memory_space<semaphore_mem>>)
      %multiple_of3A_136 = arith.constant 96 : i32
      %multiple_of3A_137 = tpu.assume_multiple %multiple_of3A_136, 32 : i32
      %dma_start3A_138 = arith.constant 0 : i32
      %dma_start3A_139 = tpu.memref_slice %arg15[%multiple_of3A_137, %dma_start3A_138] : memref<128x128xf32, #tpu.memory_space<vmem>> -> memref<32x128xf32, #tpu.memory_space<vmem>>
      %dma_start3A_140 = tpu.memref_slice %arg9[%multiple_of3A_137] : memref<128xi32, #tpu.memory_space<vmem>> -> memref<32xi32, #tpu.memory_space<vmem>>
      %dma_start3A_141 = arith.constant 0 : i32
      %dma_start3A_142 = arith.constant 0 : i32
      %dma_start3A_143 = tpu.memref_slice %arg2[%dma_start3A_141, %dma_start3A_142] : memref<10240x128xf32, #tpu.memory_space<hbm>> -> memref<10240x128xf32, #tpu.memory_space<hbm>>
      tpu.enqueue_indirect_dma source(%dma_start3A_143 : memref<10240x128xf32, #tpu.memory_space<hbm>>) target(%dma_start3A_139 : memref<32x128xf32, #tpu.memory_space<vmem>>) offsets(%dma_start3A_140 : memref<32xi32, #tpu.memory_space<vmem>>) semaphore(%arg20 : memref<!tpu.dma_semaphore, #tpu.memory_space<semaphore_mem>>)
      %multiple_of3A_144 = arith.constant 0 : i32
      %multiple_of3A_145 = tpu.assume_multiple %multiple_of3A_144, 32 : i32
      %dma_wait3A_146 = arith.constant 0 : i32
      %dma_wait3A_147 = tpu.memref_slice %arg14[%multiple_of3A_145, %dma_wait3A_146] : memref<128x128xf32, #tpu.memory_space<vmem>> -> memref<32x128xf32, #tpu.memory_space<vmem>>
      %dma_wait3A_148 = tpu.memref_slice %arg8[%multiple_of3A_145] : memref<128xi32, #tpu.memory_space<vmem>> -> memref<32xi32, #tpu.memory_space<vmem>>
      %dma_wait3A_149 = arith.constant 0 : i32
      %dma_wait3A_150 = arith.constant 0 : i32
      %dma_wait3A_151 = tpu.memref_slice %arg2[%dma_wait3A_149, %dma_wait3A_150] : memref<10240x128xf32, #tpu.memory_space<hbm>> -> memref<10240x128xf32, #tpu.memory_space<hbm>>
      tpu.wait_indirect_dma semaphore(%arg19 : memref<!tpu.dma_semaphore, #tpu.memory_space<semaphore_mem>>) src(%dma_wait3A_151 : memref<10240x128xf32, #tpu.memory_space<hbm>>) dst(%dma_wait3A_147 : memref<32x128xf32, #tpu.memory_space<vmem>>)
      %multiple_of3A_152 = arith.constant 32 : i32
      %multiple_of3A_153 = tpu.assume_multiple %multiple_of3A_152, 32 : i32
      %dma_wait3A_154 = arith.constant 0 : i32
      %dma_wait3A_155 = tpu.memref_slice %arg14[%multiple_of3A_153, %dma_wait3A_154] : memref<128x128xf32, #tpu.memory_space<vmem>> -> memref<32x128xf32, #tpu.memory_space<vmem>>
      %dma_wait3A_156 = tpu.memref_slice %arg8[%multiple_of3A_153] : memref<128xi32, #tpu.memory_space<vmem>> -> memref<32xi32, #tpu.memory_space<vmem>>
      %dma_wait3A_157 = arith.constant 0 : i32
      %dma_wait3A_158 = arith.constant 0 : i32
      %dma_wait3A_159 = tpu.memref_slice %arg2[%dma_wait3A_157, %dma_wait3A_158] : memref<10240x128xf32, #tpu.memory_space<hbm>> -> memref<10240x128xf32, #tpu.memory_space<hbm>>
      tpu.wait_indirect_dma semaphore(%arg19 : memref<!tpu.dma_semaphore, #tpu.memory_space<semaphore_mem>>) src(%dma_wait3A_159 : memref<10240x128xf32, #tpu.memory_space<hbm>>) dst(%dma_wait3A_155 : memref<32x128xf32, #tpu.memory_space<vmem>>)
      %multiple_of3A_160 = arith.constant 64 : i32
      %multiple_of3A_161 = tpu.assume_multiple %multiple_of3A_160, 32 : i32
      %dma_wait3A_162 = arith.constant 0 : i32
      %dma_wait3A_163 = tpu.memref_slice %arg14[%multiple_of3A_161, %dma_wait3A_162] : memref<128x128xf32, #tpu.memory_space<vmem>> -> memref<32x128xf32, #tpu.memory_space<vmem>>
      %dma_wait3A_164 = tpu.memref_slice %arg8[%multiple_of3A_161] : memref<128xi32, #tpu.memory_space<vmem>> -> memref<32xi32, #tpu.memory_space<vmem>>
      %dma_wait3A_165 = arith.constant 0 : i32
      %dma_wait3A_166 = arith.constant 0 : i32
      %dma_wait3A_167 = tpu.memref_slice %arg2[%dma_wait3A_165, %dma_wait3A_166] : memref<10240x128xf32, #tpu.memory_space<hbm>> -> memref<10240x128xf32, #tpu.memory_space<hbm>>
      tpu.wait_indirect_dma semaphore(%arg19 : memref<!tpu.dma_semaphore, #tpu.memory_space<semaphore_mem>>) src(%dma_wait3A_167 : memref<10240x128xf32, #tpu.memory_space<hbm>>) dst(%dma_wait3A_163 : memref<32x128xf32, #tpu.memory_space<vmem>>)
      %multiple_of3A_168 = arith.constant 96 : i32
      %multiple_of3A_169 = tpu.assume_multiple %multiple_of3A_168, 32 : i32
      %dma_wait3A_170 = arith.constant 0 : i32
      %dma_wait3A_171 = tpu.memref_slice %arg14[%multiple_of3A_169, %dma_wait3A_170] : memref<128x128xf32, #tpu.memory_space<vmem>> -> memref<32x128xf32, #tpu.memory_space<vmem>>
      %dma_wait3A_172 = tpu.memref_slice %arg8[%multiple_of3A_169] : memref<128xi32, #tpu.memory_space<vmem>> -> memref<32xi32, #tpu.memory_space<vmem>>
      %dma_wait3A_173 = arith.constant 0 : i32
      %dma_wait3A_174 = arith.constant 0 : i32
      %dma_wait3A_175 = tpu.memref_slice %arg2[%dma_wait3A_173, %dma_wait3A_174] : memref<10240x128xf32, #tpu.memory_space<hbm>> -> memref<10240x128xf32, #tpu.memory_space<hbm>>
      tpu.wait_indirect_dma semaphore(%arg19 : memref<!tpu.dma_semaphore, #tpu.memory_space<semaphore_mem>>) src(%dma_wait3A_175 : memref<10240x128xf32, #tpu.memory_space<hbm>>) dst(%dma_wait3A_171 : memref<32x128xf32, #tpu.memory_space<vmem>>)
      %get3A_176 = arith.constant 0 : index
      %get3A_177 = tpu.vector_load %arg10[%get3A_176] {strides = array<i32>} : memref<128xi32, #tpu.memory_space<vmem>>, vector<16xi32>,
      %swap3A = arith.constant 0 : index
      %swap3A_178 = tpu.vector_load %arg12[%swap3A] {strides = array<i32>} : memref<128xi32, #tpu.memory_space<vmem>>, vector<16xi32>,
      tpu.vector_store %arg12[%swap3A], %get3A_177 {strides = array<i32>} : memref<128xi32, #tpu.memory_space<vmem>>, vector<16xi32>,
      %get3A_179 = arith.constant 16 : index
      %get3A_180 = tpu.vector_load %arg10[%get3A_179] {strides = array<i32>} : memref<128xi32, #tpu.memory_space<vmem>>, vector<16xi32>,
      %swap3A_181 = arith.constant 16 : index
      %swap3A_182 = tpu.vector_load %arg12[%swap3A_181] {strides = array<i32>} : memref<128xi32, #tpu.memory_space<vmem>>, vector<16xi32>,
      tpu.vector_store %arg12[%swap3A_181], %get3A_180 {strides = array<i32>} : memref<128xi32, #tpu.memory_space<vmem>>, vector<16xi32>,
      %get3A_183 = arith.constant 32 : index
      %get3A_184 = tpu.vector_load %arg10[%get3A_183] {strides = array<i32>} : memref<128xi32, #tpu.memory_space<vmem>>, vector<16xi32>,
      %swap3A_185 = arith.constant 32 : index
      %swap3A_186 = tpu.vector_load %arg12[%swap3A_185] {strides = array<i32>} : memref<128xi32, #tpu.memory_space<vmem>>, vector<16xi32>,
      tpu.vector_store %arg12[%swap3A_185], %get3A_184 {strides = array<i32>} : memref<128xi32, #tpu.memory_space<vmem>>, vector<16xi32>,
      %get3A_187 = arith.constant 48 : index
      %get3A_188 = tpu.vector_load %arg10[%get3A_187] {strides = array<i32>} : memref<128xi32, #tpu.memory_space<vmem>>, vector<16xi32>,
      %swap3A_189 = arith.constant 48 : index
      %swap3A_190 = tpu.vector_load %arg12[%swap3A_189] {strides = array<i32>} : memref<128xi32, #tpu.memory_space<vmem>>, vector<16xi32>,
      tpu.vector_store %arg12[%swap3A_189], %get3A_188 {strides = array<i32>} : memref<128xi32, #tpu.memory_space<vmem>>, vector<16xi32>,
      %get3A_191 = arith.constant 64 : index
      %get3A_192 = tpu.vector_load %arg10[%get3A_191] {strides = array<i32>} : memref<128xi32, #tpu.memory_space<vmem>>, vector<16xi32>,
      %swap3A_193 = arith.constant 64 : index
      %swap3A_194 = tpu.vector_load %arg12[%swap3A_193] {strides = array<i32>} : memref<128xi32, #tpu.memory_space<vmem>>, vector<16xi32>,
      tpu.vector_store %arg12[%swap3A_193], %get3A_192 {strides = array<i32>} : memref<128xi32, #tpu.memory_space<vmem>>, vector<16xi32>,
      %get3A_195 = arith.constant 80 : index
      %get3A_196 = tpu.vector_load %arg10[%get3A_195] {strides = array<i32>} : memref<128xi32, #tpu.memory_space<vmem>>, vector<16xi32>,
      %swap3A_197 = arith.constant 80 : index
      %swap3A_198 = tpu.vector_load %arg12[%swap3A_197] {strides = array<i32>} : memref<128xi32, #tpu.memory_space<vmem>>, vector<16xi32>,
      tpu.vector_store %arg12[%swap3A_197], %get3A_196 {strides = array<i32>} : memref<128xi32, #tpu.memory_space<vmem>>, vector<16xi32>,
      %get3A_199 = arith.constant 96 : index
      %get3A_200 = tpu.vector_load %arg10[%get3A_199] {strides = array<i32>} : memref<128xi32, #tpu.memory_space<vmem>>, vector<16xi32>,
      %swap3A_201 = arith.constant 96 : index
      %swap3A_202 = tpu.vector_load %arg12[%swap3A_201] {strides = array<i32>} : memref<128xi32, #tpu.memory_space<vmem>>, vector<16xi32>,
      tpu.vector_store %arg12[%swap3A_201], %get3A_200 {strides = array<i32>} : memref<128xi32, #tpu.memory_space<vmem>>, vector<16xi32>,
      %get3A_203 = arith.constant 112 : index
      %get3A_204 = tpu.vector_load %arg10[%get3A_203] {strides = array<i32>} : memref<128xi32, #tpu.memory_space<vmem>>, vector<16xi32>,
      %swap3A_205 = arith.constant 112 : index
      %swap3A_206 = tpu.vector_load %arg12[%swap3A_205] {strides = array<i32>} : memref<128xi32, #tpu.memory_space<vmem>>, vector<16xi32>,
      tpu.vector_store %arg12[%swap3A_205], %get3A_204 {strides = array<i32>} : memref<128xi32, #tpu.memory_space<vmem>>, vector<16xi32>,
      %dma_start3A_207 = arith.constant 0 : i32
      %dma_start3A_208 = arith.constant 0 : i32
      %dma_start3A_209 = tpu.memref_slice %arg16[%dma_start3A_207, %dma_start3A_208] : memref<5248x128xf32, #tpu.memory_space<vmem_shared>> -> memref<5248x128xf32, #tpu.memory_space<vmem_shared>>
      tpu.enqueue_indirect_dma source(%arg14 : memref<128x128xf32, #tpu.memory_space<vmem>>) target(%dma_start3A_209 : memref<5248x128xf32, #tpu.memory_space<vmem_shared>>) offsets(%arg12 : memref<128xi32, #tpu.memory_space<vmem>>) semaphore(%arg21 : memref<!tpu.dma_semaphore, #tpu.memory_space<semaphore_mem>>) {add = true}
      %sub3A = arith.constant 1 : i32
      %sub3A_210 = arith.subi %shift_right_logical3A_26, %sub3A : i32
      %lt3A = arith.cmpi slt, %while3A_99, %sub3A_210 : i32
      %convert_element_type3A_211 = arith.extui %lt3A : i1 to i32
      %cond3A_212 = arith.constant 0 : i32
      %cond3A_213 = arith.cmpi ne, %convert_element_type3A_211, %cond3A_212 : i32
      scf.if %cond3A_213 {
        %add3A_284 = arith.constant 2 : i32
        %add3A_285 = arith.addi %mul3A_101, %add3A_284 : i32
        %mul3A_286 = arith.constant 128 : i32
        %mul3A_287 = arith.muli %add3A_285, %mul3A_286 : i32
        %add3A_288 = arith.addi %mul3A_28, %mul3A_287 : i32
        %multiple_of3A_289 = tpu.assume_multiple %add3A_288, 128 : i32
        %dma_start3A_290 = tpu.memref_slice %arg3[%multiple_of3A_289] : memref<10502144xi32, #tpu.memory_space<hbm>> -> memref<128xi32, #tpu.memory_space<hbm>>
        %dma_start3A_291 = tpu.memref_slice %arg3[%multiple_of3A_289] : memref<10502144xi32, #tpu.memory_space<hbm>> -> memref<128xi32, #tpu.memory_space<hbm>>
        tpu.enqueue_dma source(%dma_start3A_291 : memref<128xi32, #tpu.memory_space<hbm>>) target(%arg8 : memref<128xi32, #tpu.memory_space<vmem>>) target_semaphore(%arg17 : memref<!tpu.dma_semaphore, #tpu.memory_space<semaphore_mem>>)
        %dma_start3A_292 = tpu.memref_slice %arg4[%multiple_of3A_289] : memref<10502144xi32, #tpu.memory_space<hbm>> -> memref<128xi32, #tpu.memory_space<hbm>>
        %dma_start3A_293 = tpu.memref_slice %arg4[%multiple_of3A_289] : memref<10502144xi32, #tpu.memory_space<hbm>> -> memref<128xi32, #tpu.memory_space<hbm>>
        tpu.enqueue_dma source(%dma_start3A_293 : memref<128xi32, #tpu.memory_space<hbm>>) target(%arg10 : memref<128xi32, #tpu.memory_space<vmem>>) target_semaphore(%arg17 : memref<!tpu.dma_semaphore, #tpu.memory_space<semaphore_mem>>)
      } else {
      }
      %multiple_of3A_214 = arith.constant 0 : i32
      %multiple_of3A_215 = tpu.assume_multiple %multiple_of3A_214, 32 : i32
      %dma_wait3A_216 = arith.constant 0 : i32
      %dma_wait3A_217 = tpu.memref_slice %arg15[%multiple_of3A_215, %dma_wait3A_216] : memref<128x128xf32, #tpu.memory_space<vmem>> -> memref<32x128xf32, #tpu.memory_space<vmem>>
      %dma_wait3A_218 = tpu.memref_slice %arg9[%multiple_of3A_215] : memref<128xi32, #tpu.memory_space<vmem>> -> memref<32xi32, #tpu.memory_space<vmem>>
      %dma_wait3A_219 = arith.constant 0 : i32
      %dma_wait3A_220 = arith.constant 0 : i32
      %dma_wait3A_221 = tpu.memref_slice %arg2[%dma_wait3A_219, %dma_wait3A_220] : memref<10240x128xf32, #tpu.memory_space<hbm>> -> memref<10240x128xf32, #tpu.memory_space<hbm>>
      tpu.wait_indirect_dma semaphore(%arg20 : memref<!tpu.dma_semaphore, #tpu.memory_space<semaphore_mem>>) src(%dma_wait3A_221 : memref<10240x128xf32, #tpu.memory_space<hbm>>) dst(%dma_wait3A_217 : memref<32x128xf32, #tpu.memory_space<vmem>>)
      %multiple_of3A_222 = arith.constant 32 : i32
      %multiple_of3A_223 = tpu.assume_multiple %multiple_of3A_222, 32 : i32
      %dma_wait3A_224 = arith.constant 0 : i32
      %dma_wait3A_225 = tpu.memref_slice %arg15[%multiple_of3A_223, %dma_wait3A_224] : memref<128x128xf32, #tpu.memory_space<vmem>> -> memref<32x128xf32, #tpu.memory_space<vmem>>
      %dma_wait3A_226 = tpu.memref_slice %arg9[%multiple_of3A_223] : memref<128xi32, #tpu.memory_space<vmem>> -> memref<32xi32, #tpu.memory_space<vmem>>
      %dma_wait3A_227 = arith.constant 0 : i32
      %dma_wait3A_228 = arith.constant 0 : i32
      %dma_wait3A_229 = tpu.memref_slice %arg2[%dma_wait3A_227, %dma_wait3A_228] : memref<10240x128xf32, #tpu.memory_space<hbm>> -> memref<10240x128xf32, #tpu.memory_space<hbm>>
      tpu.wait_indirect_dma semaphore(%arg20 : memref<!tpu.dma_semaphore, #tpu.memory_space<semaphore_mem>>) src(%dma_wait3A_229 : memref<10240x128xf32, #tpu.memory_space<hbm>>) dst(%dma_wait3A_225 : memref<32x128xf32, #tpu.memory_space<vmem>>)
      %multiple_of3A_230 = arith.constant 64 : i32
      %multiple_of3A_231 = tpu.assume_multiple %multiple_of3A_230, 32 : i32
      %dma_wait3A_232 = arith.constant 0 : i32
      %dma_wait3A_233 = tpu.memref_slice %arg15[%multiple_of3A_231, %dma_wait3A_232] : memref<128x128xf32, #tpu.memory_space<vmem>> -> memref<32x128xf32, #tpu.memory_space<vmem>>
      %dma_wait3A_234 = tpu.memref_slice %arg9[%multiple_of3A_231] : memref<128xi32, #tpu.memory_space<vmem>> -> memref<32xi32, #tpu.memory_space<vmem>>
      %dma_wait3A_235 = arith.constant 0 : i32
      %dma_wait3A_236 = arith.constant 0 : i32
      %dma_wait3A_237 = tpu.memref_slice %arg2[%dma_wait3A_235, %dma_wait3A_236] : memref<10240x128xf32, #tpu.memory_space<hbm>> -> memref<10240x128xf32, #tpu.memory_space<hbm>>
      tpu.wait_indirect_dma semaphore(%arg20 : memref<!tpu.dma_semaphore, #tpu.memory_space<semaphore_mem>>) src(%dma_wait3A_237 : memref<10240x128xf32, #tpu.memory_space<hbm>>) dst(%dma_wait3A_233 : memref<32x128xf32, #tpu.memory_space<vmem>>)
      %multiple_of3A_238 = arith.constant 96 : i32
      %multiple_of3A_239 = tpu.assume_multiple %multiple_of3A_238, 32 : i32
      %dma_wait3A_240 = arith.constant 0 : i32
      %dma_wait3A_241 = tpu.memref_slice %arg15[%multiple_of3A_239, %dma_wait3A_240] : memref<128x128xf32, #tpu.memory_space<vmem>> -> memref<32x128xf32, #tpu.memory_space<vmem>>
      %dma_wait3A_242 = tpu.memref_slice %arg9[%multiple_of3A_239] : memref<128xi32, #tpu.memory_space<vmem>> -> memref<32xi32, #tpu.memory_space<vmem>>
      %dma_wait3A_243 = arith.constant 0 : i32
      %dma_wait3A_244 = arith.constant 0 : i32
      %dma_wait3A_245 = tpu.memref_slice %arg2[%dma_wait3A_243, %dma_wait3A_244] : memref<10240x128xf32, #tpu.memory_space<hbm>> -> memref<10240x128xf32, #tpu.memory_space<hbm>>
      tpu.wait_indirect_dma semaphore(%arg20 : memref<!tpu.dma_semaphore, #tpu.memory_space<semaphore_mem>>) src(%dma_wait3A_245 : memref<10240x128xf32, #tpu.memory_space<hbm>>) dst(%dma_wait3A_241 : memref<32x128xf32, #tpu.memory_space<vmem>>)
      %get3A_246 = arith.constant 0 : index
      %get3A_247 = tpu.vector_load %arg11[%get3A_246] {strides = array<i32>} : memref<128xi32, #tpu.memory_space<vmem>>, vector<16xi32>,
      %swap3A_248 = arith.constant 0 : index
      %swap3A_249 = tpu.vector_load %arg13[%swap3A_248] {strides = array<i32>} : memref<128xi32, #tpu.memory_space<vmem>>, vector<16xi32>,
      tpu.vector_store %arg13[%swap3A_248], %get3A_247 {strides = array<i32>} : memref<128xi32, #tpu.memory_space<vmem>>, vector<16xi32>,
      %get3A_250 = arith.constant 16 : index
      %get3A_251 = tpu.vector_load %arg11[%get3A_250] {strides = array<i32>} : memref<128xi32, #tpu.memory_space<vmem>>, vector<16xi32>,
      %swap3A_252 = arith.constant 16 : index
      %swap3A_253 = tpu.vector_load %arg13[%swap3A_252] {strides = array<i32>} : memref<128xi32, #tpu.memory_space<vmem>>, vector<16xi32>,
      tpu.vector_store %arg13[%swap3A_252], %get3A_251 {strides = array<i32>} : memref<128xi32, #tpu.memory_space<vmem>>, vector<16xi32>,
      %get3A_254 = arith.constant 32 : index
      %get3A_255 = tpu.vector_load %arg11[%get3A_254] {strides = array<i32>} : memref<128xi32, #tpu.memory_space<vmem>>, vector<16xi32>,
      %swap3A_256 = arith.constant 32 : index
      %swap3A_257 = tpu.vector_load %arg13[%swap3A_256] {strides = array<i32>} : memref<128xi32, #tpu.memory_space<vmem>>, vector<16xi32>,
      tpu.vector_store %arg13[%swap3A_256], %get3A_255 {strides = array<i32>} : memref<128xi32, #tpu.memory_space<vmem>>, vector<16xi32>,
      %get3A_258 = arith.constant 48 : index
      %get3A_259 = tpu.vector_load %arg11[%get3A_258] {strides = array<i32>} : memref<128xi32, #tpu.memory_space<vmem>>, vector<16xi32>,
      %swap3A_260 = arith.constant 48 : index
      %swap3A_261 = tpu.vector_load %arg13[%swap3A_260] {strides = array<i32>} : memref<128xi32, #tpu.memory_space<vmem>>, vector<16xi32>,
      tpu.vector_store %arg13[%swap3A_260], %get3A_259 {strides = array<i32>} : memref<128xi32, #tpu.memory_space<vmem>>, vector<16xi32>,
      %get3A_262 = arith.constant 64 : index
      %get3A_263 = tpu.vector_load %arg11[%get3A_262] {strides = array<i32>} : memref<128xi32, #tpu.memory_space<vmem>>, vector<16xi32>,
      %swap3A_264 = arith.constant 64 : index
      %swap3A_265 = tpu.vector_load %arg13[%swap3A_264] {strides = array<i32>} : memref<128xi32, #tpu.memory_space<vmem>>, vector<16xi32>,
      tpu.vector_store %arg13[%swap3A_264], %get3A_263 {strides = array<i32>} : memref<128xi32, #tpu.memory_space<vmem>>, vector<16xi32>,
      %get3A_266 = arith.constant 80 : index
      %get3A_267 = tpu.vector_load %arg11[%get3A_266] {strides = array<i32>} : memref<128xi32, #tpu.memory_space<vmem>>, vector<16xi32>,
      %swap3A_268 = arith.constant 80 : index
      %swap3A_269 = tpu.vector_load %arg13[%swap3A_268] {strides = array<i32>} : memref<128xi32, #tpu.memory_space<vmem>>, vector<16xi32>,
      tpu.vector_store %arg13[%swap3A_268], %get3A_267 {strides = array<i32>} : memref<128xi32, #tpu.memory_space<vmem>>, vector<16xi32>,
      %get3A_270 = arith.constant 96 : index
      %get3A_271 = tpu.vector_load %arg11[%get3A_270] {strides = array<i32>} : memref<128xi32, #tpu.memory_space<vmem>>, vector<16xi32>,
      %swap3A_272 = arith.constant 96 : index
      %swap3A_273 = tpu.vector_load %arg13[%swap3A_272] {strides = array<i32>} : memref<128xi32, #tpu.memory_space<vmem>>, vector<16xi32>,
      tpu.vector_store %arg13[%swap3A_272], %get3A_271 {strides = array<i32>} : memref<128xi32, #tpu.memory_space<vmem>>, vector<16xi32>,
      %get3A_274 = arith.constant 112 : index
      %get3A_275 = tpu.vector_load %arg11[%get3A_274] {strides = array<i32>} : memref<128xi32, #tpu.memory_space<vmem>>, vector<16xi32>,
      %swap3A_276 = arith.constant 112 : index
      %swap3A_277 = tpu.vector_load %arg13[%swap3A_276] {strides = array<i32>} : memref<128xi32, #tpu.memory_space<vmem>>, vector<16xi32>,
      tpu.vector_store %arg13[%swap3A_276], %get3A_275 {strides = array<i32>} : memref<128xi32, #tpu.memory_space<vmem>>, vector<16xi32>,
      %dma_start3A_278 = arith.constant 0 : i32
      %dma_start3A_279 = arith.constant 0 : i32
      %dma_start3A_280 = tpu.memref_slice %arg16[%dma_start3A_278, %dma_start3A_279] : memref<5248x128xf32, #tpu.memory_space<vmem_shared>> -> memref<5248x128xf32, #tpu.memory_space<vmem_shared>>
      tpu.enqueue_indirect_dma source(%arg15 : memref<128x128xf32, #tpu.memory_space<vmem>>) target(%dma_start3A_280 : memref<5248x128xf32, #tpu.memory_space<vmem_shared>>) offsets(%arg13 : memref<128xi32, #tpu.memory_space<vmem>>) semaphore(%arg22 : memref<!tpu.dma_semaphore, #tpu.memory_space<semaphore_mem>>) {add = true}
      %convert_element_type3A_281 = arith.extui %lt3A : i1 to i32
      %cond3A_282 = arith.constant 0 : i32
      %cond3A_283 = arith.cmpi ne, %convert_element_type3A_281, %cond3A_282 : i32
      scf.if %cond3A_283 {
        %add3A_284 = arith.constant 3 : i32
        %add3A_285 = arith.addi %mul3A_101, %add3A_284 : i32
        %mul3A_286 = arith.constant 128 : i32
        %mul3A_287 = arith.muli %add3A_285, %mul3A_286 : i32
        %add3A_288 = arith.addi %mul3A_28, %mul3A_287 : i32
        %multiple_of3A_289 = tpu.assume_multiple %add3A_288, 128 : i32
        %dma_start3A_290 = tpu.memref_slice %arg3[%multiple_of3A_289] : memref<10502144xi32, #tpu.memory_space<hbm>> -> memref<128xi32, #tpu.memory_space<hbm>>
        %dma_start3A_291 = tpu.memref_slice %arg3[%multiple_of3A_289] : memref<10502144xi32, #tpu.memory_space<hbm>> -> memref<128xi32, #tpu.memory_space<hbm>>
        tpu.enqueue_dma source(%dma_start3A_291 : memref<128xi32, #tpu.memory_space<hbm>>) target(%arg9 : memref<128xi32, #tpu.memory_space<vmem>>) target_semaphore(%arg18 : memref<!tpu.dma_semaphore, #tpu.memory_space<semaphore_mem>>)
        %dma_start3A_292 = tpu.memref_slice %arg4[%multiple_of3A_289] : memref<10502144xi32, #tpu.memory_space<hbm>> -> memref<128xi32, #tpu.memory_space<hbm>>
        %dma_start3A_293 = tpu.memref_slice %arg4[%multiple_of3A_289] : memref<10502144xi32, #tpu.memory_space<hbm>> -> memref<128xi32, #tpu.memory_space<hbm>>
        tpu.enqueue_dma source(%dma_start3A_293 : memref<128xi32, #tpu.memory_space<hbm>>) target(%arg11 : memref<128xi32, #tpu.memory_space<vmem>>) target_semaphore(%arg18 : memref<!tpu.dma_semaphore, #tpu.memory_space<semaphore_mem>>)
        %dma_wait3A_294 = arith.constant 0 : i32
        %dma_wait3A_295 = arith.constant 0 : i32
        %dma_wait3A_296 = tpu.memref_slice %arg16[%dma_wait3A_294, %dma_wait3A_295] : memref<5248x128xf32, #tpu.memory_space<vmem_shared>> -> memref<5248x128xf32, #tpu.memory_space<vmem_shared>>
        tpu.wait_indirect_dma semaphore(%arg21 : memref<!tpu.dma_semaphore, #tpu.memory_space<semaphore_mem>>) src(%arg14 : memref<128x128xf32, #tpu.memory_space<vmem>>) dst(%dma_wait3A_296 : memref<5248x128xf32, #tpu.memory_space<vmem_shared>>)
        %dma_wait3A_297 = arith.constant 0 : i32
        %dma_wait3A_298 = tpu.memref_slice %arg3[%dma_wait3A_297] : memref<10502144xi32, #tpu.memory_space<hbm>> -> memref<128xi32, #tpu.memory_space<hbm>>
        %dma_wait3A_299 = arith.constant 0 : i32
        %dma_wait3A_300 = tpu.memref_slice %arg3[%dma_wait3A_299] : memref<10502144xi32, #tpu.memory_space<hbm>> -> memref<128xi32, #tpu.memory_space<hbm>>
        tpu.wait_dma2 semaphore(%arg17 : memref<!tpu.dma_semaphore, #tpu.memory_space<semaphore_mem>>) src(%dma_wait3A_300 : memref<128xi32, #tpu.memory_space<hbm>>) dst(%arg8 : memref<128xi32, #tpu.memory_space<vmem>>)
        %dma_wait3A_301 = arith.constant 0 : i32
        %dma_wait3A_302 = tpu.memref_slice %arg3[%dma_wait3A_301] : memref<10502144xi32, #tpu.memory_space<hbm>> -> memref<128xi32, #tpu.memory_space<hbm>>
        %dma_wait3A_303 = arith.constant 0 : i32
        %dma_wait3A_304 = tpu.memref_slice %arg3[%dma_wait3A_303] : memref<10502144xi32, #tpu.memory_space<hbm>> -> memref<128xi32, #tpu.memory_space<hbm>>
        tpu.wait_dma2 semaphore(%arg17 : memref<!tpu.dma_semaphore, #tpu.memory_space<semaphore_mem>>) src(%dma_wait3A_304 : memref<128xi32, #tpu.memory_space<hbm>>) dst(%arg10 : memref<128xi32, #tpu.memory_space<vmem>>)
        %multiple_of3A_305 = arith.constant 0 : i32
        %multiple_of3A_306 = tpu.assume_multiple %multiple_of3A_305, 32 : i32
        %dma_start3A_307 = arith.constant 0 : i32
        %dma_start3A_308 = tpu.memref_slice %arg14[%multiple_of3A_306, %dma_start3A_307] : memref<128x128xf32, #tpu.memory_space<vmem>> -> memref<32x128xf32, #tpu.memory_space<vmem>>
        %dma_start3A_309 = tpu.memref_slice %arg8[%multiple_of3A_306] : memref<128xi32, #tpu.memory_space<vmem>> -> memref<32xi32, #tpu.memory_space<vmem>>
        %dma_start3A_310 = arith.constant 0 : i32
        %dma_start3A_311 = arith.constant 0 : i32
        %dma_start3A_312 = tpu.memref_slice %arg2[%dma_start3A_310, %dma_start3A_311] : memref<10240x128xf32, #tpu.memory_space<hbm>> -> memref<10240x128xf32, #tpu.memory_space<hbm>>
        tpu.enqueue_indirect_dma source(%dma_start3A_312 : memref<10240x128xf32, #tpu.memory_space<hbm>>) target(%dma_start3A_308 : memref<32x128xf32, #tpu.memory_space<vmem>>) offsets(%dma_start3A_309 : memref<32xi32, #tpu.memory_space<vmem>>) semaphore(%arg19 : memref<!tpu.dma_semaphore, #tpu.memory_space<semaphore_mem>>)
        %multiple_of3A_313 = arith.constant 32 : i32
        %multiple_of3A_314 = tpu.assume_multiple %multiple_of3A_313, 32 : i32
        %dma_start3A_315 = arith.constant 0 : i32
        %dma_start3A_316 = tpu.memref_slice %arg14[%multiple_of3A_314, %dma_start3A_315] : memref<128x128xf32, #tpu.memory_space<vmem>> -> memref<32x128xf32, #tpu.memory_space<vmem>>
        %dma_start3A_317 = tpu.memref_slice %arg8[%multiple_of3A_314] : memref<128xi32, #tpu.memory_space<vmem>> -> memref<32xi32, #tpu.memory_space<vmem>>
        %dma_start3A_318 = arith.constant 0 : i32
        %dma_start3A_319 = arith.constant 0 : i32
        %dma_start3A_320 = tpu.memref_slice %arg2[%dma_start3A_318, %dma_start3A_319] : memref<10240x128xf32, #tpu.memory_space<hbm>> -> memref<10240x128xf32, #tpu.memory_space<hbm>>
        tpu.enqueue_indirect_dma source(%dma_start3A_320 : memref<10240x128xf32, #tpu.memory_space<hbm>>) target(%dma_start3A_316 : memref<32x128xf32, #tpu.memory_space<vmem>>) offsets(%dma_start3A_317 : memref<32xi32, #tpu.memory_space<vmem>>) semaphore(%arg19 : memref<!tpu.dma_semaphore, #tpu.memory_space<semaphore_mem>>)
        %multiple_of3A_321 = arith.constant 64 : i32
        %multiple_of3A_322 = tpu.assume_multiple %multiple_of3A_321, 32 : i32
        %dma_start3A_323 = arith.constant 0 : i32
        %dma_start3A_324 = tpu.memref_slice %arg14[%multiple_of3A_322, %dma_start3A_323] : memref<128x128xf32, #tpu.memory_space<vmem>> -> memref<32x128xf32, #tpu.memory_space<vmem>>
        %dma_start3A_325 = tpu.memref_slice %arg8[%multiple_of3A_322] : memref<128xi32, #tpu.memory_space<vmem>> -> memref<32xi32, #tpu.memory_space<vmem>>
        %dma_start3A_326 = arith.constant 0 : i32
        %dma_start3A_327 = arith.constant 0 : i32
        %dma_start3A_328 = tpu.memref_slice %arg2[%dma_start3A_326, %dma_start3A_327] : memref<10240x128xf32, #tpu.memory_space<hbm>> -> memref<10240x128xf32, #tpu.memory_space<hbm>>
        tpu.enqueue_indirect_dma source(%dma_start3A_328 : memref<10240x128xf32, #tpu.memory_space<hbm>>) target(%dma_start3A_324 : memref<32x128xf32, #tpu.memory_space<vmem>>) offsets(%dma_start3A_325 : memref<32xi32, #tpu.memory_space<vmem>>) semaphore(%arg19 : memref<!tpu.dma_semaphore, #tpu.memory_space<semaphore_mem>>)
        %multiple_of3A_329 = arith.constant 96 : i32
        %multiple_of3A_330 = tpu.assume_multiple %multiple_of3A_329, 32 : i32
        %dma_start3A_331 = arith.constant 0 : i32
        %dma_start3A_332 = tpu.memref_slice %arg14[%multiple_of3A_330, %dma_start3A_331] : memref<128x128xf32, #tpu.memory_space<vmem>> -> memref<32x128xf32, #tpu.memory_space<vmem>>
        %dma_start3A_333 = tpu.memref_slice %arg8[%multiple_of3A_330] : memref<128xi32, #tpu.memory_space<vmem>> -> memref<32xi32, #tpu.memory_space<vmem>>
        %dma_start3A_334 = arith.constant 0 : i32
        %dma_start3A_335 = arith.constant 0 : i32
        %dma_start3A_336 = tpu.memref_slice %arg2[%dma_start3A_334, %dma_start3A_335] : memref<10240x128xf32, #tpu.memory_space<hbm>> -> memref<10240x128xf32, #tpu.memory_space<hbm>>
        tpu.enqueue_indirect_dma source(%dma_start3A_336 : memref<10240x128xf32, #tpu.memory_space<hbm>>) target(%dma_start3A_332 : memref<32x128xf32, #tpu.memory_space<vmem>>) offsets(%dma_start3A_333 : memref<32xi32, #tpu.memory_space<vmem>>) semaphore(%arg19 : memref<!tpu.dma_semaphore, #tpu.memory_space<semaphore_mem>>)
      } else {
      }
    }
    %dma_wait3A_90 = arith.constant 0 : i32
    %dma_wait3A_91 = arith.constant 0 : i32
    %dma_wait3A_92 = tpu.memref_slice %arg16[%dma_wait3A_90, %dma_wait3A_91] : memref<5248x128xf32, #tpu.memory_space<vmem_shared>> -> memref<5248x128xf32, #tpu.memory_space<vmem_shared>>
    tpu.wait_indirect_dma semaphore(%arg21 : memref<!tpu.dma_semaphore, #tpu.memory_space<semaphore_mem>>) src(%arg14 : memref<128x128xf32, #tpu.memory_space<vmem>>) dst(%dma_wait3A_92 : memref<5248x128xf32, #tpu.memory_space<vmem_shared>>)
    %dma_wait3A_93 = arith.constant 0 : i32
    %dma_wait3A_94 = arith.constant 0 : i32
    %dma_wait3A_95 = tpu.memref_slice %arg16[%dma_wait3A_93, %dma_wait3A_94] : memref<5248x128xf32, #tpu.memory_space<vmem_shared>> -> memref<5248x128xf32, #tpu.memory_space<vmem_shared>>
    tpu.wait_indirect_dma semaphore(%arg22 : memref<!tpu.dma_semaphore, #tpu.memory_space<semaphore_mem>>) src(%arg15 : memref<128x128xf32, #tpu.memory_space<vmem>>) dst(%dma_wait3A_95 : memref<5248x128xf32, #tpu.memory_space<vmem_shared>>)
    %mul3A_96 = arith.constant 320 : i32
    %mul3A_97 = arith.muli %add3A, %mul3A_96 : i32
    %multiple_of3A_98 = tpu.assume_multiple %mul3A_97, 320 : i32
    "tpu.region"() ({
      %run_scoped3A = tpu.sem_alloc : memref<!tpu.dma_semaphore, #tpu.memory_space<semaphore_mem>>
      %dma_start3A_99 = arith.constant 0 : i32
      %dma_start3A_100 = tpu.memref_slice %arg6[%multiple_of3A_98, %dma_start3A_99] : memref<10240x128xf32, #tpu.memory_space<hbm>> -> memref<320x128xf32, #tpu.memory_space<hbm>>
      %dma_start3A_101 = arith.constant 0 : i32
      %dma_start3A_102 = tpu.memref_slice %arg16[%multiple_of3A, %dma_start3A_101] : memref<5248x128xf32, #tpu.memory_space<vmem_shared>> -> memref<320x128xf32, #tpu.memory_space<vmem_shared>>
      tpu.enqueue_dma source(%dma_start3A_102 : memref<320x128xf32, #tpu.memory_space<vmem_shared>>) target(%dma_start3A_100 : memref<320x128xf32, #tpu.memory_space<hbm>>) target_semaphore(%run_scoped3A : memref<!tpu.dma_semaphore, #tpu.memory_space<semaphore_mem>>)
      %dma_wait3A_103 = arith.constant 0 : i32
      %dma_wait3A_104 = tpu.memref_slice %arg6[%multiple_of3A_98, %dma_wait3A_103] : memref<10240x128xf32, #tpu.memory_space<hbm>> -> memref<320x128xf32, #tpu.memory_space<hbm>>
      %dma_wait3A_105 = arith.constant 0 : i32
      %dma_wait3A_106 = tpu.memref_slice %arg16[%multiple_of3A, %dma_wait3A_105] : memref<5248x128xf32, #tpu.memory_space<vmem_shared>> -> memref<320x128xf32, #tpu.memory_space<vmem_shared>>
      tpu.wait_dma2 semaphore(%run_scoped3A : memref<!tpu.dma_semaphore, #tpu.memory_space<semaphore_mem>>) src(%dma_wait3A_106 : memref<320x128xf32, #tpu.memory_space<vmem_shared>>) dst(%dma_wait3A_104 : memref<320x128xf32, #tpu.memory_space<hbm>>)
      tpu.yield
    }) : () -> ()
    return
  }
}

module attributes {stable_mosaic.version = 14 : i64} {
  func.func @_tc_pre_body(%arg0: i32, %arg1: memref<512x1xf32, #tpu.memory_space<vmem>>, %arg2: memref<512x128xf32, #tpu.memory_space<vmem>>, %arg3: memref<128x128xf32, #tpu.memory_space<vmem>>, %arg4: memref<512x128xf32, #tpu.memory_space<vmem>>) attributes {dimension_semantics = [#tpu.dimension_semantics<arbitrary>], iteration_bounds = array<i64: 20>, scalar_prefetch = 0 : i64, scratch_operands = 0 : i64, tpu.core_type = #tpu.core_type<tc>, window_params = [{transform_indices = @transform_0, window_bounds = array<i64: 512, 1>}, {transform_indices = @transform_1, window_bounds = array<i64: 512, 128>}, {pipeline_mode = #tpu.pipeline_mode<synchronous>, transform_indices = @transform_2, window_bounds = array<i64: 128, 128>}, {transform_indices = @transform_3, window_bounds = array<i64: 512, 128>}]} {
    %get3A = arith.constant 0 : index
    %get3A_0 = arith.constant 0 : index
    %get3A_1 = vector.load %arg1[%get3A, %get3A_0] : memref<512x1xf32, #tpu.memory_space<vmem>>, vector<512x1xf32>
    %add3A = arith.constant 1.000000e+00 : f32
    %add3A_2 = vector.broadcast %add3A : f32 to vector<512x1xf32>
    %add3A_3 = arith.addf %get3A_1, %add3A_2 : vector<512x1xf32>
    %rsqrt3A = math.rsqrt %add3A_3 : vector<512x1xf32>
    %get3A_4 = arith.constant 0 : index
    %get3A_5 = arith.constant 0 : index
    %get3A_6 = vector.load %arg2[%get3A_4, %get3A_5] : memref<512x128xf32, #tpu.memory_space<vmem>>, vector<512x128xf32>
    %mul3A = vector.broadcast %rsqrt3A : vector<512x1xf32> to vector<512x128xf32>
    %mul3A_7 = arith.mulf %get3A_6, %mul3A : vector<512x128xf32>
    %get3A_8 = arith.constant 0 : index
    %get3A_9 = arith.constant 0 : index
    %get3A_10 = vector.load %arg3[%get3A_8, %get3A_9] : memref<128x128xf32, #tpu.memory_space<vmem>>, vector<128x128xf32>
    %dot_general3A = arith.constant dense<0.000000e+00> : vector<512x128xf32>
    %dot_general3A_11 = tpu.matmul %mul3A_7, %get3A_10, %dot_general3A {dimension_numbers = #tpu.dot_dimension_numbers<[1], [0], [0], [1], [0, 0, 1, 1], [], []>, precision = #tpu.contract_precision<fp32>, transpose_lhs_hint = false} : vector<512x128xf32>, vector<128x128xf32>, vector<512x128xf32> -> vector<512x128xf32>
    %swap3A = arith.constant 0 : index
    %swap3A_12 = arith.constant 0 : index
    %swap3A_13 = vector.load %arg4[%swap3A, %swap3A_12] : memref<512x128xf32, #tpu.memory_space<vmem>>, vector<512x128xf32>
    tpu.vector_store %arg4[%swap3A, %swap3A_12], %dot_general3A_11 {strides = array<i32>} : memref<512x128xf32, #tpu.memory_space<vmem>>, vector<512x128xf32>,
    return
  }
  func.func @transform_0(%arg0: i32) -> (i32, i32) {
    %c0_i32 = arith.constant 0 : i32
    %c0_i32_0 = arith.constant 0 : i32
    return %arg0, %c0_i32 : i32, i32
  }
  func.func @transform_1(%arg0: i32) -> (i32, i32) {
    %c0_i32 = arith.constant 0 : i32
    %c0_i32_0 = arith.constant 0 : i32
    return %arg0, %c0_i32 : i32, i32
  }
  func.func @transform_2(%arg0: i32) -> (i32, i32) {
    %c0_i32 = arith.constant 0 : i32
    %c0_i32_0 = arith.constant 0 : i32
    %c0_i32_1 = arith.constant 0 : i32
    return %c0_i32, %c0_i32_0 : i32, i32
  }
  func.func @transform_3(%arg0: i32) -> (i32, i32) {
    %c0_i32 = arith.constant 0 : i32
    %c0_i32_0 = arith.constant 0 : i32
    return %arg0, %c0_i32 : i32, i32
  }
}

module attributes {stable_mosaic.version = 14 : i64} {
  func.func @_tc_mid_body(%arg0: i32, %arg1: memref<512x1xf32, #tpu.memory_space<vmem>>, %arg2: memref<512x128xf32, #tpu.memory_space<vmem>>, %arg3: memref<512x128xf32, #tpu.memory_space<vmem>>, %arg4: memref<512x128xf32, #tpu.memory_space<vmem>>, %arg5: memref<1x128xf32, #tpu.memory_space<vmem>>, %arg6: memref<128x128xf32, #tpu.memory_space<vmem>>, %arg7: memref<512x128xf32, #tpu.memory_space<vmem>>, %arg8: memref<512x128xf32, #tpu.memory_space<vmem>>) attributes {dimension_semantics = [#tpu.dimension_semantics<arbitrary>], iteration_bounds = array<i64: 20>, scalar_prefetch = 0 : i64, scratch_operands = 0 : i64, tpu.core_type = #tpu.core_type<tc>, window_params = [{transform_indices = @transform_0, window_bounds = array<i64: 512, 1>}, {transform_indices = @transform_1, window_bounds = array<i64: 512, 128>}, {transform_indices = @transform_2, window_bounds = array<i64: 512, 128>}, {transform_indices = @transform_3, window_bounds = array<i64: 512, 128>}, {pipeline_mode = #tpu.pipeline_mode<synchronous>, transform_indices = @transform_4, window_bounds = array<i64: 1, 128>}, {pipeline_mode = #tpu.pipeline_mode<synchronous>, transform_indices = @transform_5, window_bounds = array<i64: 128, 128>}, {transform_indices = @transform_6, window_bounds = array<i64: 512, 128>}, {transform_indices = @transform_7, window_bounds = array<i64: 512, 128>}]} {
    %get3A = arith.constant 0 : index
    %get3A_0 = arith.constant 0 : index
    %get3A_1 = vector.load %arg1[%get3A, %get3A_0] : memref<512x1xf32, #tpu.memory_space<vmem>>, vector<512x1xf32>
    %add3A = arith.constant 1.000000e+00 : f32
    %add3A_2 = vector.broadcast %add3A : f32 to vector<512x1xf32>
    %add3A_3 = arith.addf %get3A_1, %add3A_2 : vector<512x1xf32>
    %rsqrt3A = math.rsqrt %add3A_3 : vector<512x1xf32>
    %get3A_4 = arith.constant 0 : index
    %get3A_5 = arith.constant 0 : index
    %get3A_6 = vector.load %arg2[%get3A_4, %get3A_5] : memref<512x128xf32, #tpu.memory_space<vmem>>, vector<512x128xf32>
    %get3A_7 = arith.constant 0 : index
    %get3A_8 = arith.constant 0 : index
    %get3A_9 = vector.load %arg4[%get3A_7, %get3A_8] : memref<512x128xf32, #tpu.memory_space<vmem>>, vector<512x128xf32>
    %get3A_10 = arith.constant 0 : index
    %get3A_11 = arith.constant 0 : index
    %get3A_12 = vector.load %arg3[%get3A_10, %get3A_11] : memref<512x128xf32, #tpu.memory_space<vmem>>, vector<512x128xf32>
    %add3A_13 = arith.addf %get3A_9, %get3A_12 : vector<512x128xf32>
    %mul3A = vector.broadcast %rsqrt3A : vector<512x1xf32> to vector<512x128xf32>
    %mul3A_14 = arith.mulf %mul3A, %add3A_13 : vector<512x128xf32>
    %add3A_15 = arith.addf %get3A_6, %mul3A_14 : vector<512x128xf32>
    %get3A_16 = arith.constant 0 : index
    %get3A_17 = arith.constant 0 : index
    %get3A_18 = vector.load %arg5[%get3A_16, %get3A_17] : memref<1x128xf32, #tpu.memory_space<vmem>>, vector<1x128xf32>
    %add3A_19 = vector.broadcast %get3A_18 : vector<1x128xf32> to vector<512x128xf32>
    %add3A_20 = arith.addf %add3A_15, %add3A_19 : vector<512x128xf32>
    %swap3A = arith.constant 0 : index
    %swap3A_21 = arith.constant 0 : index
    %swap3A_22 = vector.load %arg7[%swap3A, %swap3A_21] : memref<512x128xf32, #tpu.memory_space<vmem>>, vector<512x128xf32>
    tpu.vector_store %arg7[%swap3A, %swap3A_21], %add3A_20 {strides = array<i32>} : memref<512x128xf32, #tpu.memory_space<vmem>>, vector<512x128xf32>,
    %mul3A_23 = vector.broadcast %rsqrt3A : vector<512x1xf32> to vector<512x128xf32>
    %mul3A_24 = arith.mulf %add3A_20, %mul3A_23 : vector<512x128xf32>
    %get3A_25 = arith.constant 0 : index
    %get3A_26 = arith.constant 0 : index
    %get3A_27 = vector.load %arg6[%get3A_25, %get3A_26] : memref<128x128xf32, #tpu.memory_space<vmem>>, vector<128x128xf32>
    %dot_general3A = arith.constant dense<0.000000e+00> : vector<512x128xf32>
    %dot_general3A_28 = tpu.matmul %mul3A_24, %get3A_27, %dot_general3A {dimension_numbers = #tpu.dot_dimension_numbers<[1], [0], [0], [1], [0, 0, 1, 1], [], []>, precision = #tpu.contract_precision<fp32>, transpose_lhs_hint = false} : vector<512x128xf32>, vector<128x128xf32>, vector<512x128xf32> -> vector<512x128xf32>
    %swap3A_29 = arith.constant 0 : index
    %swap3A_30 = arith.constant 0 : index
    %swap3A_31 = vector.load %arg8[%swap3A_29, %swap3A_30] : memref<512x128xf32, #tpu.memory_space<vmem>>, vector<512x128xf32>
    tpu.vector_store %arg8[%swap3A_29, %swap3A_30], %dot_general3A_28 {strides = array<i32>} : memref<512x128xf32, #tpu.memory_space<vmem>>, vector<512x128xf32>,
    return
  }
  func.func @transform_0(%arg0: i32) -> (i32, i32) {
    %c0_i32 = arith.constant 0 : i32
    %c0_i32_0 = arith.constant 0 : i32
    return %arg0, %c0_i32 : i32, i32
  }
  func.func @transform_1(%arg0: i32) -> (i32, i32) {
    %c0_i32 = arith.constant 0 : i32
    %c0_i32_0 = arith.constant 0 : i32
    return %arg0, %c0_i32 : i32, i32
  }
  func.func @transform_2(%arg0: i32) -> (i32, i32) {
    %c0_i32 = arith.constant 0 : i32
    %c0_i32_0 = arith.constant 0 : i32
    return %arg0, %c0_i32 : i32, i32
  }
  func.func @transform_3(%arg0: i32) -> (i32, i32) {
    %c0_i32 = arith.constant 0 : i32
    %c0_i32_0 = arith.constant 0 : i32
    return %arg0, %c0_i32 : i32, i32
  }
  func.func @transform_4(%arg0: i32) -> (i32, i32) {
    %c0_i32 = arith.constant 0 : i32
    %c0_i32_0 = arith.constant 0 : i32
    %c0_i32_1 = arith.constant 0 : i32
    return %c0_i32, %c0_i32_0 : i32, i32
  }
  func.func @transform_5(%arg0: i32) -> (i32, i32) {
    %c0_i32 = arith.constant 0 : i32
    %c0_i32_0 = arith.constant 0 : i32
    %c0_i32_1 = arith.constant 0 : i32
    return %c0_i32, %c0_i32_0 : i32, i32
  }
  func.func @transform_6(%arg0: i32) -> (i32, i32) {
    %c0_i32 = arith.constant 0 : i32
    %c0_i32_0 = arith.constant 0 : i32
    return %arg0, %c0_i32 : i32, i32
  }
  func.func @transform_7(%arg0: i32) -> (i32, i32) {
    %c0_i32 = arith.constant 0 : i32
    %c0_i32_0 = arith.constant 0 : i32
    return %arg0, %c0_i32 : i32, i32
  }
}

module attributes {stable_mosaic.version = 14 : i64} {
  func.func @_tc_post_body(%arg0: i32, %arg1: memref<512x1xf32, #tpu.memory_space<vmem>>, %arg2: memref<512x128xf32, #tpu.memory_space<vmem>>, %arg3: memref<512x128xf32, #tpu.memory_space<vmem>>, %arg4: memref<512x128xf32, #tpu.memory_space<vmem>>, %arg5: memref<1x128xf32, #tpu.memory_space<vmem>>, %arg6: memref<512x128xf32, #tpu.memory_space<vmem>>) attributes {dimension_semantics = [#tpu.dimension_semantics<arbitrary>], iteration_bounds = array<i64: 20>, scalar_prefetch = 0 : i64, scratch_operands = 0 : i64, tpu.core_type = #tpu.core_type<tc>, window_params = [{transform_indices = @transform_0, window_bounds = array<i64: 512, 1>}, {transform_indices = @transform_1, window_bounds = array<i64: 512, 128>}, {transform_indices = @transform_2, window_bounds = array<i64: 512, 128>}, {transform_indices = @transform_3, window_bounds = array<i64: 512, 128>}, {pipeline_mode = #tpu.pipeline_mode<synchronous>, transform_indices = @transform_4, window_bounds = array<i64: 1, 128>}, {transform_indices = @transform_5, window_bounds = array<i64: 512, 128>}]} {
    %get3A = arith.constant 0 : index
    %get3A_0 = arith.constant 0 : index
    %get3A_1 = vector.load %arg1[%get3A, %get3A_0] : memref<512x1xf32, #tpu.memory_space<vmem>>, vector<512x1xf32>
    %add3A = arith.constant 1.000000e+00 : f32
    %add3A_2 = vector.broadcast %add3A : f32 to vector<512x1xf32>
    %add3A_3 = arith.addf %get3A_1, %add3A_2 : vector<512x1xf32>
    %rsqrt3A = math.rsqrt %add3A_3 : vector<512x1xf32>
    %get3A_4 = arith.constant 0 : index
    %get3A_5 = arith.constant 0 : index
    %get3A_6 = vector.load %arg2[%get3A_4, %get3A_5] : memref<512x128xf32, #tpu.memory_space<vmem>>, vector<512x128xf32>
    %get3A_7 = arith.constant 0 : index
    %get3A_8 = arith.constant 0 : index
    %get3A_9 = vector.load %arg4[%get3A_7, %get3A_8] : memref<512x128xf32, #tpu.memory_space<vmem>>, vector<512x128xf32>
    %get3A_10 = arith.constant 0 : index
    %get3A_11 = arith.constant 0 : index
    %get3A_12 = vector.load %arg3[%get3A_10, %get3A_11] : memref<512x128xf32, #tpu.memory_space<vmem>>, vector<512x128xf32>
    %add3A_13 = arith.addf %get3A_9, %get3A_12 : vector<512x128xf32>
    %mul3A = vector.broadcast %rsqrt3A : vector<512x1xf32> to vector<512x128xf32>
    %mul3A_14 = arith.mulf %mul3A, %add3A_13 : vector<512x128xf32>
    %add3A_15 = arith.addf %get3A_6, %mul3A_14 : vector<512x128xf32>
    %get3A_16 = arith.constant 0 : index
    %get3A_17 = arith.constant 0 : index
    %get3A_18 = vector.load %arg5[%get3A_16, %get3A_17] : memref<1x128xf32, #tpu.memory_space<vmem>>, vector<1x128xf32>
    %add3A_19 = vector.broadcast %get3A_18 : vector<1x128xf32> to vector<512x128xf32>
    %add3A_20 = arith.addf %add3A_15, %add3A_19 : vector<512x128xf32>
    %mul3A_21 = arith.mulf %add3A_20, %add3A_20 : vector<512x128xf32>
    %reduce_sum3A = arith.constant dense<0.000000e+00> : vector<512xf32>
    %reduce_sum3A_22 = vector.multi_reduction <add>, %mul3A_21, %reduce_sum3A [1] : vector<512x128xf32> to vector<512xf32>
    %broadcast_in_dim3A = vector.shape_cast %reduce_sum3A_22 : vector<512xf32> to vector<512x1xf32>
    %sqrt3A = math.sqrt %broadcast_in_dim3A : vector<512x1xf32>
    %max3A = arith.constant 9.99999996E-13 : f32
    %max3A_23 = vector.broadcast %max3A : f32 to vector<512x1xf32>
    %max3A_24 = arith.maximumf %sqrt3A, %max3A_23 : vector<512x1xf32>
    %div3A = vector.broadcast %max3A_24 : vector<512x1xf32> to vector<512x128xf32>
    %div3A_25 = arith.divf %add3A_20, %div3A : vector<512x128xf32>
    %swap3A = arith.constant 0 : index
    %swap3A_26 = arith.constant 0 : index
    %swap3A_27 = vector.load %arg6[%swap3A, %swap3A_26] : memref<512x128xf32, #tpu.memory_space<vmem>>, vector<512x128xf32>
    tpu.vector_store %arg6[%swap3A, %swap3A_26], %div3A_25 {strides = array<i32>} : memref<512x128xf32, #tpu.memory_space<vmem>>, vector<512x128xf32>,
    return
  }
  func.func @transform_0(%arg0: i32) -> (i32, i32) {
    %c0_i32 = arith.constant 0 : i32
    %c0_i32_0 = arith.constant 0 : i32
    return %arg0, %c0_i32 : i32, i32
  }
  func.func @transform_1(%arg0: i32) -> (i32, i32) {
    %c0_i32 = arith.constant 0 : i32
    %c0_i32_0 = arith.constant 0 : i32
    return %arg0, %c0_i32 : i32, i32
  }
  func.func @transform_2(%arg0: i32) -> (i32, i32) {
    %c0_i32 = arith.constant 0 : i32
    %c0_i32_0 = arith.constant 0 : i32
    return %arg0, %c0_i32 : i32, i32
  }
  func.func @transform_3(%arg0: i32) -> (i32, i32) {
    %c0_i32 = arith.constant 0 : i32
    %c0_i32_0 = arith.constant 0 : i32
    return %arg0, %c0_i32 : i32, i32
  }
  func.func @transform_4(%arg0: i32) -> (i32, i32) {
    %c0_i32 = arith.constant 0 : i32
    %c0_i32_0 = arith.constant 0 : i32
    %c0_i32_1 = arith.constant 0 : i32
    return %c0_i32, %c0_i32_0 : i32, i32
  }
  func.func @transform_5(%arg0: i32) -> (i32, i32) {
    %c0_i32 = arith.constant 0 : i32
    %c0_i32_0 = arith.constant 0 : i32
    return %arg0, %c0_i32 : i32, i32
  }
}

</mosaic_0001>

<sc_bundles>
// kernel: kernel.11.cloned.1.call-start
scs
__scs_entry_jumppad:
0x0: {  	(pc) =	sbr.rel $0x88, $3  }
0x1: {  	(tag) =	ssettag $0x0;
	lr =	simm.s32 $0x1  }
0x2: {  	[smem:$0x3F9B] =	sst lr;
	_ =	strace $0xD0000000  }
0x3: {  	_ = 	snop  }
0x4: {  	_ = 	snop  }
0x5: {  	_ = 	snop  }
0x6: {  	_ = 	snop  }
0x7: {  	_ = 	snop  }
__scs_overlays_trampoline_lowered:
0x8: {  	[smem:$0x3FAA] =	sst s0  }
0x9: {  	[smem:$0x3FAB] =	sst s1  }
0xa: {  	[smem:$0x3FAC] =	sst s2  }
0xb: {  	[smem:$0x3FAD] =	sst s3  }
0xc: {  	[smem:$0x3FAE] =	sst s4  }
0xd: {  	[smem:$0x3FAF] =	sst s5  }
0xe: {  	[smem:$0x3FB0] =	sst s6  }
0xf: {  	[smem:$0x3FB1] =	sst s7  }
0x10: {  	[smem:$0x3FB2] =	sst s8  }
0x11: {  	[smem:$0x3FB3] =	sst s9;
	s0 =	simm.s32 @!p0 $0x0  }
0x12: {  	s1 =	sld [smem:$0x3F99];
	s0 =	simm.s32 @p0 $0x1  }
0x13: {  	[smem:$0x3FB4] =	sst s0;
	s0 =	simm.s32 @!p1 $0x0  }
0x14: {  	s2 =	sld [smem:$0x3F98];
	s0 =	simm.s32 @p1 $0x1  }
0x15: {  	[smem:$0x3FB5] =	sst s0;
	s0 =	simm.s32 @!p2 $0x0  }
0x16: {  	s3 =	sld [smem:$0x3FDB];
	s0 =	simm.s32 @p2 $0x1  }
0x17: {  	s4 =	simm.s32 $0x1BF5;
	[smem:$0x3FB7] =	sst s0  }
0x18: {  	s0 =	sld [smem:$0x3F9A];
	_ =	swait.ge [sflag:s4], $0x0  }
0x19: {  	s7 =	sld [smem:$0x3F9B]  }
0x1a: {  	s8 =	sadd.s32 $0xFFFFE003, lr  }
0x1b: {  	s9 =	sadd.s32 $0xFFFFFEF7, lr;
	s5 =	simm.s32 $0xFFFFFFFF;
	p2 =	slt.u32 s8, $0xFFFFF086  }
0x1c: {  	p1 =	slt.u32 s9, $0xF7A;
	s5 =	simm.s32 @!p2 $0x0  }
0x1d: {  	s5 =	simm.s32 @p1 $0x1;
	p0 =	seq.s32 s7, s2  }
0x1e: {  	s7 =	smul.u32 @!p0 $0xF7A, s2;
	p2 =	seq.s32 @!p0 s5, $0x0  }
0x1f: {  	s9 =	smul.u32 $0xF7A, s1;
	s8 =	simm.s32 @!p0 $0x1BF5;
	p2 =	por !p2, p0  }
0x20: {  	[sflag:s8] =	ssyncset.s32 @!p0 $0xFFFFF086;
	s6 =	sadd.s32 @!p0 s3, s7;
	s7 =	simm.s32 @!p0 $0x108  }
0x21: {  	s3 =	sadd.s32 s3, s9;
	s6 =	sadd.s32 @!p0 $0x88, s6;
	s7 =	simm.s32 @p2 $0x1082  }
0x22: {  	[simem:s7], [sflag:s8] =	dma.local @!p0 [hbm:s6], $0xF7A  }
0x23: {  	s9 =	sor.u32 $0xD0000000, s2;
	s6 =	simm.s32 $0x108;
	_ =	swait.ge @!p0 [sflag:s8], $0x0  }
0x24: {  	s3 =	sadd.s32 $0x88, s3;
	s6 =	simm.s32 @!p1 $0x1082;
	[sflag:s4] =	ssyncset.s32 $0xFFFFF086  }
0x25: {  	[simem:s6], [sflag:s4] =	dma.local [hbm:s3], $0xF7A  }
0x26: {  	[smem:$0x3F9B] =	sst s1;
	(tag) =	ssettag s2;
	_ =	strace s9  }
0x27: {  	s1 =	sld [smem:$0x3FAB]  }
0x28: {  	s2 =	sld [smem:$0x3FAC]  }
0x29: {  	s4 =	sld [smem:$0x3FAE]  }
0x2a: {  	p0 =	seq.s32 s5, $0x0;
	s5 =	sld [smem:$0x3FAF]  }
0x2b: {  	s6 =	sld [smem:$0x3FB0]  }
0x2c: {  	s7 =	sld [smem:$0x3FB1]  }
0x2d: {  	s3 =	simm.s32 $0x108;
	s8 =	sld [smem:$0x3FB2]  }
0x2e: {  	s3 =	simm.s32 @!p0 $0x1082;
	s9 =	sld [smem:$0x3FB3]  }
0x2f: {  	lr =	sadd.s32 s0, s3;
	s0 =	sld [smem:$0x3FAA]  }
0x30: {  	s3 =	sld [smem:$0x3FAD]  }
0x31: {  	[smem:$0x3FB6] =	sst s10  }
0x32: {  	s10 =	sld [smem:$0x3FB4];
	_ =	sdelay $0x3  }
0x33: {  	p0 =	seq.s32 s10, $0x1;
	s10 =	sld [smem:$0x3FB6];
	_ =	sdelay $0x3  }
0x34: {  	[smem:$0x3FB6] =	sst s10  }
0x35: {  	s10 =	sld [smem:$0x3FB5];
	_ =	sdelay $0x3  }
0x36: {  	p1 =	seq.s32 s10, $0x1;
	s10 =	sld [smem:$0x3FB6];
	_ =	sdelay $0x3  }
0x37: {  	[smem:$0x3FB6] =	sst s10  }
0x38: {  	s10 =	sld [smem:$0x3FB7]  }
0x39: {  	_ = 	snop;
	(pc) =	sbr.ind lr, $3  }
0x3a: {  	_ = 	snop  }
0x3b: {  	_ = 	snop  }
0x3c: {  	p2 =	seq.s32 s10, $0x1;
	s10 =	sld [smem:$0x3FB6]  }
0x3d: {  	_ =	shalt  }
0x3e: {  	_ =	shalt  }
0x3f: {  	_ =	shalt  }
0x40: {  	_ =	shalt  }
0x41: {  	_ =	shalt  }
0x42: {  	_ =	shalt  }
0x43: {  	_ =	shalt  }
0x44: {  	_ =	shalt  }
0x45: {  	_ =	shalt  }
0x46: {  	_ =	shalt  }
0x47: {  	_ =	shalt  }
0x48: {  	_ =	shalt  }
0x49: {  	_ =	shalt  }
0x4a: {  	_ =	shalt  }
0x4b: {  	_ =	shalt  }
0x4c: {  	_ =	shalt  }
0x4d: {  	_ =	shalt  }
0x4e: {  	_ =	shalt  }
0x4f: {  	_ =	shalt  }
0x50: {  	_ =	shalt  }
0x51: {  	_ =	shalt  }
0x52: {  	_ =	shalt  }
0x53: {  	_ =	shalt  }
0x54: {  	_ =	shalt  }
0x55: {  	_ =	shalt  }
0x56: {  	_ =	shalt  }
0x57: {  	_ =	shalt  }
0x58: {  	_ =	shalt  }
0x59: {  	_ =	shalt  }
0x5a: {  	_ =	shalt  }
0x5b: {  	_ =	shalt  }
0x5c: {  	_ =	shalt  }
0x5d: {  	_ =	shalt  }
0x5e: {  	_ =	shalt  }
0x5f: {  	_ =	shalt  }
0x60: {  	_ =	shalt  }
0x61: {  	_ =	shalt  }
0x62: {  	_ =	shalt  }
0x63: {  	_ =	shalt  }
0x64: {  	_ =	shalt  }
0x65: {  	_ =	shalt  }
0x66: {  	_ =	shalt  }
0x67: {  	_ =	shalt  }
0x68: {  	_ =	shalt  }
0x69: {  	_ =	shalt  }
0x6a: {  	_ =	shalt  }
0x6b: {  	_ =	shalt  }
0x6c: {  	_ =	shalt  }
0x6d: {  	_ =	shalt  }
0x6e: {  	_ =	shalt  }
0x6f: {  	_ =	shalt  }
0x70: {  	_ =	shalt  }
0x71: {  	_ =	shalt  }
0x72: {  	_ =	shalt  }
0x73: {  	_ =	shalt  }
0x74: {  	_ =	shalt  }
0x75: {  	_ =	shalt  }
0x76: {  	_ =	shalt  }
0x77: {  	_ =	shalt  }
0x78: {  	_ =	shalt  }
0x79: {  	_ =	shalt  }
0x7a: {  	_ =	shalt  }
0x7b: {  	_ =	shalt  }
0x7c: {  	_ =	shalt  }
0x7d: {  	_ =	shalt  }
0x7e: {  	_ =	shalt  }
0x7f: {  	_ =	shalt  }
0x80: {  	_ =	shalt  }
0x81: {  	_ =	shalt  }
0x82: {  	_ =	shalt  }
0x83: {  	_ =	shalt  }
0x84: {  	_ =	shalt  }
0x85: {  	_ =	shalt  }
0x86: {  	_ =	shalt  }
0x87: {  	_ =	shalt  }
.Lfunc_end0:
.L_simem_size_0:
called_computation.1_lowered:
.L_overlay_start_0:
0x88: {  	s2 =	sld [smem:$0x3FD9]  }
0x89: {  	s3 =	sld [smem:$0x3FFE];
	_ =	sdelay $0x1  }
0x8a: {  	s1 =	srdreg.scid  }
0x8b: {  	s0 =	sand.u32 $0x1, s1  }
0x8c: {  	s16 =	sshll.u32 s0, $0xA;
	s2 =	sadd.s32 s3, s2  }
0x8d: {  	s2 =	sadd.s32 s2, s16  }
0x8e: {  	[smem:$0x3FC2] =	sst s2  }
0x8f: {  	_ = 	snop  }
0x90: {  	(tm) =	ssettm $0x1  }
0x91: {  	s17 =	sld [smem:$0x3FFB];
	_ =	sdelay $0x3  }
0x92: {  	_ =	strace s17  }
0x93: {  	s2 =	sld [smem:$0x3FFC];
	_ =	sdelay $0x3  }
0x94: {  	_ =	strace s2  }
0x95: {  	s2 =	sld [smem:$0x3FFD];
	_ =	sdelay $0x3  }
0x96: {  	_ =	strace s2  }
0x97: {  	_ =	strace $0x8FFFFFFF  }
0x98: {  	s18 =	sld [smem:$0x3FDB];
	_ =	sdelay $0x1  }
0x99: {  	s19 =	simm.s32 $_scs_section_size  }
0x9a: {  	s4 =	simm.s32 $_size__tile_overlayer_lowered;
	s5 =	simm.s32 $_tile_overlayer_lowered  }
0x9b: {  	s22 =	simm.s32 $0x1BFF;
	s21 =	sshll.u32 s5, $0x1;
	s2 =	sadd.s32 s19, s18  }
0x9c: {  	s6 =	simm.s32 $0x0;
	s20 =	sshll.u32 s4, $0x1;
	s4 =	sadd.s32 s21, s2  }
0x9d: {  	[timem:s6], [sflag:s22] =	dma.local [hbm:s4], s20  }
0x9e: {  	_ =	swait.ge [sflag:s22], s20  }
0x9f: {  	s3 =	ssub.s32 $0x0, s20;
	[sflag:s22] =	ssyncset.done $0x0  }
0xa0: {  	[sflag:s22] =	ssyncadd.s32 s3;
	_ =	sdelay $0x1  }
0xa1: {  	s23 =	simm.s32 $0x1B8B  }
0xa2: {  	_ =	swait.ge [sflag:s23], $0x1  }
0xa3: {  	[sflag:s23] =	ssyncset.done $0x0  }
0xa4: {  	s25 =	simm.s32 $0x1B8E;
	s24 =	sld [smem:$0x3FFE];
	[sflag:s23] =	ssyncadd.s32 $0xFFFFFFFF  }
0xa5: {  	s26 =	simm.s32 $execute0_lowered;
	[smem:$0x3FD2] =	sst s25  }
0xa6: {  	s4 =	sshll.u32 s26, $0x1;
	_ =	strace $0x80000049;
	[dreg:$0x1] =	wrdreg $0xFFFFFFFF  }
0xa7: {  	s28 =	simm.s32 $_size_execute0_lowered;
	s2 =	sadd.s32 s2, s4;
	[dreg:$0x0] =	wrdreg $0x0  }
0xa8: {  	s4 =	sshll.u32 s28, $0x1;
	[dreg:$0x2] =	wrdreg s2  }
0xa9: {  	[dreg:$0x3] =	wrdreg s4  }
0xaa: {  	[dreg:$0x4] =	wrdreg $0xC0  }
0xab: {  	_ =	task [dreg:s6], $0x5FFFF  }
0xac: {  	[dreg:$0x1] =	wrdreg $0xFFFFFFFF  }
0xad: {  	[dreg:$0x0] =	wrdreg $0x60  }
0xae: {  	[dreg:$0x2] =	wrdreg s24  }
0xaf: {  	[dreg:$0x3] =	wrdreg $0x83800  }
0xb0: {  	[dreg:$0x4] =	wrdreg $0x9  }
0xb1: {  	_ =	task.clear_ibuf [dreg:s6], $0x5FFFF;
	_ =	strace $0x90000049  }
0xb2: {  	s29 =	simm.s32 $0x9;
	_ =	strace $0x8000004B  }
0xb3: {  	_ =	swait.ge [sflag:s29], $0x1  }
0xb4: {  	[sflag:s29] =	ssyncadd.s32 $0xFFFFFFFF  }
0xb5: {  	_ =	strace $0x9000004B  }
0xb6: {  	_ =	sfence  }
0xb7: {  	s30 =	sld [smem:$0x0];
	_ =	sdelay $0x2  }
0xb8: {  	s31 =	sshll.u32 s1, $0xD;
	s1 =	sshrl.u32 s1, $0x2  }
0xb9: {  	s3 =	sand.u32 $0x4000, s31;
	s1 =	sadd.s32 s1, s30  }
0xba: {  	s0 =	sor.u32 s3, s0;
	s1 =	sshll.u32 s1, $0x11  }
0xbb: {  	s0 =	sor.u32 s1, s0  }
0xbc: {  	s0 =	sadd.s32 $0x8F2B, s0  }
0xbd: {  	[sflag:s0] =	ssyncadd.remote.s32 $0x1  }
0xbe: {  	_ =	sfence.sel $0xFFFF  }
0xbf: {  	[dreg:$0x0] =	wrdreg $0xFFFFFFFF;
	(pc) =	sbr.abs _section_cstart, $3  }
0xc0: {  	[dreg:$0x1] =	wrdreg $0xFFFFFFFF  }
0xc1: {  	_ =	task.clear_ibuf [dreg:s6], $0x2FFFF;
	_ =	strace $0x9FFFFFFF  }
0xc2: {  	(tm) =	ssettm $0x7FFFFFFF  }
0xc3: {  	_ =	shalt  }
tec
execute0_lowered:
.L_overlay_start_1:
0x0: {  	(tag) =	ssettag $0x1  }
0x1: {  	s0 =	rddreg [dreg:$0x0]  }
0x2: {  	s2 =	rddreg [dreg:$0x1]  }
0x3: {  	s3 =	simm.s32 $0x0;
	s1 =	srdreg.scid;
	s13 =	stileid.u32  }
0x4: {  	s19 =	simm.s32 $0x120;
	s20 =	simm.s32 $0x5380;
	s21 =	simm.s32 $0x140  }
0x5: {  	s22 =	simm.s32 $0x6380;
	s31 =	simm.s32 $0x100;
	s28 =	simm.s32 $0x4  }
0x6: {  	s29 =	simm.s32 $0x0;
	[smem:$0x7FF] =	sst s3;
	s1 =	sand.u32 $0x1, s1  }
0x7: {  	s4 =	sshll.u32 s13, $0x1;
	s9 =	smul.u32 $0x29000, s13;
	s6 =	sadd.s32 $0x14CC00, s0  }
0x8: {  	s5 =	sadd.s32 $0xC400, s0;
	s25 =	smul.u32 $0xA0400, s13;
	_ =	strace $0x8000004A  }
0x9: {  	s8 =	sor.u32 s1, s4;
	s4 =	sadd.s32 $0x28D600, s0;
	[dreg:$0x4] =	wrdreg s19  }
0xa: {  	s12 =	ssub.s32 $0x2, s1;
	s1 =	smul.u32 $0x50200, s1;
	[dreg:$0x5] =	wrdreg s20  }
0xb: {  	s19 =	simm.s32 $0x7;
	s20 =	simm.s32 $0x80;
	[dreg:$0x6] =	wrdreg s21  }
0xc: {  	[dreg:$0x7] =	wrdreg s22;
	s22 =	simm.s32 $0x1;
	s21 =	simm.s32 $0x5  }
0xd: {  	s7 =	sshll.u32 s8, $0x1;
	s11 =	smul.u32 $0x1400, s8;
	s23 =	sshrl.u32 s9, $0x2  }
0xe: {  	s24 =	sshrl.u32 s12, $0x1;
	s8 =	smul.u32 $0x50200, s8;
	s10 =	sadd.s32 s7, s0  }
0xf: {  	s7 =	sadd.s32 s23, s2;
	s9 =	ssub.s32 s12, s24;
	s23 =	simm.s32 $0x160  }
0x10: {  	s18 =	sadd.s32 s1, s25;
	s24 =	simm.s32 $0x7380;
	[dreg:$0x8] =	wrdreg s23  }
0x11: {  	s25 =	simm.s32 $0x280;
	s1 =	simm.s32 $0x2;
	[dreg:$0x9] =	wrdreg s24  }
0x12: {  	s0 =	sadd.s32 s11, s0;
	s12 =	sadd.s32 $0x8000, s7;
	[dreg:$0xa] =	wrdreg s25  }
0x13: {  	s16 =	sadd.s32 $0x4000, s7;
	s14 =	sadd.s32 $0x28D400, s10;
	[dreg:$0xc] =	wrdreg s12  }
0x14: {  	s8 =	sshrl.u32 s8, $0x3;
	s11 =	smax.u32 s9, $0x1;
	[dreg:$0xd] =	wrdreg s14  }
0x15: {  	s23 =	simm.s32 $0x20;
	s0 =	sadd.s32 $0x2B5600, s0;
	[dreg:$0x13] =	wrdreg s11  }
0x16: {  	s26 =	sor.u32 $0x10, s8;
	s15 =	sadd.s32 s5, s8;
	[dreg:$0x12] =	wrdreg s0  }
.Ltmp0:
0x17: {  	s30 =	sadd.s32 s6, s8;
	[dreg:$0xe] =	wrdreg s15;
	(pc) =	sbr.rel .LBB2_1-.Ltmp0, $4  }
0x18: {  	s24 =	simm.s32 $0x6;
	s17 =	sadd.s32 s5, s26;
	[dreg:$0xf] =	wrdreg s30  }
0x19: {  	s10 =	sadd.s32 s6, s26;
	s26 =	simm.s32 $0x300;
	[dreg:$0x10] =	wrdreg s17  }
0x1a: {  	s25 =	simm.s32 $0x4380;
	s17 =	sor.u32 $0x180, s18;
	[dreg:$0xb] =	wrdreg s26  }
0x1b: {  	v0 =	vimm.f32 $0.0e+00;
	s18 =	simm.s32 $0x380;
	s26 =	simm.s32 $0x3;
	[dreg:$0x11] =	wrdreg s10  }
.LBB2_6:
0x1c: {  	[tilespmem:s14], [sflag:$0x2] =	stream.linear.gather @!p1 [hbm4b:s10+s11], $0x80, $0x38;
	[tilespmem:$0x12780] =	vst v63  }
0x1d: {  	s0 =	simm.s32 @!p1 $0x5  }
0x1e: {  	[tilespmem:s12], [sflag:$0x2] =	stream.linear.gather @!p1 [hbm4b:s13+s11], $0x80, $0x38;
	[tilespmem:$0x12780] =	vst v63  }
0x1f: {  	_ =	swait.ge @!p1 [sflag:s0], $0x4000  }
0x20: {  	[sflag:s0] =	ssyncset.done @!p1 $0x0  }
0x21: {  	s8 =	simm.s32 @!p1 $0x1;
	[sflag:s0] =	ssyncadd.s32 @!p1 $0xFFFFC000  }
0x22: {  	_ =	swait.ge @!p1 [sflag:s8], $0x80  }
0x23: {  	[sflag:s8] =	ssyncset.done @!p1 $0x0  }
0x24: {  	[sflag:s8] =	ssyncadd.s32 @!p1 $0xFFFFFF80  }
0x25: {  	_ =	swait.ge @!p1 [sflag:s8], $0x80  }
0x26: {  	s10 =	simm.s32 @!p1 $0x380;
	s12 =	rddreg [dreg:$0xc]  }
0x27: {  	s13 =	stileid.u32;
	[sflag:s8] =	ssyncset.done @!p1 $0x0;
	s14 =	rddreg [dreg:$0xd]  }
0x28: {  	s0 =	simm.s32 @!p1 $0x20;
	s15 =	rddreg [dreg:$0xe];
	[sflag:s8] =	ssyncadd.s32 @!p1 $0xFFFFFF80  }
0x29: {  	[tilespmem:s10], [sflag:$0x3] =	stream.indirect.gather @!p1 [hbm4b:s4+s0], $0x80, s9, s0, $0xb8;
	[tilespmem:$0x12780] =	vst v63  }
0x2a: {  	s30 =	rddreg [dreg:$0xf];
	s8 =	simm.s32 @!p1 $0xA0;
	s9 =	simm.s32 @!p1 $0x1380  }
0x2b: {  	[tilespmem:s9], [sflag:$0x3] =	stream.indirect.gather @!p1 [hbm4b:s4+s0], $0x80, s8, s0, $0xb8;
	[tilespmem:$0x12780] =	vst v63  }
0x2c: {  	s11 =	rddreg [dreg:$0x13];
	s8 =	simm.s32 @!p1 $0xC0;
	s9 =	simm.s32 @!p1 $0x2380  }
0x2d: {  	[tilespmem:s9], [sflag:$0x3] =	stream.indirect.gather @!p1 [hbm4b:s4+s0], $0x80, s8, s0, $0xb8;
	[tilespmem:$0x12780] =	vst v63  }
0x2e: {  	s10 =	rddreg [dreg:$0x11];
	s8 =	simm.s32 @!p1 $0xE0;
	s9 =	simm.s32 @!p1 $0x3380  }
0x2f: {  	[tilespmem:s9], [sflag:$0x3] =	stream.indirect.gather @!p1 [hbm4b:s4+s0], $0x80, s8, s0, $0xb8;
	[tilespmem:$0x12780] =	vst v63  }
.LBB2_7:
0x30: {  	_ =	swait.ge [sflag:s21], $0x4000  }
0x31: {  	[sflag:s21] =	ssyncset.done $0x0  }
0x32: {  	s0 =	sshll.u32 s13, $0x6;
	[sflag:s21] =	ssyncadd.s32 $0xFFFFC000  }
0x33: {  	s8 =	sshrl.u32 s7, $0x3;
	s29 =	sadd.s32 $0x1, s29;
	_ =	swait.ge [sflag:s24], $0x4000  }
0x34: {  	s0 =	sor.u32 $0x1C07, s0;
	p0 =	sne.s32 s29, s11;
	[sflag:s24] =	ssyncset.done $0x0  }
.Ltmp1:
0x35: {  	s9 =	rddreg [dreg:$0x12];
	[sflag:s24] =	ssyncadd.s32 $0xFFFFC000;
	(pc) =	sbr.rel @!p0 .LBB2_8-.Ltmp1, $4  }
0x36: {  	[hbm:s9], [sflag:s0] =	dma.local [spmem:s8], $0x1400  }
0x37: {  	_ =	swait.ge [sflag:s19], $0x1400  }
0x38: {  	[sflag:s19] =	ssyncset.done $0x0  }
0x39: {  	[sflag:s19] =	ssyncadd.s32 $0xFFFFEC00  }
.LBB2_1:
0x3a: {  	s0 =	simm.s32 $0x0;
	s8 =	simm.s32 $0x200  }
.LBB2_2:
0x3b: {  	p0 =	sne.s32 s8, $0xFE00;
	[tilespmem:s0+$0x3F0] =	vst v0  }
0x3c: {  	[tilespmem:s0+$0x380] =	vst v0  }
0x3d: {  	[tilespmem:s0+$0x390] =	vst v0  }
.Ltmp2:
0x3e: {  	[tilespmem:s0+$0x3A0] =	vst v0;
	(pc) =	sbr.rel @p0 .LBB2_2-.Ltmp2, $4  }
0x3f: {  	[tilespmem:s0+$0x3B0] =	vst v0  }
0x40: {  	[tilespmem:s0+$0x3C0] =	vst v0  }
0x41: {  	[tilespmem:s0+$0x3D0] =	vst v0  }
0x42: {  	[tilespmem:s0+$0x3E0] =	vst v0;
	s0 =	sshra.s32 s8, $0x2;
	s8 =	sadd.s32 $0x200, s8  }
0x43: {  	[tilespmem:s0+$0x3F0] =	vst v0  }
0x44: {  	[tilespmem:s0+$0x380] =	vst v0  }
0x45: {  	[tilespmem:s0+$0x390] =	vst v0  }
0x46: {  	[tilespmem:s0+$0x3A0] =	vst v0  }
0x47: {  	[tilespmem:s0+$0x3B0] =	vst v0  }
0x48: {  	[tilespmem:s0+$0x3C0] =	vst v0  }
0x49: {  	[tilespmem:s0+$0x3D0] =	vst v0  }
0x4a: {  	[tilespmem:s0+$0x3E0] =	vst v0  }
0x4b: {  	[spmem:s7] =	stream.linear.scatter [tilespmem:s18], [sflag:$0x7], $0x4000, $0x38;
	[tilespmem:$0x12780] =	vst v63  }
0x4c: {  	_ =	swait.ge [sflag:s19], $0x4000  }
0x4d: {  	[sflag:s19] =	ssyncset.done $0x0  }
0x4e: {  	[sflag:s19] =	ssyncadd.s32 $0xFFFFC000  }
0x4f: {  	[spmem:s16] =	stream.linear.scatter [tilespmem:s18], [sflag:$0x7], $0x4000, $0x38;
	[tilespmem:$0x12780] =	vst v63  }
0x50: {  	_ =	swait.ge [sflag:s19], $0x4000  }
0x51: {  	[sflag:s19] =	ssyncset.done $0x0  }
0x52: {  	[sflag:s19] =	ssyncadd.s32 $0xFFFFC000  }
0x53: {  	[spmem:s12] =	stream.linear.scatter [tilespmem:s18], [sflag:$0x7], $0x2400, $0x38;
	[tilespmem:$0x12780] =	vst v63  }
0x54: {  	_ =	swait.ge [sflag:s19], $0x2400  }
0x55: {  	[sflag:s19] =	ssyncset.done $0x0  }
0x56: {  	[sflag:s19] =	ssyncadd.s32 $0xFFFFDC00  }
0x57: {  	[tilespmem:s3], [sflag:$0x7] =	stream.linear.gather [hbm4b:s14+s3], $0x10, $0x38;
	[tilespmem:$0x12780] =	vst v63  }
0x58: {  	_ =	swait.ge [sflag:s19], $0x10  }
0x59: {  	[sflag:s19] =	ssyncset.done $0x0  }
0x5a: {  	[sflag:s19] =	ssyncadd.s32 $0xFFFFFFF0  }
0x5b: {  	v1 =	vld [tilespmem:$0x0];
	_ =	sdelay $0x4  }
0x5c: {  	v1 =	vxor.u32 $0x80000000, v1  }
0x5d: {  	(xrf0) =	vmax.scan.msk.u32 $0xffff, v1;
	_ =	sdelay $0x5  }
0x5e: {  	v1, _, _ =	vpop (xrf0)  }
0x5f: {  	(v2sf) =	vpush v1, $0xF;
	_ =	sdelay $0xb  }
0x60: {  	[tilespmem:s20], [sflag:$0x1] =	stream.linear.gather [hbm4b:s15+s3], $0x80, $0x38;
	[tilespmem:$0x12780] =	vst v63  }
0x61: {  	s8 =	simm.s32 $0x180  }
0x62: {  	[tilespmem:s8], [sflag:$0x1] =	stream.linear.gather [hbm4b:s30+s3], $0x80, $0x38;
	[tilespmem:$0x12780] =	vst v63  }
0x63: {  	s0 =	spop (v2sf)  }
0x64: {  	_ =	swait.ge [sflag:s22], $0x80  }
0x65: {  	[sflag:s22] =	ssyncset.done $0x0  }
0x66: {  	[sflag:s22] =	ssyncadd.s32 $0xFFFFFF80  }
0x67: {  	_ =	swait.ge [sflag:s22], $0x80  }
0x68: {  	[sflag:s22] =	ssyncset.done $0x0  }
0x69: {  	[sflag:s22] =	ssyncadd.s32 $0xFFFFFF80  }
0x6a: {  	[tilespmem:s18], [sflag:$0x3] =	stream.indirect.gather [hbm4b:s4+s23], $0x80, s20, s23, $0xb8;
	[tilespmem:$0x12780] =	vst v63  }
0x6b: {  	s9 =	simm.s32 $0x1380;
	s8 =	simm.s32 $0xA0  }
0x6c: {  	[tilespmem:s9], [sflag:$0x3] =	stream.indirect.gather [hbm4b:s4+s23], $0x80, s8, s23, $0xb8;
	[tilespmem:$0x12780] =	vst v63  }
0x6d: {  	s0 =	sshrl.u32 s0, $0x8;
	s8 =	simm.s32 $0xC0;
	s9 =	simm.s32 $0x2380  }
0x6e: {  	[tilespmem:s9], [sflag:$0x3] =	stream.indirect.gather [hbm4b:s4+s23], $0x80, s8, s23, $0xb8;
	[tilespmem:$0x12780] =	vst v63  }
0x6f: {  	p0 =	seq.s32 s0, $0x800000;
	s8 =	simm.s32 $0xE0;
	s9 =	simm.s32 $0x3380  }
0x70: {  	[tilespmem:s9], [sflag:$0x3] =	stream.indirect.gather [hbm4b:s4+s23], $0x80, s8, s23, $0xb8;
	[tilespmem:$0x12780] =	vst v63  }
.Ltmp3:
0x71: {  	_ = 	snop;
	(pc) =	sbr.rel @p0 .LBB2_7-.Ltmp3, $4  }
0x72: {  	s9 =	rddreg [dreg:$0x10]  }
0x73: {  	[tilespmem:s31], [sflag:$0x2] =	stream.linear.gather [hbm4b:s9+s3], $0x80, $0x38;
	[tilespmem:$0x12780] =	vst v63  }
0x74: {  	s9 =	simm.s32 $0x200  }
0x75: {  	[tilespmem:s9], [sflag:$0x2] =	stream.linear.gather [hbm4b:s10+s3], $0x80, $0x38;
	[tilespmem:$0x12780] =	vst v63  }
0x76: {  	s30 =	sxor.u32 $0x800000, s0  }
0x77: {  	s0 =	sadd.s32 $0xFFFFFFFF, s30  }
0x78: {  	[dreg:$0x3] =	wrdreg s0  }
0x79: {  	_ =	swait.ge [sflag:s1], $0x80  }
0x7a: {  	[sflag:s1] =	ssyncset.done $0x0  }
0x7b: {  	[sflag:s1] =	ssyncadd.s32 $0xFFFFFF80  }
0x7c: {  	_ =	swait.ge [sflag:s1], $0x80  }
0x7d: {  	p0 =	por $0x1, $0x1;
	[sflag:s1] =	ssyncset.done $0x0  }
0x7e: {  	s0 =	simm.s32 @!p0 $0x6;
	[sflag:s1] =	ssyncadd.s32 $0xFFFFFF80  }
0x7f: {  	_ =	swait.ge @!p0 [sflag:s0], $0x4000  }
0x80: {  	s8 =	rddreg [dreg:$0x6]  }
0x81: {  	s9 =	rddreg [dreg:$0x4];
	[sflag:s0] =	ssyncset.done @!p0 $0x0  }
0x82: {  	s10 =	rddreg [dreg:$0x5];
	[sflag:s0] =	ssyncadd.s32 @!p0 $0xFFFFC000  }
0x83: {  	[tilespmem:s25], [sflag:$0x4] =	stream.indirect.gather [hbm4b:s4+s23], $0x80, s31, s23, $0xb8;
	[tilespmem:$0x12780] =	vst v63  }
0x84: {  	s15 =	rddreg [dreg:$0x7]  }
0x85: {  	[tilespmem:s10], [sflag:$0x4] =	stream.indirect.gather [hbm4b:s4+s23], $0x80, s9, s23, $0xb8;
	[tilespmem:$0x12780] =	vst v63  }
0x86: {  	s11 =	rddreg [dreg:$0x8]  }
0x87: {  	[tilespmem:s15], [sflag:$0x4] =	stream.indirect.gather [hbm4b:s4+s23], $0x80, s8, s23, $0xb8;
	[tilespmem:$0x12780] =	vst v63  }
0x88: {  	s12 =	rddreg [dreg:$0x9]  }
0x89: {  	[tilespmem:s12], [sflag:$0x4] =	stream.indirect.gather [hbm4b:s4+s23], $0x80, s11, s23, $0xb8;
	[tilespmem:$0x12780] =	vst v63  }
0x8a: {  	_ =	swait.ge [sflag:s26], $0x1000  }
0x8b: {  	[sflag:s26] =	ssyncset.done $0x0  }
0x8c: {  	[sflag:s26] =	ssyncadd.s32 $0xFFFFF000  }
0x8d: {  	_ =	swait.ge [sflag:s26], $0x1000  }
0x8e: {  	[sflag:s26] =	ssyncset.done $0x0  }
0x8f: {  	[sflag:s26] =	ssyncadd.s32 $0xFFFFF000  }
0x90: {  	_ =	swait.ge [sflag:s26], $0x1000  }
0x91: {  	[sflag:s26] =	ssyncset.done $0x0  }
0x92: {  	[sflag:s26] =	ssyncadd.s32 $0xFFFFF000  }
0x93: {  	_ =	swait.ge [sflag:s26], $0x1000  }
0x94: {  	[sflag:s26] =	ssyncset.done $0x0  }
0x95: {  	[sflag:s26] =	ssyncadd.s32 $0xFFFFF000  }
0x96: {  	v1 =	vld [tilespmem:$0x1E0]  }
0x97: {  	v2 =	vld [tilespmem:$0x1D0]  }
0x98: {  	v3 =	vld [tilespmem:$0x1F0]  }
0x99: {  	v4 =	vld [tilespmem:$0x1B0]  }
0x9a: {  	v5 =	vld [tilespmem:$0x1A0]  }
0x9b: {  	v6 =	vld [tilespmem:$0x180];
	[tilespmem:$0x2E0] =	vst v1  }
0x9c: {  	v1 =	vld [tilespmem:$0x190];
	[tilespmem:$0x2D0] =	vst v2  }
0x9d: {  	v2 =	vld [tilespmem:$0x1C0];
	[tilespmem:$0x2F0] =	vst v3  }
0x9e: {  	[tilespmem:$0x2B0] =	vst v4  }
0x9f: {  	s13 =	rddreg [dreg:$0x3];
	[tilespmem:$0x2A0] =	vst v5  }
0xa0: {  	p1 =	sle.s32 s13, $0x0;
	[tilespmem:$0x280] =	vst v6  }
0xa1: {  	s0 =	sadd.s32 @!p1 $0xFFFFFF80, s17;
	[tilespmem:$0x290] =	vst v1  }
0xa2: {  	s14 =	rddreg [dreg:$0xa];
	s0 =	sshrl.u32 @!p1 s0, $0x3;
	[tilespmem:$0x2C0] =	vst v2  }
0xa3: {  	[spmem:s2] =	stream.indirect.scatter.add.f32 [tilespmem:s18], [sflag:$0x5], $0x80, s14, s20, $0xb8;
	[tilespmem:$0x12780] =	vst v63  }
0xa4: {  	s9 =	simm.s32 @!p1 $0x80;
	s11 =	simm.s32 @!p1 $0x0;
	s8 =	sadd.s32 @!p1 s5, s0  }
0xa5: {  	[tilespmem:s9], [sflag:$0x1] =	stream.linear.gather @!p1 [hbm4b:s8+s11], $0x80, $0x38;
	[tilespmem:$0x12780] =	vst v63  }
0xa6: {  	s0 =	sadd.s32 @!p1 s6, s0;
	s8 =	simm.s32 @!p1 $0x180  }
0xa7: {  	[tilespmem:s8], [sflag:$0x1] =	stream.linear.gather @!p1 [hbm4b:s0+s11], $0x80, $0x38;
	[tilespmem:$0x12780] =	vst v63  }
0xa8: {  	_ =	swait.ge [sflag:s28], $0x1000  }
0xa9: {  	[sflag:s28] =	ssyncset.done $0x0  }
0xaa: {  	[sflag:s28] =	ssyncadd.s32 $0xFFFFF000  }
0xab: {  	_ =	swait.ge [sflag:s28], $0x1000  }
0xac: {  	[sflag:s28] =	ssyncset.done $0x0  }
0xad: {  	[sflag:s28] =	ssyncadd.s32 $0xFFFFF000  }
0xae: {  	_ =	swait.ge [sflag:s28], $0x1000  }
0xaf: {  	[sflag:s28] =	ssyncset.done $0x0  }
0xb0: {  	[sflag:s28] =	ssyncadd.s32 $0xFFFFF000  }
0xb1: {  	_ =	swait.ge [sflag:s28], $0x1000  }
0xb2: {  	[sflag:s28] =	ssyncset.done $0x0  }
0xb3: {  	[sflag:s28] =	ssyncadd.s32 $0xFFFFF000  }
0xb4: {  	v1 =	vld [tilespmem:$0x200]  }
0xb5: {  	v2 =	vld [tilespmem:$0x210]  }
0xb6: {  	v3 =	vld [tilespmem:$0x270]  }
0xb7: {  	v61 =	vld [tilespmem:$0x260]  }
0xb8: {  	v62 =	vld [tilespmem:$0x250]  }
0xb9: {  	v63 =	vld [tilespmem:$0x220];
	[tilespmem:$0x300] =	vst v1  }
0xba: {  	v1 =	vld [tilespmem:$0x240];
	[tilespmem:$0x310] =	vst v2  }
0xbb: {  	v2 =	vld [tilespmem:$0x230];
	[tilespmem:$0x370] =	vst v3  }
0xbc: {  	p0 =	sne.s32 s30, $0x1;
	[tilespmem:$0x360] =	vst v61  }
.Ltmp4:
0xbd: {  	[tilespmem:$0x350] =	vst v62;
	(pc) =	sbr.rel @!p0 .LBB2_6-.Ltmp4, $4  }
0xbe: {  	s13 =	sshrl.u32 @!p1 s17, $0x3;
	s12 =	simm.s32 @!p1 $0x200;
	[tilespmem:$0x320] =	vst v63  }
0xbf: {  	s10 =	sadd.s32 @!p1 s5, s13;
	s13 =	sadd.s32 @!p1 s6, s13;
	s14 =	simm.s32 @!p1 $0x100;
	[tilespmem:$0x340] =	vst v1  }
0xc0: {  	s0 =	simm.s32 $0x1;
	s8 =	sadd.s32 $0x100, s17;
	s15 =	rddreg [dreg:$0xb];
	[tilespmem:$0x330] =	vst v2  }
0xc1: {  	[spmem:s2] =	stream.indirect.scatter.add.f32 [tilespmem:s25], [sflag:$0x6], $0x80, s15, s20, $0xb8;
	[tilespmem:$0x12780] =	vst v63  }
.LBB2_5:
0xc2: {  	[tilespmem:s14], [sflag:$0x2] =	stream.linear.gather @!p1 [hbm4b:s10+s11], $0x80, $0x38;
	[tilespmem:$0x12780] =	vst v63  }
0xc3: {  	s14 =	simm.s32 @!p1 $0x5  }
0xc4: {  	[tilespmem:s12], [sflag:$0x2] =	stream.linear.gather @!p1 [hbm4b:s13+s11], $0x80, $0x38;
	[tilespmem:$0x12780] =	vst v63  }
0xc5: {  	_ =	swait.ge @!p1 [sflag:s14], $0x4000  }
0xc6: {  	[sflag:s14] =	ssyncset.done @!p1 $0x0  }
0xc7: {  	s11 =	simm.s32 @!p1 $0x1;
	[sflag:s14] =	ssyncadd.s32 @!p1 $0xFFFFC000  }
0xc8: {  	_ =	swait.ge @!p1 [sflag:s11], $0x80  }
0xc9: {  	[sflag:s11] =	ssyncset.done @!p1 $0x0  }
0xca: {  	[sflag:s11] =	ssyncadd.s32 @!p1 $0xFFFFFF80  }
0xcb: {  	_ =	swait.ge @!p1 [sflag:s11], $0x80  }
0xcc: {  	[sflag:s11] =	ssyncset.done @!p1 $0x0  }
0xcd: {  	s12 =	simm.s32 @!p1 $0x20;
	s13 =	simm.s32 @!p1 $0x380;
	[sflag:s11] =	ssyncadd.s32 @!p1 $0xFFFFFF80  }
0xce: {  	[tilespmem:s13], [sflag:$0x3] =	stream.indirect.gather @!p1 [hbm4b:s4+s12], $0x80, s9, s12, $0xb8;
	[tilespmem:$0x12780] =	vst v63  }
0xcf: {  	s14 =	simm.s32 @!p1 $0x1380;
	s11 =	simm.s32 @!p1 $0xA0  }
0xd0: {  	[tilespmem:s14], [sflag:$0x3] =	stream.indirect.gather @!p1 [hbm4b:s4+s12], $0x80, s11, s12, $0xb8;
	[tilespmem:$0x12780] =	vst v63  }
0xd1: {  	s9 =	simm.s32 @!p1 $0xC0;
	s13 =	simm.s32 @!p1 $0x2380  }
0xd2: {  	[tilespmem:s13], [sflag:$0x3] =	stream.indirect.gather @!p1 [hbm4b:s4+s12], $0x80, s9, s12, $0xb8;
	[tilespmem:$0x12780] =	vst v63  }
0xd3: {  	s11 =	simm.s32 @!p1 $0xE0;
	s14 =	simm.s32 @!p1 $0x3380  }
0xd4: {  	[tilespmem:s14], [sflag:$0x3] =	stream.indirect.gather @!p1 [hbm4b:s4+s12], $0x80, s11, s12, $0xb8;
	[tilespmem:$0x12780] =	vst v63  }
0xd5: {  	_ =	swait.ge [sflag:s1], $0x80  }
0xd6: {  	[sflag:s1] =	ssyncset.done $0x0  }
0xd7: {  	[sflag:s1] =	ssyncadd.s32 $0xFFFFFF80  }
0xd8: {  	s10 =	smov.u32 s0;
	_ =	swait.ge [sflag:s1], $0x80  }
0xd9: {  	p1 =	seq.s32 s10, $0x0;
	[sflag:s1] =	ssyncset.done $0x0  }
0xda: {  	s9 =	simm.s32 @!p1 $0x6;
	[sflag:s1] =	ssyncadd.s32 $0xFFFFFF80  }
0xdb: {  	_ =	swait.ge @!p1 [sflag:s9], $0x4000  }
0xdc: {  	s11 =	rddreg [dreg:$0x6]  }
0xdd: {  	s12 =	rddreg [dreg:$0x4];
	[sflag:s9] =	ssyncset.done @!p1 $0x0  }
0xde: {  	s13 =	rddreg [dreg:$0x5];
	[sflag:s9] =	ssyncadd.s32 @!p1 $0xFFFFC000  }
0xdf: {  	[tilespmem:s25], [sflag:$0x4] =	stream.indirect.gather [hbm4b:s4+s23], $0x80, s31, s23, $0xb8;
	[tilespmem:$0x12780] =	vst v63  }
0xe0: {  	s14 =	rddreg [dreg:$0x7]  }
0xe1: {  	[tilespmem:s13], [sflag:$0x4] =	stream.indirect.gather [hbm4b:s4+s23], $0x80, s12, s23, $0xb8;
	[tilespmem:$0x12780] =	vst v63  }
0xe2: {  	s15 =	rddreg [dreg:$0x8]  }
0xe3: {  	[tilespmem:s14], [sflag:$0x4] =	stream.indirect.gather [hbm4b:s4+s23], $0x80, s11, s23, $0xb8;
	[tilespmem:$0x12780] =	vst v63  }
0xe4: {  	s13 =	rddreg [dreg:$0x9]  }
0xe5: {  	[tilespmem:s13], [sflag:$0x4] =	stream.indirect.gather [hbm4b:s4+s23], $0x80, s15, s23, $0xb8;
	[tilespmem:$0x12780] =	vst v63  }
0xe6: {  	_ =	swait.ge [sflag:s26], $0x1000  }
0xe7: {  	[sflag:s26] =	ssyncset.done $0x0  }
0xe8: {  	[sflag:s26] =	ssyncadd.s32 $0xFFFFF000  }
0xe9: {  	_ =	swait.ge [sflag:s26], $0x1000  }
0xea: {  	[sflag:s26] =	ssyncset.done $0x0  }
0xeb: {  	[sflag:s26] =	ssyncadd.s32 $0xFFFFF000  }
0xec: {  	_ =	swait.ge [sflag:s26], $0x1000  }
0xed: {  	[sflag:s26] =	ssyncset.done $0x0  }
0xee: {  	[sflag:s26] =	ssyncadd.s32 $0xFFFFF000  }
0xef: {  	_ =	swait.ge [sflag:s26], $0x1000  }
0xf0: {  	[sflag:s26] =	ssyncset.done $0x0  }
0xf1: {  	[sflag:s26] =	ssyncadd.s32 $0xFFFFF000  }
0xf2: {  	v1 =	vld [tilespmem:$0x1E0]  }
0xf3: {  	v2 =	vld [tilespmem:$0x1D0]  }
0xf4: {  	v3 =	vld [tilespmem:$0x1F0]  }
0xf5: {  	v4 =	vld [tilespmem:$0x1B0]  }
0xf6: {  	v5 =	vld [tilespmem:$0x1A0]  }
0xf7: {  	v6 =	vld [tilespmem:$0x180];
	[tilespmem:$0x2E0] =	vst v1  }
0xf8: {  	v1 =	vld [tilespmem:$0x190];
	[tilespmem:$0x2D0] =	vst v2  }
0xf9: {  	v2 =	vld [tilespmem:$0x1C0];
	[tilespmem:$0x2F0] =	vst v3  }
0xfa: {  	[tilespmem:$0x2B0] =	vst v4  }
0xfb: {  	s14 =	rddreg [dreg:$0x3];
	[tilespmem:$0x2A0] =	vst v5  }
0xfc: {  	p1 =	sge.s32 s10, s14;
	[tilespmem:$0x280] =	vst v6  }
0xfd: {  	s9 =	sadd.s32 @!p1 $0xFFFFFF80, s8;
	[tilespmem:$0x290] =	vst v1  }
0xfe: {  	s15 =	rddreg [dreg:$0xa];
	s14 =	sshrl.u32 @!p1 s9, $0x3;
	[tilespmem:$0x2C0] =	vst v2  }
0xff: {  	[spmem:s2] =	stream.indirect.scatter.add.f32 [tilespmem:s18], [sflag:$0x5], $0x80, s15, s20, $0xb8;
	[tilespmem:$0x12780] =	vst v63  }
0x100: {  	s11 =	simm.s32 @!p1 $0x0;
	s9 =	simm.s32 @!p1 $0x80;
	s15 =	sadd.s32 @!p1 s5, s14  }
0x101: {  	[tilespmem:s9], [sflag:$0x1] =	stream.linear.gather @!p1 [hbm4b:s15+s11], $0x80, $0x38;
	[tilespmem:$0x12780] =	vst v63  }
0x102: {  	s14 =	sadd.s32 @!p1 s6, s14;
	s15 =	simm.s32 @!p1 $0x180  }
0x103: {  	[tilespmem:s15], [sflag:$0x1] =	stream.linear.gather @!p1 [hbm4b:s14+s11], $0x80, $0x38;
	[tilespmem:$0x12780] =	vst v63  }
0x104: {  	_ =	swait.ge [sflag:s28], $0x1000  }
0x105: {  	[sflag:s28] =	ssyncset.done $0x0  }
0x106: {  	[sflag:s28] =	ssyncadd.s32 $0xFFFFF000  }
0x107: {  	_ =	swait.ge [sflag:s28], $0x1000  }
0x108: {  	[sflag:s28] =	ssyncset.done $0x0  }
0x109: {  	[sflag:s28] =	ssyncadd.s32 $0xFFFFF000  }
0x10a: {  	_ =	swait.ge [sflag:s28], $0x1000  }
0x10b: {  	[sflag:s28] =	ssyncset.done $0x0  }
0x10c: {  	[sflag:s28] =	ssyncadd.s32 $0xFFFFF000  }
0x10d: {  	_ =	swait.ge [sflag:s28], $0x1000  }
0x10e: {  	[sflag:s28] =	ssyncset.done $0x0  }
0x10f: {  	[sflag:s28] =	ssyncadd.s32 $0xFFFFF000  }
0x110: {  	v1 =	vld [tilespmem:$0x200]  }
0x111: {  	v2 =	vld [tilespmem:$0x210]  }
0x112: {  	v3 =	vld [tilespmem:$0x270]  }
0x113: {  	v61 =	vld [tilespmem:$0x260]  }
0x114: {  	v62 =	vld [tilespmem:$0x250]  }
0x115: {  	v63 =	vld [tilespmem:$0x220];
	[tilespmem:$0x300] =	vst v1  }
0x116: {  	v1 =	vld [tilespmem:$0x240];
	[tilespmem:$0x310] =	vst v2  }
0x117: {  	s0 =	sadd.s32 $0x1, s0;
	v2 =	vld [tilespmem:$0x230];
	[tilespmem:$0x370] =	vst v3  }
0x118: {  	p0 =	sne.s32 s30, s0;
	[tilespmem:$0x360] =	vst v61  }
.Ltmp5:
0x119: {  	[tilespmem:$0x350] =	vst v62;
	(pc) =	sbr.rel @p0 .LBB2_5-.Ltmp5, $4  }
0x11a: {  	s13 =	sshrl.u32 @!p1 s8, $0x3;
	[tilespmem:$0x320] =	vst v63  }
0x11b: {  	s12 =	simm.s32 @!p1 $0x200;
	s8 =	sadd.s32 $0x100, s8;
	s10 =	sadd.s32 @!p1 s5, s13;
	[tilespmem:$0x340] =	vst v1  }
0x11c: {  	s13 =	sadd.s32 @!p1 s6, s13;
	s14 =	simm.s32 @!p1 $0x100;
	s15 =	rddreg [dreg:$0xb];
	[tilespmem:$0x330] =	vst v2  }
0x11d: {  	[spmem:s2] =	stream.indirect.scatter.add.f32 [tilespmem:s25], [sflag:$0x6], $0x80, s15, s20, $0xb8;
	[tilespmem:$0x12780] =	vst v63  }
.Ltmp6:
0x11e: {  	_ = 	snop;
	(pc) =	sbr.rel .LBB2_6-.Ltmp6, $1  }
0x11f: {  	_ =	sdelay $0x3  }
.LBB2_8:
0x120: {  	_ =	sfence.sel $0x180000  }
0x121: {  	[bflag:$0x0] =	sbarrier.arrive $0xFFFF  }
0x122: {  	_ =	strace $0x9000004A  }
0x123: {  	[bflag:$0x2] =	sbarrier.arrive $0xFFFF  }
0x124: {  	p0 =	sne.s32 s13, $0x0;
	s0 =	rddreg [dreg:$0x2]  }
0x125: {  	s0 =	sadd.s32 @!p0 $0x100000, s0  }
0x126: {  	[sflag:s0] =	ssyncadd.tile.s32 @!p0 $0x1;
	_ =	shalt  }
.Lfunc_end2:
_tile_overlayer_lowered:
.L_overlay_start_2:
0x127: {  	(tag) =	ssettag $0x2  }
0x128: {  	s0 =	rddreg [dreg:$0x0];
	s2 =	stileid.u32  }
0x129: {  	s1 =	rddreg [dreg:$0x1];
	p0 =	sne.s32 s2, $0x0  }
0x12a: {  	s3 =	rddreg [dreg:$0x2];
	[bflag:$0x3] =	sbarrier.arrive $0xFFFF;
	s2 =	simm.s32 @!p0 $0x1C07  }
0x12b: {  	[timem:s3], [sflag:s2] =	dma.local @!p0 [hbm:s0], s1  }
0x12c: {  	s0 =	simm.s32 @!p0 $0x7  }
0x12d: {  	_ =	swait.ge @!p0 [sflag:s0], s1  }
0x12e: {  	s1 =	ssub.s32 @!p0 $0x0, s1;
	[sflag:s0] =	ssyncset.done @!p0 $0x0  }
0x12f: {  	[sflag:s0] =	ssyncadd.s32 @!p0 s1  }
0x130: {  	[bflag:$0x3] =	sbarrier.arrive $0xFFFF  }
0x131: {  	_ =	shalt  }

// kernel: kernel.14.cloned.1.call-start
scs
__scs_entry_jumppad:
0x0: {  	(pc) =	sbr.rel $0x88, $3  }
0x1: {  	(tag) =	ssettag $0x0;
	lr =	simm.s32 $0x1  }
0x2: {  	[smem:$0x3F9B] =	sst lr;
	_ =	strace $0xD0000000  }
0x3: {  	_ = 	snop  }
0x4: {  	_ = 	snop  }
0x5: {  	_ = 	snop  }
0x6: {  	_ = 	snop  }
0x7: {  	_ = 	snop  }
__scs_overlays_trampoline_lowered:
0x8: {  	[smem:$0x3FAA] =	sst s0  }
0x9: {  	[smem:$0x3FAB] =	sst s1  }
0xa: {  	[smem:$0x3FAC] =	sst s2  }
0xb: {  	[smem:$0x3FAD] =	sst s3  }
0xc: {  	[smem:$0x3FAE] =	sst s4  }
0xd: {  	[smem:$0x3FAF] =	sst s5  }
0xe: {  	[smem:$0x3FB0] =	sst s6  }
0xf: {  	[smem:$0x3FB1] =	sst s7  }
0x10: {  	[smem:$0x3FB2] =	sst s8  }
0x11: {  	[smem:$0x3FB3] =	sst s9;
	s0 =	simm.s32 @!p0 $0x0  }
0x12: {  	s1 =	sld [smem:$0x3F99];
	s0 =	simm.s32 @p0 $0x1  }
0x13: {  	[smem:$0x3FB4] =	sst s0;
	s0 =	simm.s32 @!p1 $0x0  }
0x14: {  	s2 =	sld [smem:$0x3F98];
	s0 =	simm.s32 @p1 $0x1  }
0x15: {  	[smem:$0x3FB5] =	sst s0;
	s0 =	simm.s32 @!p2 $0x0  }
0x16: {  	s3 =	sld [smem:$0x3FDB];
	s0 =	simm.s32 @p2 $0x1  }
0x17: {  	s4 =	simm.s32 $0x1BF5;
	[smem:$0x3FB7] =	sst s0  }
0x18: {  	s0 =	sld [smem:$0x3F9A];
	_ =	swait.ge [sflag:s4], $0x0  }
0x19: {  	s7 =	sld [smem:$0x3F9B]  }
0x1a: {  	s8 =	sadd.s32 $0xFFFFE003, lr  }
0x1b: {  	s9 =	sadd.s32 $0xFFFFFEF7, lr;
	s5 =	simm.s32 $0xFFFFFFFF;
	p2 =	slt.u32 s8, $0xFFFFF086  }
0x1c: {  	p1 =	slt.u32 s9, $0xF7A;
	s5 =	simm.s32 @!p2 $0x0  }
0x1d: {  	s5 =	simm.s32 @p1 $0x1;
	p0 =	seq.s32 s7, s2  }
0x1e: {  	s7 =	smul.u32 @!p0 $0xF7A, s2;
	p2 =	seq.s32 @!p0 s5, $0x0  }
0x1f: {  	s9 =	smul.u32 $0xF7A, s1;
	s8 =	simm.s32 @!p0 $0x1BF5;
	p2 =	por !p2, p0  }
0x20: {  	[sflag:s8] =	ssyncset.s32 @!p0 $0xFFFFF086;
	s6 =	sadd.s32 @!p0 s3, s7;
	s7 =	simm.s32 @!p0 $0x108  }
0x21: {  	s3 =	sadd.s32 s3, s9;
	s6 =	sadd.s32 @!p0 $0x88, s6;
	s7 =	simm.s32 @p2 $0x1082  }
0x22: {  	[simem:s7], [sflag:s8] =	dma.local @!p0 [hbm:s6], $0xF7A  }
0x23: {  	s9 =	sor.u32 $0xD0000000, s2;
	s6 =	simm.s32 $0x108;
	_ =	swait.ge @!p0 [sflag:s8], $0x0  }
0x24: {  	s3 =	sadd.s32 $0x88, s3;
	s6 =	simm.s32 @!p1 $0x1082;
	[sflag:s4] =	ssyncset.s32 $0xFFFFF086  }
0x25: {  	[simem:s6], [sflag:s4] =	dma.local [hbm:s3], $0xF7A  }
0x26: {  	[smem:$0x3F9B] =	sst s1;
	(tag) =	ssettag s2;
	_ =	strace s9  }
0x27: {  	s1 =	sld [smem:$0x3FAB]  }
0x28: {  	s2 =	sld [smem:$0x3FAC]  }
0x29: {  	s4 =	sld [smem:$0x3FAE]  }
0x2a: {  	p0 =	seq.s32 s5, $0x0;
	s5 =	sld [smem:$0x3FAF]  }
0x2b: {  	s6 =	sld [smem:$0x3FB0]  }
0x2c: {  	s7 =	sld [smem:$0x3FB1]  }
0x2d: {  	s3 =	simm.s32 $0x108;
	s8 =	sld [smem:$0x3FB2]  }
0x2e: {  	s3 =	simm.s32 @!p0 $0x1082;
	s9 =	sld [smem:$0x3FB3]  }
0x2f: {  	lr =	sadd.s32 s0, s3;
	s0 =	sld [smem:$0x3FAA]  }
0x30: {  	s3 =	sld [smem:$0x3FAD]  }
0x31: {  	[smem:$0x3FB6] =	sst s10  }
0x32: {  	s10 =	sld [smem:$0x3FB4];
	_ =	sdelay $0x3  }
0x33: {  	p0 =	seq.s32 s10, $0x1;
	s10 =	sld [smem:$0x3FB6];
	_ =	sdelay $0x3  }
0x34: {  	[smem:$0x3FB6] =	sst s10  }
0x35: {  	s10 =	sld [smem:$0x3FB5];
	_ =	sdelay $0x3  }
0x36: {  	p1 =	seq.s32 s10, $0x1;
	s10 =	sld [smem:$0x3FB6];
	_ =	sdelay $0x3  }
0x37: {  	[smem:$0x3FB6] =	sst s10  }
0x38: {  	s10 =	sld [smem:$0x3FB7]  }
0x39: {  	_ = 	snop;
	(pc) =	sbr.ind lr, $3  }
0x3a: {  	_ = 	snop  }
0x3b: {  	_ = 	snop  }
0x3c: {  	p2 =	seq.s32 s10, $0x1;
	s10 =	sld [smem:$0x3FB6]  }
0x3d: {  	_ =	shalt  }
0x3e: {  	_ =	shalt  }
0x3f: {  	_ =	shalt  }
0x40: {  	_ =	shalt  }
0x41: {  	_ =	shalt  }
0x42: {  	_ =	shalt  }
0x43: {  	_ =	shalt  }
0x44: {  	_ =	shalt  }
0x45: {  	_ =	shalt  }
0x46: {  	_ =	shalt  }
0x47: {  	_ =	shalt  }
0x48: {  	_ =	shalt  }
0x49: {  	_ =	shalt  }
0x4a: {  	_ =	shalt  }
0x4b: {  	_ =	shalt  }
0x4c: {  	_ =	shalt  }
0x4d: {  	_ =	shalt  }
0x4e: {  	_ =	shalt  }
0x4f: {  	_ =	shalt  }
0x50: {  	_ =	shalt  }
0x51: {  	_ =	shalt  }
0x52: {  	_ =	shalt  }
0x53: {  	_ =	shalt  }
0x54: {  	_ =	shalt  }
0x55: {  	_ =	shalt  }
0x56: {  	_ =	shalt  }
0x57: {  	_ =	shalt  }
0x58: {  	_ =	shalt  }
0x59: {  	_ =	shalt  }
0x5a: {  	_ =	shalt  }
0x5b: {  	_ =	shalt  }
0x5c: {  	_ =	shalt  }
0x5d: {  	_ =	shalt  }
0x5e: {  	_ =	shalt  }
0x5f: {  	_ =	shalt  }
0x60: {  	_ =	shalt  }
0x61: {  	_ =	shalt  }
0x62: {  	_ =	shalt  }
0x63: {  	_ =	shalt  }
0x64: {  	_ =	shalt  }
0x65: {  	_ =	shalt  }
0x66: {  	_ =	shalt  }
0x67: {  	_ =	shalt  }
0x68: {  	_ =	shalt  }
0x69: {  	_ =	shalt  }
0x6a: {  	_ =	shalt  }
0x6b: {  	_ =	shalt  }
0x6c: {  	_ =	shalt  }
0x6d: {  	_ =	shalt  }
0x6e: {  	_ =	shalt  }
0x6f: {  	_ =	shalt  }
0x70: {  	_ =	shalt  }
0x71: {  	_ =	shalt  }
0x72: {  	_ =	shalt  }
0x73: {  	_ =	shalt  }
0x74: {  	_ =	shalt  }
0x75: {  	_ =	shalt  }
0x76: {  	_ =	shalt  }
0x77: {  	_ =	shalt  }
0x78: {  	_ =	shalt  }
0x79: {  	_ =	shalt  }
0x7a: {  	_ =	shalt  }
0x7b: {  	_ =	shalt  }
0x7c: {  	_ =	shalt  }
0x7d: {  	_ =	shalt  }
0x7e: {  	_ =	shalt  }
0x7f: {  	_ =	shalt  }
0x80: {  	_ =	shalt  }
0x81: {  	_ =	shalt  }
0x82: {  	_ =	shalt  }
0x83: {  	_ =	shalt  }
0x84: {  	_ =	shalt  }
0x85: {  	_ =	shalt  }
0x86: {  	_ =	shalt  }
0x87: {  	_ =	shalt  }
.Lfunc_end0:
.L_simem_size_0:
called_computation.2_lowered:
.L_overlay_start_0:
0x88: {  	s2 =	sld [smem:$0x3FD9]  }
0x89: {  	s3 =	sld [smem:$0x3FFE];
	_ =	sdelay $0x1  }
0x8a: {  	s1 =	srdreg.scid  }
0x8b: {  	s0 =	sand.u32 $0x1, s1  }
0x8c: {  	s16 =	sshll.u32 s0, $0xA;
	s2 =	sadd.s32 s3, s2  }
0x8d: {  	s2 =	sadd.s32 s2, s16  }
0x8e: {  	[smem:$0x3FC2] =	sst s2  }
0x8f: {  	_ = 	snop  }
0x90: {  	(tm) =	ssettm $0x1  }
0x91: {  	s17 =	sld [smem:$0x3FFB];
	_ =	sdelay $0x3  }
0x92: {  	_ =	strace s17  }
0x93: {  	s2 =	sld [smem:$0x3FFC];
	_ =	sdelay $0x3  }
0x94: {  	_ =	strace s2  }
0x95: {  	s2 =	sld [smem:$0x3FFD];
	_ =	sdelay $0x3  }
0x96: {  	_ =	strace s2  }
0x97: {  	_ =	strace $0x8FFFFFFF  }
0x98: {  	s18 =	sld [smem:$0x3FDB];
	_ =	sdelay $0x1  }
0x99: {  	s19 =	simm.s32 $_scs_section_size  }
0x9a: {  	s4 =	simm.s32 $_size__tile_overlayer_lowered;
	s5 =	simm.s32 $_tile_overlayer_lowered  }
0x9b: {  	s22 =	simm.s32 $0x1BFF;
	s21 =	sshll.u32 s5, $0x1;
	s2 =	sadd.s32 s19, s18  }
0x9c: {  	s6 =	simm.s32 $0x0;
	s20 =	sshll.u32 s4, $0x1;
	s4 =	sadd.s32 s21, s2  }
0x9d: {  	[timem:s6], [sflag:s22] =	dma.local [hbm:s4], s20  }
0x9e: {  	_ =	swait.ge [sflag:s22], s20  }
0x9f: {  	s3 =	ssub.s32 $0x0, s20;
	[sflag:s22] =	ssyncset.done $0x0  }
0xa0: {  	[sflag:s22] =	ssyncadd.s32 s3;
	_ =	sdelay $0x1  }
0xa1: {  	s23 =	simm.s32 $0x1B8B  }
0xa2: {  	_ =	swait.ge [sflag:s23], $0x1  }
0xa3: {  	[sflag:s23] =	ssyncset.done $0x0  }
0xa4: {  	s25 =	simm.s32 $0x1B8E;
	s24 =	sld [smem:$0x3FFE];
	[sflag:s23] =	ssyncadd.s32 $0xFFFFFFFF  }
0xa5: {  	s26 =	simm.s32 $execute0_lowered;
	[smem:$0x3FD2] =	sst s25  }
0xa6: {  	s4 =	sshll.u32 s26, $0x1;
	_ =	strace $0x8000004C;
	[dreg:$0x1] =	wrdreg $0xFFFFFFFF  }
0xa7: {  	s28 =	simm.s32 $_size_execute0_lowered;
	s2 =	sadd.s32 s2, s4;
	[dreg:$0x0] =	wrdreg $0x0  }
0xa8: {  	s4 =	sshll.u32 s28, $0x1;
	[dreg:$0x2] =	wrdreg s2  }
0xa9: {  	[dreg:$0x3] =	wrdreg s4  }
0xaa: {  	[dreg:$0x4] =	wrdreg $0xC0  }
0xab: {  	_ =	task [dreg:s6], $0x5FFFF  }
0xac: {  	[dreg:$0x1] =	wrdreg $0xFFFFFFFF  }
0xad: {  	[dreg:$0x0] =	wrdreg $0x60  }
0xae: {  	[dreg:$0x2] =	wrdreg s24  }
0xaf: {  	[dreg:$0x3] =	wrdreg $0x83800  }
0xb0: {  	[dreg:$0x4] =	wrdreg $0x9  }
0xb1: {  	_ =	task.clear_ibuf [dreg:s6], $0x5FFFF;
	_ =	strace $0x9000004C  }
0xb2: {  	s29 =	simm.s32 $0x9;
	_ =	strace $0x8000004E  }
0xb3: {  	_ =	swait.ge [sflag:s29], $0x1  }
0xb4: {  	[sflag:s29] =	ssyncadd.s32 $0xFFFFFFFF  }
0xb5: {  	_ =	strace $0x9000004E  }
0xb6: {  	_ =	sfence  }
0xb7: {  	s30 =	sld [smem:$0x0];
	_ =	sdelay $0x2  }
0xb8: {  	s31 =	sshll.u32 s1, $0xD;
	s1 =	sshrl.u32 s1, $0x2  }
0xb9: {  	s3 =	sand.u32 $0x4000, s31;
	s1 =	sadd.s32 s1, s30  }
0xba: {  	s0 =	sor.u32 s3, s0;
	s1 =	sshll.u32 s1, $0x11  }
0xbb: {  	s0 =	sor.u32 s1, s0  }
0xbc: {  	s0 =	sadd.s32 $0x8F2B, s0  }
0xbd: {  	[sflag:s0] =	ssyncadd.remote.s32 $0x1  }
0xbe: {  	_ =	sfence.sel $0xFFFF  }
0xbf: {  	[dreg:$0x0] =	wrdreg $0xFFFFFFFF;
	(pc) =	sbr.abs _section_cstart, $3  }
0xc0: {  	[dreg:$0x1] =	wrdreg $0xFFFFFFFF  }
0xc1: {  	_ =	task.clear_ibuf [dreg:s6], $0x2FFFF;
	_ =	strace $0x9FFFFFFF  }
0xc2: {  	(tm) =	ssettm $0x7FFFFFFF  }
0xc3: {  	_ =	shalt  }
tec
execute0_lowered:
.L_overlay_start_1:
0x0: {  	(tag) =	ssettag $0x1  }
0x1: {  	s0 =	rddreg [dreg:$0x0]  }
0x2: {  	s2 =	rddreg [dreg:$0x1]  }
0x3: {  	s3 =	simm.s32 $0x0;
	s1 =	srdreg.scid;
	s13 =	stileid.u32  }
0x4: {  	s19 =	simm.s32 $0x120;
	s20 =	simm.s32 $0x5380;
	s21 =	simm.s32 $0x140  }
0x5: {  	s22 =	simm.s32 $0x6380;
	s31 =	simm.s32 $0x100;
	s28 =	simm.s32 $0x4  }
0x6: {  	s29 =	simm.s32 $0x0;
	[smem:$0x7FF] =	sst s3;
	s1 =	sand.u32 $0x1, s1  }
0x7: {  	s4 =	sshll.u32 s13, $0x1;
	s9 =	smul.u32 $0x29000, s13;
	s6 =	sadd.s32 $0x14CC00, s0  }
0x8: {  	s5 =	sadd.s32 $0xC400, s0;
	s25 =	smul.u32 $0xA0400, s13;
	_ =	strace $0x8000004D  }
0x9: {  	s8 =	sor.u32 s1, s4;
	s4 =	sadd.s32 $0x28D600, s0;
	[dreg:$0x4] =	wrdreg s19  }
0xa: {  	s12 =	ssub.s32 $0x2, s1;
	s1 =	smul.u32 $0x50200, s1;
	[dreg:$0x5] =	wrdreg s20  }
0xb: {  	s19 =	simm.s32 $0x7;
	s20 =	simm.s32 $0x80;
	[dreg:$0x6] =	wrdreg s21  }
0xc: {  	[dreg:$0x7] =	wrdreg s22;
	s22 =	simm.s32 $0x1;
	s21 =	simm.s32 $0x5  }
0xd: {  	s7 =	sshll.u32 s8, $0x1;
	s11 =	smul.u32 $0x1400, s8;
	s23 =	sshrl.u32 s9, $0x2  }
0xe: {  	s24 =	sshrl.u32 s12, $0x1;
	s8 =	smul.u32 $0x50200, s8;
	s10 =	sadd.s32 s7, s0  }
0xf: {  	s7 =	sadd.s32 s23, s2;
	s9 =	ssub.s32 s12, s24;
	s23 =	simm.s32 $0x160  }
0x10: {  	s18 =	sadd.s32 s1, s25;
	s24 =	simm.s32 $0x7380;
	[dreg:$0x8] =	wrdreg s23  }
0x11: {  	s25 =	simm.s32 $0x280;
	s1 =	simm.s32 $0x2;
	[dreg:$0x9] =	wrdreg s24  }
0x12: {  	s0 =	sadd.s32 s11, s0;
	s12 =	sadd.s32 $0x8000, s7;
	[dreg:$0xa] =	wrdreg s25  }
0x13: {  	s16 =	sadd.s32 $0x4000, s7;
	s14 =	sadd.s32 $0x28D400, s10;
	[dreg:$0xc] =	wrdreg s12  }
0x14: {  	s8 =	sshrl.u32 s8, $0x3;
	s11 =	smax.u32 s9, $0x1;
	[dreg:$0xd] =	wrdreg s14  }
0x15: {  	s23 =	simm.s32 $0x20;
	s0 =	sadd.s32 $0x2B5600, s0;
	[dreg:$0x13] =	wrdreg s11  }
0x16: {  	s26 =	sor.u32 $0x10, s8;
	s15 =	sadd.s32 s5, s8;
	[dreg:$0x12] =	wrdreg s0  }
.Ltmp0:
0x17: {  	s30 =	sadd.s32 s6, s8;
	[dreg:$0xe] =	wrdreg s15;
	(pc) =	sbr.rel .LBB2_1-.Ltmp0, $4  }
0x18: {  	s24 =	simm.s32 $0x6;
	s17 =	sadd.s32 s5, s26;
	[dreg:$0xf] =	wrdreg s30  }
0x19: {  	s10 =	sadd.s32 s6, s26;
	s26 =	simm.s32 $0x300;
	[dreg:$0x10] =	wrdreg s17  }
0x1a: {  	s25 =	simm.s32 $0x4380;
	s17 =	sor.u32 $0x180, s18;
	[dreg:$0xb] =	wrdreg s26  }
0x1b: {  	v0 =	vimm.f32 $0.0e+00;
	s18 =	simm.s32 $0x380;
	s26 =	simm.s32 $0x3;
	[dreg:$0x11] =	wrdreg s10  }
.LBB2_6:
0x1c: {  	[tilespmem:s14], [sflag:$0x2] =	stream.linear.gather @!p1 [hbm4b:s10+s11], $0x80, $0x38;
	[tilespmem:$0x12780] =	vst v63  }
0x1d: {  	s0 =	simm.s32 @!p1 $0x5  }
0x1e: {  	[tilespmem:s12], [sflag:$0x2] =	stream.linear.gather @!p1 [hbm4b:s13+s11], $0x80, $0x38;
	[tilespmem:$0x12780] =	vst v63  }
0x1f: {  	_ =	swait.ge @!p1 [sflag:s0], $0x4000  }
0x20: {  	[sflag:s0] =	ssyncset.done @!p1 $0x0  }
0x21: {  	s8 =	simm.s32 @!p1 $0x1;
	[sflag:s0] =	ssyncadd.s32 @!p1 $0xFFFFC000  }
0x22: {  	_ =	swait.ge @!p1 [sflag:s8], $0x80  }
0x23: {  	[sflag:s8] =	ssyncset.done @!p1 $0x0  }
0x24: {  	[sflag:s8] =	ssyncadd.s32 @!p1 $0xFFFFFF80  }
0x25: {  	_ =	swait.ge @!p1 [sflag:s8], $0x80  }
0x26: {  	s10 =	simm.s32 @!p1 $0x380;
	s12 =	rddreg [dreg:$0xc]  }
0x27: {  	s13 =	stileid.u32;
	[sflag:s8] =	ssyncset.done @!p1 $0x0;
	s14 =	rddreg [dreg:$0xd]  }
0x28: {  	s0 =	simm.s32 @!p1 $0x20;
	s15 =	rddreg [dreg:$0xe];
	[sflag:s8] =	ssyncadd.s32 @!p1 $0xFFFFFF80  }
0x29: {  	[tilespmem:s10], [sflag:$0x3] =	stream.indirect.gather @!p1 [hbm4b:s4+s0], $0x80, s9, s0, $0xb8;
	[tilespmem:$0x12780] =	vst v63  }
0x2a: {  	s30 =	rddreg [dreg:$0xf];
	s8 =	simm.s32 @!p1 $0xA0;
	s9 =	simm.s32 @!p1 $0x1380  }
0x2b: {  	[tilespmem:s9], [sflag:$0x3] =	stream.indirect.gather @!p1 [hbm4b:s4+s0], $0x80, s8, s0, $0xb8;
	[tilespmem:$0x12780] =	vst v63  }
0x2c: {  	s11 =	rddreg [dreg:$0x13];
	s8 =	simm.s32 @!p1 $0xC0;
	s9 =	simm.s32 @!p1 $0x2380  }
0x2d: {  	[tilespmem:s9], [sflag:$0x3] =	stream.indirect.gather @!p1 [hbm4b:s4+s0], $0x80, s8, s0, $0xb8;
	[tilespmem:$0x12780] =	vst v63  }
0x2e: {  	s10 =	rddreg [dreg:$0x11];
	s8 =	simm.s32 @!p1 $0xE0;
	s9 =	simm.s32 @!p1 $0x3380  }
0x2f: {  	[tilespmem:s9], [sflag:$0x3] =	stream.indirect.gather @!p1 [hbm4b:s4+s0], $0x80, s8, s0, $0xb8;
	[tilespmem:$0x12780] =	vst v63  }
.LBB2_7:
0x30: {  	_ =	swait.ge [sflag:s21], $0x4000  }
0x31: {  	[sflag:s21] =	ssyncset.done $0x0  }
0x32: {  	s0 =	sshll.u32 s13, $0x6;
	[sflag:s21] =	ssyncadd.s32 $0xFFFFC000  }
0x33: {  	s8 =	sshrl.u32 s7, $0x3;
	s29 =	sadd.s32 $0x1, s29;
	_ =	swait.ge [sflag:s24], $0x4000  }
0x34: {  	s0 =	sor.u32 $0x1C07, s0;
	p0 =	sne.s32 s29, s11;
	[sflag:s24] =	ssyncset.done $0x0  }
.Ltmp1:
0x35: {  	s9 =	rddreg [dreg:$0x12];
	[sflag:s24] =	ssyncadd.s32 $0xFFFFC000;
	(pc) =	sbr.rel @!p0 .LBB2_8-.Ltmp1, $4  }
0x36: {  	[hbm:s9], [sflag:s0] =	dma.local [spmem:s8], $0x1400  }
0x37: {  	_ =	swait.ge [sflag:s19], $0x1400  }
0x38: {  	[sflag:s19] =	ssyncset.done $0x0  }
0x39: {  	[sflag:s19] =	ssyncadd.s32 $0xFFFFEC00  }
.LBB2_1:
0x3a: {  	s0 =	simm.s32 $0x0;
	s8 =	simm.s32 $0x200  }
.LBB2_2:
0x3b: {  	p0 =	sne.s32 s8, $0xFE00;
	[tilespmem:s0+$0x3F0] =	vst v0  }
0x3c: {  	[tilespmem:s0+$0x380] =	vst v0  }
0x3d: {  	[tilespmem:s0+$0x390] =	vst v0  }
.Ltmp2:
0x3e: {  	[tilespmem:s0+$0x3A0] =	vst v0;
	(pc) =	sbr.rel @p0 .LBB2_2-.Ltmp2, $4  }
0x3f: {  	[tilespmem:s0+$0x3B0] =	vst v0  }
0x40: {  	[tilespmem:s0+$0x3C0] =	vst v0  }
0x41: {  	[tilespmem:s0+$0x3D0] =	vst v0  }
0x42: {  	[tilespmem:s0+$0x3E0] =	vst v0;
	s0 =	sshra.s32 s8, $0x2;
	s8 =	sadd.s32 $0x200, s8  }
0x43: {  	[tilespmem:s0+$0x3F0] =	vst v0  }
0x44: {  	[tilespmem:s0+$0x380] =	vst v0  }
0x45: {  	[tilespmem:s0+$0x390] =	vst v0  }
0x46: {  	[tilespmem:s0+$0x3A0] =	vst v0  }
0x47: {  	[tilespmem:s0+$0x3B0] =	vst v0  }
0x48: {  	[tilespmem:s0+$0x3C0] =	vst v0  }
0x49: {  	[tilespmem:s0+$0x3D0] =	vst v0  }
0x4a: {  	[tilespmem:s0+$0x3E0] =	vst v0  }
0x4b: {  	[spmem:s7] =	stream.linear.scatter [tilespmem:s18], [sflag:$0x7], $0x4000, $0x38;
	[tilespmem:$0x12780] =	vst v63  }
0x4c: {  	_ =	swait.ge [sflag:s19], $0x4000  }
0x4d: {  	[sflag:s19] =	ssyncset.done $0x0  }
0x4e: {  	[sflag:s19] =	ssyncadd.s32 $0xFFFFC000  }
0x4f: {  	[spmem:s16] =	stream.linear.scatter [tilespmem:s18], [sflag:$0x7], $0x4000, $0x38;
	[tilespmem:$0x12780] =	vst v63  }
0x50: {  	_ =	swait.ge [sflag:s19], $0x4000  }
0x51: {  	[sflag:s19] =	ssyncset.done $0x0  }
0x52: {  	[sflag:s19] =	ssyncadd.s32 $0xFFFFC000  }
0x53: {  	[spmem:s12] =	stream.linear.scatter [tilespmem:s18], [sflag:$0x7], $0x2400, $0x38;
	[tilespmem:$0x12780] =	vst v63  }
0x54: {  	_ =	swait.ge [sflag:s19], $0x2400  }
0x55: {  	[sflag:s19] =	ssyncset.done $0x0  }
0x56: {  	[sflag:s19] =	ssyncadd.s32 $0xFFFFDC00  }
0x57: {  	[tilespmem:s3], [sflag:$0x7] =	stream.linear.gather [hbm4b:s14+s3], $0x10, $0x38;
	[tilespmem:$0x12780] =	vst v63  }
0x58: {  	_ =	swait.ge [sflag:s19], $0x10  }
0x59: {  	[sflag:s19] =	ssyncset.done $0x0  }
0x5a: {  	[sflag:s19] =	ssyncadd.s32 $0xFFFFFFF0  }
0x5b: {  	v1 =	vld [tilespmem:$0x0];
	_ =	sdelay $0x4  }
0x5c: {  	v1 =	vxor.u32 $0x80000000, v1  }
0x5d: {  	(xrf0) =	vmax.scan.msk.u32 $0xffff, v1;
	_ =	sdelay $0x5  }
0x5e: {  	v1, _, _ =	vpop (xrf0)  }
0x5f: {  	(v2sf) =	vpush v1, $0xF;
	_ =	sdelay $0xb  }
0x60: {  	[tilespmem:s20], [sflag:$0x1] =	stream.linear.gather [hbm4b:s15+s3], $0x80, $0x38;
	[tilespmem:$0x12780] =	vst v63  }
0x61: {  	s8 =	simm.s32 $0x180  }
0x62: {  	[tilespmem:s8], [sflag:$0x1] =	stream.linear.gather [hbm4b:s30+s3], $0x80, $0x38;
	[tilespmem:$0x12780] =	vst v63  }
0x63: {  	s0 =	spop (v2sf)  }
0x64: {  	_ =	swait.ge [sflag:s22], $0x80  }
0x65: {  	[sflag:s22] =	ssyncset.done $0x0  }
0x66: {  	[sflag:s22] =	ssyncadd.s32 $0xFFFFFF80  }
0x67: {  	_ =	swait.ge [sflag:s22], $0x80  }
0x68: {  	[sflag:s22] =	ssyncset.done $0x0  }
0x69: {  	[sflag:s22] =	ssyncadd.s32 $0xFFFFFF80  }
0x6a: {  	[tilespmem:s18], [sflag:$0x3] =	stream.indirect.gather [hbm4b:s4+s23], $0x80, s20, s23, $0xb8;
	[tilespmem:$0x12780] =	vst v63  }
0x6b: {  	s9 =	simm.s32 $0x1380;
	s8 =	simm.s32 $0xA0  }
0x6c: {  	[tilespmem:s9], [sflag:$0x3] =	stream.indirect.gather [hbm4b:s4+s23], $0x80, s8, s23, $0xb8;
	[tilespmem:$0x12780] =	vst v63  }
0x6d: {  	s0 =	sshrl.u32 s0, $0x8;
	s8 =	simm.s32 $0xC0;
	s9 =	simm.s32 $0x2380  }
0x6e: {  	[tilespmem:s9], [sflag:$0x3] =	stream.indirect.gather [hbm4b:s4+s23], $0x80, s8, s23, $0xb8;
	[tilespmem:$0x12780] =	vst v63  }
0x6f: {  	p0 =	seq.s32 s0, $0x800000;
	s8 =	simm.s32 $0xE0;
	s9 =	simm.s32 $0x3380  }
0x70: {  	[tilespmem:s9], [sflag:$0x3] =	stream.indirect.gather [hbm4b:s4+s23], $0x80, s8, s23, $0xb8;
	[tilespmem:$0x12780] =	vst v63  }
.Ltmp3:
0x71: {  	_ = 	snop;
	(pc) =	sbr.rel @p0 .LBB2_7-.Ltmp3, $4  }
0x72: {  	s9 =	rddreg [dreg:$0x10]  }
0x73: {  	[tilespmem:s31], [sflag:$0x2] =	stream.linear.gather [hbm4b:s9+s3], $0x80, $0x38;
	[tilespmem:$0x12780] =	vst v63  }
0x74: {  	s9 =	simm.s32 $0x200  }
0x75: {  	[tilespmem:s9], [sflag:$0x2] =	stream.linear.gather [hbm4b:s10+s3], $0x80, $0x38;
	[tilespmem:$0x12780] =	vst v63  }
0x76: {  	s30 =	sxor.u32 $0x800000, s0  }
0x77: {  	s0 =	sadd.s32 $0xFFFFFFFF, s30  }
0x78: {  	[dreg:$0x3] =	wrdreg s0  }
0x79: {  	_ =	swait.ge [sflag:s1], $0x80  }
0x7a: {  	[sflag:s1] =	ssyncset.done $0x0  }
0x7b: {  	[sflag:s1] =	ssyncadd.s32 $0xFFFFFF80  }
0x7c: {  	_ =	swait.ge [sflag:s1], $0x80  }
0x7d: {  	p0 =	por $0x1, $0x1;
	[sflag:s1] =	ssyncset.done $0x0  }
0x7e: {  	s0 =	simm.s32 @!p0 $0x6;
	[sflag:s1] =	ssyncadd.s32 $0xFFFFFF80  }
0x7f: {  	_ =	swait.ge @!p0 [sflag:s0], $0x4000  }
0x80: {  	s8 =	rddreg [dreg:$0x6]  }
0x81: {  	s9 =	rddreg [dreg:$0x4];
	[sflag:s0] =	ssyncset.done @!p0 $0x0  }
0x82: {  	s10 =	rddreg [dreg:$0x5];
	[sflag:s0] =	ssyncadd.s32 @!p0 $0xFFFFC000  }
0x83: {  	[tilespmem:s25], [sflag:$0x4] =	stream.indirect.gather [hbm4b:s4+s23], $0x80, s31, s23, $0xb8;
	[tilespmem:$0x12780] =	vst v63  }
0x84: {  	s15 =	rddreg [dreg:$0x7]  }
0x85: {  	[tilespmem:s10], [sflag:$0x4] =	stream.indirect.gather [hbm4b:s4+s23], $0x80, s9, s23, $0xb8;
	[tilespmem:$0x12780] =	vst v63  }
0x86: {  	s11 =	rddreg [dreg:$0x8]  }
0x87: {  	[tilespmem:s15], [sflag:$0x4] =	stream.indirect.gather [hbm4b:s4+s23], $0x80, s8, s23, $0xb8;
	[tilespmem:$0x12780] =	vst v63  }
0x88: {  	s12 =	rddreg [dreg:$0x9]  }
0x89: {  	[tilespmem:s12], [sflag:$0x4] =	stream.indirect.gather [hbm4b:s4+s23], $0x80, s11, s23, $0xb8;
	[tilespmem:$0x12780] =	vst v63  }
0x8a: {  	_ =	swait.ge [sflag:s26], $0x1000  }
0x8b: {  	[sflag:s26] =	ssyncset.done $0x0  }
0x8c: {  	[sflag:s26] =	ssyncadd.s32 $0xFFFFF000  }
0x8d: {  	_ =	swait.ge [sflag:s26], $0x1000  }
0x8e: {  	[sflag:s26] =	ssyncset.done $0x0  }
0x8f: {  	[sflag:s26] =	ssyncadd.s32 $0xFFFFF000  }
0x90: {  	_ =	swait.ge [sflag:s26], $0x1000  }
0x91: {  	[sflag:s26] =	ssyncset.done $0x0  }
0x92: {  	[sflag:s26] =	ssyncadd.s32 $0xFFFFF000  }
0x93: {  	_ =	swait.ge [sflag:s26], $0x1000  }
0x94: {  	[sflag:s26] =	ssyncset.done $0x0  }
0x95: {  	[sflag:s26] =	ssyncadd.s32 $0xFFFFF000  }
0x96: {  	v1 =	vld [tilespmem:$0x1E0]  }
0x97: {  	v2 =	vld [tilespmem:$0x1D0]  }
0x98: {  	v3 =	vld [tilespmem:$0x1F0]  }
0x99: {  	v4 =	vld [tilespmem:$0x1B0]  }
0x9a: {  	v5 =	vld [tilespmem:$0x1A0]  }
0x9b: {  	v6 =	vld [tilespmem:$0x180];
	[tilespmem:$0x2E0] =	vst v1  }
0x9c: {  	v1 =	vld [tilespmem:$0x190];
	[tilespmem:$0x2D0] =	vst v2  }
0x9d: {  	v2 =	vld [tilespmem:$0x1C0];
	[tilespmem:$0x2F0] =	vst v3  }
0x9e: {  	[tilespmem:$0x2B0] =	vst v4  }
0x9f: {  	s13 =	rddreg [dreg:$0x3];
	[tilespmem:$0x2A0] =	vst v5  }
0xa0: {  	p1 =	sle.s32 s13, $0x0;
	[tilespmem:$0x280] =	vst v6  }
0xa1: {  	s0 =	sadd.s32 @!p1 $0xFFFFFF80, s17;
	[tilespmem:$0x290] =	vst v1  }
0xa2: {  	s14 =	rddreg [dreg:$0xa];
	s0 =	sshrl.u32 @!p1 s0, $0x3;
	[tilespmem:$0x2C0] =	vst v2  }
0xa3: {  	[spmem:s2] =	stream.indirect.scatter.add.f32 [tilespmem:s18], [sflag:$0x5], $0x80, s14, s20, $0xb8;
	[tilespmem:$0x12780] =	vst v63  }
0xa4: {  	s9 =	simm.s32 @!p1 $0x80;
	s11 =	simm.s32 @!p1 $0x0;
	s8 =	sadd.s32 @!p1 s5, s0  }
0xa5: {  	[tilespmem:s9], [sflag:$0x1] =	stream.linear.gather @!p1 [hbm4b:s8+s11], $0x80, $0x38;
	[tilespmem:$0x12780] =	vst v63  }
0xa6: {  	s0 =	sadd.s32 @!p1 s6, s0;
	s8 =	simm.s32 @!p1 $0x180  }
0xa7: {  	[tilespmem:s8], [sflag:$0x1] =	stream.linear.gather @!p1 [hbm4b:s0+s11], $0x80, $0x38;
	[tilespmem:$0x12780] =	vst v63  }
0xa8: {  	_ =	swait.ge [sflag:s28], $0x1000  }
0xa9: {  	[sflag:s28] =	ssyncset.done $0x0  }
0xaa: {  	[sflag:s28] =	ssyncadd.s32 $0xFFFFF000  }
0xab: {  	_ =	swait.ge [sflag:s28], $0x1000  }
0xac: {  	[sflag:s28] =	ssyncset.done $0x0  }
0xad: {  	[sflag:s28] =	ssyncadd.s32 $0xFFFFF000  }
0xae: {  	_ =	swait.ge [sflag:s28], $0x1000  }
0xaf: {  	[sflag:s28] =	ssyncset.done $0x0  }
0xb0: {  	[sflag:s28] =	ssyncadd.s32 $0xFFFFF000  }
0xb1: {  	_ =	swait.ge [sflag:s28], $0x1000  }
0xb2: {  	[sflag:s28] =	ssyncset.done $0x0  }
0xb3: {  	[sflag:s28] =	ssyncadd.s32 $0xFFFFF000  }
0xb4: {  	v1 =	vld [tilespmem:$0x200]  }
0xb5: {  	v2 =	vld [tilespmem:$0x210]  }
0xb6: {  	v3 =	vld [tilespmem:$0x270]  }
0xb7: {  	v61 =	vld [tilespmem:$0x260]  }
0xb8: {  	v62 =	vld [tilespmem:$0x250]  }
0xb9: {  	v63 =	vld [tilespmem:$0x220];
	[tilespmem:$0x300] =	vst v1  }
0xba: {  	v1 =	vld [tilespmem:$0x240];
	[tilespmem:$0x310] =	vst v2  }
0xbb: {  	v2 =	vld [tilespmem:$0x230];
	[tilespmem:$0x370] =	vst v3  }
0xbc: {  	p0 =	sne.s32 s30, $0x1;
	[tilespmem:$0x360] =	vst v61  }
.Ltmp4:
0xbd: {  	[tilespmem:$0x350] =	vst v62;
	(pc) =	sbr.rel @!p0 .LBB2_6-.Ltmp4, $4  }
0xbe: {  	s13 =	sshrl.u32 @!p1 s17, $0x3;
	s12 =	simm.s32 @!p1 $0x200;
	[tilespmem:$0x320] =	vst v63  }
0xbf: {  	s10 =	sadd.s32 @!p1 s5, s13;
	s13 =	sadd.s32 @!p1 s6, s13;
	s14 =	simm.s32 @!p1 $0x100;
	[tilespmem:$0x340] =	vst v1  }
0xc0: {  	s0 =	simm.s32 $0x1;
	s8 =	sadd.s32 $0x100, s17;
	s15 =	rddreg [dreg:$0xb];
	[tilespmem:$0x330] =	vst v2  }
0xc1: {  	[spmem:s2] =	stream.indirect.scatter.add.f32 [tilespmem:s25], [sflag:$0x6], $0x80, s15, s20, $0xb8;
	[tilespmem:$0x12780] =	vst v63  }
.LBB2_5:
0xc2: {  	[tilespmem:s14], [sflag:$0x2] =	stream.linear.gather @!p1 [hbm4b:s10+s11], $0x80, $0x38;
	[tilespmem:$0x12780] =	vst v63  }
0xc3: {  	s14 =	simm.s32 @!p1 $0x5  }
0xc4: {  	[tilespmem:s12], [sflag:$0x2] =	stream.linear.gather @!p1 [hbm4b:s13+s11], $0x80, $0x38;
	[tilespmem:$0x12780] =	vst v63  }
0xc5: {  	_ =	swait.ge @!p1 [sflag:s14], $0x4000  }
0xc6: {  	[sflag:s14] =	ssyncset.done @!p1 $0x0  }
0xc7: {  	s11 =	simm.s32 @!p1 $0x1;
	[sflag:s14] =	ssyncadd.s32 @!p1 $0xFFFFC000  }
0xc8: {  	_ =	swait.ge @!p1 [sflag:s11], $0x80  }
0xc9: {  	[sflag:s11] =	ssyncset.done @!p1 $0x0  }
0xca: {  	[sflag:s11] =	ssyncadd.s32 @!p1 $0xFFFFFF80  }
0xcb: {  	_ =	swait.ge @!p1 [sflag:s11], $0x80  }
0xcc: {  	[sflag:s11] =	ssyncset.done @!p1 $0x0  }
0xcd: {  	s12 =	simm.s32 @!p1 $0x20;
	s13 =	simm.s32 @!p1 $0x380;
	[sflag:s11] =	ssyncadd.s32 @!p1 $0xFFFFFF80  }
0xce: {  	[tilespmem:s13], [sflag:$0x3] =	stream.indirect.gather @!p1 [hbm4b:s4+s12], $0x80, s9, s12, $0xb8;
	[tilespmem:$0x12780] =	vst v63  }
0xcf: {  	s14 =	simm.s32 @!p1 $0x1380;
	s11 =	simm.s32 @!p1 $0xA0  }
0xd0: {  	[tilespmem:s14], [sflag:$0x3] =	stream.indirect.gather @!p1 [hbm4b:s4+s12], $0x80, s11, s12, $0xb8;
	[tilespmem:$0x12780] =	vst v63  }
0xd1: {  	s9 =	simm.s32 @!p1 $0xC0;
	s13 =	simm.s32 @!p1 $0x2380  }
0xd2: {  	[tilespmem:s13], [sflag:$0x3] =	stream.indirect.gather @!p1 [hbm4b:s4+s12], $0x80, s9, s12, $0xb8;
	[tilespmem:$0x12780] =	vst v63  }
0xd3: {  	s11 =	simm.s32 @!p1 $0xE0;
	s14 =	simm.s32 @!p1 $0x3380  }
0xd4: {  	[tilespmem:s14], [sflag:$0x3] =	stream.indirect.gather @!p1 [hbm4b:s4+s12], $0x80, s11, s12, $0xb8;
	[tilespmem:$0x12780] =	vst v63  }
0xd5: {  	_ =	swait.ge [sflag:s1], $0x80  }
0xd6: {  	[sflag:s1] =	ssyncset.done $0x0  }
0xd7: {  	[sflag:s1] =	ssyncadd.s32 $0xFFFFFF80  }
0xd8: {  	s10 =	smov.u32 s0;
	_ =	swait.ge [sflag:s1], $0x80  }
0xd9: {  	p1 =	seq.s32 s10, $0x0;
	[sflag:s1] =	ssyncset.done $0x0  }
0xda: {  	s9 =	simm.s32 @!p1 $0x6;
	[sflag:s1] =	ssyncadd.s32 $0xFFFFFF80  }
0xdb: {  	_ =	swait.ge @!p1 [sflag:s9], $0x4000  }
0xdc: {  	s11 =	rddreg [dreg:$0x6]  }
0xdd: {  	s12 =	rddreg [dreg:$0x4];
	[sflag:s9] =	ssyncset.done @!p1 $0x0  }
0xde: {  	s13 =	rddreg [dreg:$0x5];
	[sflag:s9] =	ssyncadd.s32 @!p1 $0xFFFFC000  }
0xdf: {  	[tilespmem:s25], [sflag:$0x4] =	stream.indirect.gather [hbm4b:s4+s23], $0x80, s31, s23, $0xb8;
	[tilespmem:$0x12780] =	vst v63  }
0xe0: {  	s14 =	rddreg [dreg:$0x7]  }
0xe1: {  	[tilespmem:s13], [sflag:$0x4] =	stream.indirect.gather [hbm4b:s4+s23], $0x80, s12, s23, $0xb8;
	[tilespmem:$0x12780] =	vst v63  }
0xe2: {  	s15 =	rddreg [dreg:$0x8]  }
0xe3: {  	[tilespmem:s14], [sflag:$0x4] =	stream.indirect.gather [hbm4b:s4+s23], $0x80, s11, s23, $0xb8;
	[tilespmem:$0x12780] =	vst v63  }
0xe4: {  	s13 =	rddreg [dreg:$0x9]  }
0xe5: {  	[tilespmem:s13], [sflag:$0x4] =	stream.indirect.gather [hbm4b:s4+s23], $0x80, s15, s23, $0xb8;
	[tilespmem:$0x12780] =	vst v63  }
0xe6: {  	_ =	swait.ge [sflag:s26], $0x1000  }
0xe7: {  	[sflag:s26] =	ssyncset.done $0x0  }
0xe8: {  	[sflag:s26] =	ssyncadd.s32 $0xFFFFF000  }
0xe9: {  	_ =	swait.ge [sflag:s26], $0x1000  }
0xea: {  	[sflag:s26] =	ssyncset.done $0x0  }
0xeb: {  	[sflag:s26] =	ssyncadd.s32 $0xFFFFF000  }
0xec: {  	_ =	swait.ge [sflag:s26], $0x1000  }
0xed: {  	[sflag:s26] =	ssyncset.done $0x0  }
0xee: {  	[sflag:s26] =	ssyncadd.s32 $0xFFFFF000  }
0xef: {  	_ =	swait.ge [sflag:s26], $0x1000  }
0xf0: {  	[sflag:s26] =	ssyncset.done $0x0  }
0xf1: {  	[sflag:s26] =	ssyncadd.s32 $0xFFFFF000  }
0xf2: {  	v1 =	vld [tilespmem:$0x1E0]  }
0xf3: {  	v2 =	vld [tilespmem:$0x1D0]  }
0xf4: {  	v3 =	vld [tilespmem:$0x1F0]  }
0xf5: {  	v4 =	vld [tilespmem:$0x1B0]  }
0xf6: {  	v5 =	vld [tilespmem:$0x1A0]  }
0xf7: {  	v6 =	vld [tilespmem:$0x180];
	[tilespmem:$0x2E0] =	vst v1  }
0xf8: {  	v1 =	vld [tilespmem:$0x190];
	[tilespmem:$0x2D0] =	vst v2  }
0xf9: {  	v2 =	vld [tilespmem:$0x1C0];
	[tilespmem:$0x2F0] =	vst v3  }
0xfa: {  	[tilespmem:$0x2B0] =	vst v4  }
0xfb: {  	s14 =	rddreg [dreg:$0x3];
	[tilespmem:$0x2A0] =	vst v5  }
0xfc: {  	p1 =	sge.s32 s10, s14;
	[tilespmem:$0x280] =	vst v6  }
0xfd: {  	s9 =	sadd.s32 @!p1 $0xFFFFFF80, s8;
	[tilespmem:$0x290] =	vst v1  }
0xfe: {  	s15 =	rddreg [dreg:$0xa];
	s14 =	sshrl.u32 @!p1 s9, $0x3;
	[tilespmem:$0x2C0] =	vst v2  }
0xff: {  	[spmem:s2] =	stream.indirect.scatter.add.f32 [tilespmem:s18], [sflag:$0x5], $0x80, s15, s20, $0xb8;
	[tilespmem:$0x12780] =	vst v63  }
0x100: {  	s11 =	simm.s32 @!p1 $0x0;
	s9 =	simm.s32 @!p1 $0x80;
	s15 =	sadd.s32 @!p1 s5, s14  }
0x101: {  	[tilespmem:s9], [sflag:$0x1] =	stream.linear.gather @!p1 [hbm4b:s15+s11], $0x80, $0x38;
	[tilespmem:$0x12780] =	vst v63  }
0x102: {  	s14 =	sadd.s32 @!p1 s6, s14;
	s15 =	simm.s32 @!p1 $0x180  }
0x103: {  	[tilespmem:s15], [sflag:$0x1] =	stream.linear.gather @!p1 [hbm4b:s14+s11], $0x80, $0x38;
	[tilespmem:$0x12780] =	vst v63  }
0x104: {  	_ =	swait.ge [sflag:s28], $0x1000  }
0x105: {  	[sflag:s28] =	ssyncset.done $0x0  }
0x106: {  	[sflag:s28] =	ssyncadd.s32 $0xFFFFF000  }
0x107: {  	_ =	swait.ge [sflag:s28], $0x1000  }
0x108: {  	[sflag:s28] =	ssyncset.done $0x0  }
0x109: {  	[sflag:s28] =	ssyncadd.s32 $0xFFFFF000  }
0x10a: {  	_ =	swait.ge [sflag:s28], $0x1000  }
0x10b: {  	[sflag:s28] =	ssyncset.done $0x0  }
0x10c: {  	[sflag:s28] =	ssyncadd.s32 $0xFFFFF000  }
0x10d: {  	_ =	swait.ge [sflag:s28], $0x1000  }
0x10e: {  	[sflag:s28] =	ssyncset.done $0x0  }
0x10f: {  	[sflag:s28] =	ssyncadd.s32 $0xFFFFF000  }
0x110: {  	v1 =	vld [tilespmem:$0x200]  }
0x111: {  	v2 =	vld [tilespmem:$0x210]  }
0x112: {  	v3 =	vld [tilespmem:$0x270]  }
0x113: {  	v61 =	vld [tilespmem:$0x260]  }
0x114: {  	v62 =	vld [tilespmem:$0x250]  }
0x115: {  	v63 =	vld [tilespmem:$0x220];
	[tilespmem:$0x300] =	vst v1  }
0x116: {  	v1 =	vld [tilespmem:$0x240];
	[tilespmem:$0x310] =	vst v2  }
0x117: {  	s0 =	sadd.s32 $0x1, s0;
	v2 =	vld [tilespmem:$0x230];
	[tilespmem:$0x370] =	vst v3  }
0x118: {  	p0 =	sne.s32 s30, s0;
	[tilespmem:$0x360] =	vst v61  }
.Ltmp5:
0x119: {  	[tilespmem:$0x350] =	vst v62;
	(pc) =	sbr.rel @p0 .LBB2_5-.Ltmp5, $4  }
0x11a: {  	s13 =	sshrl.u32 @!p1 s8, $0x3;
	[tilespmem:$0x320] =	vst v63  }
0x11b: {  	s12 =	simm.s32 @!p1 $0x200;
	s8 =	sadd.s32 $0x100, s8;
	s10 =	sadd.s32 @!p1 s5, s13;
	[tilespmem:$0x340] =	vst v1  }
0x11c: {  	s13 =	sadd.s32 @!p1 s6, s13;
	s14 =	simm.s32 @!p1 $0x100;
	s15 =	rddreg [dreg:$0xb];
	[tilespmem:$0x330] =	vst v2  }
0x11d: {  	[spmem:s2] =	stream.indirect.scatter.add.f32 [tilespmem:s25], [sflag:$0x6], $0x80, s15, s20, $0xb8;
	[tilespmem:$0x12780] =	vst v63  }
.Ltmp6:
0x11e: {  	_ = 	snop;
	(pc) =	sbr.rel .LBB2_6-.Ltmp6, $1  }
0x11f: {  	_ =	sdelay $0x3  }
.LBB2_8:
0x120: {  	_ =	sfence.sel $0x180000  }
0x121: {  	[bflag:$0x0] =	sbarrier.arrive $0xFFFF  }
0x122: {  	_ =	strace $0x9000004D  }
0x123: {  	[bflag:$0x2] =	sbarrier.arrive $0xFFFF  }
0x124: {  	p0 =	sne.s32 s13, $0x0;
	s0 =	rddreg [dreg:$0x2]  }
0x125: {  	s0 =	sadd.s32 @!p0 $0x100000, s0  }
0x126: {  	[sflag:s0] =	ssyncadd.tile.s32 @!p0 $0x1;
	_ =	shalt  }
.Lfunc_end2:
_tile_overlayer_lowered:
.L_overlay_start_2:
0x127: {  	(tag) =	ssettag $0x2  }
0x128: {  	s0 =	rddreg [dreg:$0x0];
	s2 =	stileid.u32  }
0x129: {  	s1 =	rddreg [dreg:$0x1];
	p0 =	sne.s32 s2, $0x0  }
0x12a: {  	s3 =	rddreg [dreg:$0x2];
	[bflag:$0x3] =	sbarrier.arrive $0xFFFF;
	s2 =	simm.s32 @!p0 $0x1C07  }
0x12b: {  	[timem:s3], [sflag:s2] =	dma.local @!p0 [hbm:s0], s1  }
0x12c: {  	s0 =	simm.s32 @!p0 $0x7  }
0x12d: {  	_ =	swait.ge @!p0 [sflag:s0], s1  }
0x12e: {  	s1 =	ssub.s32 @!p0 $0x0, s1;
	[sflag:s0] =	ssyncset.done @!p0 $0x0  }
0x12f: {  	[sflag:s0] =	ssyncadd.s32 @!p0 s1  }
0x130: {  	[bflag:$0x3] =	sbarrier.arrive $0xFFFF  }
0x131: {  	_ =	shalt  }

// kernel: kernel.8.cloned.1.call-start
scs
__scs_entry_jumppad:
0x0: {  	(pc) =	sbr.rel $0x88, $3  }
0x1: {  	(tag) =	ssettag $0x0;
	lr =	simm.s32 $0x1  }
0x2: {  	[smem:$0x3F9B] =	sst lr;
	_ =	strace $0xD0000000  }
0x3: {  	_ = 	snop  }
0x4: {  	_ = 	snop  }
0x5: {  	_ = 	snop  }
0x6: {  	_ = 	snop  }
0x7: {  	_ = 	snop  }
__scs_overlays_trampoline_lowered:
0x8: {  	[smem:$0x3FAA] =	sst s0  }
0x9: {  	[smem:$0x3FAB] =	sst s1  }
0xa: {  	[smem:$0x3FAC] =	sst s2  }
0xb: {  	[smem:$0x3FAD] =	sst s3  }
0xc: {  	[smem:$0x3FAE] =	sst s4  }
0xd: {  	[smem:$0x3FAF] =	sst s5  }
0xe: {  	[smem:$0x3FB0] =	sst s6  }
0xf: {  	[smem:$0x3FB1] =	sst s7  }
0x10: {  	[smem:$0x3FB2] =	sst s8  }
0x11: {  	[smem:$0x3FB3] =	sst s9;
	s0 =	simm.s32 @!p0 $0x0  }
0x12: {  	s1 =	sld [smem:$0x3F99];
	s0 =	simm.s32 @p0 $0x1  }
0x13: {  	[smem:$0x3FB4] =	sst s0;
	s0 =	simm.s32 @!p1 $0x0  }
0x14: {  	s2 =	sld [smem:$0x3F98];
	s0 =	simm.s32 @p1 $0x1  }
0x15: {  	[smem:$0x3FB5] =	sst s0;
	s0 =	simm.s32 @!p2 $0x0  }
0x16: {  	s3 =	sld [smem:$0x3FDB];
	s0 =	simm.s32 @p2 $0x1  }
0x17: {  	s4 =	simm.s32 $0x1BF5;
	[smem:$0x3FB7] =	sst s0  }
0x18: {  	s0 =	sld [smem:$0x3F9A];
	_ =	swait.ge [sflag:s4], $0x0  }
0x19: {  	s7 =	sld [smem:$0x3F9B]  }
0x1a: {  	s8 =	sadd.s32 $0xFFFFE003, lr  }
0x1b: {  	s9 =	sadd.s32 $0xFFFFFEF7, lr;
	s5 =	simm.s32 $0xFFFFFFFF;
	p2 =	slt.u32 s8, $0xFFFFF086  }
0x1c: {  	p1 =	slt.u32 s9, $0xF7A;
	s5 =	simm.s32 @!p2 $0x0  }
0x1d: {  	s5 =	simm.s32 @p1 $0x1;
	p0 =	seq.s32 s7, s2  }
0x1e: {  	s7 =	smul.u32 @!p0 $0xF7A, s2;
	p2 =	seq.s32 @!p0 s5, $0x0  }
0x1f: {  	s9 =	smul.u32 $0xF7A, s1;
	s8 =	simm.s32 @!p0 $0x1BF5;
	p2 =	por !p2, p0  }
0x20: {  	[sflag:s8] =	ssyncset.s32 @!p0 $0xFFFFF086;
	s6 =	sadd.s32 @!p0 s3, s7;
	s7 =	simm.s32 @!p0 $0x108  }
0x21: {  	s3 =	sadd.s32 s3, s9;
	s6 =	sadd.s32 @!p0 $0x88, s6;
	s7 =	simm.s32 @p2 $0x1082  }
0x22: {  	[simem:s7], [sflag:s8] =	dma.local @!p0 [hbm:s6], $0xF7A  }
0x23: {  	s9 =	sor.u32 $0xD0000000, s2;
	s6 =	simm.s32 $0x108;
	_ =	swait.ge @!p0 [sflag:s8], $0x0  }
0x24: {  	s3 =	sadd.s32 $0x88, s3;
	s6 =	simm.s32 @!p1 $0x1082;
	[sflag:s4] =	ssyncset.s32 $0xFFFFF086  }
0x25: {  	[simem:s6], [sflag:s4] =	dma.local [hbm:s3], $0xF7A  }
0x26: {  	[smem:$0x3F9B] =	sst s1;
	(tag) =	ssettag s2;
	_ =	strace s9  }
0x27: {  	s1 =	sld [smem:$0x3FAB]  }
0x28: {  	s2 =	sld [smem:$0x3FAC]  }
0x29: {  	s4 =	sld [smem:$0x3FAE]  }
0x2a: {  	p0 =	seq.s32 s5, $0x0;
	s5 =	sld [smem:$0x3FAF]  }
0x2b: {  	s6 =	sld [smem:$0x3FB0]  }
0x2c: {  	s7 =	sld [smem:$0x3FB1]  }
0x2d: {  	s3 =	simm.s32 $0x108;
	s8 =	sld [smem:$0x3FB2]  }
0x2e: {  	s3 =	simm.s32 @!p0 $0x1082;
	s9 =	sld [smem:$0x3FB3]  }
0x2f: {  	lr =	sadd.s32 s0, s3;
	s0 =	sld [smem:$0x3FAA]  }
0x30: {  	s3 =	sld [smem:$0x3FAD]  }
0x31: {  	[smem:$0x3FB6] =	sst s10  }
0x32: {  	s10 =	sld [smem:$0x3FB4];
	_ =	sdelay $0x3  }
0x33: {  	p0 =	seq.s32 s10, $0x1;
	s10 =	sld [smem:$0x3FB6];
	_ =	sdelay $0x3  }
0x34: {  	[smem:$0x3FB6] =	sst s10  }
0x35: {  	s10 =	sld [smem:$0x3FB5];
	_ =	sdelay $0x3  }
0x36: {  	p1 =	seq.s32 s10, $0x1;
	s10 =	sld [smem:$0x3FB6];
	_ =	sdelay $0x3  }
0x37: {  	[smem:$0x3FB6] =	sst s10  }
0x38: {  	s10 =	sld [smem:$0x3FB7]  }
0x39: {  	_ = 	snop;
	(pc) =	sbr.ind lr, $3  }
0x3a: {  	_ = 	snop  }
0x3b: {  	_ = 	snop  }
0x3c: {  	p2 =	seq.s32 s10, $0x1;
	s10 =	sld [smem:$0x3FB6]  }
0x3d: {  	_ =	shalt  }
0x3e: {  	_ =	shalt  }
0x3f: {  	_ =	shalt  }
0x40: {  	_ =	shalt  }
0x41: {  	_ =	shalt  }
0x42: {  	_ =	shalt  }
0x43: {  	_ =	shalt  }
0x44: {  	_ =	shalt  }
0x45: {  	_ =	shalt  }
0x46: {  	_ =	shalt  }
0x47: {  	_ =	shalt  }
0x48: {  	_ =	shalt  }
0x49: {  	_ =	shalt  }
0x4a: {  	_ =	shalt  }
0x4b: {  	_ =	shalt  }
0x4c: {  	_ =	shalt  }
0x4d: {  	_ =	shalt  }
0x4e: {  	_ =	shalt  }
0x4f: {  	_ =	shalt  }
0x50: {  	_ =	shalt  }
0x51: {  	_ =	shalt  }
0x52: {  	_ =	shalt  }
0x53: {  	_ =	shalt  }
0x54: {  	_ =	shalt  }
0x55: {  	_ =	shalt  }
0x56: {  	_ =	shalt  }
0x57: {  	_ =	shalt  }
0x58: {  	_ =	shalt  }
0x59: {  	_ =	shalt  }
0x5a: {  	_ =	shalt  }
0x5b: {  	_ =	shalt  }
0x5c: {  	_ =	shalt  }
0x5d: {  	_ =	shalt  }
0x5e: {  	_ =	shalt  }
0x5f: {  	_ =	shalt  }
0x60: {  	_ =	shalt  }
0x61: {  	_ =	shalt  }
0x62: {  	_ =	shalt  }
0x63: {  	_ =	shalt  }
0x64: {  	_ =	shalt  }
0x65: {  	_ =	shalt  }
0x66: {  	_ =	shalt  }
0x67: {  	_ =	shalt  }
0x68: {  	_ =	shalt  }
0x69: {  	_ =	shalt  }
0x6a: {  	_ =	shalt  }
0x6b: {  	_ =	shalt  }
0x6c: {  	_ =	shalt  }
0x6d: {  	_ =	shalt  }
0x6e: {  	_ =	shalt  }
0x6f: {  	_ =	shalt  }
0x70: {  	_ =	shalt  }
0x71: {  	_ =	shalt  }
0x72: {  	_ =	shalt  }
0x73: {  	_ =	shalt  }
0x74: {  	_ =	shalt  }
0x75: {  	_ =	shalt  }
0x76: {  	_ =	shalt  }
0x77: {  	_ =	shalt  }
0x78: {  	_ =	shalt  }
0x79: {  	_ =	shalt  }
0x7a: {  	_ =	shalt  }
0x7b: {  	_ =	shalt  }
0x7c: {  	_ =	shalt  }
0x7d: {  	_ =	shalt  }
0x7e: {  	_ =	shalt  }
0x7f: {  	_ =	shalt  }
0x80: {  	_ =	shalt  }
0x81: {  	_ =	shalt  }
0x82: {  	_ =	shalt  }
0x83: {  	_ =	shalt  }
0x84: {  	_ =	shalt  }
0x85: {  	_ =	shalt  }
0x86: {  	_ =	shalt  }
0x87: {  	_ =	shalt  }
.Lfunc_end0:
.L_simem_size_0:
called_computation_lowered:
.L_overlay_start_0:
0x88: {  	s2 =	sld [smem:$0x3FD9]  }
0x89: {  	s3 =	sld [smem:$0x3FFE];
	_ =	sdelay $0x1  }
0x8a: {  	s1 =	srdreg.scid  }
0x8b: {  	s0 =	sand.u32 $0x1, s1  }
0x8c: {  	s17 =	sshll.u32 s0, $0xA;
	s2 =	sadd.s32 s3, s2  }
0x8d: {  	s2 =	sadd.s32 s2, s17  }
0x8e: {  	[smem:$0x3FC2] =	sst s2  }
0x8f: {  	_ = 	snop  }
0x90: {  	s2 =	sld [smem:$0x3FD0];
	(tm) =	ssettm $0x1  }
0x91: {  	s18 =	sld [smem:$0x3FFB];
	_ =	sdelay $0x3  }
0x92: {  	_ =	strace s18  }
0x93: {  	s3 =	sld [smem:$0x3FFC];
	_ =	sdelay $0x3  }
0x94: {  	_ =	strace s3  }
0x95: {  	s3 =	sld [smem:$0x3FFD];
	_ =	sdelay $0x3  }
0x96: {  	_ =	strace s3  }
0x97: {  	_ =	strace $0x8FFFFFFF  }
0x98: {  	s19 =	sld [smem:$0x3FDB];
	_ =	sdelay $0x1  }
0x99: {  	s4 =	simm.s32 $_scs_section_size  }
0x9a: {  	s5 =	simm.s32 $_size__tile_overlayer_lowered;
	s6 =	simm.s32 $_tile_overlayer_lowered  }
0x9b: {  	s22 =	simm.s32 $0x1BFF;
	s21 =	sshll.u32 s6, $0x1;
	s3 =	sadd.s32 s4, s19  }
0x9c: {  	s7 =	simm.s32 $0x0;
	s20 =	sshll.u32 s5, $0x1;
	s5 =	sadd.s32 s21, s3  }
0x9d: {  	[timem:s7], [sflag:s22] =	dma.local [hbm:s5], s20  }
0x9e: {  	_ =	swait.ge [sflag:s22], s20  }
0x9f: {  	s4 =	ssub.s32 $0x0, s20;
	[sflag:s22] =	ssyncset.done $0x0  }
0xa0: {  	[sflag:s22] =	ssyncadd.s32 s4;
	_ =	sdelay $0x1  }
0xa1: {  	s23 =	simm.s32 $0x1B8B  }
0xa2: {  	_ =	swait.ge [sflag:s23], $0x1  }
0xa3: {  	[sflag:s23] =	ssyncset.done $0x0  }
0xa4: {  	s25 =	simm.s32 $0x1B8E;
	s24 =	sld [smem:$0x3FFE];
	[sflag:s23] =	ssyncadd.s32 $0xFFFFFFFF  }
0xa5: {  	s26 =	simm.s32 $execute0_lowered;
	[smem:$0x3FD2] =	sst s25  }
0xa6: {  	s5 =	sshll.u32 s26, $0x1;
	_ =	strace $0x80000046;
	[dreg:$0x1] =	wrdreg $0xFFFFFFFF  }
0xa7: {  	s28 =	simm.s32 $_size_execute0_lowered;
	s3 =	sadd.s32 s3, s5;
	[dreg:$0x0] =	wrdreg $0x0  }
0xa8: {  	s5 =	sshll.u32 s28, $0x1;
	[dreg:$0x2] =	wrdreg s3  }
0xa9: {  	[dreg:$0x3] =	wrdreg s5  }
0xaa: {  	[dreg:$0x4] =	wrdreg $0xC0  }
0xab: {  	_ =	task [dreg:s7], $0x5FFFF  }
0xac: {  	[dreg:$0x1] =	wrdreg $0xFFFFFFFF  }
0xad: {  	[dreg:$0x0] =	wrdreg $0x60  }
0xae: {  	[dreg:$0x2] =	wrdreg s24  }
0xaf: {  	[dreg:$0x3] =	wrdreg s2  }
0xb0: {  	[dreg:$0x4] =	wrdreg $0x9  }
0xb1: {  	_ =	task.clear_ibuf [dreg:s7], $0x5FFFF;
	_ =	strace $0x90000046  }
0xb2: {  	s29 =	simm.s32 $0x9;
	_ =	strace $0x80000048  }
0xb3: {  	_ =	swait.ge [sflag:s29], $0x1  }
0xb4: {  	[sflag:s29] =	ssyncadd.s32 $0xFFFFFFFF  }
0xb5: {  	_ =	strace $0x90000048  }
0xb6: {  	_ =	sfence  }
0xb7: {  	s30 =	sld [smem:$0x0];
	_ =	sdelay $0x2  }
0xb8: {  	s31 =	sshll.u32 s1, $0xD;
	s1 =	sshrl.u32 s1, $0x2  }
0xb9: {  	s3 =	sand.u32 $0x4000, s31;
	s1 =	sadd.s32 s1, s30  }
0xba: {  	s0 =	sor.u32 s3, s0;
	s1 =	sshll.u32 s1, $0x11  }
0xbb: {  	s0 =	sor.u32 s1, s0  }
0xbc: {  	s0 =	sadd.s32 $0x8F2B, s0  }
0xbd: {  	[sflag:s0] =	ssyncadd.remote.s32 $0x1  }
0xbe: {  	_ =	sfence.sel $0xFFFF  }
0xbf: {  	[dreg:$0x0] =	wrdreg $0xFFFFFFFF;
	(pc) =	sbr.abs _section_cstart, $3  }
0xc0: {  	[dreg:$0x1] =	wrdreg $0xFFFFFFFF  }
0xc1: {  	_ =	task.clear_ibuf [dreg:s7], $0x2FFFF;
	_ =	strace $0x9FFFFFFF  }
0xc2: {  	(tm) =	ssettm $0x7FFFFFFF  }
0xc3: {  	_ =	shalt  }
tec
execute0_lowered:
.L_overlay_start_1:
0x0: {  	(tag) =	ssettag $0x1  }
0x1: {  	s1 =	srdreg.scid;
	s8 =	rddreg [dreg:$0x0]  }
0x2: {  	s0 =	stileid.u32;
	s2 =	rddreg [dreg:$0x1]  }
0x3: {  	s3 =	simm.s32 $0x0;
	s14 =	simm.s32 $0x4B00;
	s15 =	simm.s32 $0xC900  }
0x4: {  	s18 =	simm.s32 $0x6400;
	s19 =	simm.s32 $0x9680;
	s20 =	simm.s32 $0xCA80  }
0x5: {  	s21 =	simm.s32 $0x0;
	s7 =	sand.u32 $0x1, s1;
	s1 =	rddreg [dreg:$0x2]  }
0x6: {  	s30 =	sshll.u32 s0, $0x1;
	[smem:$0x7FF] =	sst s3;
	s4 =	sadd.s32 $0x2000, s8  }
0x7: {  	s6 =	sadd.s32 $0x14CC00, s8;
	s31 =	smul.u32 $0x148, s0;
	s9 =	sor.u32 s7, s30  }
0x8: {  	_ =	strace $0x80000047;
	s11 =	ssub.s32 $0x2, s7;
	s16 =	smul.u32 $0x140, s9  }
0x9: {  	s12 =	sshll.u32 s9, $0x1;
	s13 =	sshrl.u32 s11, $0x1;
	s7 =	smul.u32 $0x50200, s9  }
.Ltmp0:
0xa: {  	s11 =	ssub.s32 s11, s13;
	s13 =	simm.s32 $0x1900;
	(pc) =	sbr.rel .LBB2_1-.Ltmp0, $4  }
0xb: {  	s5 =	sshrl.u32 s16, $0x3;
	s17 =	sadd.s32 $0x140, s16;
	v1 =	vmov s16;
	s16 =	simm.s32 $0x3  }
0xc: {  	v0 =	vmov s31;
	s10 =	sadd.s32 s5, s8;
	s5 =	sadd.s32 $0xC400, s8;
	s8 =	sadd.s32 s12, s8  }
0xd: {  	v4 =	vimm.f32 $0.0e+00;
	v3 =	vadd.s32 $0x140, v0;
	s12 =	simm.s32 $0x1;
	v2 =	vmov s17;
	s17 =	simm.s32 $0x2;
	s8 =	sadd.s32 $0x28D400, s8  }
0xe: {  	v5 =	vimm.f32 $1.000000000e+00;
	v6 =	vimm.s32 $0x0;
	v3 =	vbroadcast v3, $0x0;
	s9 =	sadd.s32 $0xBE00, s10;
	s10 =	smax.u32 s11, $0x1;
	s11 =	simm.s32 $0x3200  }
.LBB2_15:
0xf: {  	[tilespmem:s25+$0x6400] =	vst v6  }
0x10: {  	[tilespmem:s25+$0x6410] =	vst v6  }
0x11: {  	[tilespmem:s25+$0x6420] =	vst v6  }
0x12: {  	[tilespmem:s25+$0x6430] =	vst v6  }
0x13: {  	[tilespmem:s25+$0x6440] =	vst v6  }
0x14: {  	[tilespmem:s25+$0x6450] =	vst v6  }
0x15: {  	[tilespmem:s25+$0x6460] =	vst v6  }
0x16: {  	[tilespmem:s25+$0x6470] =	vst v6  }
0x17: {  	[tilespmem:s25+$0x6480] =	vst v6  }
0x18: {  	[tilespmem:s25+$0x6490] =	vst v6  }
0x19: {  	[tilespmem:s25+$0x64A0] =	vst v6  }
0x1a: {  	[tilespmem:s25+$0x64B0] =	vst v6  }
0x1b: {  	[tilespmem:s25+$0x64C0] =	vst v6  }
0x1c: {  	[tilespmem:s25+$0x64D0] =	vst v6  }
0x1d: {  	[tilespmem:s25+$0x64E0] =	vst v6  }
0x1e: {  	[tilespmem:s25+$0x64F0] =	vst v6  }
0x1f: {  	[tilespmem:s25+$0x6500] =	vst v6  }
0x20: {  	[tilespmem:s25+$0x6510] =	vst v6  }
0x21: {  	[tilespmem:s25+$0x6520] =	vst v6  }
0x22: {  	[tilespmem:s25+$0x6530] =	vst v6  }
0x23: {  	[tilespmem:s25+$0x6540] =	vst v6  }
0x24: {  	[tilespmem:s25+$0x6550] =	vst v6  }
0x25: {  	[tilespmem:s25+$0x6560] =	vst v6  }
0x26: {  	[tilespmem:s25+$0x6570] =	vst v6  }
0x27: {  	[tilespmem:s25+$0x6580] =	vst v6  }
0x28: {  	[tilespmem:s25+$0x6590] =	vst v6  }
0x29: {  	[tilespmem:s25+$0x65A0] =	vst v6  }
0x2a: {  	[tilespmem:s25+$0x65B0] =	vst v6  }
0x2b: {  	[tilespmem:s25+$0x65C0] =	vst v6  }
0x2c: {  	[tilespmem:s25+$0x65D0] =	vst v6  }
0x2d: {  	[tilespmem:s25+$0x65E0] =	vst v6  }
0x2e: {  	[tilespmem:s25+$0x65F0] =	vst v6  }
0x2f: {  	[tilespmem:s25+$0x9680] =	vst v3  }
0x30: {  	[tilespmem:s25+$0x9690] =	vst v3  }
0x31: {  	[tilespmem:s25+$0x96A0] =	vst v3  }
0x32: {  	[tilespmem:s25+$0x96B0] =	vst v3  }
0x33: {  	[tilespmem:s25+$0x96C0] =	vst v3  }
0x34: {  	[tilespmem:s25+$0x96D0] =	vst v3  }
0x35: {  	[tilespmem:s25+$0x96E0] =	vst v3  }
0x36: {  	[tilespmem:s25+$0x96F0] =	vst v3  }
0x37: {  	[tilespmem:s25+$0x9700] =	vst v3  }
0x38: {  	[tilespmem:s25+$0x9710] =	vst v3  }
0x39: {  	[tilespmem:s25+$0x9720] =	vst v3  }
0x3a: {  	[tilespmem:s25+$0x9730] =	vst v3  }
0x3b: {  	[tilespmem:s25+$0x9740] =	vst v3  }
0x3c: {  	[tilespmem:s25+$0x9750] =	vst v3  }
0x3d: {  	[tilespmem:s25+$0x9760] =	vst v3  }
0x3e: {  	[tilespmem:s25+$0x9770] =	vst v3  }
0x3f: {  	[tilespmem:s25+$0x9780] =	vst v3  }
0x40: {  	[tilespmem:s25+$0x9790] =	vst v3  }
0x41: {  	[tilespmem:s25+$0x97A0] =	vst v3  }
0x42: {  	[tilespmem:s25+$0x97B0] =	vst v3  }
0x43: {  	[tilespmem:s25+$0x97C0] =	vst v3  }
0x44: {  	[tilespmem:s25+$0x97D0] =	vst v3  }
0x45: {  	[tilespmem:s25+$0x97E0] =	vst v3  }
0x46: {  	[tilespmem:s25+$0x97F0] =	vst v3  }
0x47: {  	[tilespmem:s25+$0x9800] =	vst v3  }
0x48: {  	[tilespmem:s25+$0x9810] =	vst v3  }
0x49: {  	[tilespmem:s25+$0x9820] =	vst v3  }
0x4a: {  	[tilespmem:s25+$0x9830] =	vst v3  }
0x4b: {  	[tilespmem:s25+$0x9840] =	vst v3  }
0x4c: {  	s23 =	sadd.s32 s7, s22;
	[tilespmem:s25+$0x9850] =	vst v3  }
0x4d: {  	[tilespmem:s25+$0x9860] =	vst v3;
	s23 =	sshrl.u32 s23, $0x3  }
0x4e: {  	[tilespmem:s25+$0x9870] =	vst v3;
	s24 =	sadd.s32 s5, s23  }
0x4f: {  	[hbm4b:s24+s3] =	stream.linear.scatter [tilespmem:s18], [sflag:$0x3], $0x1B00, $0x38;
	[tilespmem:$0xCB00] =	vst v63  }
0x50: {  	_ =	swait.ge [sflag:s16], $0x1B00  }
0x51: {  	[sflag:s16] =	ssyncset.done $0x0  }
0x52: {  	s31 =	sadd.s32 s25, s22;
	s23 =	sadd.s32 s6, s23;
	[sflag:s16] =	ssyncadd.s32 $0xFFFFE500  }
0x53: {  	[hbm4b:s23+s3] =	stream.linear.scatter [tilespmem:s19], [sflag:$0x3], $0x1B00, $0x38;
	[tilespmem:$0xCB00] =	vst v63  }
0x54: {  	s22 =	sand.u32 $0xFFFFFE00, s31;
	_ =	swait.ge [sflag:s16], $0x1B00  }
0x55: {  	s22 =	sadd.s32 $0x200, s22;
	[sflag:s16] =	ssyncset.done $0x0  }
0x56: {  	v7 =	vmov s22;
	[sflag:s16] =	ssyncadd.s32 $0xFFFFE500  }
0x57: {  	[tilespmem:$0xCA80] =	vst v7  }
0x58: {  	[hbm4b:s8+s3] =	stream.linear.scatter [tilespmem:s20], [sflag:$0x3], $0x10, $0x38;
	[tilespmem:$0xCB00] =	vst v63  }
0x59: {  	s21 =	sadd.s32 $0x1, s21;
	_ =	swait.ge [sflag:s16], $0x10  }
0x5a: {  	p0 =	sne.s32 s21, s10;
	[sflag:s16] =	ssyncset.done $0x0  }
.Ltmp1:
0x5b: {  	[sflag:s16] =	ssyncadd.s32 $0xFFFFFFF0;
	(pc) =	sbr.rel @!p0 .LBB2_16-.Ltmp1, $4  }
0x5c: {  	[hbm4b:s9+s3] =	stream.linear.scatter [tilespmem:s15], [sflag:$0x3], $0x140, $0x38;
	[tilespmem:$0xCB00] =	vst v63  }
0x5d: {  	_ =	swait.ge [sflag:s16], $0x140  }
0x5e: {  	[sflag:s16] =	ssyncset.done $0x0  }
0x5f: {  	[sflag:s16] =	ssyncadd.s32 $0xFFFFFEC0  }
.LBB2_1:
0x60: {  	[tilespmem:$0xC900] =	vst v4  }
0x61: {  	[tilespmem:$0xC910] =	vst v4  }
0x62: {  	[tilespmem:$0xC920] =	vst v4  }
0x63: {  	[tilespmem:$0xC930] =	vst v4  }
0x64: {  	[tilespmem:$0xC940] =	vst v4  }
0x65: {  	[tilespmem:$0xC950] =	vst v4  }
0x66: {  	[tilespmem:$0xC960] =	vst v4  }
0x67: {  	[tilespmem:$0xC970] =	vst v4  }
0x68: {  	[tilespmem:$0xC980] =	vst v4  }
0x69: {  	[tilespmem:$0xC990] =	vst v4  }
0x6a: {  	[tilespmem:$0xC9A0] =	vst v4  }
0x6b: {  	[tilespmem:$0xC9B0] =	vst v4  }
0x6c: {  	[tilespmem:$0xC9C0] =	vst v4  }
0x6d: {  	[tilespmem:$0xC9D0] =	vst v4  }
0x6e: {  	[tilespmem:$0xC9E0] =	vst v4  }
0x6f: {  	[tilespmem:$0xC9F0] =	vst v4  }
0x70: {  	[tilespmem:$0xCA00] =	vst v4  }
0x71: {  	[tilespmem:$0xCA10] =	vst v4  }
.Ltmp2:
0x72: {  	[tilespmem:$0xCA20] =	vst v4;
	(pc) =	sbr.rel .LBB2_2-.Ltmp2, $4  }
0x73: {  	[tilespmem:$0xCA30] =	vst v4  }
0x74: {  	[tilespmem:s3], [sflag:$0x1] =	stream.linear.gather [hbm4b:s4+s3], $0x1900, $0x38;
	[tilespmem:$0xCB00] =	vst v63  }
0x75: {  	s22 =	simm.s32 $0x0;
	s25 =	simm.s32 $0x0;
	s23 =	simm.s32 $0x0  }
0x76: {  	[tilespmem:s11], [sflag:$0x1] =	stream.linear.gather [hbm4b:s2+s3], $0x1900, $0x38;
	[tilespmem:$0xCB00] =	vst v63  }
.LBB2_14:
0x77: {  	s23 =	sadd.s32 $0x1, s23  }
0x78: {  	p1 =	sne.s32 s23, $0x19  }
.Ltmp3:
0x79: {  	_ = 	snop;
	(pc) =	sbr.rel @!p1 .LBB2_15-.Ltmp3, $3  }
0x7a: {  	_ =	sdelay $0x1  }
0x7b: {  	p0 =	sgt.s32 s25, $0x18FF;
	s24 =	sadd.s32 $0xFFFFE700, s25;
	s26 =	sadd.s32 $0x1900, s22  }
0x7c: {  	s25 =	smov.u32 @p0 s24;
	s22 =	smov.u32 @p0 s26  }
.LBB2_2:
0x7d: {  	_ =	swait.ge [sflag:s12], $0x1900  }
0x7e: {  	s24 =	smul.u32 $0x3200, s23;
	[sflag:s12] =	ssyncset.done $0x0  }
0x7f: {  	[sflag:s12] =	ssyncadd.s32 $0xFFFFE700  }
0x80: {  	s26 =	sshrl.u32 s24, $0x3;
	_ =	swait.ge [sflag:s12], $0x1900  }
0x81: {  	s26 =	sadd.s32 $0x320, s26;
	[sflag:s12] =	ssyncset.done $0x0  }
0x82: {  	s29 =	simm.s32 $0x0;
	s28 =	sadd.s32 s4, s26;
	[sflag:s12] =	ssyncadd.s32 $0xFFFFE700  }
0x83: {  	[tilespmem:s13], [sflag:$0x2] =	stream.linear.gather [hbm4b:s28+s29], $0x1900, $0x38;
	[tilespmem:$0xCB00] =	vst v63  }
0x84: {  	s31 =	simm.s32 $0x0;
	s26 =	sadd.s32 s2, s26  }
0x85: {  	[tilespmem:s14], [sflag:$0x2] =	stream.linear.gather [hbm4b:s26+s29], $0x1900, $0x38;
	[tilespmem:$0xCB00] =	vst v63  }
0x86: {  	v7 =	vld [tilespmem:s31+$0x3200];
	_ =	sdelay $0x4  }
0x87: {  	vm0 =	vge.s32 v7, v1;
	vm1 =	vlt.s32 v7, v2  }
0x88: {  	vm0 =	vmand vm0, vm1  }
0x89: {  	v7 =	vsub.s32 v7, v1  }
0x8a: {  	v8 =	vld [tilespmem:s31+$0x0]  }
0x8b: {  	v9 =	vmpcnt.ones.xlane vm0;
	_ =	sdelay $0x1  }
0x8c: {  	(v2sf) =	vpush v9, $0x0  }
0x8d: {  	[tilespmem:v7+s15+$0x0] =	vst.idx.add.f32.msk vm0, v5  }
0x8e: {  	v7 =	vadd.s32 v0, v7;
	[tilespmem:s25+$0x6400] =	vst.msk vm0, v8  }
0x8f: {  	[tilespmem:s25+$0x9680] =	vst.msk vm0, v7  }
0x90: {  	v7 =	vld [tilespmem:s31+$0x3210];
	_ =	sdelay $0x4  }
0x91: {  	vm0 =	vge.s32 v7, v1;
	vm1 =	vlt.s32 v7, v2  }
0x92: {  	vm0 =	vmand vm0, vm1  }
0x93: {  	v7 =	vsub.s32 v7, v1  }
0x94: {  	v8 =	vld [tilespmem:s31+$0x10]  }
0x95: {  	v9 =	vmpcnt.ones.xlane vm0;
	_ =	sdelay $0x1  }
0x96: {  	s28 =	spop (v2sf);
	(v2sf) =	vpush v9, $0x0  }
0x97: {  	s30 =	sadd.s32 s25, s28;
	[tilespmem:v7+s15+$0x0] =	vst.idx.add.f32.msk vm0, v5  }
0x98: {  	v7 =	vadd.s32 v0, v7;
	[tilespmem:s30+$0x6400] =	vst.msk vm0, v8  }
0x99: {  	[tilespmem:s30+$0x9680] =	vst.msk vm0, v7  }
0x9a: {  	v7 =	vld [tilespmem:s31+$0x3220];
	_ =	sdelay $0x4  }
0x9b: {  	vm0 =	vge.s32 v7, v1;
	vm1 =	vlt.s32 v7, v2  }
0x9c: {  	vm0 =	vmand vm0, vm1  }
0x9d: {  	v7 =	vsub.s32 v7, v1  }
0x9e: {  	v8 =	vld [tilespmem:s31+$0x20]  }
0x9f: {  	v9 =	vmpcnt.ones.xlane vm0;
	_ =	sdelay $0x1  }
0xa0: {  	s28 =	spop (v2sf);
	(v2sf) =	vpush v9, $0x0  }
0xa1: {  	s25 =	sadd.s32 s30, s28;
	[tilespmem:v7+s15+$0x0] =	vst.idx.add.f32.msk vm0, v5  }
0xa2: {  	v7 =	vadd.s32 v0, v7;
	[tilespmem:s25+$0x6400] =	vst.msk vm0, v8  }
0xa3: {  	[tilespmem:s25+$0x9680] =	vst.msk vm0, v7  }
0xa4: {  	v7 =	vld [tilespmem:s31+$0x3230];
	_ =	sdelay $0x4  }
0xa5: {  	vm0 =	vge.s32 v7, v1;
	vm1 =	vlt.s32 v7, v2  }
0xa6: {  	vm0 =	vmand vm0, vm1  }
0xa7: {  	v7 =	vsub.s32 v7, v1;
	v8 =	vmpcnt.ones.xlane vm0  }
0xa8: {  	v9 =	vld [tilespmem:s31+$0x30]  }
0xa9: {  	(v2sf) =	vpush v8, $0x0;
	_ =	sdelay $0x1  }
0xaa: {  	s31 =	spop (v2sf)  }
0xab: {  	s29 =	sadd.s32 s25, s31;
	[tilespmem:v7+s15+$0x0] =	vst.idx.add.f32.msk vm0, v5  }
0xac: {  	v7 =	vadd.s32 v0, v7;
	[tilespmem:s29+$0x6400] =	vst.msk vm0, v9  }
0xad: {  	s25 =	simm.s32 $0x40;
	[tilespmem:s29+$0x9680] =	vst.msk vm0, v7  }
0xae: {  	v7 =	vld [tilespmem:s25+$0x3200];
	_ =	sdelay $0x4  }
0xaf: {  	vm0 =	vge.s32 v7, v1;
	vm1 =	vlt.s32 v7, v2  }
0xb0: {  	vm0 =	vmand vm0, vm1  }
0xb1: {  	v9 =	vmpcnt.ones.xlane vm0  }
0xb2: {  	v7 =	vsub.s32 v7, v1  }
0xb3: {  	s26 =	simm.s32 $0x200;
	v8 =	vld [tilespmem:s25+$0x0];
	(v2sf) =	vpush v9, $0x0;
	s28 =	spop (v2sf)  }
.LBB2_3:
0xb4: {  	p0 =	sne.s32 s26, $0x6300  }
0xb5: {  	s29 =	sadd.s32 s29, s28;
	s28 =	smov.u32 s26;
	s26 =	sadd.s32 $0x100, s26  }
0xb6: {  	_ = 	snop  }
0xb7: {  	[tilespmem:v7+s15+$0x0] =	vst.idx.add.f32.msk vm0, v5  }
0xb8: {  	v7 =	vadd.s32 v0, v7;
	[tilespmem:s29+$0x6400] =	vst.msk vm0, v8  }
0xb9: {  	[tilespmem:s29+$0x9680] =	vst.msk vm0, v7  }
0xba: {  	v7 =	vld [tilespmem:s25+$0x3210];
	_ =	sdelay $0x4  }
0xbb: {  	vm0 =	vge.s32 v7, v1;
	vm1 =	vlt.s32 v7, v2  }
0xbc: {  	vm0 =	vmand vm0, vm1  }
0xbd: {  	v7 =	vsub.s32 v7, v1;
	v8 =	vmpcnt.ones.xlane vm0  }
0xbe: {  	v9 =	vld [tilespmem:s25+$0x10]  }
0xbf: {  	s30 =	spop (v2sf);
	(v2sf) =	vpush v8, $0x0;
	_ =	sdelay $0x2  }
0xc0: {  	s29 =	sadd.s32 s29, s30;
	[tilespmem:v7+s15+$0x0] =	vst.idx.add.f32.msk vm0, v5  }
0xc1: {  	v7 =	vadd.s32 v0, v7;
	[tilespmem:s29+$0x6400] =	vst.msk vm0, v9  }
0xc2: {  	[tilespmem:s29+$0x9680] =	vst.msk vm0, v7  }
0xc3: {  	v7 =	vld [tilespmem:s25+$0x3220];
	_ =	sdelay $0x4  }
0xc4: {  	vm0 =	vge.s32 v7, v1;
	vm1 =	vlt.s32 v7, v2  }
0xc5: {  	vm0 =	vmand vm0, vm1  }
0xc6: {  	v7 =	vsub.s32 v7, v1;
	v8 =	vmpcnt.ones.xlane vm0  }
0xc7: {  	v9 =	vld [tilespmem:s25+$0x20]  }
0xc8: {  	s30 =	spop (v2sf);
	(v2sf) =	vpush v8, $0x0;
	_ =	sdelay $0x2  }
0xc9: {  	s29 =	sadd.s32 s29, s30;
	[tilespmem:v7+s15+$0x0] =	vst.idx.add.f32.msk vm0, v5  }
0xca: {  	v7 =	vadd.s32 v0, v7;
	[tilespmem:s29+$0x6400] =	vst.msk vm0, v9  }
0xcb: {  	[tilespmem:s29+$0x9680] =	vst.msk vm0, v7  }
0xcc: {  	v7 =	vld [tilespmem:s25+$0x3230]  }
0xcd: {  	v8 =	vld [tilespmem:s25+$0x30];
	_ =	sdelay $0x3  }
0xce: {  	vm0 =	vge.s32 v7, v1;
	vm1 =	vlt.s32 v7, v2  }
0xcf: {  	vm0 =	vmand vm0, vm1  }
0xd0: {  	v7 =	vsub.s32 v7, v1;
	v9 =	vmpcnt.ones.xlane vm0;
	_ =	sdelay $0x1  }
0xd1: {  	s25 =	spop (v2sf);
	(v2sf) =	vpush v9, $0x0;
	_ =	sdelay $0x2  }
0xd2: {  	s29 =	sadd.s32 s29, s25;
	[tilespmem:v7+s15+$0x0] =	vst.idx.add.f32.msk vm0, v5  }
0xd3: {  	v7 =	vadd.s32 v0, v7;
	[tilespmem:s29+$0x6400] =	vst.msk vm0, v8  }
0xd4: {  	s25 =	sshra.s32 s28, $0x2;
	[tilespmem:s29+$0x9680] =	vst.msk vm0, v7  }
0xd5: {  	v7 =	vld [tilespmem:s25+$0x3200];
	_ =	sdelay $0x4  }
.Ltmp4:
0xd6: {  	vm0 =	vge.s32 v7, v1;
	vm1 =	vlt.s32 v7, v2;
	(pc) =	sbr.rel @p0 .LBB2_3-.Ltmp4, $4  }
0xd7: {  	vm0 =	vmand vm0, vm1  }
0xd8: {  	v7 =	vsub.s32 v7, v1;
	v9 =	vmpcnt.ones.xlane vm0  }
0xd9: {  	v8 =	vld [tilespmem:s25+$0x0]  }
0xda: {  	(v2sf) =	vpush v9, $0x0;
	s28 =	spop (v2sf)  }
0xdb: {  	_ =	sdelay $0x4  }
0xdc: {  	s26 =	sadd.s32 s29, s28;
	[tilespmem:v7+s15+$0x0] =	vst.idx.add.f32.msk vm0, v5  }
0xdd: {  	v7 =	vadd.s32 v0, v7;
	[tilespmem:s26+$0x6400] =	vst.msk vm0, v8  }
0xde: {  	[tilespmem:s26+$0x9680] =	vst.msk vm0, v7  }
0xdf: {  	v7 =	vld [tilespmem:s25+$0x3210];
	_ =	sdelay $0x4  }
0xe0: {  	vm11 =	vge.s32 v7, v1;
	vm1 =	vlt.s32 v7, v2  }
0xe1: {  	vm0 =	vmand vm11, vm1  }
0xe2: {  	v7 =	vsub.s32 v7, v1  }
0xe3: {  	v8 =	vld [tilespmem:s25+$0x10]  }
0xe4: {  	v9 =	vmpcnt.ones.xlane vm0;
	_ =	sdelay $0x1  }
0xe5: {  	s31 =	spop (v2sf);
	(v2sf) =	vpush v9, $0x0  }
0xe6: {  	s26 =	sadd.s32 s26, s31;
	[tilespmem:v7+s15+$0x0] =	vst.idx.add.f32.msk vm0, v5  }
0xe7: {  	v7 =	vadd.s32 v0, v7;
	[tilespmem:s26+$0x6400] =	vst.msk vm0, v8  }
0xe8: {  	[tilespmem:s26+$0x9680] =	vst.msk vm0, v7  }
0xe9: {  	v7 =	vld [tilespmem:s25+$0x3220];
	_ =	sdelay $0x4  }
0xea: {  	vm12 =	vge.s32 v7, v1;
	vm13 =	vlt.s32 v7, v2  }
0xeb: {  	vm0 =	vmand vm12, vm13  }
0xec: {  	v7 =	vsub.s32 v7, v1  }
0xed: {  	v8 =	vld [tilespmem:s25+$0x20];
	_ =	sdelay $0x2  }
0xee: {  	s29 =	spop (v2sf)  }
0xef: {  	s26 =	sadd.s32 s26, s29;
	[tilespmem:v7+s15+$0x0] =	vst.idx.add.f32.msk vm0, v5  }
0xf0: {  	v7 =	vadd.s32 v0, v7;
	[tilespmem:s26+$0x6400] =	vst.msk vm0, v8  }
0xf1: {  	[tilespmem:s26+$0x9680] =	vst.msk vm0, v7  }
0xf2: {  	v7 =	vld [tilespmem:s25+$0x3230];
	_ =	sdelay $0x4  }
0xf3: {  	vm14 =	vge.s32 v7, v1;
	vm2 =	vlt.s32 v7, v2  }
0xf4: {  	v8 =	vmpcnt.ones.xlane vm0;
	vm15 =	vmand vm14, vm2  }
0xf5: {  	v63 =	vmpcnt.ones.xlane vm15  }
0xf6: {  	(v2sf) =	vpush v8, $0x0  }
0xf7: {  	(v2sf) =	vpush v63, $0x0;
	_ =	sdelay $0xd  }
0xf8: {  	s30 =	spop (v2sf)  }
0xf9: {  	v7 =	vsub.s32 v7, v1;
	s26 =	sadd.s32 s26, s30;
	s31 =	spop (v2sf)  }
0xfa: {  	v8 =	vld [tilespmem:s25+$0x30];
	s25 =	sadd.s32 s26, s31  }
0xfb: {  	p0 =	slt.s32 s25, $0x1900  }
.Ltmp5:
0xfc: {  	_ = 	snop;
	(pc) =	sbr.rel @p0 .LBB2_8-.Ltmp5, $4  }
0xfd: {  	_ = 	snop  }
0xfe: {  	[tilespmem:v7+s15+$0x0] =	vst.idx.add.f32.msk vm15, v5  }
0xff: {  	v7 =	vadd.s32 v0, v7;
	[tilespmem:s26+$0x6400] =	vst.msk vm15, v8  }
0x100: {  	[tilespmem:s26+$0x9680] =	vst.msk vm15, v7  }
0x101: {  	s26 =	sadd.s32 s7, s22  }
0x102: {  	s28 =	sshrl.u32 s26, $0x3  }
0x103: {  	s30 =	simm.s32 $0x0;
	s26 =	simm.s32 $0x6400;
	s29 =	sadd.s32 s5, s28  }
0x104: {  	[hbm4b:s29+s30] =	stream.linear.scatter [tilespmem:s26], [sflag:$0x3], $0x1900, $0x38;
	[tilespmem:$0xCB00] =	vst v63  }
0x105: {  	_ =	swait.ge [sflag:s16], $0x1900  }
0x106: {  	[sflag:s16] =	ssyncset.done $0x0  }
0x107: {  	s29 =	sadd.s32 s6, s28;
	s28 =	simm.s32 $0x9680;
	[sflag:s16] =	ssyncadd.s32 $0xFFFFE700  }
0x108: {  	[hbm4b:s29+s30] =	stream.linear.scatter [tilespmem:s28], [sflag:$0x3], $0x1900, $0x38;
	[tilespmem:$0xCB00] =	vst v63  }
0x109: {  	_ =	swait.ge [sflag:s16], $0x1900  }
0x10a: {  	[sflag:s16] =	ssyncset.done $0x0  }
0x10b: {  	s29 =	sand.u32 $0x1FF0, s30;
	[sflag:s16] =	ssyncadd.s32 $0xFFFFE700  }
0x10c: {  	v7 =	vld [tilespmem:s29+$0x7D00];
	_ =	sdelay $0x4  }
0x10d: {  	[tilespmem:s26+$0x0] =	vst v7  }
0x10e: {  	v7 =	vld [tilespmem:s29+$0xAF80];
	_ =	sdelay $0x3  }
0x10f: {  	s29 =	simm.s32 $0x10  }
0x110: {  	s30 =	sand.u32 $0x1FF0, s29;
	s29 =	simm.s32 $0x20;
	[tilespmem:s28+$0x0] =	vst v7  }
.LBB2_6:
0x111: {  	p0 =	sne.s32 s29, $0x1910;
	v7 =	vld [tilespmem:s30+$0x7D00];
	_ =	sdelay $0x3  }
0x112: {  	s26 =	sadd.s32 $0x10, s26  }
0x113: {  	[tilespmem:s26+$0x0] =	vst v7  }
0x114: {  	v7 =	vld [tilespmem:s30+$0xAF80]  }
.Ltmp6:
0x115: {  	(pc) =	sbr.rel @p0 .LBB2_6-.Ltmp6, $3  }
0x116: {  	_ =	sdelay $0x1  }
0x117: {  	s28 =	sadd.s32 $0x10, s28  }
0x118: {  	s30 =	sand.u32 $0x1FF0, s29;
	s29 =	sadd.s32 $0x10, s29;
	[tilespmem:s28+$0x0] =	vst v7  }
0x119: {  	v7 =	vld [tilespmem:s30+$0x7D00];
	_ =	sdelay $0x3  }
0x11a: {  	s26 =	sadd.s32 $0x10, s26  }
0x11b: {  	[tilespmem:s26+$0x0] =	vst v7  }
0x11c: {  	v7 =	vld [tilespmem:s30+$0xAF80];
	_ =	sdelay $0x3  }
0x11d: {  	s31 =	sadd.s32 $0x10, s28  }
0x11e: {  	[tilespmem:s31+$0x0] =	vst v7  }
.LBB2_8:
0x11f: {  	_ =	swait.ge [sflag:s17], $0x1900  }
0x120: {  	[sflag:s17] =	ssyncset.done $0x0  }
0x121: {  	p0 =	seq.s32 s23, $0x18;
	[sflag:s17] =	ssyncadd.s32 $0xFFFFE700  }
0x122: {  	s24 =	sshrl.u32 @!p0 s24, $0x3;
	_ =	swait.ge [sflag:s17], $0x1900  }
0x123: {  	s24 =	sadd.s32 @!p0 $0x640, s24;
	[sflag:s17] =	ssyncset.done $0x0  }
0x124: {  	s28 =	simm.s32 @!p0 $0x0;
	s26 =	sadd.s32 @!p0 s4, s24;
	[sflag:s17] =	ssyncadd.s32 $0xFFFFE700  }
0x125: {  	[tilespmem:s28], [sflag:$0x1] =	stream.linear.gather @!p0 [hbm4b:s26+s28], $0x1900, $0x38;
	[tilespmem:$0xCB00] =	vst v63  }
0x126: {  	s31 =	simm.s32 $0x0;
	s24 =	sadd.s32 @!p0 s2, s24;
	s26 =	simm.s32 @!p0 $0x3200  }
0x127: {  	[tilespmem:s26], [sflag:$0x1] =	stream.linear.gather @!p0 [hbm4b:s24+s28], $0x1900, $0x38;
	[tilespmem:$0xCB00] =	vst v63  }
0x128: {  	v7 =	vld [tilespmem:s31+$0x4B00];
	_ =	sdelay $0x4  }
0x129: {  	vm0 =	vge.s32 v7, v1;
	vm1 =	vlt.s32 v7, v2  }
0x12a: {  	vm0 =	vmand vm0, vm1  }
0x12b: {  	v7 =	vsub.s32 v7, v1  }
0x12c: {  	v8 =	vld [tilespmem:s31+$0x1900]  }
0x12d: {  	v9 =	vmpcnt.ones.xlane vm0;
	_ =	sdelay $0x1  }
0x12e: {  	p0 =	sgt.s32 s25, $0x18FF;
	s26 =	sadd.s32 $0xFFFFE700, s25;
	(v2sf) =	vpush v9, $0x0  }
0x12f: {  	s25 =	smov.u32 @p0 s26;
	[tilespmem:v7+s15+$0x0] =	vst.idx.add.f32.msk vm0, v5  }
0x130: {  	v7 =	vadd.s32 v0, v7;
	[tilespmem:s25+$0x6400] =	vst.msk vm0, v8  }
0x131: {  	[tilespmem:s25+$0x9680] =	vst.msk vm0, v7  }
0x132: {  	v7 =	vld [tilespmem:s31+$0x4B10];
	_ =	sdelay $0x4  }
0x133: {  	vm0 =	vge.s32 v7, v1;
	vm1 =	vlt.s32 v7, v2  }
0x134: {  	vm0 =	vmand vm0, vm1  }
0x135: {  	v7 =	vsub.s32 v7, v1  }
0x136: {  	v8 =	vld [tilespmem:s31+$0x1910]  }
0x137: {  	v9 =	vmpcnt.ones.xlane vm0;
	_ =	sdelay $0x1  }
0x138: {  	s29 =	spop (v2sf);
	(v2sf) =	vpush v9, $0x0  }
0x139: {  	s25 =	sadd.s32 s25, s29;
	[tilespmem:v7+s15+$0x0] =	vst.idx.add.f32.msk vm0, v5  }
0x13a: {  	v7 =	vadd.s32 v0, v7;
	[tilespmem:s25+$0x6400] =	vst.msk vm0, v8  }
0x13b: {  	[tilespmem:s25+$0x9680] =	vst.msk vm0, v7  }
0x13c: {  	v7 =	vld [tilespmem:s31+$0x4B20];
	_ =	sdelay $0x4  }
0x13d: {  	vm0 =	vge.s32 v7, v1;
	vm1 =	vlt.s32 v7, v2  }
0x13e: {  	vm0 =	vmand vm0, vm1  }
0x13f: {  	v7 =	vsub.s32 v7, v1  }
0x140: {  	v8 =	vld [tilespmem:s31+$0x1920]  }
0x141: {  	v9 =	vmpcnt.ones.xlane vm0;
	_ =	sdelay $0x1  }
0x142: {  	s30 =	spop (v2sf);
	(v2sf) =	vpush v9, $0x0  }
0x143: {  	s25 =	sadd.s32 s25, s30;
	[tilespmem:v7+s15+$0x0] =	vst.idx.add.f32.msk vm0, v5  }
0x144: {  	v7 =	vadd.s32 v0, v7;
	[tilespmem:s25+$0x6400] =	vst.msk vm0, v8  }
0x145: {  	[tilespmem:s25+$0x9680] =	vst.msk vm0, v7  }
0x146: {  	v7 =	vld [tilespmem:s31+$0x4B30];
	_ =	sdelay $0x4  }
0x147: {  	vm0 =	vge.s32 v7, v1;
	vm1 =	vlt.s32 v7, v2  }
0x148: {  	vm0 =	vmand vm0, vm1  }
0x149: {  	v7 =	vsub.s32 v7, v1;
	v8 =	vmpcnt.ones.xlane vm0  }
0x14a: {  	v9 =	vld [tilespmem:s31+$0x1930]  }
0x14b: {  	(v2sf) =	vpush v8, $0x0;
	_ =	sdelay $0x1  }
0x14c: {  	s31 =	spop (v2sf)  }
0x14d: {  	s28 =	sadd.s32 s25, s31;
	[tilespmem:v7+s15+$0x0] =	vst.idx.add.f32.msk vm0, v5  }
0x14e: {  	v7 =	vadd.s32 v0, v7;
	[tilespmem:s28+$0x6400] =	vst.msk vm0, v9  }
0x14f: {  	s24 =	simm.s32 $0x40;
	[tilespmem:s28+$0x9680] =	vst.msk vm0, v7  }
0x150: {  	v7 =	vld [tilespmem:s24+$0x4B00];
	_ =	sdelay $0x4  }
0x151: {  	vm0 =	vge.s32 v7, v1;
	vm1 =	vlt.s32 v7, v2  }
0x152: {  	vm0 =	vmand vm0, vm1  }
0x153: {  	v9 =	vmpcnt.ones.xlane vm0  }
0x154: {  	s25 =	sadd.s32 $0x1900, s22;
	v7 =	vsub.s32 v7, v1  }
0x155: {  	s22 =	smov.u32 @p0 s25;
	s25 =	simm.s32 $0x200;
	v8 =	vld [tilespmem:s24+$0x1900];
	(v2sf) =	vpush v9, $0x0;
	s26 =	spop (v2sf)  }
.LBB2_9:
0x156: {  	p0 =	sne.s32 s25, $0x6300  }
0x157: {  	s28 =	sadd.s32 s28, s26;
	s26 =	smov.u32 s25;
	s25 =	sadd.s32 $0x100, s25  }
0x158: {  	_ = 	snop  }
0x159: {  	[tilespmem:v7+s15+$0x0] =	vst.idx.add.f32.msk vm0, v5  }
0x15a: {  	v7 =	vadd.s32 v0, v7;
	[tilespmem:s28+$0x6400] =	vst.msk vm0, v8  }
0x15b: {  	[tilespmem:s28+$0x9680] =	vst.msk vm0, v7  }
0x15c: {  	v7 =	vld [tilespmem:s24+$0x4B10];
	_ =	sdelay $0x4  }
0x15d: {  	vm0 =	vge.s32 v7, v1;
	vm1 =	vlt.s32 v7, v2  }
0x15e: {  	vm0 =	vmand vm0, vm1  }
0x15f: {  	v7 =	vsub.s32 v7, v1;
	v8 =	vmpcnt.ones.xlane vm0  }
0x160: {  	v9 =	vld [tilespmem:s24+$0x1910]  }
0x161: {  	s29 =	spop (v2sf);
	(v2sf) =	vpush v8, $0x0;
	_ =	sdelay $0x2  }
0x162: {  	s28 =	sadd.s32 s28, s29;
	[tilespmem:v7+s15+$0x0] =	vst.idx.add.f32.msk vm0, v5  }
0x163: {  	v7 =	vadd.s32 v0, v7;
	[tilespmem:s28+$0x6400] =	vst.msk vm0, v9  }
0x164: {  	[tilespmem:s28+$0x9680] =	vst.msk vm0, v7  }
0x165: {  	v7 =	vld [tilespmem:s24+$0x4B20];
	_ =	sdelay $0x4  }
0x166: {  	vm0 =	vge.s32 v7, v1;
	vm1 =	vlt.s32 v7, v2  }
0x167: {  	vm0 =	vmand vm0, vm1  }
0x168: {  	v7 =	vsub.s32 v7, v1;
	v8 =	vmpcnt.ones.xlane vm0  }
0x169: {  	v9 =	vld [tilespmem:s24+$0x1920]  }
0x16a: {  	s29 =	spop (v2sf);
	(v2sf) =	vpush v8, $0x0;
	_ =	sdelay $0x2  }
0x16b: {  	s28 =	sadd.s32 s28, s29;
	[tilespmem:v7+s15+$0x0] =	vst.idx.add.f32.msk vm0, v5  }
0x16c: {  	v7 =	vadd.s32 v0, v7;
	[tilespmem:s28+$0x6400] =	vst.msk vm0, v9  }
0x16d: {  	[tilespmem:s28+$0x9680] =	vst.msk vm0, v7  }
0x16e: {  	v7 =	vld [tilespmem:s24+$0x4B30]  }
0x16f: {  	v8 =	vld [tilespmem:s24+$0x1930];
	_ =	sdelay $0x3  }
0x170: {  	vm0 =	vge.s32 v7, v1;
	vm1 =	vlt.s32 v7, v2  }
0x171: {  	vm0 =	vmand vm0, vm1  }
0x172: {  	v7 =	vsub.s32 v7, v1;
	v9 =	vmpcnt.ones.xlane vm0;
	_ =	sdelay $0x1  }
0x173: {  	s24 =	spop (v2sf);
	(v2sf) =	vpush v9, $0x0;
	_ =	sdelay $0x2  }
0x174: {  	s28 =	sadd.s32 s28, s24;
	[tilespmem:v7+s15+$0x0] =	vst.idx.add.f32.msk vm0, v5  }
0x175: {  	v7 =	vadd.s32 v0, v7;
	[tilespmem:s28+$0x6400] =	vst.msk vm0, v8  }
0x176: {  	s24 =	sshra.s32 s26, $0x2;
	[tilespmem:s28+$0x9680] =	vst.msk vm0, v7  }
0x177: {  	v7 =	vld [tilespmem:s24+$0x4B00];
	_ =	sdelay $0x4  }
.Ltmp7:
0x178: {  	vm0 =	vge.s32 v7, v1;
	vm1 =	vlt.s32 v7, v2;
	(pc) =	sbr.rel @p0 .LBB2_9-.Ltmp7, $4  }
0x179: {  	vm0 =	vmand vm0, vm1  }
0x17a: {  	v7 =	vsub.s32 v7, v1;
	v9 =	vmpcnt.ones.xlane vm0  }
0x17b: {  	v8 =	vld [tilespmem:s24+$0x1900]  }
0x17c: {  	(v2sf) =	vpush v9, $0x0;
	s26 =	spop (v2sf)  }
0x17d: {  	_ =	sdelay $0x4  }
0x17e: {  	s25 =	sadd.s32 s28, s26;
	[tilespmem:v7+s15+$0x0] =	vst.idx.add.f32.msk vm0, v5  }
0x17f: {  	v7 =	vadd.s32 v0, v7;
	[tilespmem:s25+$0x6400] =	vst.msk vm0, v8  }
0x180: {  	[tilespmem:s25+$0x9680] =	vst.msk vm0, v7  }
0x181: {  	v7 =	vld [tilespmem:s24+$0x4B10];
	_ =	sdelay $0x4  }
0x182: {  	vm11 =	vge.s32 v7, v1;
	vm1 =	vlt.s32 v7, v2  }
0x183: {  	vm0 =	vmand vm11, vm1  }
0x184: {  	v7 =	vsub.s32 v7, v1  }
0x185: {  	v8 =	vld [tilespmem:s24+$0x1910]  }
0x186: {  	v9 =	vmpcnt.ones.xlane vm0;
	_ =	sdelay $0x1  }
0x187: {  	s28 =	spop (v2sf);
	(v2sf) =	vpush v9, $0x0  }
0x188: {  	s25 =	sadd.s32 s25, s28;
	[tilespmem:v7+s15+$0x0] =	vst.idx.add.f32.msk vm0, v5  }
0x189: {  	v7 =	vadd.s32 v0, v7;
	[tilespmem:s25+$0x6400] =	vst.msk vm0, v8  }
0x18a: {  	[tilespmem:s25+$0x9680] =	vst.msk vm0, v7  }
0x18b: {  	v7 =	vld [tilespmem:s24+$0x4B20];
	_ =	sdelay $0x4  }
0x18c: {  	vm12 =	vge.s32 v7, v1;
	vm13 =	vlt.s32 v7, v2  }
0x18d: {  	vm0 =	vmand vm12, vm13  }
0x18e: {  	v7 =	vsub.s32 v7, v1  }
0x18f: {  	v8 =	vld [tilespmem:s24+$0x1920];
	_ =	sdelay $0x2  }
0x190: {  	s29 =	spop (v2sf)  }
0x191: {  	s25 =	sadd.s32 s25, s29;
	[tilespmem:v7+s15+$0x0] =	vst.idx.add.f32.msk vm0, v5  }
0x192: {  	v7 =	vadd.s32 v0, v7;
	[tilespmem:s25+$0x6400] =	vst.msk vm0, v8  }
0x193: {  	[tilespmem:s25+$0x9680] =	vst.msk vm0, v7  }
0x194: {  	v7 =	vld [tilespmem:s24+$0x4B30];
	_ =	sdelay $0x4  }
0x195: {  	vm14 =	vge.s32 v7, v1;
	vm2 =	vlt.s32 v7, v2  }
0x196: {  	v8 =	vmpcnt.ones.xlane vm0;
	vm15 =	vmand vm14, vm2  }
0x197: {  	v63 =	vmpcnt.ones.xlane vm15  }
0x198: {  	(v2sf) =	vpush v8, $0x0  }
0x199: {  	(v2sf) =	vpush v63, $0x0;
	_ =	sdelay $0xd  }
0x19a: {  	s30 =	spop (v2sf)  }
0x19b: {  	v8 =	vld [tilespmem:s24+$0x1930];
	v7 =	vsub.s32 v7, v1;
	s24 =	sadd.s32 s25, s30;
	s31 =	spop (v2sf)  }
0x19c: {  	s25 =	sadd.s32 s24, s31  }
0x19d: {  	p0 =	slt.s32 s25, $0x1900  }
.Ltmp8:
0x19e: {  	_ = 	snop;
	(pc) =	sbr.rel @p0 .LBB2_14-.Ltmp8, $4  }
0x19f: {  	_ = 	snop  }
0x1a0: {  	[tilespmem:v7+s15+$0x0] =	vst.idx.add.f32.msk vm15, v5  }
0x1a1: {  	v7 =	vadd.s32 v0, v7;
	[tilespmem:s24+$0x6400] =	vst.msk vm15, v8  }
0x1a2: {  	[tilespmem:s24+$0x9680] =	vst.msk vm15, v7  }
0x1a3: {  	s24 =	sadd.s32 s7, s22  }
0x1a4: {  	s26 =	sshrl.u32 s24, $0x3  }
0x1a5: {  	s29 =	simm.s32 $0x0;
	s24 =	simm.s32 $0x6400;
	s28 =	sadd.s32 s5, s26  }
0x1a6: {  	[hbm4b:s28+s29] =	stream.linear.scatter [tilespmem:s24], [sflag:$0x3], $0x1900, $0x38;
	[tilespmem:$0xCB00] =	vst v63  }
0x1a7: {  	_ =	swait.ge [sflag:s16], $0x1900  }
0x1a8: {  	[sflag:s16] =	ssyncset.done $0x0  }
0x1a9: {  	s28 =	sadd.s32 s6, s26;
	s26 =	simm.s32 $0x9680;
	[sflag:s16] =	ssyncadd.s32 $0xFFFFE700  }
0x1aa: {  	[hbm4b:s28+s29] =	stream.linear.scatter [tilespmem:s26], [sflag:$0x3], $0x1900, $0x38;
	[tilespmem:$0xCB00] =	vst v63  }
0x1ab: {  	_ =	swait.ge [sflag:s16], $0x1900  }
0x1ac: {  	[sflag:s16] =	ssyncset.done $0x0  }
0x1ad: {  	s28 =	sand.u32 $0x1FF0, s29;
	[sflag:s16] =	ssyncadd.s32 $0xFFFFE700  }
0x1ae: {  	v7 =	vld [tilespmem:s28+$0x7D00];
	_ =	sdelay $0x4  }
0x1af: {  	[tilespmem:s24+$0x0] =	vst v7  }
0x1b0: {  	v7 =	vld [tilespmem:s28+$0xAF80];
	_ =	sdelay $0x3  }
0x1b1: {  	s28 =	simm.s32 $0x10  }
0x1b2: {  	s29 =	sand.u32 $0x1FF0, s28;
	s28 =	simm.s32 $0x20;
	[tilespmem:s26+$0x0] =	vst v7  }
.LBB2_12:
0x1b3: {  	p0 =	sne.s32 s28, $0x1910;
	v7 =	vld [tilespmem:s29+$0x7D00];
	_ =	sdelay $0x3  }
0x1b4: {  	s24 =	sadd.s32 $0x10, s24  }
0x1b5: {  	[tilespmem:s24+$0x0] =	vst v7  }
0x1b6: {  	v7 =	vld [tilespmem:s29+$0xAF80]  }
.Ltmp9:
0x1b7: {  	(pc) =	sbr.rel @p0 .LBB2_12-.Ltmp9, $3  }
0x1b8: {  	_ =	sdelay $0x1  }
0x1b9: {  	s26 =	sadd.s32 $0x10, s26  }
0x1ba: {  	s29 =	sand.u32 $0x1FF0, s28;
	s28 =	sadd.s32 $0x10, s28;
	[tilespmem:s26+$0x0] =	vst v7  }
0x1bb: {  	v7 =	vld [tilespmem:s29+$0x7D00];
	_ =	sdelay $0x3  }
0x1bc: {  	s24 =	sadd.s32 $0x10, s24  }
0x1bd: {  	[tilespmem:s24+$0x0] =	vst v7  }
0x1be: {  	v7 =	vld [tilespmem:s29+$0xAF80]  }
.Ltmp10:
0x1bf: {  	_ = 	snop;
	(pc) =	sbr.rel .LBB2_14-.Ltmp10, $3  }
0x1c0: {  	_ =	sdelay $0x1  }
0x1c1: {  	s31 =	sadd.s32 $0x10, s26  }
0x1c2: {  	[tilespmem:s31+$0x0] =	vst v7  }
.LBB2_16:
0x1c3: {  	_ =	sfence.sel $0x180000  }
0x1c4: {  	[bflag:$0x0] =	sbarrier.arrive $0xFFFF  }
0x1c5: {  	p0 =	sne.s32 s0, $0x0;
	_ =	strace $0x90000047  }
0x1c6: {  	s0 =	sadd.s32 @!p0 $0x100000, s1;
	[bflag:$0x2] =	sbarrier.arrive $0xFFFF  }
0x1c7: {  	[sflag:s0] =	ssyncadd.tile.s32 @!p0 $0x1;
	_ =	shalt  }
.Lfunc_end2:
_tile_overlayer_lowered:
.L_overlay_start_2:
0x1c8: {  	(tag) =	ssettag $0x2  }
0x1c9: {  	s0 =	rddreg [dreg:$0x0];
	s2 =	stileid.u32  }
0x1ca: {  	s1 =	rddreg [dreg:$0x1];
	p0 =	sne.s32 s2, $0x0  }
0x1cb: {  	s3 =	rddreg [dreg:$0x2];
	[bflag:$0x3] =	sbarrier.arrive $0xFFFF;
	s2 =	simm.s32 @!p0 $0x1C03  }
0x1cc: {  	[timem:s3], [sflag:s2] =	dma.local @!p0 [hbm:s0], s1  }
0x1cd: {  	s0 =	simm.s32 @!p0 $0x3  }
0x1ce: {  	_ =	swait.ge @!p0 [sflag:s0], s1  }
0x1cf: {  	s1 =	ssub.s32 @!p0 $0x0, s1;
	[sflag:s0] =	ssyncset.done @!p0 $0x0  }
0x1d0: {  	[sflag:s0] =	ssyncadd.s32 @!p0 s1  }
0x1d1: {  	[bflag:$0x3] =	sbarrier.arrive $0xFFFF  }
0x1d2: {  	_ =	shalt  }

</sc_bundles>
